<compile_context>
chip_gen: v7x
topology: tpu7x:2x2x1
jax: 0.10.2.dev20260603
libtpu: 0.0.44.dev20260713+nightly
codegen_flags: <defaults>
</compile_context>

<pallas_src>
import functools

import jax
import jax.numpy as jnp
from jax import lax
from jax.experimental import pallas as pl
from jax.experimental.pallas import tpu as pltpu
from jax.experimental.pallas import tpu_sc as plsc

_SHIFT = 1000
_CH = 4
_NB = 3


def kernel(x):
    B, S, T = x.shape
    R = B * S
    info = plsc.get_sparse_core_info()
    NC, NS = info.num_cores, info.num_subcores
    NW = NC * NS
    rows_per_w = R // NW
    n_chunks = rows_per_w // _CH

    mesh = plsc.VectorSubcoreMesh(core_axis_name="c", subcore_axis_name="s")

    @functools.partial(
        pl.kernel,
        mesh=mesh,
        out_type=jax.ShapeDtypeStruct((R, T), jnp.float32),
        scratch_types=[pltpu.VMEM((_NB, _CH, T), jnp.float32)]
        + [pltpu.SemaphoreType.DMA] * (2 * _NB),
        compiler_params=pltpu.CompilerParams(use_tc_tiling_on_sc=False),
    )
    def roll_k(x_hbm, out_hbm, buf, *sems):
        rsem, wsem = sems[:_NB], sems[_NB:]
        wid = lax.axis_index("s") * NC + lax.axis_index("c")
        r0 = wid * rows_per_w

        def start_read(g):
            b = g % _NB
            return pltpu.async_copy(
                x_hbm.at[pl.ds(r0 + g * _CH, _CH)], buf.at[b], rsem[b]
            )

        def start_writes(g):
            b = g % _NB
            rows = pl.ds(r0 + g * _CH, _CH)
            return [
                pltpu.async_copy(
                    buf.at[b, :, pl.ds(0, T - _SHIFT)],
                    out_hbm.at[rows, pl.ds(_SHIFT, T - _SHIFT)],
                    wsem[b],
                ),
                pltpu.async_copy(
                    buf.at[b, :, pl.ds(T - _SHIFT, _SHIFT)],
                    out_hbm.at[rows, pl.ds(0, _SHIFT)],
                    wsem[b],
                ),
            ]

        reads = {}
        writes = {}
        for g in range(min(_NB, n_chunks)):
            reads[g] = start_read(g)
        for g in range(n_chunks):
            reads[g].wait()
            writes[g] = start_writes(g)
            nxt = g + _NB
            if nxt < n_chunks:
                for h in writes[g]:
                    h.wait()
                reads[nxt] = start_read(nxt)
        for g in range(max(0, n_chunks - _NB), n_chunks):
            for h in writes[g]:
                h.wait()

    return roll_k(x.reshape(R, T)).reshape(B, S, T)

# --- scband reference (transcript-rebuilt; emitter-appended) ---
"""Pipeline reference for scband-translation1-d-3143916061257 (READ-ONLY COPY).

The authoritative reference and input builder live on the scoring server;
editing this copy changes nothing except your own understanding.
"""

import jax, jax.numpy as jnp
import numpy as np

N_STEPS = 1000

def setup_inputs(seed: int = 0) -> dict:
    key = jax.random.key(seed)
    x = jax.random.normal(key, (4, 1024, 8192), dtype=jnp.float32)
    return {"x": x}

def reference(x):
    T = x.shape[-1]
    perm_ids = (jnp.arange(0, T) - N_STEPS) % T
    return x[:, :, perm_ids]

if __name__ == "__main__":
    import jax
    _d = setup_inputs()
    print(jax.jit(kernel)(*tuple(_d.values())))

</pallas_src>

<mosaic_0001>
#map = affine_map<(d0, d1) -> (0, 0)>
module attributes {stable_mosaic.version = 14 : i64} {
  func.func @roll_k(%arg0: i32, %arg1: i32, %arg2: memref<4096x8192xf32, #tpu.memory_space<hbm>>, %arg3: memref<4096x8192xf32, #tpu.memory_space<hbm>>, %arg4: memref<3x4x8192xf32, #tpu.memory_space<vmem>>, %arg5: memref<!tpu.dma_semaphore, #tpu.memory_space<semaphore_mem>>, %arg6: memref<!tpu.dma_semaphore, #tpu.memory_space<semaphore_mem>>, %arg7: memref<!tpu.dma_semaphore, #tpu.memory_space<semaphore_mem>>, %arg8: memref<!tpu.dma_semaphore, #tpu.memory_space<semaphore_mem>>, %arg9: memref<!tpu.dma_semaphore, #tpu.memory_space<semaphore_mem>>, %arg10: memref<!tpu.dma_semaphore, #tpu.memory_space<semaphore_mem>>) attributes {dimension_semantics = [#tpu.dimension_semantics<core_parallel>, #tpu.dimension_semantics<subcore_parallel>], iteration_bounds = array<i64: 2, 16>, scalar_prefetch = 0 : i64, scratch_operands = 7 : i64, tpu.core_type = #tpu.core_type<sc_vector_subcore>, window_params = [{transform_indices = #map}, {transform_indices = #map}]} {
    %mul3A = arith.constant 2 : i32
    %mul3A_0 = arith.muli %arg1, %mul3A : i32
    %add3A = arith.addi %mul3A_0, %arg0 : i32
    %mul3A_1 = arith.constant 128 : i32
    %mul3A_2 = arith.muli %add3A, %mul3A_1 : i32
    %add3A_3 = arith.constant 0 : i32
    %add3A_4 = arith.addi %mul3A_2, %add3A_3 : i32
    %dma_start3A = arith.constant 0 : i32
    %dma_start3A_5 = arith.constant 0 : i32
    %dma_start3A_6 = arith.constant 0 : i32
    %dma_start3A_7 = tpu.memref_slice %arg4[%dma_start3A, %dma_start3A_5, %dma_start3A_6] : memref<3x4x8192xf32, #tpu.memory_space<vmem>> -> memref<1x4x8192xf32, #tpu.memory_space<vmem>>
    %dma_start3A_8 = tpu.memref_squeeze %dma_start3A_7 : memref<1x4x8192xf32, #tpu.memory_space<vmem>> -> memref<4x8192xf32, #tpu.memory_space<vmem>>
    %dma_start3A_9 = arith.constant 0 : i32
    %dma_start3A_10 = tpu.memref_slice %arg2[%add3A_4, %dma_start3A_9] : memref<4096x8192xf32, #tpu.memory_space<hbm>> -> memref<4x8192xf32, #tpu.memory_space<hbm>>
    %dma_start3A_11 = arith.constant 0 : i32
    %dma_start3A_12 = arith.constant 0 : i32
    %dma_start3A_13 = tpu.memref_slice %arg4[%dma_start3A, %dma_start3A_11, %dma_start3A_12] : memref<3x4x8192xf32, #tpu.memory_space<vmem>> -> memref<1x4x8192xf32, #tpu.memory_space<vmem>>
    %dma_start3A_14 = tpu.memref_squeeze %dma_start3A_13 : memref<1x4x8192xf32, #tpu.memory_space<vmem>> -> memref<4x8192xf32, #tpu.memory_space<vmem>>
    %dma_start3A_15 = arith.constant 0 : i32
    %dma_start3A_16 = tpu.memref_slice %arg2[%add3A_4, %dma_start3A_15] : memref<4096x8192xf32, #tpu.memory_space<hbm>> -> memref<4x8192xf32, #tpu.memory_space<hbm>>
    tpu.enqueue_dma source(%dma_start3A_16 : memref<4x8192xf32, #tpu.memory_space<hbm>>) target(%dma_start3A_14 : memref<4x8192xf32, #tpu.memory_space<vmem>>) target_semaphore(%arg5 : memref<!tpu.dma_semaphore, #tpu.memory_space<semaphore_mem>>)
    %add3A_17 = arith.constant 4 : i32
    %add3A_18 = arith.addi %mul3A_2, %add3A_17 : i32
    %dma_start3A_19 = arith.constant 1 : i32
    %dma_start3A_20 = arith.constant 0 : i32
    %dma_start3A_21 = arith.constant 0 : i32
    %dma_start3A_22 = tpu.memref_slice %arg4[%dma_start3A_19, %dma_start3A_20, %dma_start3A_21] : memref<3x4x8192xf32, #tpu.memory_space<vmem>> -> memref<1x4x8192xf32, #tpu.memory_space<vmem>>
    %dma_start3A_23 = tpu.memref_squeeze %dma_start3A_22 : memref<1x4x8192xf32, #tpu.memory_space<vmem>> -> memref<4x8192xf32, #tpu.memory_space<vmem>>
    %dma_start3A_24 = arith.constant 0 : i32
    %dma_start3A_25 = tpu.memref_slice %arg2[%add3A_18, %dma_start3A_24] : memref<4096x8192xf32, #tpu.memory_space<hbm>> -> memref<4x8192xf32, #tpu.memory_space<hbm>>
    %dma_start3A_26 = arith.constant 0 : i32
    %dma_start3A_27 = arith.constant 0 : i32
    %dma_start3A_28 = tpu.memref_slice %arg4[%dma_start3A_19, %dma_start3A_26, %dma_start3A_27] : memref<3x4x8192xf32, #tpu.memory_space<vmem>> -> memref<1x4x8192xf32, #tpu.memory_space<vmem>>
    %dma_start3A_29 = tpu.memref_squeeze %dma_start3A_28 : memref<1x4x8192xf32, #tpu.memory_space<vmem>> -> memref<4x8192xf32, #tpu.memory_space<vmem>>
    %dma_start3A_30 = arith.constant 0 : i32
    %dma_start3A_31 = tpu.memref_slice %arg2[%add3A_18, %dma_start3A_30] : memref<4096x8192xf32, #tpu.memory_space<hbm>> -> memref<4x8192xf32, #tpu.memory_space<hbm>>
    tpu.enqueue_dma source(%dma_start3A_31 : memref<4x8192xf32, #tpu.memory_space<hbm>>) target(%dma_start3A_29 : memref<4x8192xf32, #tpu.memory_space<vmem>>) target_semaphore(%arg6 : memref<!tpu.dma_semaphore, #tpu.memory_space<semaphore_mem>>)
    %add3A_32 = arith.constant 8 : i32
    %add3A_33 = arith.addi %mul3A_2, %add3A_32 : i32
    %dma_start3A_34 = arith.constant 2 : i32
    %dma_start3A_35 = arith.constant 0 : i32
    %dma_start3A_36 = arith.constant 0 : i32
    %dma_start3A_37 = tpu.memref_slice %arg4[%dma_start3A_34, %dma_start3A_35, %dma_start3A_36] : memref<3x4x8192xf32, #tpu.memory_space<vmem>> -> memref<1x4x8192xf32, #tpu.memory_space<vmem>>
    %dma_start3A_38 = tpu.memref_squeeze %dma_start3A_37 : memref<1x4x8192xf32, #tpu.memory_space<vmem>> -> memref<4x8192xf32, #tpu.memory_space<vmem>>
    %dma_start3A_39 = arith.constant 0 : i32
    %dma_start3A_40 = tpu.memref_slice %arg2[%add3A_33, %dma_start3A_39] : memref<4096x8192xf32, #tpu.memory_space<hbm>> -> memref<4x8192xf32, #tpu.memory_space<hbm>>
    %dma_start3A_41 = arith.constant 0 : i32
    %dma_start3A_42 = arith.constant 0 : i32
    %dma_start3A_43 = tpu.memref_slice %arg4[%dma_start3A_34, %dma_start3A_41, %dma_start3A_42] : memref<3x4x8192xf32, #tpu.memory_space<vmem>> -> memref<1x4x8192xf32, #tpu.memory_space<vmem>>
    %dma_start3A_44 = tpu.memref_squeeze %dma_start3A_43 : memref<1x4x8192xf32, #tpu.memory_space<vmem>> -> memref<4x8192xf32, #tpu.memory_space<vmem>>
    %dma_start3A_45 = arith.constant 0 : i32
    %dma_start3A_46 = tpu.memref_slice %arg2[%add3A_33, %dma_start3A_45] : memref<4096x8192xf32, #tpu.memory_space<hbm>> -> memref<4x8192xf32, #tpu.memory_space<hbm>>
    tpu.enqueue_dma source(%dma_start3A_46 : memref<4x8192xf32, #tpu.memory_space<hbm>>) target(%dma_start3A_44 : memref<4x8192xf32, #tpu.memory_space<vmem>>) target_semaphore(%arg7 : memref<!tpu.dma_semaphore, #tpu.memory_space<semaphore_mem>>)
    %dma_wait3A = arith.constant 0 : i32
    %dma_wait3A_47 = arith.constant 0 : i32
    %dma_wait3A_48 = arith.constant 0 : i32
    %dma_wait3A_49 = tpu.memref_slice %arg4[%dma_wait3A, %dma_wait3A_47, %dma_wait3A_48] : memref<3x4x8192xf32, #tpu.memory_space<vmem>> -> memref<1x4x8192xf32, #tpu.memory_space<vmem>>
    %dma_wait3A_50 = tpu.memref_squeeze %dma_wait3A_49 : memref<1x4x8192xf32, #tpu.memory_space<vmem>> -> memref<4x8192xf32, #tpu.memory_space<vmem>>
    %dma_wait3A_51 = arith.constant 0 : i32
    %dma_wait3A_52 = tpu.memref_slice %arg2[%add3A_4, %dma_wait3A_51] : memref<4096x8192xf32, #tpu.memory_space<hbm>> -> memref<4x8192xf32, #tpu.memory_space<hbm>>
    %dma_wait3A_53 = arith.constant 0 : i32
    %dma_wait3A_54 = arith.constant 0 : i32
    %dma_wait3A_55 = tpu.memref_slice %arg4[%dma_wait3A, %dma_wait3A_53, %dma_wait3A_54] : memref<3x4x8192xf32, #tpu.memory_space<vmem>> -> memref<1x4x8192xf32, #tpu.memory_space<vmem>>
    %dma_wait3A_56 = tpu.memref_squeeze %dma_wait3A_55 : memref<1x4x8192xf32, #tpu.memory_space<vmem>> -> memref<4x8192xf32, #tpu.memory_space<vmem>>
    %dma_wait3A_57 = arith.constant 0 : i32
    %dma_wait3A_58 = tpu.memref_slice %arg2[%add3A_4, %dma_wait3A_57] : memref<4096x8192xf32, #tpu.memory_space<hbm>> -> memref<4x8192xf32, #tpu.memory_space<hbm>>
    tpu.wait_dma2 semaphore(%arg5 : memref<!tpu.dma_semaphore, #tpu.memory_space<semaphore_mem>>) src(%dma_wait3A_58 : memref<4x8192xf32, #tpu.memory_space<hbm>>) dst(%dma_wait3A_56 : memref<4x8192xf32, #tpu.memory_space<vmem>>)
    %add3A_59 = arith.constant 0 : i32
    %add3A_60 = arith.addi %mul3A_2, %add3A_59 : i32
    %dma_start3A_61 = arith.constant 0 : i32
    %dma_start3A_62 = arith.constant 0 : i32
    %dma_start3A_63 = arith.constant 0 : i32
    %dma_start3A_64 = tpu.memref_slice %arg4[%dma_start3A_61, %dma_start3A_62, %dma_start3A_63] : memref<3x4x8192xf32, #tpu.memory_space<vmem>> -> memref<1x4x7192xf32, #tpu.memory_space<vmem>>
    %dma_start3A_65 = tpu.memref_squeeze %dma_start3A_64 : memref<1x4x7192xf32, #tpu.memory_space<vmem>> -> memref<4x7192xf32, #tpu.memory_space<vmem>>
    %dma_start3A_66 = arith.constant 1000 : i32
    %dma_start3A_67 = tpu.memref_slice %arg3[%add3A_60, %dma_start3A_66] : memref<4096x8192xf32, #tpu.memory_space<hbm>> -> memref<4x7192xf32, #tpu.memory_space<hbm>>
    %dma_start3A_68 = arith.constant 1000 : i32
    %dma_start3A_69 = tpu.memref_slice %arg3[%add3A_60, %dma_start3A_68] : memref<4096x8192xf32, #tpu.memory_space<hbm>> -> memref<4x7192xf32, #tpu.memory_space<hbm>>
    %dma_start3A_70 = arith.constant 0 : i32
    %dma_start3A_71 = arith.constant 0 : i32
    %dma_start3A_72 = tpu.memref_slice %arg4[%dma_start3A_61, %dma_start3A_70, %dma_start3A_71] : memref<3x4x8192xf32, #tpu.memory_space<vmem>> -> memref<1x4x7192xf32, #tpu.memory_space<vmem>>
    %dma_start3A_73 = tpu.memref_squeeze %dma_start3A_72 : memref<1x4x7192xf32, #tpu.memory_space<vmem>> -> memref<4x7192xf32, #tpu.memory_space<vmem>>
    tpu.enqueue_dma source(%dma_start3A_73 : memref<4x7192xf32, #tpu.memory_space<vmem>>) target(%dma_start3A_69 : memref<4x7192xf32, #tpu.memory_space<hbm>>) target_semaphore(%arg8 : memref<!tpu.dma_semaphore, #tpu.memory_space<semaphore_mem>>)
    %dma_start3A_74 = arith.constant 0 : i32
    %dma_start3A_75 = arith.constant 0 : i32
    %dma_start3A_76 = arith.constant 7192 : i32
    %dma_start3A_77 = tpu.memref_slice %arg4[%dma_start3A_74, %dma_start3A_75, %dma_start3A_76] : memref<3x4x8192xf32, #tpu.memory_space<vmem>> -> memref<1x4x1000xf32, #tpu.memory_space<vmem>>
    %dma_start3A_78 = tpu.memref_squeeze %dma_start3A_77 : memref<1x4x1000xf32, #tpu.memory_space<vmem>> -> memref<4x1000xf32, #tpu.memory_space<vmem>>
    %dma_start3A_79 = arith.constant 0 : i32
    %dma_start3A_80 = tpu.memref_slice %arg3[%add3A_60, %dma_start3A_79] : memref<4096x8192xf32, #tpu.memory_space<hbm>> -> memref<4x1000xf32, #tpu.memory_space<hbm>>
    %dma_start3A_81 = arith.constant 0 : i32
    %dma_start3A_82 = tpu.memref_slice %arg3[%add3A_60, %dma_start3A_81] : memref<4096x8192xf32, #tpu.memory_space<hbm>> -> memref<4x1000xf32, #tpu.memory_space<hbm>>
    %dma_start3A_83 = arith.constant 0 : i32
    %dma_start3A_84 = arith.constant 7192 : i32
    %dma_start3A_85 = tpu.memref_slice %arg4[%dma_start3A_74, %dma_start3A_83, %dma_start3A_84] : memref<3x4x8192xf32, #tpu.memory_space<vmem>> -> memref<1x4x1000xf32, #tpu.memory_space<vmem>>
    %dma_start3A_86 = tpu.memref_squeeze %dma_start3A_85 : memref<1x4x1000xf32, #tpu.memory_space<vmem>> -> memref<4x1000xf32, #tpu.memory_space<vmem>>
    tpu.enqueue_dma source(%dma_start3A_86 : memref<4x1000xf32, #tpu.memory_space<vmem>>) target(%dma_start3A_82 : memref<4x1000xf32, #tpu.memory_space<hbm>>) target_semaphore(%arg8 : memref<!tpu.dma_semaphore, #tpu.memory_space<semaphore_mem>>)
    %dma_wait3A_87 = arith.constant 0 : i32
    %dma_wait3A_88 = arith.constant 0 : i32
    %dma_wait3A_89 = arith.constant 0 : i32
    %dma_wait3A_90 = tpu.memref_slice %arg4[%dma_wait3A_87, %dma_wait3A_88, %dma_wait3A_89] : memref<3x4x8192xf32, #tpu.memory_space<vmem>> -> memref<1x4x7192xf32, #tpu.memory_space<vmem>>
    %dma_wait3A_91 = tpu.memref_squeeze %dma_wait3A_90 : memref<1x4x7192xf32, #tpu.memory_space<vmem>> -> memref<4x7192xf32, #tpu.memory_space<vmem>>
    %dma_wait3A_92 = arith.constant 1000 : i32
    %dma_wait3A_93 = tpu.memref_slice %arg3[%add3A_60, %dma_wait3A_92] : memref<4096x8192xf32, #tpu.memory_space<hbm>> -> memref<4x7192xf32, #tpu.memory_space<hbm>>
    %dma_wait3A_94 = arith.constant 1000 : i32
    %dma_wait3A_95 = tpu.memref_slice %arg3[%add3A_60, %dma_wait3A_94] : memref<4096x8192xf32, #tpu.memory_space<hbm>> -> memref<4x7192xf32, #tpu.memory_space<hbm>>
    %dma_wait3A_96 = arith.constant 0 : i32
    %dma_wait3A_97 = arith.constant 0 : i32
    %dma_wait3A_98 = tpu.memref_slice %arg4[%dma_wait3A_87, %dma_wait3A_96, %dma_wait3A_97] : memref<3x4x8192xf32, #tpu.memory_space<vmem>> -> memref<1x4x7192xf32, #tpu.memory_space<vmem>>
    %dma_wait3A_99 = tpu.memref_squeeze %dma_wait3A_98 : memref<1x4x7192xf32, #tpu.memory_space<vmem>> -> memref<4x7192xf32, #tpu.memory_space<vmem>>
    tpu.wait_dma2 semaphore(%arg8 : memref<!tpu.dma_semaphore, #tpu.memory_space<semaphore_mem>>) src(%dma_wait3A_99 : memref<4x7192xf32, #tpu.memory_space<vmem>>) dst(%dma_wait3A_95 : memref<4x7192xf32, #tpu.memory_space<hbm>>)
    %dma_wait3A_100 = arith.constant 0 : i32
    %dma_wait3A_101 = arith.constant 0 : i32
    %dma_wait3A_102 = arith.constant 7192 : i32
    %dma_wait3A_103 = tpu.memref_slice %arg4[%dma_wait3A_100, %dma_wait3A_101, %dma_wait3A_102] : memref<3x4x8192xf32, #tpu.memory_space<vmem>> -> memref<1x4x1000xf32, #tpu.memory_space<vmem>>
    %dma_wait3A_104 = tpu.memref_squeeze %dma_wait3A_103 : memref<1x4x1000xf32, #tpu.memory_space<vmem>> -> memref<4x1000xf32, #tpu.memory_space<vmem>>
    %dma_wait3A_105 = arith.constant 0 : i32
    %dma_wait3A_106 = tpu.memref_slice %arg3[%add3A_60, %dma_wait3A_105] : memref<4096x8192xf32, #tpu.memory_space<hbm>> -> memref<4x1000xf32, #tpu.memory_space<hbm>>
    %dma_wait3A_107 = arith.constant 0 : i32
    %dma_wait3A_108 = tpu.memref_slice %arg3[%add3A_60, %dma_wait3A_107] : memref<4096x8192xf32, #tpu.memory_space<hbm>> -> memref<4x1000xf32, #tpu.memory_space<hbm>>
    %dma_wait3A_109 = arith.constant 0 : i32
    %dma_wait3A_110 = arith.constant 7192 : i32
    %dma_wait3A_111 = tpu.memref_slice %arg4[%dma_wait3A_100, %dma_wait3A_109, %dma_wait3A_110] : memref<3x4x8192xf32, #tpu.memory_space<vmem>> -> memref<1x4x1000xf32, #tpu.memory_space<vmem>>
    %dma_wait3A_112 = tpu.memref_squeeze %dma_wait3A_111 : memref<1x4x1000xf32, #tpu.memory_space<vmem>> -> memref<4x1000xf32, #tpu.memory_space<vmem>>
    tpu.wait_dma2 semaphore(%arg8 : memref<!tpu.dma_semaphore, #tpu.memory_space<semaphore_mem>>) src(%dma_wait3A_112 : memref<4x1000xf32, #tpu.memory_space<vmem>>) dst(%dma_wait3A_108 : memref<4x1000xf32, #tpu.memory_space<hbm>>)
    %add3A_113 = arith.constant 12 : i32
    %add3A_114 = arith.addi %mul3A_2, %add3A_113 : i32
    %dma_start3A_115 = arith.constant 0 : i32
    %dma_start3A_116 = arith.constant 0 : i32
    %dma_start3A_117 = arith.constant 0 : i32
    %dma_start3A_118 = tpu.memref_slice %arg4[%dma_start3A_115, %dma_start3A_116, %dma_start3A_117] : memref<3x4x8192xf32, #tpu.memory_space<vmem>> -> memref<1x4x8192xf32, #tpu.memory_space<vmem>>
    %dma_start3A_119 = tpu.memref_squeeze %dma_start3A_118 : memref<1x4x8192xf32, #tpu.memory_space<vmem>> -> memref<4x8192xf32, #tpu.memory_space<vmem>>
    %dma_start3A_120 = arith.constant 0 : i32
    %dma_start3A_121 = tpu.memref_slice %arg2[%add3A_114, %dma_start3A_120] : memref<4096x8192xf32, #tpu.memory_space<hbm>> -> memref<4x8192xf32, #tpu.memory_space<hbm>>
    %dma_start3A_122 = arith.constant 0 : i32
    %dma_start3A_123 = arith.constant 0 : i32
    %dma_start3A_124 = tpu.memref_slice %arg4[%dma_start3A_115, %dma_start3A_122, %dma_start3A_123] : memref<3x4x8192xf32, #tpu.memory_space<vmem>> -> memref<1x4x8192xf32, #tpu.memory_space<vmem>>
    %dma_start3A_125 = tpu.memref_squeeze %dma_start3A_124 : memref<1x4x8192xf32, #tpu.memory_space<vmem>> -> memref<4x8192xf32, #tpu.memory_space<vmem>>
    %dma_start3A_126 = arith.constant 0 : i32
    %dma_start3A_127 = tpu.memref_slice %arg2[%add3A_114, %dma_start3A_126] : memref<4096x8192xf32, #tpu.memory_space<hbm>> -> memref<4x8192xf32, #tpu.memory_space<hbm>>
    tpu.enqueue_dma source(%dma_start3A_127 : memref<4x8192xf32, #tpu.memory_space<hbm>>) target(%dma_start3A_125 : memref<4x8192xf32, #tpu.memory_space<vmem>>) target_semaphore(%arg5 : memref<!tpu.dma_semaphore, #tpu.memory_space<semaphore_mem>>)
    %dma_wait3A_128 = arith.constant 1 : i32
    %dma_wait3A_129 = arith.constant 0 : i32
    %dma_wait3A_130 = arith.constant 0 : i32
    %dma_wait3A_131 = tpu.memref_slice %arg4[%dma_wait3A_128, %dma_wait3A_129, %dma_wait3A_130] : memref<3x4x8192xf32, #tpu.memory_space<vmem>> -> memref<1x4x8192xf32, #tpu.memory_space<vmem>>
    %dma_wait3A_132 = tpu.memref_squeeze %dma_wait3A_131 : memref<1x4x8192xf32, #tpu.memory_space<vmem>> -> memref<4x8192xf32, #tpu.memory_space<vmem>>
    %dma_wait3A_133 = arith.constant 0 : i32
    %dma_wait3A_134 = tpu.memref_slice %arg2[%add3A_18, %dma_wait3A_133] : memref<4096x8192xf32, #tpu.memory_space<hbm>> -> memref<4x8192xf32, #tpu.memory_space<hbm>>
    %dma_wait3A_135 = arith.constant 0 : i32
    %dma_wait3A_136 = arith.constant 0 : i32
    %dma_wait3A_137 = tpu.memref_slice %arg4[%dma_wait3A_128, %dma_wait3A_135, %dma_wait3A_136] : memref<3x4x8192xf32, #tpu.memory_space<vmem>> -> memref<1x4x8192xf32, #tpu.memory_space<vmem>>
    %dma_wait3A_138 = tpu.memref_squeeze %dma_wait3A_137 : memref<1x4x8192xf32, #tpu.memory_space<vmem>> -> memref<4x8192xf32, #tpu.memory_space<vmem>>
    %dma_wait3A_139 = arith.constant 0 : i32
    %dma_wait3A_140 = tpu.memref_slice %arg2[%add3A_18, %dma_wait3A_139] : memref<4096x8192xf32, #tpu.memory_space<hbm>> -> memref<4x8192xf32, #tpu.memory_space<hbm>>
    tpu.wait_dma2 semaphore(%arg6 : memref<!tpu.dma_semaphore, #tpu.memory_space<semaphore_mem>>) src(%dma_wait3A_140 : memref<4x8192xf32, #tpu.memory_space<hbm>>) dst(%dma_wait3A_138 : memref<4x8192xf32, #tpu.memory_space<vmem>>)
    %add3A_141 = arith.constant 4 : i32
    %add3A_142 = arith.addi %mul3A_2, %add3A_141 : i32
    %dma_start3A_143 = arith.constant 1 : i32
    %dma_start3A_144 = arith.constant 0 : i32
    %dma_start3A_145 = arith.constant 0 : i32
    %dma_start3A_146 = tpu.memref_slice %arg4[%dma_start3A_143, %dma_start3A_144, %dma_start3A_145] : memref<3x4x8192xf32, #tpu.memory_space<vmem>> -> memref<1x4x7192xf32, #tpu.memory_space<vmem>>
    %dma_start3A_147 = tpu.memref_squeeze %dma_start3A_146 : memref<1x4x7192xf32, #tpu.memory_space<vmem>> -> memref<4x7192xf32, #tpu.memory_space<vmem>>
    %dma_start3A_148 = arith.constant 1000 : i32
    %dma_start3A_149 = tpu.memref_slice %arg3[%add3A_142, %dma_start3A_148] : memref<4096x8192xf32, #tpu.memory_space<hbm>> -> memref<4x7192xf32, #tpu.memory_space<hbm>>
    %dma_start3A_150 = arith.constant 1000 : i32
    %dma_start3A_151 = tpu.memref_slice %arg3[%add3A_142, %dma_start3A_150] : memref<4096x8192xf32, #tpu.memory_space<hbm>> -> memref<4x7192xf32, #tpu.memory_space<hbm>>
    %dma_start3A_152 = arith.constant 0 : i32
    %dma_start3A_153 = arith.constant 0 : i32
    %dma_start3A_154 = tpu.memref_slice %arg4[%dma_start3A_143, %dma_start3A_152, %dma_start3A_153] : memref<3x4x8192xf32, #tpu.memory_space<vmem>> -> memref<1x4x7192xf32, #tpu.memory_space<vmem>>
    %dma_start3A_155 = tpu.memref_squeeze %dma_start3A_154 : memref<1x4x7192xf32, #tpu.memory_space<vmem>> -> memref<4x7192xf32, #tpu.memory_space<vmem>>
    tpu.enqueue_dma source(%dma_start3A_155 : memref<4x7192xf32, #tpu.memory_space<vmem>>) target(%dma_start3A_151 : memref<4x7192xf32, #tpu.memory_space<hbm>>) target_semaphore(%arg9 : memref<!tpu.dma_semaphore, #tpu.memory_space<semaphore_mem>>)
    %dma_start3A_156 = arith.constant 1 : i32
    %dma_start3A_157 = arith.constant 0 : i32
    %dma_start3A_158 = arith.constant 7192 : i32
    %dma_start3A_159 = tpu.memref_slice %arg4[%dma_start3A_156, %dma_start3A_157, %dma_start3A_158] : memref<3x4x8192xf32, #tpu.memory_space<vmem>> -> memref<1x4x1000xf32, #tpu.memory_space<vmem>>
    %dma_start3A_160 = tpu.memref_squeeze %dma_start3A_159 : memref<1x4x1000xf32, #tpu.memory_space<vmem>> -> memref<4x1000xf32, #tpu.memory_space<vmem>>
    %dma_start3A_161 = arith.constant 0 : i32
    %dma_start3A_162 = tpu.memref_slice %arg3[%add3A_142, %dma_start3A_161] : memref<4096x8192xf32, #tpu.memory_space<hbm>> -> memref<4x1000xf32, #tpu.memory_space<hbm>>
    %dma_start3A_163 = arith.constant 0 : i32
    %dma_start3A_164 = tpu.memref_slice %arg3[%add3A_142, %dma_start3A_163] : memref<4096x8192xf32, #tpu.memory_space<hbm>> -> memref<4x1000xf32, #tpu.memory_space<hbm>>
    %dma_start3A_165 = arith.constant 0 : i32
    %dma_start3A_166 = arith.constant 7192 : i32
    %dma_start3A_167 = tpu.memref_slice %arg4[%dma_start3A_156, %dma_start3A_165, %dma_start3A_166] : memref<3x4x8192xf32, #tpu.memory_space<vmem>> -> memref<1x4x1000xf32, #tpu.memory_space<vmem>>
    %dma_start3A_168 = tpu.memref_squeeze %dma_start3A_167 : memref<1x4x1000xf32, #tpu.memory_space<vmem>> -> memref<4x1000xf32, #tpu.memory_space<vmem>>
    tpu.enqueue_dma source(%dma_start3A_168 : memref<4x1000xf32, #tpu.memory_space<vmem>>) target(%dma_start3A_164 : memref<4x1000xf32, #tpu.memory_space<hbm>>) target_semaphore(%arg9 : memref<!tpu.dma_semaphore, #tpu.memory_space<semaphore_mem>>)
    %dma_wait3A_169 = arith.constant 1 : i32
    %dma_wait3A_170 = arith.constant 0 : i32
    %dma_wait3A_171 = arith.constant 0 : i32
    %dma_wait3A_172 = tpu.memref_slice %arg4[%dma_wait3A_169, %dma_wait3A_170, %dma_wait3A_171] : memref<3x4x8192xf32, #tpu.memory_space<vmem>> -> memref<1x4x7192xf32, #tpu.memory_space<vmem>>
    %dma_wait3A_173 = tpu.memref_squeeze %dma_wait3A_172 : memref<1x4x7192xf32, #tpu.memory_space<vmem>> -> memref<4x7192xf32, #tpu.memory_space<vmem>>
    %dma_wait3A_174 = arith.constant 1000 : i32
    %dma_wait3A_175 = tpu.memref_slice %arg3[%add3A_142, %dma_wait3A_174] : memref<4096x8192xf32, #tpu.memory_space<hbm>> -> memref<4x7192xf32, #tpu.memory_space<hbm>>
    %dma_wait3A_176 = arith.constant 1000 : i32
    %dma_wait3A_177 = tpu.memref_slice %arg3[%add3A_142, %dma_wait3A_176] : memref<4096x8192xf32, #tpu.memory_space<hbm>> -> memref<4x7192xf32, #tpu.memory_space<hbm>>
    %dma_wait3A_178 = arith.constant 0 : i32
    %dma_wait3A_179 = arith.constant 0 : i32
    %dma_wait3A_180 = tpu.memref_slice %arg4[%dma_wait3A_169, %dma_wait3A_178, %dma_wait3A_179] : memref<3x4x8192xf32, #tpu.memory_space<vmem>> -> memref<1x4x7192xf32, #tpu.memory_space<vmem>>
    %dma_wait3A_181 = tpu.memref_squeeze %dma_wait3A_180 : memref<1x4x7192xf32, #tpu.memory_space<vmem>> -> memref<4x7192xf32, #tpu.memory_space<vmem>>
    tpu.wait_dma2 semaphore(%arg9 : memref<!tpu.dma_semaphore, #tpu.memory_space<semaphore_mem>>) src(%dma_wait3A_181 : memref<4x7192xf32, #tpu.memory_space<vmem>>) dst(%dma_wait3A_177 : memref<4x7192xf32, #tpu.memory_space<hbm>>)
    %dma_wait3A_182 = arith.constant 1 : i32
    %dma_wait3A_183 = arith.constant 0 : i32
    %dma_wait3A_184 = arith.constant 7192 : i32
    %dma_wait3A_185 = tpu.memref_slice %arg4[%dma_wait3A_182, %dma_wait3A_183, %dma_wait3A_184] : memref<3x4x8192xf32, #tpu.memory_space<vmem>> -> memref<1x4x1000xf32, #tpu.memory_space<vmem>>
    %dma_wait3A_186 = tpu.memref_squeeze %dma_wait3A_185 : memref<1x4x1000xf32, #tpu.memory_space<vmem>> -> memref<4x1000xf32, #tpu.memory_space<vmem>>
    %dma_wait3A_187 = arith.constant 0 : i32
    %dma_wait3A_188 = tpu.memref_slice %arg3[%add3A_142, %dma_wait3A_187] : memref<4096x8192xf32, #tpu.memory_space<hbm>> -> memref<4x1000xf32, #tpu.memory_space<hbm>>
    %dma_wait3A_189 = arith.constant 0 : i32
    %dma_wait3A_190 = tpu.memref_slice %arg3[%add3A_142, %dma_wait3A_189] : memref<4096x8192xf32, #tpu.memory_space<hbm>> -> memref<4x1000xf32, #tpu.memory_space<hbm>>
    %dma_wait3A_191 = arith.constant 0 : i32
    %dma_wait3A_192 = arith.constant 7192 : i32
    %dma_wait3A_193 = tpu.memref_slice %arg4[%dma_wait3A_182, %dma_wait3A_191, %dma_wait3A_192] : memref<3x4x8192xf32, #tpu.memory_space<vmem>> -> memref<1x4x1000xf32, #tpu.memory_space<vmem>>
    %dma_wait3A_194 = tpu.memref_squeeze %dma_wait3A_193 : memref<1x4x1000xf32, #tpu.memory_space<vmem>> -> memref<4x1000xf32, #tpu.memory_space<vmem>>
    tpu.wait_dma2 semaphore(%arg9 : memref<!tpu.dma_semaphore, #tpu.memory_space<semaphore_mem>>) src(%dma_wait3A_194 : memref<4x1000xf32, #tpu.memory_space<vmem>>) dst(%dma_wait3A_190 : memref<4x1000xf32, #tpu.memory_space<hbm>>)
    %add3A_195 = arith.constant 16 : i32
    %add3A_196 = arith.addi %mul3A_2, %add3A_195 : i32
    %dma_start3A_197 = arith.constant 1 : i32
    %dma_start3A_198 = arith.constant 0 : i32
    %dma_start3A_199 = arith.constant 0 : i32
    %dma_start3A_200 = tpu.memref_slice %arg4[%dma_start3A_197, %dma_start3A_198, %dma_start3A_199] : memref<3x4x8192xf32, #tpu.memory_space<vmem>> -> memref<1x4x8192xf32, #tpu.memory_space<vmem>>
    %dma_start3A_201 = tpu.memref_squeeze %dma_start3A_200 : memref<1x4x8192xf32, #tpu.memory_space<vmem>> -> memref<4x8192xf32, #tpu.memory_space<vmem>>
    %dma_start3A_202 = arith.constant 0 : i32
    %dma_start3A_203 = tpu.memref_slice %arg2[%add3A_196, %dma_start3A_202] : memref<4096x8192xf32, #tpu.memory_space<hbm>> -> memref<4x8192xf32, #tpu.memory_space<hbm>>
    %dma_start3A_204 = arith.constant 0 : i32
    %dma_start3A_205 = arith.constant 0 : i32
    %dma_start3A_206 = tpu.memref_slice %arg4[%dma_start3A_197, %dma_start3A_204, %dma_start3A_205] : memref<3x4x8192xf32, #tpu.memory_space<vmem>> -> memref<1x4x8192xf32, #tpu.memory_space<vmem>>
    %dma_start3A_207 = tpu.memref_squeeze %dma_start3A_206 : memref<1x4x8192xf32, #tpu.memory_space<vmem>> -> memref<4x8192xf32, #tpu.memory_space<vmem>>
    %dma_start3A_208 = arith.constant 0 : i32
    %dma_start3A_209 = tpu.memref_slice %arg2[%add3A_196, %dma_start3A_208] : memref<4096x8192xf32, #tpu.memory_space<hbm>> -> memref<4x8192xf32, #tpu.memory_space<hbm>>
    tpu.enqueue_dma source(%dma_start3A_209 : memref<4x8192xf32, #tpu.memory_space<hbm>>) target(%dma_start3A_207 : memref<4x8192xf32, #tpu.memory_space<vmem>>) target_semaphore(%arg6 : memref<!tpu.dma_semaphore, #tpu.memory_space<semaphore_mem>>)
    %dma_wait3A_210 = arith.constant 2 : i32
    %dma_wait3A_211 = arith.constant 0 : i32
    %dma_wait3A_212 = arith.constant 0 : i32
    %dma_wait3A_213 = tpu.memref_slice %arg4[%dma_wait3A_210, %dma_wait3A_211, %dma_wait3A_212] : memref<3x4x8192xf32, #tpu.memory_space<vmem>> -> memref<1x4x8192xf32, #tpu.memory_space<vmem>>
    %dma_wait3A_214 = tpu.memref_squeeze %dma_wait3A_213 : memref<1x4x8192xf32, #tpu.memory_space<vmem>> -> memref<4x8192xf32, #tpu.memory_space<vmem>>
    %dma_wait3A_215 = arith.constant 0 : i32
    %dma_wait3A_216 = tpu.memref_slice %arg2[%add3A_33, %dma_wait3A_215] : memref<4096x8192xf32, #tpu.memory_space<hbm>> -> memref<4x8192xf32, #tpu.memory_space<hbm>>
    %dma_wait3A_217 = arith.constant 0 : i32
    %dma_wait3A_218 = arith.constant 0 : i32
    %dma_wait3A_219 = tpu.memref_slice %arg4[%dma_wait3A_210, %dma_wait3A_217, %dma_wait3A_218] : memref<3x4x8192xf32, #tpu.memory_space<vmem>> -> memref<1x4x8192xf32, #tpu.memory_space<vmem>>
    %dma_wait3A_220 = tpu.memref_squeeze %dma_wait3A_219 : memref<1x4x8192xf32, #tpu.memory_space<vmem>> -> memref<4x8192xf32, #tpu.memory_space<vmem>>
    %dma_wait3A_221 = arith.constant 0 : i32
    %dma_wait3A_222 = tpu.memref_slice %arg2[%add3A_33, %dma_wait3A_221] : memref<4096x8192xf32, #tpu.memory_space<hbm>> -> memref<4x8192xf32, #tpu.memory_space<hbm>>
    tpu.wait_dma2 semaphore(%arg7 : memref<!tpu.dma_semaphore, #tpu.memory_space<semaphore_mem>>) src(%dma_wait3A_222 : memref<4x8192xf32, #tpu.memory_space<hbm>>) dst(%dma_wait3A_220 : memref<4x8192xf32, #tpu.memory_space<vmem>>)
    %add3A_223 = arith.constant 8 : i32
    %add3A_224 = arith.addi %mul3A_2, %add3A_223 : i32
    %dma_start3A_225 = arith.constant 2 : i32
    %dma_start3A_226 = arith.constant 0 : i32
    %dma_start3A_227 = arith.constant 0 : i32
    %dma_start3A_228 = tpu.memref_slice %arg4[%dma_start3A_225, %dma_start3A_226, %dma_start3A_227] : memref<3x4x8192xf32, #tpu.memory_space<vmem>> -> memref<1x4x7192xf32, #tpu.memory_space<vmem>>
    %dma_start3A_229 = tpu.memref_squeeze %dma_start3A_228 : memref<1x4x7192xf32, #tpu.memory_space<vmem>> -> memref<4x7192xf32, #tpu.memory_space<vmem>>
    %dma_start3A_230 = arith.constant 1000 : i32
    %dma_start3A_231 = tpu.memref_slice %arg3[%add3A_224, %dma_start3A_230] : memref<4096x8192xf32, #tpu.memory_space<hbm>> -> memref<4x7192xf32, #tpu.memory_space<hbm>>
    %dma_start3A_232 = arith.constant 1000 : i32
    %dma_start3A_233 = tpu.memref_slice %arg3[%add3A_224, %dma_start3A_232] : memref<4096x8192xf32, #tpu.memory_space<hbm>> -> memref<4x7192xf32, #tpu.memory_space<hbm>>
    %dma_start3A_234 = arith.constant 0 : i32
    %dma_start3A_235 = arith.constant 0 : i32
    %dma_start3A_236 = tpu.memref_slice %arg4[%dma_start3A_225, %dma_start3A_234, %dma_start3A_235] : memref<3x4x8192xf32, #tpu.memory_space<vmem>> -> memref<1x4x7192xf32, #tpu.memory_space<vmem>>
    %dma_start3A_237 = tpu.memref_squeeze %dma_start3A_236 : memref<1x4x7192xf32, #tpu.memory_space<vmem>> -> memref<4x7192xf32, #tpu.memory_space<vmem>>
    tpu.enqueue_dma source(%dma_start3A_237 : memref<4x7192xf32, #tpu.memory_space<vmem>>) target(%dma_start3A_233 : memref<4x7192xf32, #tpu.memory_space<hbm>>) target_semaphore(%arg10 : memref<!tpu.dma_semaphore, #tpu.memory_space<semaphore_mem>>)
    %dma_start3A_238 = arith.constant 2 : i32
    %dma_start3A_239 = arith.constant 0 : i32
    %dma_start3A_240 = arith.constant 7192 : i32
    %dma_start3A_241 = tpu.memref_slice %arg4[%dma_start3A_238, %dma_start3A_239, %dma_start3A_240] : memref<3x4x8192xf32, #tpu.memory_space<vmem>> -> memref<1x4x1000xf32, #tpu.memory_space<vmem>>
    %dma_start3A_242 = tpu.memref_squeeze %dma_start3A_241 : memref<1x4x1000xf32, #tpu.memory_space<vmem>> -> memref<4x1000xf32, #tpu.memory_space<vmem>>
    %dma_start3A_243 = arith.constant 0 : i32
    %dma_start3A_244 = tpu.memref_slice %arg3[%add3A_224, %dma_start3A_243] : memref<4096x8192xf32, #tpu.memory_space<hbm>> -> memref<4x1000xf32, #tpu.memory_space<hbm>>
    %dma_start3A_245 = arith.constant 0 : i32
    %dma_start3A_246 = tpu.memref_slice %arg3[%add3A_224, %dma_start3A_245] : memref<4096x8192xf32, #tpu.memory_space<hbm>> -> memref<4x1000xf32, #tpu.memory_space<hbm>>
    %dma_start3A_247 = arith.constant 0 : i32
    %dma_start3A_248 = arith.constant 7192 : i32
    %dma_start3A_249 = tpu.memref_slice %arg4[%dma_start3A_238, %dma_start3A_247, %dma_start3A_248] : memref<3x4x8192xf32, #tpu.memory_space<vmem>> -> memref<1x4x1000xf32, #tpu.memory_space<vmem>>
    %dma_start3A_250 = tpu.memref_squeeze %dma_start3A_249 : memref<1x4x1000xf32, #tpu.memory_space<vmem>> -> memref<4x1000xf32, #tpu.memory_space<vmem>>
    tpu.enqueue_dma source(%dma_start3A_250 : memref<4x1000xf32, #tpu.memory_space<vmem>>) target(%dma_start3A_246 : memref<4x1000xf32, #tpu.memory_space<hbm>>) target_semaphore(%arg10 : memref<!tpu.dma_semaphore, #tpu.memory_space<semaphore_mem>>)
    %dma_wait3A_251 = arith.constant 2 : i32
    %dma_wait3A_252 = arith.constant 0 : i32
    %dma_wait3A_253 = arith.constant 0 : i32
    %dma_wait3A_254 = tpu.memref_slice %arg4[%dma_wait3A_251, %dma_wait3A_252, %dma_wait3A_253] : memref<3x4x8192xf32, #tpu.memory_space<vmem>> -> memref<1x4x7192xf32, #tpu.memory_space<vmem>>
    %dma_wait3A_255 = tpu.memref_squeeze %dma_wait3A_254 : memref<1x4x7192xf32, #tpu.memory_space<vmem>> -> memref<4x7192xf32, #tpu.memory_space<vmem>>
    %dma_wait3A_256 = arith.constant 1000 : i32
    %dma_wait3A_257 = tpu.memref_slice %arg3[%add3A_224, %dma_wait3A_256] : memref<4096x8192xf32, #tpu.memory_space<hbm>> -> memref<4x7192xf32, #tpu.memory_space<hbm>>
    %dma_wait3A_258 = arith.constant 1000 : i32
    %dma_wait3A_259 = tpu.memref_slice %arg3[%add3A_224, %dma_wait3A_258] : memref<4096x8192xf32, #tpu.memory_space<hbm>> -> memref<4x7192xf32, #tpu.memory_space<hbm>>
    %dma_wait3A_260 = arith.constant 0 : i32
    %dma_wait3A_261 = arith.constant 0 : i32
    %dma_wait3A_262 = tpu.memref_slice %arg4[%dma_wait3A_251, %dma_wait3A_260, %dma_wait3A_261] : memref<3x4x8192xf32, #tpu.memory_space<vmem>> -> memref<1x4x7192xf32, #tpu.memory_space<vmem>>
    %dma_wait3A_263 = tpu.memref_squeeze %dma_wait3A_262 : memref<1x4x7192xf32, #tpu.memory_space<vmem>> -> memref<4x7192xf32, #tpu.memory_space<vmem>>
    tpu.wait_dma2 semaphore(%arg10 : memref<!tpu.dma_semaphore, #tpu.memory_space<semaphore_mem>>) src(%dma_wait3A_263 : memref<4x7192xf32, #tpu.memory_space<vmem>>) dst(%dma_wait3A_259 : memref<4x7192xf32, #tpu.memory_space<hbm>>)
    %dma_wait3A_264 = arith.constant 2 : i32
    %dma_wait3A_265 = arith.constant 0 : i32
    %dma_wait3A_266 = arith.constant 7192 : i32
    %dma_wait3A_267 = tpu.memref_slice %arg4[%dma_wait3A_264, %dma_wait3A_265, %dma_wait3A_266] : memref<3x4x8192xf32, #tpu.memory_space<vmem>> -> memref<1x4x1000xf32, #tpu.memory_space<vmem>>
    %dma_wait3A_268 = tpu.memref_squeeze %dma_wait3A_267 : memref<1x4x1000xf32, #tpu.memory_space<vmem>> -> memref<4x1000xf32, #tpu.memory_space<vmem>>
    %dma_wait3A_269 = arith.constant 0 : i32
    %dma_wait3A_270 = tpu.memref_slice %arg3[%add3A_224, %dma_wait3A_269] : memref<4096x8192xf32, #tpu.memory_space<hbm>> -> memref<4x1000xf32, #tpu.memory_space<hbm>>
    %dma_wait3A_271 = arith.constant 0 : i32
    %dma_wait3A_272 = tpu.memref_slice %arg3[%add3A_224, %dma_wait3A_271] : memref<4096x8192xf32, #tpu.memory_space<hbm>> -> memref<4x1000xf32, #tpu.memory_space<hbm>>
    %dma_wait3A_273 = arith.constant 0 : i32
    %dma_wait3A_274 = arith.constant 7192 : i32
    %dma_wait3A_275 = tpu.memref_slice %arg4[%dma_wait3A_264, %dma_wait3A_273, %dma_wait3A_274] : memref<3x4x8192xf32, #tpu.memory_space<vmem>> -> memref<1x4x1000xf32, #tpu.memory_space<vmem>>
    %dma_wait3A_276 = tpu.memref_squeeze %dma_wait3A_275 : memref<1x4x1000xf32, #tpu.memory_space<vmem>> -> memref<4x1000xf32, #tpu.memory_space<vmem>>
    tpu.wait_dma2 semaphore(%arg10 : memref<!tpu.dma_semaphore, #tpu.memory_space<semaphore_mem>>) src(%dma_wait3A_276 : memref<4x1000xf32, #tpu.memory_space<vmem>>) dst(%dma_wait3A_272 : memref<4x1000xf32, #tpu.memory_space<hbm>>)
    %add3A_277 = arith.constant 20 : i32
    %add3A_278 = arith.addi %mul3A_2, %add3A_277 : i32
    %dma_start3A_279 = arith.constant 2 : i32
    %dma_start3A_280 = arith.constant 0 : i32
    %dma_start3A_281 = arith.constant 0 : i32
    %dma_start3A_282 = tpu.memref_slice %arg4[%dma_start3A_279, %dma_start3A_280, %dma_start3A_281] : memref<3x4x8192xf32, #tpu.memory_space<vmem>> -> memref<1x4x8192xf32, #tpu.memory_space<vmem>>
    %dma_start3A_283 = tpu.memref_squeeze %dma_start3A_282 : memref<1x4x8192xf32, #tpu.memory_space<vmem>> -> memref<4x8192xf32, #tpu.memory_space<vmem>>
    %dma_start3A_284 = arith.constant 0 : i32
    %dma_start3A_285 = tpu.memref_slice %arg2[%add3A_278, %dma_start3A_284] : memref<4096x8192xf32, #tpu.memory_space<hbm>> -> memref<4x8192xf32, #tpu.memory_space<hbm>>
    %dma_start3A_286 = arith.constant 0 : i32
    %dma_start3A_287 = arith.constant 0 : i32
    %dma_start3A_288 = tpu.memref_slice %arg4[%dma_start3A_279, %dma_start3A_286, %dma_start3A_287] : memref<3x4x8192xf32, #tpu.memory_space<vmem>> -> memref<1x4x8192xf32, #tpu.memory_space<vmem>>
    %dma_start3A_289 = tpu.memref_squeeze %dma_start3A_288 : memref<1x4x8192xf32, #tpu.memory_space<vmem>> -> memref<4x8192xf32, #tpu.memory_space<vmem>>
    %dma_start3A_290 = arith.constant 0 : i32
    %dma_start3A_291 = tpu.memref_slice %arg2[%add3A_278, %dma_start3A_290] : memref<4096x8192xf32, #tpu.memory_space<hbm>> -> memref<4x8192xf32, #tpu.memory_space<hbm>>
    tpu.enqueue_dma source(%dma_start3A_291 : memref<4x8192xf32, #tpu.memory_space<hbm>>) target(%dma_start3A_289 : memref<4x8192xf32, #tpu.memory_space<vmem>>) target_semaphore(%arg7 : memref<!tpu.dma_semaphore, #tpu.memory_space<semaphore_mem>>)
    %dma_wait3A_292 = arith.constant 0 : i32
    %dma_wait3A_293 = arith.constant 0 : i32
    %dma_wait3A_294 = arith.constant 0 : i32
    %dma_wait3A_295 = tpu.memref_slice %arg4[%dma_wait3A_292, %dma_wait3A_293, %dma_wait3A_294] : memref<3x4x8192xf32, #tpu.memory_space<vmem>> -> memref<1x4x8192xf32, #tpu.memory_space<vmem>>
    %dma_wait3A_296 = tpu.memref_squeeze %dma_wait3A_295 : memref<1x4x8192xf32, #tpu.memory_space<vmem>> -> memref<4x8192xf32, #tpu.memory_space<vmem>>
    %dma_wait3A_297 = arith.constant 0 : i32
    %dma_wait3A_298 = tpu.memref_slice %arg2[%add3A_114, %dma_wait3A_297] : memref<4096x8192xf32, #tpu.memory_space<hbm>> -> memref<4x8192xf32, #tpu.memory_space<hbm>>
    %dma_wait3A_299 = arith.constant 0 : i32
    %dma_wait3A_300 = arith.constant 0 : i32
    %dma_wait3A_301 = tpu.memref_slice %arg4[%dma_wait3A_292, %dma_wait3A_299, %dma_wait3A_300] : memref<3x4x8192xf32, #tpu.memory_space<vmem>> -> memref<1x4x8192xf32, #tpu.memory_space<vmem>>
    %dma_wait3A_302 = tpu.memref_squeeze %dma_wait3A_301 : memref<1x4x8192xf32, #tpu.memory_space<vmem>> -> memref<4x8192xf32, #tpu.memory_space<vmem>>
    %dma_wait3A_303 = arith.constant 0 : i32
    %dma_wait3A_304 = tpu.memref_slice %arg2[%add3A_114, %dma_wait3A_303] : memref<4096x8192xf32, #tpu.memory_space<hbm>> -> memref<4x8192xf32, #tpu.memory_space<hbm>>
    tpu.wait_dma2 semaphore(%arg5 : memref<!tpu.dma_semaphore, #tpu.memory_space<semaphore_mem>>) src(%dma_wait3A_304 : memref<4x8192xf32, #tpu.memory_space<hbm>>) dst(%dma_wait3A_302 : memref<4x8192xf32, #tpu.memory_space<vmem>>)
    %add3A_305 = arith.constant 12 : i32
    %add3A_306 = arith.addi %mul3A_2, %add3A_305 : i32
    %dma_start3A_307 = arith.constant 0 : i32
    %dma_start3A_308 = arith.constant 0 : i32
    %dma_start3A_309 = arith.constant 0 : i32
    %dma_start3A_310 = tpu.memref_slice %arg4[%dma_start3A_307, %dma_start3A_308, %dma_start3A_309] : memref<3x4x8192xf32, #tpu.memory_space<vmem>> -> memref<1x4x7192xf32, #tpu.memory_space<vmem>>
    %dma_start3A_311 = tpu.memref_squeeze %dma_start3A_310 : memref<1x4x7192xf32, #tpu.memory_space<vmem>> -> memref<4x7192xf32, #tpu.memory_space<vmem>>
    %dma_start3A_312 = arith.constant 1000 : i32
    %dma_start3A_313 = tpu.memref_slice %arg3[%add3A_306, %dma_start3A_312] : memref<4096x8192xf32, #tpu.memory_space<hbm>> -> memref<4x7192xf32, #tpu.memory_space<hbm>>
    %dma_start3A_314 = arith.constant 1000 : i32
    %dma_start3A_315 = tpu.memref_slice %arg3[%add3A_306, %dma_start3A_314] : memref<4096x8192xf32, #tpu.memory_space<hbm>> -> memref<4x7192xf32, #tpu.memory_space<hbm>>
    %dma_start3A_316 = arith.constant 0 : i32
    %dma_start3A_317 = arith.constant 0 : i32
    %dma_start3A_318 = tpu.memref_slice %arg4[%dma_start3A_307, %dma_start3A_316, %dma_start3A_317] : memref<3x4x8192xf32, #tpu.memory_space<vmem>> -> memref<1x4x7192xf32, #tpu.memory_space<vmem>>
    %dma_start3A_319 = tpu.memref_squeeze %dma_start3A_318 : memref<1x4x7192xf32, #tpu.memory_space<vmem>> -> memref<4x7192xf32, #tpu.memory_space<vmem>>
    tpu.enqueue_dma source(%dma_start3A_319 : memref<4x7192xf32, #tpu.memory_space<vmem>>) target(%dma_start3A_315 : memref<4x7192xf32, #tpu.memory_space<hbm>>) target_semaphore(%arg8 : memref<!tpu.dma_semaphore, #tpu.memory_space<semaphore_mem>>)
    %dma_start3A_320 = arith.constant 0 : i32
    %dma_start3A_321 = arith.constant 0 : i32
    %dma_start3A_322 = arith.constant 7192 : i32
    %dma_start3A_323 = tpu.memref_slice %arg4[%dma_start3A_320, %dma_start3A_321, %dma_start3A_322] : memref<3x4x8192xf32, #tpu.memory_space<vmem>> -> memref<1x4x1000xf32, #tpu.memory_space<vmem>>
    %dma_start3A_324 = tpu.memref_squeeze %dma_start3A_323 : memref<1x4x1000xf32, #tpu.memory_space<vmem>> -> memref<4x1000xf32, #tpu.memory_space<vmem>>
    %dma_start3A_325 = arith.constant 0 : i32
    %dma_start3A_326 = tpu.memref_slice %arg3[%add3A_306, %dma_start3A_325] : memref<4096x8192xf32, #tpu.memory_space<hbm>> -> memref<4x1000xf32, #tpu.memory_space<hbm>>
    %dma_start3A_327 = arith.constant 0 : i32
    %dma_start3A_328 = tpu.memref_slice %arg3[%add3A_306, %dma_start3A_327] : memref<4096x8192xf32, #tpu.memory_space<hbm>> -> memref<4x1000xf32, #tpu.memory_space<hbm>>
    %dma_start3A_329 = arith.constant 0 : i32
    %dma_start3A_330 = arith.constant 7192 : i32
    %dma_start3A_331 = tpu.memref_slice %arg4[%dma_start3A_320, %dma_start3A_329, %dma_start3A_330] : memref<3x4x8192xf32, #tpu.memory_space<vmem>> -> memref<1x4x1000xf32, #tpu.memory_space<vmem>>
    %dma_start3A_332 = tpu.memref_squeeze %dma_start3A_331 : memref<1x4x1000xf32, #tpu.memory_space<vmem>> -> memref<4x1000xf32, #tpu.memory_space<vmem>>
    tpu.enqueue_dma source(%dma_start3A_332 : memref<4x1000xf32, #tpu.memory_space<vmem>>) target(%dma_start3A_328 : memref<4x1000xf32, #tpu.memory_space<hbm>>) target_semaphore(%arg8 : memref<!tpu.dma_semaphore, #tpu.memory_space<semaphore_mem>>)
    %dma_wait3A_333 = arith.constant 0 : i32
    %dma_wait3A_334 = arith.constant 0 : i32
    %dma_wait3A_335 = arith.constant 0 : i32
    %dma_wait3A_336 = tpu.memref_slice %arg4[%dma_wait3A_333, %dma_wait3A_334, %dma_wait3A_335] : memref<3x4x8192xf32, #tpu.memory_space<vmem>> -> memref<1x4x7192xf32, #tpu.memory_space<vmem>>
    %dma_wait3A_337 = tpu.memref_squeeze %dma_wait3A_336 : memref<1x4x7192xf32, #tpu.memory_space<vmem>> -> memref<4x7192xf32, #tpu.memory_space<vmem>>
    %dma_wait3A_338 = arith.constant 1000 : i32
    %dma_wait3A_339 = tpu.memref_slice %arg3[%add3A_306, %dma_wait3A_338] : memref<4096x8192xf32, #tpu.memory_space<hbm>> -> memref<4x7192xf32, #tpu.memory_space<hbm>>
    %dma_wait3A_340 = arith.constant 1000 : i32
    %dma_wait3A_341 = tpu.memref_slice %arg3[%add3A_306, %dma_wait3A_340] : memref<4096x8192xf32, #tpu.memory_space<hbm>> -> memref<4x7192xf32, #tpu.memory_space<hbm>>
    %dma_wait3A_342 = arith.constant 0 : i32
    %dma_wait3A_343 = arith.constant 0 : i32
    %dma_wait3A_344 = tpu.memref_slice %arg4[%dma_wait3A_333, %dma_wait3A_342, %dma_wait3A_343] : memref<3x4x8192xf32, #tpu.memory_space<vmem>> -> memref<1x4x7192xf32, #tpu.memory_space<vmem>>
    %dma_wait3A_345 = tpu.memref_squeeze %dma_wait3A_344 : memref<1x4x7192xf32, #tpu.memory_space<vmem>> -> memref<4x7192xf32, #tpu.memory_space<vmem>>
    tpu.wait_dma2 semaphore(%arg8 : memref<!tpu.dma_semaphore, #tpu.memory_space<semaphore_mem>>) src(%dma_wait3A_345 : memref<4x7192xf32, #tpu.memory_space<vmem>>) dst(%dma_wait3A_341 : memref<4x7192xf32, #tpu.memory_space<hbm>>)
    %dma_wait3A_346 = arith.constant 0 : i32
    %dma_wait3A_347 = arith.constant 0 : i32
    %dma_wait3A_348 = arith.constant 7192 : i32
    %dma_wait3A_349 = tpu.memref_slice %arg4[%dma_wait3A_346, %dma_wait3A_347, %dma_wait3A_348] : memref<3x4x8192xf32, #tpu.memory_space<vmem>> -> memref<1x4x1000xf32, #tpu.memory_space<vmem>>
    %dma_wait3A_350 = tpu.memref_squeeze %dma_wait3A_349 : memref<1x4x1000xf32, #tpu.memory_space<vmem>> -> memref<4x1000xf32, #tpu.memory_space<vmem>>
    %dma_wait3A_351 = arith.constant 0 : i32
    %dma_wait3A_352 = tpu.memref_slice %arg3[%add3A_306, %dma_wait3A_351] : memref<4096x8192xf32, #tpu.memory_space<hbm>> -> memref<4x1000xf32, #tpu.memory_space<hbm>>
    %dma_wait3A_353 = arith.constant 0 : i32
    %dma_wait3A_354 = tpu.memref_slice %arg3[%add3A_306, %dma_wait3A_353] : memref<4096x8192xf32, #tpu.memory_space<hbm>> -> memref<4x1000xf32, #tpu.memory_space<hbm>>
    %dma_wait3A_355 = arith.constant 0 : i32
    %dma_wait3A_356 = arith.constant 7192 : i32
    %dma_wait3A_357 = tpu.memref_slice %arg4[%dma_wait3A_346, %dma_wait3A_355, %dma_wait3A_356] : memref<3x4x8192xf32, #tpu.memory_space<vmem>> -> memref<1x4x1000xf32, #tpu.memory_space<vmem>>
    %dma_wait3A_358 = tpu.memref_squeeze %dma_wait3A_357 : memref<1x4x1000xf32, #tpu.memory_space<vmem>> -> memref<4x1000xf32, #tpu.memory_space<vmem>>
    tpu.wait_dma2 semaphore(%arg8 : memref<!tpu.dma_semaphore, #tpu.memory_space<semaphore_mem>>) src(%dma_wait3A_358 : memref<4x1000xf32, #tpu.memory_space<vmem>>) dst(%dma_wait3A_354 : memref<4x1000xf32, #tpu.memory_space<hbm>>)
    %add3A_359 = arith.constant 24 : i32
    %add3A_360 = arith.addi %mul3A_2, %add3A_359 : i32
    %dma_start3A_361 = arith.constant 0 : i32
    %dma_start3A_362 = arith.constant 0 : i32
    %dma_start3A_363 = arith.constant 0 : i32
    %dma_start3A_364 = tpu.memref_slice %arg4[%dma_start3A_361, %dma_start3A_362, %dma_start3A_363] : memref<3x4x8192xf32, #tpu.memory_space<vmem>> -> memref<1x4x8192xf32, #tpu.memory_space<vmem>>
    %dma_start3A_365 = tpu.memref_squeeze %dma_start3A_364 : memref<1x4x8192xf32, #tpu.memory_space<vmem>> -> memref<4x8192xf32, #tpu.memory_space<vmem>>
    %dma_start3A_366 = arith.constant 0 : i32
    %dma_start3A_367 = tpu.memref_slice %arg2[%add3A_360, %dma_start3A_366] : memref<4096x8192xf32, #tpu.memory_space<hbm>> -> memref<4x8192xf32, #tpu.memory_space<hbm>>
    %dma_start3A_368 = arith.constant 0 : i32
    %dma_start3A_369 = arith.constant 0 : i32
    %dma_start3A_370 = tpu.memref_slice %arg4[%dma_start3A_361, %dma_start3A_368, %dma_start3A_369] : memref<3x4x8192xf32, #tpu.memory_space<vmem>> -> memref<1x4x8192xf32, #tpu.memory_space<vmem>>
    %dma_start3A_371 = tpu.memref_squeeze %dma_start3A_370 : memref<1x4x8192xf32, #tpu.memory_space<vmem>> -> memref<4x8192xf32, #tpu.memory_space<vmem>>
    %dma_start3A_372 = arith.constant 0 : i32
    %dma_start3A_373 = tpu.memref_slice %arg2[%add3A_360, %dma_start3A_372] : memref<4096x8192xf32, #tpu.memory_space<hbm>> -> memref<4x8192xf32, #tpu.memory_space<hbm>>
    tpu.enqueue_dma source(%dma_start3A_373 : memref<4x8192xf32, #tpu.memory_space<hbm>>) target(%dma_start3A_371 : memref<4x8192xf32, #tpu.memory_space<vmem>>) target_semaphore(%arg5 : memref<!tpu.dma_semaphore, #tpu.memory_space<semaphore_mem>>)
    %dma_wait3A_374 = arith.constant 1 : i32
    %dma_wait3A_375 = arith.constant 0 : i32
    %dma_wait3A_376 = arith.constant 0 : i32
    %dma_wait3A_377 = tpu.memref_slice %arg4[%dma_wait3A_374, %dma_wait3A_375, %dma_wait3A_376] : memref<3x4x8192xf32, #tpu.memory_space<vmem>> -> memref<1x4x8192xf32, #tpu.memory_space<vmem>>
    %dma_wait3A_378 = tpu.memref_squeeze %dma_wait3A_377 : memref<1x4x8192xf32, #tpu.memory_space<vmem>> -> memref<4x8192xf32, #tpu.memory_space<vmem>>
    %dma_wait3A_379 = arith.constant 0 : i32
    %dma_wait3A_380 = tpu.memref_slice %arg2[%add3A_196, %dma_wait3A_379] : memref<4096x8192xf32, #tpu.memory_space<hbm>> -> memref<4x8192xf32, #tpu.memory_space<hbm>>
    %dma_wait3A_381 = arith.constant 0 : i32
    %dma_wait3A_382 = arith.constant 0 : i32
    %dma_wait3A_383 = tpu.memref_slice %arg4[%dma_wait3A_374, %dma_wait3A_381, %dma_wait3A_382] : memref<3x4x8192xf32, #tpu.memory_space<vmem>> -> memref<1x4x8192xf32, #tpu.memory_space<vmem>>
    %dma_wait3A_384 = tpu.memref_squeeze %dma_wait3A_383 : memref<1x4x8192xf32, #tpu.memory_space<vmem>> -> memref<4x8192xf32, #tpu.memory_space<vmem>>
    %dma_wait3A_385 = arith.constant 0 : i32
    %dma_wait3A_386 = tpu.memref_slice %arg2[%add3A_196, %dma_wait3A_385] : memref<4096x8192xf32, #tpu.memory_space<hbm>> -> memref<4x8192xf32, #tpu.memory_space<hbm>>
    tpu.wait_dma2 semaphore(%arg6 : memref<!tpu.dma_semaphore, #tpu.memory_space<semaphore_mem>>) src(%dma_wait3A_386 : memref<4x8192xf32, #tpu.memory_space<hbm>>) dst(%dma_wait3A_384 : memref<4x8192xf32, #tpu.memory_space<vmem>>)
    %add3A_387 = arith.constant 16 : i32
    %add3A_388 = arith.addi %mul3A_2, %add3A_387 : i32
    %dma_start3A_389 = arith.constant 1 : i32
    %dma_start3A_390 = arith.constant 0 : i32
    %dma_start3A_391 = arith.constant 0 : i32
    %dma_start3A_392 = tpu.memref_slice %arg4[%dma_start3A_389, %dma_start3A_390, %dma_start3A_391] : memref<3x4x8192xf32, #tpu.memory_space<vmem>> -> memref<1x4x7192xf32, #tpu.memory_space<vmem>>
    %dma_start3A_393 = tpu.memref_squeeze %dma_start3A_392 : memref<1x4x7192xf32, #tpu.memory_space<vmem>> -> memref<4x7192xf32, #tpu.memory_space<vmem>>
    %dma_start3A_394 = arith.constant 1000 : i32
    %dma_start3A_395 = tpu.memref_slice %arg3[%add3A_388, %dma_start3A_394] : memref<4096x8192xf32, #tpu.memory_space<hbm>> -> memref<4x7192xf32, #tpu.memory_space<hbm>>
    %dma_start3A_396 = arith.constant 1000 : i32
    %dma_start3A_397 = tpu.memref_slice %arg3[%add3A_388, %dma_start3A_396] : memref<4096x8192xf32, #tpu.memory_space<hbm>> -> memref<4x7192xf32, #tpu.memory_space<hbm>>
    %dma_start3A_398 = arith.constant 0 : i32
    %dma_start3A_399 = arith.constant 0 : i32
    %dma_start3A_400 = tpu.memref_slice %arg4[%dma_start3A_389, %dma_start3A_398, %dma_start3A_399] : memref<3x4x8192xf32, #tpu.memory_space<vmem>> -> memref<1x4x7192xf32, #tpu.memory_space<vmem>>
    %dma_start3A_401 = tpu.memref_squeeze %dma_start3A_400 : memref<1x4x7192xf32, #tpu.memory_space<vmem>> -> memref<4x7192xf32, #tpu.memory_space<vmem>>
    tpu.enqueue_dma source(%dma_start3A_401 : memref<4x7192xf32, #tpu.memory_space<vmem>>) target(%dma_start3A_397 : memref<4x7192xf32, #tpu.memory_space<hbm>>) target_semaphore(%arg9 : memref<!tpu.dma_semaphore, #tpu.memory_space<semaphore_mem>>)
    %dma_start3A_402 = arith.constant 1 : i32
    %dma_start3A_403 = arith.constant 0 : i32
    %dma_start3A_404 = arith.constant 7192 : i32
    %dma_start3A_405 = tpu.memref_slice %arg4[%dma_start3A_402, %dma_start3A_403, %dma_start3A_404] : memref<3x4x8192xf32, #tpu.memory_space<vmem>> -> memref<1x4x1000xf32, #tpu.memory_space<vmem>>
    %dma_start3A_406 = tpu.memref_squeeze %dma_start3A_405 : memref<1x4x1000xf32, #tpu.memory_space<vmem>> -> memref<4x1000xf32, #tpu.memory_space<vmem>>
    %dma_start3A_407 = arith.constant 0 : i32
    %dma_start3A_408 = tpu.memref_slice %arg3[%add3A_388, %dma_start3A_407] : memref<4096x8192xf32, #tpu.memory_space<hbm>> -> memref<4x1000xf32, #tpu.memory_space<hbm>>
    %dma_start3A_409 = arith.constant 0 : i32
    %dma_start3A_410 = tpu.memref_slice %arg3[%add3A_388, %dma_start3A_409] : memref<4096x8192xf32, #tpu.memory_space<hbm>> -> memref<4x1000xf32, #tpu.memory_space<hbm>>
    %dma_start3A_411 = arith.constant 0 : i32
    %dma_start3A_412 = arith.constant 7192 : i32
    %dma_start3A_413 = tpu.memref_slice %arg4[%dma_start3A_402, %dma_start3A_411, %dma_start3A_412] : memref<3x4x8192xf32, #tpu.memory_space<vmem>> -> memref<1x4x1000xf32, #tpu.memory_space<vmem>>
    %dma_start3A_414 = tpu.memref_squeeze %dma_start3A_413 : memref<1x4x1000xf32, #tpu.memory_space<vmem>> -> memref<4x1000xf32, #tpu.memory_space<vmem>>
    tpu.enqueue_dma source(%dma_start3A_414 : memref<4x1000xf32, #tpu.memory_space<vmem>>) target(%dma_start3A_410 : memref<4x1000xf32, #tpu.memory_space<hbm>>) target_semaphore(%arg9 : memref<!tpu.dma_semaphore, #tpu.memory_space<semaphore_mem>>)
    %dma_wait3A_415 = arith.constant 1 : i32
    %dma_wait3A_416 = arith.constant 0 : i32
    %dma_wait3A_417 = arith.constant 0 : i32
    %dma_wait3A_418 = tpu.memref_slice %arg4[%dma_wait3A_415, %dma_wait3A_416, %dma_wait3A_417] : memref<3x4x8192xf32, #tpu.memory_space<vmem>> -> memref<1x4x7192xf32, #tpu.memory_space<vmem>>
    %dma_wait3A_419 = tpu.memref_squeeze %dma_wait3A_418 : memref<1x4x7192xf32, #tpu.memory_space<vmem>> -> memref<4x7192xf32, #tpu.memory_space<vmem>>
    %dma_wait3A_420 = arith.constant 1000 : i32
    %dma_wait3A_421 = tpu.memref_slice %arg3[%add3A_388, %dma_wait3A_420] : memref<4096x8192xf32, #tpu.memory_space<hbm>> -> memref<4x7192xf32, #tpu.memory_space<hbm>>
    %dma_wait3A_422 = arith.constant 1000 : i32
    %dma_wait3A_423 = tpu.memref_slice %arg3[%add3A_388, %dma_wait3A_422] : memref<4096x8192xf32, #tpu.memory_space<hbm>> -> memref<4x7192xf32, #tpu.memory_space<hbm>>
    %dma_wait3A_424 = arith.constant 0 : i32
    %dma_wait3A_425 = arith.constant 0 : i32
    %dma_wait3A_426 = tpu.memref_slice %arg4[%dma_wait3A_415, %dma_wait3A_424, %dma_wait3A_425] : memref<3x4x8192xf32, #tpu.memory_space<vmem>> -> memref<1x4x7192xf32, #tpu.memory_space<vmem>>
    %dma_wait3A_427 = tpu.memref_squeeze %dma_wait3A_426 : memref<1x4x7192xf32, #tpu.memory_space<vmem>> -> memref<4x7192xf32, #tpu.memory_space<vmem>>
    tpu.wait_dma2 semaphore(%arg9 : memref<!tpu.dma_semaphore, #tpu.memory_space<semaphore_mem>>) src(%dma_wait3A_427 : memref<4x7192xf32, #tpu.memory_space<vmem>>) dst(%dma_wait3A_423 : memref<4x7192xf32, #tpu.memory_space<hbm>>)
    %dma_wait3A_428 = arith.constant 1 : i32
    %dma_wait3A_429 = arith.constant 0 : i32
    %dma_wait3A_430 = arith.constant 7192 : i32
    %dma_wait3A_431 = tpu.memref_slice %arg4[%dma_wait3A_428, %dma_wait3A_429, %dma_wait3A_430] : memref<3x4x8192xf32, #tpu.memory_space<vmem>> -> memref<1x4x1000xf32, #tpu.memory_space<vmem>>
    %dma_wait3A_432 = tpu.memref_squeeze %dma_wait3A_431 : memref<1x4x1000xf32, #tpu.memory_space<vmem>> -> memref<4x1000xf32, #tpu.memory_space<vmem>>
    %dma_wait3A_433 = arith.constant 0 : i32
    %dma_wait3A_434 = tpu.memref_slice %arg3[%add3A_388, %dma_wait3A_433] : memref<4096x8192xf32, #tpu.memory_space<hbm>> -> memref<4x1000xf32, #tpu.memory_space<hbm>>
    %dma_wait3A_435 = arith.constant 0 : i32
    %dma_wait3A_436 = tpu.memref_slice %arg3[%add3A_388, %dma_wait3A_435] : memref<4096x8192xf32, #tpu.memory_space<hbm>> -> memref<4x1000xf32, #tpu.memory_space<hbm>>
    %dma_wait3A_437 = arith.constant 0 : i32
    %dma_wait3A_438 = arith.constant 7192 : i32
    %dma_wait3A_439 = tpu.memref_slice %arg4[%dma_wait3A_428, %dma_wait3A_437, %dma_wait3A_438] : memref<3x4x8192xf32, #tpu.memory_space<vmem>> -> memref<1x4x1000xf32, #tpu.memory_space<vmem>>
    %dma_wait3A_440 = tpu.memref_squeeze %dma_wait3A_439 : memref<1x4x1000xf32, #tpu.memory_space<vmem>> -> memref<4x1000xf32, #tpu.memory_space<vmem>>
    tpu.wait_dma2 semaphore(%arg9 : memref<!tpu.dma_semaphore, #tpu.memory_space<semaphore_mem>>) src(%dma_wait3A_440 : memref<4x1000xf32, #tpu.memory_space<vmem>>) dst(%dma_wait3A_436 : memref<4x1000xf32, #tpu.memory_space<hbm>>)
    %add3A_441 = arith.constant 28 : i32
    %add3A_442 = arith.addi %mul3A_2, %add3A_441 : i32
    %dma_start3A_443 = arith.constant 1 : i32
    %dma_start3A_444 = arith.constant 0 : i32
    %dma_start3A_445 = arith.constant 0 : i32
    %dma_start3A_446 = tpu.memref_slice %arg4[%dma_start3A_443, %dma_start3A_444, %dma_start3A_445] : memref<3x4x8192xf32, #tpu.memory_space<vmem>> -> memref<1x4x8192xf32, #tpu.memory_space<vmem>>
    %dma_start3A_447 = tpu.memref_squeeze %dma_start3A_446 : memref<1x4x8192xf32, #tpu.memory_space<vmem>> -> memref<4x8192xf32, #tpu.memory_space<vmem>>
    %dma_start3A_448 = arith.constant 0 : i32
    %dma_start3A_449 = tpu.memref_slice %arg2[%add3A_442, %dma_start3A_448] : memref<4096x8192xf32, #tpu.memory_space<hbm>> -> memref<4x8192xf32, #tpu.memory_space<hbm>>
    %dma_start3A_450 = arith.constant 0 : i32
    %dma_start3A_451 = arith.constant 0 : i32
    %dma_start3A_452 = tpu.memref_slice %arg4[%dma_start3A_443, %dma_start3A_450, %dma_start3A_451] : memref<3x4x8192xf32, #tpu.memory_space<vmem>> -> memref<1x4x8192xf32, #tpu.memory_space<vmem>>
    %dma_start3A_453 = tpu.memref_squeeze %dma_start3A_452 : memref<1x4x8192xf32, #tpu.memory_space<vmem>> -> memref<4x8192xf32, #tpu.memory_space<vmem>>
    %dma_start3A_454 = arith.constant 0 : i32
    %dma_start3A_455 = tpu.memref_slice %arg2[%add3A_442, %dma_start3A_454] : memref<4096x8192xf32, #tpu.memory_space<hbm>> -> memref<4x8192xf32, #tpu.memory_space<hbm>>
    tpu.enqueue_dma source(%dma_start3A_455 : memref<4x8192xf32, #tpu.memory_space<hbm>>) target(%dma_start3A_453 : memref<4x8192xf32, #tpu.memory_space<vmem>>) target_semaphore(%arg6 : memref<!tpu.dma_semaphore, #tpu.memory_space<semaphore_mem>>)
    %dma_wait3A_456 = arith.constant 2 : i32
    %dma_wait3A_457 = arith.constant 0 : i32
    %dma_wait3A_458 = arith.constant 0 : i32
    %dma_wait3A_459 = tpu.memref_slice %arg4[%dma_wait3A_456, %dma_wait3A_457, %dma_wait3A_458] : memref<3x4x8192xf32, #tpu.memory_space<vmem>> -> memref<1x4x8192xf32, #tpu.memory_space<vmem>>
    %dma_wait3A_460 = tpu.memref_squeeze %dma_wait3A_459 : memref<1x4x8192xf32, #tpu.memory_space<vmem>> -> memref<4x8192xf32, #tpu.memory_space<vmem>>
    %dma_wait3A_461 = arith.constant 0 : i32
    %dma_wait3A_462 = tpu.memref_slice %arg2[%add3A_278, %dma_wait3A_461] : memref<4096x8192xf32, #tpu.memory_space<hbm>> -> memref<4x8192xf32, #tpu.memory_space<hbm>>
    %dma_wait3A_463 = arith.constant 0 : i32
    %dma_wait3A_464 = arith.constant 0 : i32
    %dma_wait3A_465 = tpu.memref_slice %arg4[%dma_wait3A_456, %dma_wait3A_463, %dma_wait3A_464] : memref<3x4x8192xf32, #tpu.memory_space<vmem>> -> memref<1x4x8192xf32, #tpu.memory_space<vmem>>
    %dma_wait3A_466 = tpu.memref_squeeze %dma_wait3A_465 : memref<1x4x8192xf32, #tpu.memory_space<vmem>> -> memref<4x8192xf32, #tpu.memory_space<vmem>>
    %dma_wait3A_467 = arith.constant 0 : i32
    %dma_wait3A_468 = tpu.memref_slice %arg2[%add3A_278, %dma_wait3A_467] : memref<4096x8192xf32, #tpu.memory_space<hbm>> -> memref<4x8192xf32, #tpu.memory_space<hbm>>
    tpu.wait_dma2 semaphore(%arg7 : memref<!tpu.dma_semaphore, #tpu.memory_space<semaphore_mem>>) src(%dma_wait3A_468 : memref<4x8192xf32, #tpu.memory_space<hbm>>) dst(%dma_wait3A_466 : memref<4x8192xf32, #tpu.memory_space<vmem>>)
    %add3A_469 = arith.constant 20 : i32
    %add3A_470 = arith.addi %mul3A_2, %add3A_469 : i32
    %dma_start3A_471 = arith.constant 2 : i32
    %dma_start3A_472 = arith.constant 0 : i32
    %dma_start3A_473 = arith.constant 0 : i32
    %dma_start3A_474 = tpu.memref_slice %arg4[%dma_start3A_471, %dma_start3A_472, %dma_start3A_473] : memref<3x4x8192xf32, #tpu.memory_space<vmem>> -> memref<1x4x7192xf32, #tpu.memory_space<vmem>>
    %dma_start3A_475 = tpu.memref_squeeze %dma_start3A_474 : memref<1x4x7192xf32, #tpu.memory_space<vmem>> -> memref<4x7192xf32, #tpu.memory_space<vmem>>
    %dma_start3A_476 = arith.constant 1000 : i32
    %dma_start3A_477 = tpu.memref_slice %arg3[%add3A_470, %dma_start3A_476] : memref<4096x8192xf32, #tpu.memory_space<hbm>> -> memref<4x7192xf32, #tpu.memory_space<hbm>>
    %dma_start3A_478 = arith.constant 1000 : i32
    %dma_start3A_479 = tpu.memref_slice %arg3[%add3A_470, %dma_start3A_478] : memref<4096x8192xf32, #tpu.memory_space<hbm>> -> memref<4x7192xf32, #tpu.memory_space<hbm>>
    %dma_start3A_480 = arith.constant 0 : i32
    %dma_start3A_481 = arith.constant 0 : i32
    %dma_start3A_482 = tpu.memref_slice %arg4[%dma_start3A_471, %dma_start3A_480, %dma_start3A_481] : memref<3x4x8192xf32, #tpu.memory_space<vmem>> -> memref<1x4x7192xf32, #tpu.memory_space<vmem>>
    %dma_start3A_483 = tpu.memref_squeeze %dma_start3A_482 : memref<1x4x7192xf32, #tpu.memory_space<vmem>> -> memref<4x7192xf32, #tpu.memory_space<vmem>>
    tpu.enqueue_dma source(%dma_start3A_483 : memref<4x7192xf32, #tpu.memory_space<vmem>>) target(%dma_start3A_479 : memref<4x7192xf32, #tpu.memory_space<hbm>>) target_semaphore(%arg10 : memref<!tpu.dma_semaphore, #tpu.memory_space<semaphore_mem>>)
    %dma_start3A_484 = arith.constant 2 : i32
    %dma_start3A_485 = arith.constant 0 : i32
    %dma_start3A_486 = arith.constant 7192 : i32
    %dma_start3A_487 = tpu.memref_slice %arg4[%dma_start3A_484, %dma_start3A_485, %dma_start3A_486] : memref<3x4x8192xf32, #tpu.memory_space<vmem>> -> memref<1x4x1000xf32, #tpu.memory_space<vmem>>
    %dma_start3A_488 = tpu.memref_squeeze %dma_start3A_487 : memref<1x4x1000xf32, #tpu.memory_space<vmem>> -> memref<4x1000xf32, #tpu.memory_space<vmem>>
    %dma_start3A_489 = arith.constant 0 : i32
    %dma_start3A_490 = tpu.memref_slice %arg3[%add3A_470, %dma_start3A_489] : memref<4096x8192xf32, #tpu.memory_space<hbm>> -> memref<4x1000xf32, #tpu.memory_space<hbm>>
    %dma_start3A_491 = arith.constant 0 : i32
    %dma_start3A_492 = tpu.memref_slice %arg3[%add3A_470, %dma_start3A_491] : memref<4096x8192xf32, #tpu.memory_space<hbm>> -> memref<4x1000xf32, #tpu.memory_space<hbm>>
    %dma_start3A_493 = arith.constant 0 : i32
    %dma_start3A_494 = arith.constant 7192 : i32
    %dma_start3A_495 = tpu.memref_slice %arg4[%dma_start3A_484, %dma_start3A_493, %dma_start3A_494] : memref<3x4x8192xf32, #tpu.memory_space<vmem>> -> memref<1x4x1000xf32, #tpu.memory_space<vmem>>
    %dma_start3A_496 = tpu.memref_squeeze %dma_start3A_495 : memref<1x4x1000xf32, #tpu.memory_space<vmem>> -> memref<4x1000xf32, #tpu.memory_space<vmem>>
    tpu.enqueue_dma source(%dma_start3A_496 : memref<4x1000xf32, #tpu.memory_space<vmem>>) target(%dma_start3A_492 : memref<4x1000xf32, #tpu.memory_space<hbm>>) target_semaphore(%arg10 : memref<!tpu.dma_semaphore, #tpu.memory_space<semaphore_mem>>)
    %dma_wait3A_497 = arith.constant 2 : i32
    %dma_wait3A_498 = arith.constant 0 : i32
    %dma_wait3A_499 = arith.constant 0 : i32
    %dma_wait3A_500 = tpu.memref_slice %arg4[%dma_wait3A_497, %dma_wait3A_498, %dma_wait3A_499] : memref<3x4x8192xf32, #tpu.memory_space<vmem>> -> memref<1x4x7192xf32, #tpu.memory_space<vmem>>
    %dma_wait3A_501 = tpu.memref_squeeze %dma_wait3A_500 : memref<1x4x7192xf32, #tpu.memory_space<vmem>> -> memref<4x7192xf32, #tpu.memory_space<vmem>>
    %dma_wait3A_502 = arith.constant 1000 : i32
    %dma_wait3A_503 = tpu.memref_slice %arg3[%add3A_470, %dma_wait3A_502] : memref<4096x8192xf32, #tpu.memory_space<hbm>> -> memref<4x7192xf32, #tpu.memory_space<hbm>>
    %dma_wait3A_504 = arith.constant 1000 : i32
    %dma_wait3A_505 = tpu.memref_slice %arg3[%add3A_470, %dma_wait3A_504] : memref<4096x8192xf32, #tpu.memory_space<hbm>> -> memref<4x7192xf32, #tpu.memory_space<hbm>>
    %dma_wait3A_506 = arith.constant 0 : i32
    %dma_wait3A_507 = arith.constant 0 : i32
    %dma_wait3A_508 = tpu.memref_slice %arg4[%dma_wait3A_497, %dma_wait3A_506, %dma_wait3A_507] : memref<3x4x8192xf32, #tpu.memory_space<vmem>> -> memref<1x4x7192xf32, #tpu.memory_space<vmem>>
    %dma_wait3A_509 = tpu.memref_squeeze %dma_wait3A_508 : memref<1x4x7192xf32, #tpu.memory_space<vmem>> -> memref<4x7192xf32, #tpu.memory_space<vmem>>
    tpu.wait_dma2 semaphore(%arg10 : memref<!tpu.dma_semaphore, #tpu.memory_space<semaphore_mem>>) src(%dma_wait3A_509 : memref<4x7192xf32, #tpu.memory_space<vmem>>) dst(%dma_wait3A_505 : memref<4x7192xf32, #tpu.memory_space<hbm>>)
    %dma_wait3A_510 = arith.constant 2 : i32
    %dma_wait3A_511 = arith.constant 0 : i32
    %dma_wait3A_512 = arith.constant 7192 : i32
    %dma_wait3A_513 = tpu.memref_slice %arg4[%dma_wait3A_510, %dma_wait3A_511, %dma_wait3A_512] : memref<3x4x8192xf32, #tpu.memory_space<vmem>> -> memref<1x4x1000xf32, #tpu.memory_space<vmem>>
    %dma_wait3A_514 = tpu.memref_squeeze %dma_wait3A_513 : memref<1x4x1000xf32, #tpu.memory_space<vmem>> -> memref<4x1000xf32, #tpu.memory_space<vmem>>
    %dma_wait3A_515 = arith.constant 0 : i32
    %dma_wait3A_516 = tpu.memref_slice %arg3[%add3A_470, %dma_wait3A_515] : memref<4096x8192xf32, #tpu.memory_space<hbm>> -> memref<4x1000xf32, #tpu.memory_space<hbm>>
    %dma_wait3A_517 = arith.constant 0 : i32
    %dma_wait3A_518 = tpu.memref_slice %arg3[%add3A_470, %dma_wait3A_517] : memref<4096x8192xf32, #tpu.memory_space<hbm>> -> memref<4x1000xf32, #tpu.memory_space<hbm>>
    %dma_wait3A_519 = arith.constant 0 : i32
    %dma_wait3A_520 = arith.constant 7192 : i32
    %dma_wait3A_521 = tpu.memref_slice %arg4[%dma_wait3A_510, %dma_wait3A_519, %dma_wait3A_520] : memref<3x4x8192xf32, #tpu.memory_space<vmem>> -> memref<1x4x1000xf32, #tpu.memory_space<vmem>>
    %dma_wait3A_522 = tpu.memref_squeeze %dma_wait3A_521 : memref<1x4x1000xf32, #tpu.memory_space<vmem>> -> memref<4x1000xf32, #tpu.memory_space<vmem>>
    tpu.wait_dma2 semaphore(%arg10 : memref<!tpu.dma_semaphore, #tpu.memory_space<semaphore_mem>>) src(%dma_wait3A_522 : memref<4x1000xf32, #tpu.memory_space<vmem>>) dst(%dma_wait3A_518 : memref<4x1000xf32, #tpu.memory_space<hbm>>)
    %add3A_523 = arith.constant 32 : i32
    %add3A_524 = arith.addi %mul3A_2, %add3A_523 : i32
    %dma_start3A_525 = arith.constant 2 : i32
    %dma_start3A_526 = arith.constant 0 : i32
    %dma_start3A_527 = arith.constant 0 : i32
    %dma_start3A_528 = tpu.memref_slice %arg4[%dma_start3A_525, %dma_start3A_526, %dma_start3A_527] : memref<3x4x8192xf32, #tpu.memory_space<vmem>> -> memref<1x4x8192xf32, #tpu.memory_space<vmem>>
    %dma_start3A_529 = tpu.memref_squeeze %dma_start3A_528 : memref<1x4x8192xf32, #tpu.memory_space<vmem>> -> memref<4x8192xf32, #tpu.memory_space<vmem>>
    %dma_start3A_530 = arith.constant 0 : i32
    %dma_start3A_531 = tpu.memref_slice %arg2[%add3A_524, %dma_start3A_530] : memref<4096x8192xf32, #tpu.memory_space<hbm>> -> memref<4x8192xf32, #tpu.memory_space<hbm>>
    %dma_start3A_532 = arith.constant 0 : i32
    %dma_start3A_533 = arith.constant 0 : i32
    %dma_start3A_534 = tpu.memref_slice %arg4[%dma_start3A_525, %dma_start3A_532, %dma_start3A_533] : memref<3x4x8192xf32, #tpu.memory_space<vmem>> -> memref<1x4x8192xf32, #tpu.memory_space<vmem>>
    %dma_start3A_535 = tpu.memref_squeeze %dma_start3A_534 : memref<1x4x8192xf32, #tpu.memory_space<vmem>> -> memref<4x8192xf32, #tpu.memory_space<vmem>>
    %dma_start3A_536 = arith.constant 0 : i32
    %dma_start3A_537 = tpu.memref_slice %arg2[%add3A_524, %dma_start3A_536] : memref<4096x8192xf32, #tpu.memory_space<hbm>> -> memref<4x8192xf32, #tpu.memory_space<hbm>>
    tpu.enqueue_dma source(%dma_start3A_537 : memref<4x8192xf32, #tpu.memory_space<hbm>>) target(%dma_start3A_535 : memref<4x8192xf32, #tpu.memory_space<vmem>>) target_semaphore(%arg7 : memref<!tpu.dma_semaphore, #tpu.memory_space<semaphore_mem>>)
    %dma_wait3A_538 = arith.constant 0 : i32
    %dma_wait3A_539 = arith.constant 0 : i32
    %dma_wait3A_540 = arith.constant 0 : i32
    %dma_wait3A_541 = tpu.memref_slice %arg4[%dma_wait3A_538, %dma_wait3A_539, %dma_wait3A_540] : memref<3x4x8192xf32, #tpu.memory_space<vmem>> -> memref<1x4x8192xf32, #tpu.memory_space<vmem>>
    %dma_wait3A_542 = tpu.memref_squeeze %dma_wait3A_541 : memref<1x4x8192xf32, #tpu.memory_space<vmem>> -> memref<4x8192xf32, #tpu.memory_space<vmem>>
    %dma_wait3A_543 = arith.constant 0 : i32
    %dma_wait3A_544 = tpu.memref_slice %arg2[%add3A_360, %dma_wait3A_543] : memref<4096x8192xf32, #tpu.memory_space<hbm>> -> memref<4x8192xf32, #tpu.memory_space<hbm>>
    %dma_wait3A_545 = arith.constant 0 : i32
    %dma_wait3A_546 = arith.constant 0 : i32
    %dma_wait3A_547 = tpu.memref_slice %arg4[%dma_wait3A_538, %dma_wait3A_545, %dma_wait3A_546] : memref<3x4x8192xf32, #tpu.memory_space<vmem>> -> memref<1x4x8192xf32, #tpu.memory_space<vmem>>
    %dma_wait3A_548 = tpu.memref_squeeze %dma_wait3A_547 : memref<1x4x8192xf32, #tpu.memory_space<vmem>> -> memref<4x8192xf32, #tpu.memory_space<vmem>>
    %dma_wait3A_549 = arith.constant 0 : i32
    %dma_wait3A_550 = tpu.memref_slice %arg2[%add3A_360, %dma_wait3A_549] : memref<4096x8192xf32, #tpu.memory_space<hbm>> -> memref<4x8192xf32, #tpu.memory_space<hbm>>
    tpu.wait_dma2 semaphore(%arg5 : memref<!tpu.dma_semaphore, #tpu.memory_space<semaphore_mem>>) src(%dma_wait3A_550 : memref<4x8192xf32, #tpu.memory_space<hbm>>) dst(%dma_wait3A_548 : memref<4x8192xf32, #tpu.memory_space<vmem>>)
    %add3A_551 = arith.constant 24 : i32
    %add3A_552 = arith.addi %mul3A_2, %add3A_551 : i32
    %dma_start3A_553 = arith.constant 0 : i32
    %dma_start3A_554 = arith.constant 0 : i32
    %dma_start3A_555 = arith.constant 0 : i32
    %dma_start3A_556 = tpu.memref_slice %arg4[%dma_start3A_553, %dma_start3A_554, %dma_start3A_555] : memref<3x4x8192xf32, #tpu.memory_space<vmem>> -> memref<1x4x7192xf32, #tpu.memory_space<vmem>>
    %dma_start3A_557 = tpu.memref_squeeze %dma_start3A_556 : memref<1x4x7192xf32, #tpu.memory_space<vmem>> -> memref<4x7192xf32, #tpu.memory_space<vmem>>
    %dma_start3A_558 = arith.constant 1000 : i32
    %dma_start3A_559 = tpu.memref_slice %arg3[%add3A_552, %dma_start3A_558] : memref<4096x8192xf32, #tpu.memory_space<hbm>> -> memref<4x7192xf32, #tpu.memory_space<hbm>>
    %dma_start3A_560 = arith.constant 1000 : i32
    %dma_start3A_561 = tpu.memref_slice %arg3[%add3A_552, %dma_start3A_560] : memref<4096x8192xf32, #tpu.memory_space<hbm>> -> memref<4x7192xf32, #tpu.memory_space<hbm>>
    %dma_start3A_562 = arith.constant 0 : i32
    %dma_start3A_563 = arith.constant 0 : i32
    %dma_start3A_564 = tpu.memref_slice %arg4[%dma_start3A_553, %dma_start3A_562, %dma_start3A_563] : memref<3x4x8192xf32, #tpu.memory_space<vmem>> -> memref<1x4x7192xf32, #tpu.memory_space<vmem>>
    %dma_start3A_565 = tpu.memref_squeeze %dma_start3A_564 : memref<1x4x7192xf32, #tpu.memory_space<vmem>> -> memref<4x7192xf32, #tpu.memory_space<vmem>>
    tpu.enqueue_dma source(%dma_start3A_565 : memref<4x7192xf32, #tpu.memory_space<vmem>>) target(%dma_start3A_561 : memref<4x7192xf32, #tpu.memory_space<hbm>>) target_semaphore(%arg8 : memref<!tpu.dma_semaphore, #tpu.memory_space<semaphore_mem>>)
    %dma_start3A_566 = arith.constant 0 : i32
    %dma_start3A_567 = arith.constant 0 : i32
    %dma_start3A_568 = arith.constant 7192 : i32
    %dma_start3A_569 = tpu.memref_slice %arg4[%dma_start3A_566, %dma_start3A_567, %dma_start3A_568] : memref<3x4x8192xf32, #tpu.memory_space<vmem>> -> memref<1x4x1000xf32, #tpu.memory_space<vmem>>
    %dma_start3A_570 = tpu.memref_squeeze %dma_start3A_569 : memref<1x4x1000xf32, #tpu.memory_space<vmem>> -> memref<4x1000xf32, #tpu.memory_space<vmem>>
    %dma_start3A_571 = arith.constant 0 : i32
    %dma_start3A_572 = tpu.memref_slice %arg3[%add3A_552, %dma_start3A_571] : memref<4096x8192xf32, #tpu.memory_space<hbm>> -> memref<4x1000xf32, #tpu.memory_space<hbm>>
    %dma_start3A_573 = arith.constant 0 : i32
    %dma_start3A_574 = tpu.memref_slice %arg3[%add3A_552, %dma_start3A_573] : memref<4096x8192xf32, #tpu.memory_space<hbm>> -> memref<4x1000xf32, #tpu.memory_space<hbm>>
    %dma_start3A_575 = arith.constant 0 : i32
    %dma_start3A_576 = arith.constant 7192 : i32
    %dma_start3A_577 = tpu.memref_slice %arg4[%dma_start3A_566, %dma_start3A_575, %dma_start3A_576] : memref<3x4x8192xf32, #tpu.memory_space<vmem>> -> memref<1x4x1000xf32, #tpu.memory_space<vmem>>
    %dma_start3A_578 = tpu.memref_squeeze %dma_start3A_577 : memref<1x4x1000xf32, #tpu.memory_space<vmem>> -> memref<4x1000xf32, #tpu.memory_space<vmem>>
    tpu.enqueue_dma source(%dma_start3A_578 : memref<4x1000xf32, #tpu.memory_space<vmem>>) target(%dma_start3A_574 : memref<4x1000xf32, #tpu.memory_space<hbm>>) target_semaphore(%arg8 : memref<!tpu.dma_semaphore, #tpu.memory_space<semaphore_mem>>)
    %dma_wait3A_579 = arith.constant 0 : i32
    %dma_wait3A_580 = arith.constant 0 : i32
    %dma_wait3A_581 = arith.constant 0 : i32
    %dma_wait3A_582 = tpu.memref_slice %arg4[%dma_wait3A_579, %dma_wait3A_580, %dma_wait3A_581] : memref<3x4x8192xf32, #tpu.memory_space<vmem>> -> memref<1x4x7192xf32, #tpu.memory_space<vmem>>
    %dma_wait3A_583 = tpu.memref_squeeze %dma_wait3A_582 : memref<1x4x7192xf32, #tpu.memory_space<vmem>> -> memref<4x7192xf32, #tpu.memory_space<vmem>>
    %dma_wait3A_584 = arith.constant 1000 : i32
    %dma_wait3A_585 = tpu.memref_slice %arg3[%add3A_552, %dma_wait3A_584] : memref<4096x8192xf32, #tpu.memory_space<hbm>> -> memref<4x7192xf32, #tpu.memory_space<hbm>>
    %dma_wait3A_586 = arith.constant 1000 : i32
    %dma_wait3A_587 = tpu.memref_slice %arg3[%add3A_552, %dma_wait3A_586] : memref<4096x8192xf32, #tpu.memory_space<hbm>> -> memref<4x7192xf32, #tpu.memory_space<hbm>>
    %dma_wait3A_588 = arith.constant 0 : i32
    %dma_wait3A_589 = arith.constant 0 : i32
    %dma_wait3A_590 = tpu.memref_slice %arg4[%dma_wait3A_579, %dma_wait3A_588, %dma_wait3A_589] : memref<3x4x8192xf32, #tpu.memory_space<vmem>> -> memref<1x4x7192xf32, #tpu.memory_space<vmem>>
    %dma_wait3A_591 = tpu.memref_squeeze %dma_wait3A_590 : memref<1x4x7192xf32, #tpu.memory_space<vmem>> -> memref<4x7192xf32, #tpu.memory_space<vmem>>
    tpu.wait_dma2 semaphore(%arg8 : memref<!tpu.dma_semaphore, #tpu.memory_space<semaphore_mem>>) src(%dma_wait3A_591 : memref<4x7192xf32, #tpu.memory_space<vmem>>) dst(%dma_wait3A_587 : memref<4x7192xf32, #tpu.memory_space<hbm>>)
    %dma_wait3A_592 = arith.constant 0 : i32
    %dma_wait3A_593 = arith.constant 0 : i32
    %dma_wait3A_594 = arith.constant 7192 : i32
    %dma_wait3A_595 = tpu.memref_slice %arg4[%dma_wait3A_592, %dma_wait3A_593, %dma_wait3A_594] : memref<3x4x8192xf32, #tpu.memory_space<vmem>> -> memref<1x4x1000xf32, #tpu.memory_space<vmem>>
    %dma_wait3A_596 = tpu.memref_squeeze %dma_wait3A_595 : memref<1x4x1000xf32, #tpu.memory_space<vmem>> -> memref<4x1000xf32, #tpu.memory_space<vmem>>
    %dma_wait3A_597 = arith.constant 0 : i32
    %dma_wait3A_598 = tpu.memref_slice %arg3[%add3A_552, %dma_wait3A_597] : memref<4096x8192xf32, #tpu.memory_space<hbm>> -> memref<4x1000xf32, #tpu.memory_space<hbm>>
    %dma_wait3A_599 = arith.constant 0 : i32
    %dma_wait3A_600 = tpu.memref_slice %arg3[%add3A_552, %dma_wait3A_599] : memref<4096x8192xf32, #tpu.memory_space<hbm>> -> memref<4x1000xf32, #tpu.memory_space<hbm>>
    %dma_wait3A_601 = arith.constant 0 : i32
    %dma_wait3A_602 = arith.constant 7192 : i32
    %dma_wait3A_603 = tpu.memref_slice %arg4[%dma_wait3A_592, %dma_wait3A_601, %dma_wait3A_602] : memref<3x4x8192xf32, #tpu.memory_space<vmem>> -> memref<1x4x1000xf32, #tpu.memory_space<vmem>>
    %dma_wait3A_604 = tpu.memref_squeeze %dma_wait3A_603 : memref<1x4x1000xf32, #tpu.memory_space<vmem>> -> memref<4x1000xf32, #tpu.memory_space<vmem>>
    tpu.wait_dma2 semaphore(%arg8 : memref<!tpu.dma_semaphore, #tpu.memory_space<semaphore_mem>>) src(%dma_wait3A_604 : memref<4x1000xf32, #tpu.memory_space<vmem>>) dst(%dma_wait3A_600 : memref<4x1000xf32, #tpu.memory_space<hbm>>)
    %add3A_605 = arith.constant 36 : i32
    %add3A_606 = arith.addi %mul3A_2, %add3A_605 : i32
    %dma_start3A_607 = arith.constant 0 : i32
    %dma_start3A_608 = arith.constant 0 : i32
    %dma_start3A_609 = arith.constant 0 : i32
    %dma_start3A_610 = tpu.memref_slice %arg4[%dma_start3A_607, %dma_start3A_608, %dma_start3A_609] : memref<3x4x8192xf32, #tpu.memory_space<vmem>> -> memref<1x4x8192xf32, #tpu.memory_space<vmem>>
    %dma_start3A_611 = tpu.memref_squeeze %dma_start3A_610 : memref<1x4x8192xf32, #tpu.memory_space<vmem>> -> memref<4x8192xf32, #tpu.memory_space<vmem>>
    %dma_start3A_612 = arith.constant 0 : i32
    %dma_start3A_613 = tpu.memref_slice %arg2[%add3A_606, %dma_start3A_612] : memref<4096x8192xf32, #tpu.memory_space<hbm>> -> memref<4x8192xf32, #tpu.memory_space<hbm>>
    %dma_start3A_614 = arith.constant 0 : i32
    %dma_start3A_615 = arith.constant 0 : i32
    %dma_start3A_616 = tpu.memref_slice %arg4[%dma_start3A_607, %dma_start3A_614, %dma_start3A_615] : memref<3x4x8192xf32, #tpu.memory_space<vmem>> -> memref<1x4x8192xf32, #tpu.memory_space<vmem>>
    %dma_start3A_617 = tpu.memref_squeeze %dma_start3A_616 : memref<1x4x8192xf32, #tpu.memory_space<vmem>> -> memref<4x8192xf32, #tpu.memory_space<vmem>>
    %dma_start3A_618 = arith.constant 0 : i32
    %dma_start3A_619 = tpu.memref_slice %arg2[%add3A_606, %dma_start3A_618] : memref<4096x8192xf32, #tpu.memory_space<hbm>> -> memref<4x8192xf32, #tpu.memory_space<hbm>>
    tpu.enqueue_dma source(%dma_start3A_619 : memref<4x8192xf32, #tpu.memory_space<hbm>>) target(%dma_start3A_617 : memref<4x8192xf32, #tpu.memory_space<vmem>>) target_semaphore(%arg5 : memref<!tpu.dma_semaphore, #tpu.memory_space<semaphore_mem>>)
    %dma_wait3A_620 = arith.constant 1 : i32
    %dma_wait3A_621 = arith.constant 0 : i32
    %dma_wait3A_622 = arith.constant 0 : i32
    %dma_wait3A_623 = tpu.memref_slice %arg4[%dma_wait3A_620, %dma_wait3A_621, %dma_wait3A_622] : memref<3x4x8192xf32, #tpu.memory_space<vmem>> -> memref<1x4x8192xf32, #tpu.memory_space<vmem>>
    %dma_wait3A_624 = tpu.memref_squeeze %dma_wait3A_623 : memref<1x4x8192xf32, #tpu.memory_space<vmem>> -> memref<4x8192xf32, #tpu.memory_space<vmem>>
    %dma_wait3A_625 = arith.constant 0 : i32
    %dma_wait3A_626 = tpu.memref_slice %arg2[%add3A_442, %dma_wait3A_625] : memref<4096x8192xf32, #tpu.memory_space<hbm>> -> memref<4x8192xf32, #tpu.memory_space<hbm>>
    %dma_wait3A_627 = arith.constant 0 : i32
    %dma_wait3A_628 = arith.constant 0 : i32
    %dma_wait3A_629 = tpu.memref_slice %arg4[%dma_wait3A_620, %dma_wait3A_627, %dma_wait3A_628] : memref<3x4x8192xf32, #tpu.memory_space<vmem>> -> memref<1x4x8192xf32, #tpu.memory_space<vmem>>
    %dma_wait3A_630 = tpu.memref_squeeze %dma_wait3A_629 : memref<1x4x8192xf32, #tpu.memory_space<vmem>> -> memref<4x8192xf32, #tpu.memory_space<vmem>>
    %dma_wait3A_631 = arith.constant 0 : i32
    %dma_wait3A_632 = tpu.memref_slice %arg2[%add3A_442, %dma_wait3A_631] : memref<4096x8192xf32, #tpu.memory_space<hbm>> -> memref<4x8192xf32, #tpu.memory_space<hbm>>
    tpu.wait_dma2 semaphore(%arg6 : memref<!tpu.dma_semaphore, #tpu.memory_space<semaphore_mem>>) src(%dma_wait3A_632 : memref<4x8192xf32, #tpu.memory_space<hbm>>) dst(%dma_wait3A_630 : memref<4x8192xf32, #tpu.memory_space<vmem>>)
    %add3A_633 = arith.constant 28 : i32
    %add3A_634 = arith.addi %mul3A_2, %add3A_633 : i32
    %dma_start3A_635 = arith.constant 1 : i32
    %dma_start3A_636 = arith.constant 0 : i32
    %dma_start3A_637 = arith.constant 0 : i32
    %dma_start3A_638 = tpu.memref_slice %arg4[%dma_start3A_635, %dma_start3A_636, %dma_start3A_637] : memref<3x4x8192xf32, #tpu.memory_space<vmem>> -> memref<1x4x7192xf32, #tpu.memory_space<vmem>>
    %dma_start3A_639 = tpu.memref_squeeze %dma_start3A_638 : memref<1x4x7192xf32, #tpu.memory_space<vmem>> -> memref<4x7192xf32, #tpu.memory_space<vmem>>
    %dma_start3A_640 = arith.constant 1000 : i32
    %dma_start3A_641 = tpu.memref_slice %arg3[%add3A_634, %dma_start3A_640] : memref<4096x8192xf32, #tpu.memory_space<hbm>> -> memref<4x7192xf32, #tpu.memory_space<hbm>>
    %dma_start3A_642 = arith.constant 1000 : i32
    %dma_start3A_643 = tpu.memref_slice %arg3[%add3A_634, %dma_start3A_642] : memref<4096x8192xf32, #tpu.memory_space<hbm>> -> memref<4x7192xf32, #tpu.memory_space<hbm>>
    %dma_start3A_644 = arith.constant 0 : i32
    %dma_start3A_645 = arith.constant 0 : i32
    %dma_start3A_646 = tpu.memref_slice %arg4[%dma_start3A_635, %dma_start3A_644, %dma_start3A_645] : memref<3x4x8192xf32, #tpu.memory_space<vmem>> -> memref<1x4x7192xf32, #tpu.memory_space<vmem>>
    %dma_start3A_647 = tpu.memref_squeeze %dma_start3A_646 : memref<1x4x7192xf32, #tpu.memory_space<vmem>> -> memref<4x7192xf32, #tpu.memory_space<vmem>>
    tpu.enqueue_dma source(%dma_start3A_647 : memref<4x7192xf32, #tpu.memory_space<vmem>>) target(%dma_start3A_643 : memref<4x7192xf32, #tpu.memory_space<hbm>>) target_semaphore(%arg9 : memref<!tpu.dma_semaphore, #tpu.memory_space<semaphore_mem>>)
    %dma_start3A_648 = arith.constant 1 : i32
    %dma_start3A_649 = arith.constant 0 : i32
    %dma_start3A_650 = arith.constant 7192 : i32
    %dma_start3A_651 = tpu.memref_slice %arg4[%dma_start3A_648, %dma_start3A_649, %dma_start3A_650] : memref<3x4x8192xf32, #tpu.memory_space<vmem>> -> memref<1x4x1000xf32, #tpu.memory_space<vmem>>
    %dma_start3A_652 = tpu.memref_squeeze %dma_start3A_651 : memref<1x4x1000xf32, #tpu.memory_space<vmem>> -> memref<4x1000xf32, #tpu.memory_space<vmem>>
    %dma_start3A_653 = arith.constant 0 : i32
    %dma_start3A_654 = tpu.memref_slice %arg3[%add3A_634, %dma_start3A_653] : memref<4096x8192xf32, #tpu.memory_space<hbm>> -> memref<4x1000xf32, #tpu.memory_space<hbm>>
    %dma_start3A_655 = arith.constant 0 : i32
    %dma_start3A_656 = tpu.memref_slice %arg3[%add3A_634, %dma_start3A_655] : memref<4096x8192xf32, #tpu.memory_space<hbm>> -> memref<4x1000xf32, #tpu.memory_space<hbm>>
    %dma_start3A_657 = arith.constant 0 : i32
    %dma_start3A_658 = arith.constant 7192 : i32
    %dma_start3A_659 = tpu.memref_slice %arg4[%dma_start3A_648, %dma_start3A_657, %dma_start3A_658] : memref<3x4x8192xf32, #tpu.memory_space<vmem>> -> memref<1x4x1000xf32, #tpu.memory_space<vmem>>
    %dma_start3A_660 = tpu.memref_squeeze %dma_start3A_659 : memref<1x4x1000xf32, #tpu.memory_space<vmem>> -> memref<4x1000xf32, #tpu.memory_space<vmem>>
    tpu.enqueue_dma source(%dma_start3A_660 : memref<4x1000xf32, #tpu.memory_space<vmem>>) target(%dma_start3A_656 : memref<4x1000xf32, #tpu.memory_space<hbm>>) target_semaphore(%arg9 : memref<!tpu.dma_semaphore, #tpu.memory_space<semaphore_mem>>)
    %dma_wait3A_661 = arith.constant 1 : i32
    %dma_wait3A_662 = arith.constant 0 : i32
    %dma_wait3A_663 = arith.constant 0 : i32
    %dma_wait3A_664 = tpu.memref_slice %arg4[%dma_wait3A_661, %dma_wait3A_662, %dma_wait3A_663] : memref<3x4x8192xf32, #tpu.memory_space<vmem>> -> memref<1x4x7192xf32, #tpu.memory_space<vmem>>
    %dma_wait3A_665 = tpu.memref_squeeze %dma_wait3A_664 : memref<1x4x7192xf32, #tpu.memory_space<vmem>> -> memref<4x7192xf32, #tpu.memory_space<vmem>>
    %dma_wait3A_666 = arith.constant 1000 : i32
    %dma_wait3A_667 = tpu.memref_slice %arg3[%add3A_634, %dma_wait3A_666] : memref<4096x8192xf32, #tpu.memory_space<hbm>> -> memref<4x7192xf32, #tpu.memory_space<hbm>>
    %dma_wait3A_668 = arith.constant 1000 : i32
    %dma_wait3A_669 = tpu.memref_slice %arg3[%add3A_634, %dma_wait3A_668] : memref<4096x8192xf32, #tpu.memory_space<hbm>> -> memref<4x7192xf32, #tpu.memory_space<hbm>>
    %dma_wait3A_670 = arith.constant 0 : i32
    %dma_wait3A_671 = arith.constant 0 : i32
    %dma_wait3A_672 = tpu.memref_slice %arg4[%dma_wait3A_661, %dma_wait3A_670, %dma_wait3A_671] : memref<3x4x8192xf32, #tpu.memory_space<vmem>> -> memref<1x4x7192xf32, #tpu.memory_space<vmem>>
    %dma_wait3A_673 = tpu.memref_squeeze %dma_wait3A_672 : memref<1x4x7192xf32, #tpu.memory_space<vmem>> -> memref<4x7192xf32, #tpu.memory_space<vmem>>
    tpu.wait_dma2 semaphore(%arg9 : memref<!tpu.dma_semaphore, #tpu.memory_space<semaphore_mem>>) src(%dma_wait3A_673 : memref<4x7192xf32, #tpu.memory_space<vmem>>) dst(%dma_wait3A_669 : memref<4x7192xf32, #tpu.memory_space<hbm>>)
    %dma_wait3A_674 = arith.constant 1 : i32
    %dma_wait3A_675 = arith.constant 0 : i32
    %dma_wait3A_676 = arith.constant 7192 : i32
    %dma_wait3A_677 = tpu.memref_slice %arg4[%dma_wait3A_674, %dma_wait3A_675, %dma_wait3A_676] : memref<3x4x8192xf32, #tpu.memory_space<vmem>> -> memref<1x4x1000xf32, #tpu.memory_space<vmem>>
    %dma_wait3A_678 = tpu.memref_squeeze %dma_wait3A_677 : memref<1x4x1000xf32, #tpu.memory_space<vmem>> -> memref<4x1000xf32, #tpu.memory_space<vmem>>
    %dma_wait3A_679 = arith.constant 0 : i32
    %dma_wait3A_680 = tpu.memref_slice %arg3[%add3A_634, %dma_wait3A_679] : memref<4096x8192xf32, #tpu.memory_space<hbm>> -> memref<4x1000xf32, #tpu.memory_space<hbm>>
    %dma_wait3A_681 = arith.constant 0 : i32
    %dma_wait3A_682 = tpu.memref_slice %arg3[%add3A_634, %dma_wait3A_681] : memref<4096x8192xf32, #tpu.memory_space<hbm>> -> memref<4x1000xf32, #tpu.memory_space<hbm>>
    %dma_wait3A_683 = arith.constant 0 : i32
    %dma_wait3A_684 = arith.constant 7192 : i32
    %dma_wait3A_685 = tpu.memref_slice %arg4[%dma_wait3A_674, %dma_wait3A_683, %dma_wait3A_684] : memref<3x4x8192xf32, #tpu.memory_space<vmem>> -> memref<1x4x1000xf32, #tpu.memory_space<vmem>>
    %dma_wait3A_686 = tpu.memref_squeeze %dma_wait3A_685 : memref<1x4x1000xf32, #tpu.memory_space<vmem>> -> memref<4x1000xf32, #tpu.memory_space<vmem>>
    tpu.wait_dma2 semaphore(%arg9 : memref<!tpu.dma_semaphore, #tpu.memory_space<semaphore_mem>>) src(%dma_wait3A_686 : memref<4x1000xf32, #tpu.memory_space<vmem>>) dst(%dma_wait3A_682 : memref<4x1000xf32, #tpu.memory_space<hbm>>)
    %add3A_687 = arith.constant 40 : i32
    %add3A_688 = arith.addi %mul3A_2, %add3A_687 : i32
    %dma_start3A_689 = arith.constant 1 : i32
    %dma_start3A_690 = arith.constant 0 : i32
    %dma_start3A_691 = arith.constant 0 : i32
    %dma_start3A_692 = tpu.memref_slice %arg4[%dma_start3A_689, %dma_start3A_690, %dma_start3A_691] : memref<3x4x8192xf32, #tpu.memory_space<vmem>> -> memref<1x4x8192xf32, #tpu.memory_space<vmem>>
    %dma_start3A_693 = tpu.memref_squeeze %dma_start3A_692 : memref<1x4x8192xf32, #tpu.memory_space<vmem>> -> memref<4x8192xf32, #tpu.memory_space<vmem>>
    %dma_start3A_694 = arith.constant 0 : i32
    %dma_start3A_695 = tpu.memref_slice %arg2[%add3A_688, %dma_start3A_694] : memref<4096x8192xf32, #tpu.memory_space<hbm>> -> memref<4x8192xf32, #tpu.memory_space<hbm>>
    %dma_start3A_696 = arith.constant 0 : i32
    %dma_start3A_697 = arith.constant 0 : i32
    %dma_start3A_698 = tpu.memref_slice %arg4[%dma_start3A_689, %dma_start3A_696, %dma_start3A_697] : memref<3x4x8192xf32, #tpu.memory_space<vmem>> -> memref<1x4x8192xf32, #tpu.memory_space<vmem>>
    %dma_start3A_699 = tpu.memref_squeeze %dma_start3A_698 : memref<1x4x8192xf32, #tpu.memory_space<vmem>> -> memref<4x8192xf32, #tpu.memory_space<vmem>>
    %dma_start3A_700 = arith.constant 0 : i32
    %dma_start3A_701 = tpu.memref_slice %arg2[%add3A_688, %dma_start3A_700] : memref<4096x8192xf32, #tpu.memory_space<hbm>> -> memref<4x8192xf32, #tpu.memory_space<hbm>>
    tpu.enqueue_dma source(%dma_start3A_701 : memref<4x8192xf32, #tpu.memory_space<hbm>>) target(%dma_start3A_699 : memref<4x8192xf32, #tpu.memory_space<vmem>>) target_semaphore(%arg6 : memref<!tpu.dma_semaphore, #tpu.memory_space<semaphore_mem>>)
    %dma_wait3A_702 = arith.constant 2 : i32
    %dma_wait3A_703 = arith.constant 0 : i32
    %dma_wait3A_704 = arith.constant 0 : i32
    %dma_wait3A_705 = tpu.memref_slice %arg4[%dma_wait3A_702, %dma_wait3A_703, %dma_wait3A_704] : memref<3x4x8192xf32, #tpu.memory_space<vmem>> -> memref<1x4x8192xf32, #tpu.memory_space<vmem>>
    %dma_wait3A_706 = tpu.memref_squeeze %dma_wait3A_705 : memref<1x4x8192xf32, #tpu.memory_space<vmem>> -> memref<4x8192xf32, #tpu.memory_space<vmem>>
    %dma_wait3A_707 = arith.constant 0 : i32
    %dma_wait3A_708 = tpu.memref_slice %arg2[%add3A_524, %dma_wait3A_707] : memref<4096x8192xf32, #tpu.memory_space<hbm>> -> memref<4x8192xf32, #tpu.memory_space<hbm>>
    %dma_wait3A_709 = arith.constant 0 : i32
    %dma_wait3A_710 = arith.constant 0 : i32
    %dma_wait3A_711 = tpu.memref_slice %arg4[%dma_wait3A_702, %dma_wait3A_709, %dma_wait3A_710] : memref<3x4x8192xf32, #tpu.memory_space<vmem>> -> memref<1x4x8192xf32, #tpu.memory_space<vmem>>
    %dma_wait3A_712 = tpu.memref_squeeze %dma_wait3A_711 : memref<1x4x8192xf32, #tpu.memory_space<vmem>> -> memref<4x8192xf32, #tpu.memory_space<vmem>>
    %dma_wait3A_713 = arith.constant 0 : i32
    %dma_wait3A_714 = tpu.memref_slice %arg2[%add3A_524, %dma_wait3A_713] : memref<4096x8192xf32, #tpu.memory_space<hbm>> -> memref<4x8192xf32, #tpu.memory_space<hbm>>
    tpu.wait_dma2 semaphore(%arg7 : memref<!tpu.dma_semaphore, #tpu.memory_space<semaphore_mem>>) src(%dma_wait3A_714 : memref<4x8192xf32, #tpu.memory_space<hbm>>) dst(%dma_wait3A_712 : memref<4x8192xf32, #tpu.memory_space<vmem>>)
    %add3A_715 = arith.constant 32 : i32
    %add3A_716 = arith.addi %mul3A_2, %add3A_715 : i32
    %dma_start3A_717 = arith.constant 2 : i32
    %dma_start3A_718 = arith.constant 0 : i32
    %dma_start3A_719 = arith.constant 0 : i32
    %dma_start3A_720 = tpu.memref_slice %arg4[%dma_start3A_717, %dma_start3A_718, %dma_start3A_719] : memref<3x4x8192xf32, #tpu.memory_space<vmem>> -> memref<1x4x7192xf32, #tpu.memory_space<vmem>>
    %dma_start3A_721 = tpu.memref_squeeze %dma_start3A_720 : memref<1x4x7192xf32, #tpu.memory_space<vmem>> -> memref<4x7192xf32, #tpu.memory_space<vmem>>
    %dma_start3A_722 = arith.constant 1000 : i32
    %dma_start3A_723 = tpu.memref_slice %arg3[%add3A_716, %dma_start3A_722] : memref<4096x8192xf32, #tpu.memory_space<hbm>> -> memref<4x7192xf32, #tpu.memory_space<hbm>>
    %dma_start3A_724 = arith.constant 1000 : i32
    %dma_start3A_725 = tpu.memref_slice %arg3[%add3A_716, %dma_start3A_724] : memref<4096x8192xf32, #tpu.memory_space<hbm>> -> memref<4x7192xf32, #tpu.memory_space<hbm>>
    %dma_start3A_726 = arith.constant 0 : i32
    %dma_start3A_727 = arith.constant 0 : i32
    %dma_start3A_728 = tpu.memref_slice %arg4[%dma_start3A_717, %dma_start3A_726, %dma_start3A_727] : memref<3x4x8192xf32, #tpu.memory_space<vmem>> -> memref<1x4x7192xf32, #tpu.memory_space<vmem>>
    %dma_start3A_729 = tpu.memref_squeeze %dma_start3A_728 : memref<1x4x7192xf32, #tpu.memory_space<vmem>> -> memref<4x7192xf32, #tpu.memory_space<vmem>>
    tpu.enqueue_dma source(%dma_start3A_729 : memref<4x7192xf32, #tpu.memory_space<vmem>>) target(%dma_start3A_725 : memref<4x7192xf32, #tpu.memory_space<hbm>>) target_semaphore(%arg10 : memref<!tpu.dma_semaphore, #tpu.memory_space<semaphore_mem>>)
    %dma_start3A_730 = arith.constant 2 : i32
    %dma_start3A_731 = arith.constant 0 : i32
    %dma_start3A_732 = arith.constant 7192 : i32
    %dma_start3A_733 = tpu.memref_slice %arg4[%dma_start3A_730, %dma_start3A_731, %dma_start3A_732] : memref<3x4x8192xf32, #tpu.memory_space<vmem>> -> memref<1x4x1000xf32, #tpu.memory_space<vmem>>
    %dma_start3A_734 = tpu.memref_squeeze %dma_start3A_733 : memref<1x4x1000xf32, #tpu.memory_space<vmem>> -> memref<4x1000xf32, #tpu.memory_space<vmem>>
    %dma_start3A_735 = arith.constant 0 : i32
    %dma_start3A_736 = tpu.memref_slice %arg3[%add3A_716, %dma_start3A_735] : memref<4096x8192xf32, #tpu.memory_space<hbm>> -> memref<4x1000xf32, #tpu.memory_space<hbm>>
    %dma_start3A_737 = arith.constant 0 : i32
    %dma_start3A_738 = tpu.memref_slice %arg3[%add3A_716, %dma_start3A_737] : memref<4096x8192xf32, #tpu.memory_space<hbm>> -> memref<4x1000xf32, #tpu.memory_space<hbm>>
    %dma_start3A_739 = arith.constant 0 : i32
    %dma_start3A_740 = arith.constant 7192 : i32
    %dma_start3A_741 = tpu.memref_slice %arg4[%dma_start3A_730, %dma_start3A_739, %dma_start3A_740] : memref<3x4x8192xf32, #tpu.memory_space<vmem>> -> memref<1x4x1000xf32, #tpu.memory_space<vmem>>
    %dma_start3A_742 = tpu.memref_squeeze %dma_start3A_741 : memref<1x4x1000xf32, #tpu.memory_space<vmem>> -> memref<4x1000xf32, #tpu.memory_space<vmem>>
    tpu.enqueue_dma source(%dma_start3A_742 : memref<4x1000xf32, #tpu.memory_space<vmem>>) target(%dma_start3A_738 : memref<4x1000xf32, #tpu.memory_space<hbm>>) target_semaphore(%arg10 : memref<!tpu.dma_semaphore, #tpu.memory_space<semaphore_mem>>)
    %dma_wait3A_743 = arith.constant 2 : i32
    %dma_wait3A_744 = arith.constant 0 : i32
    %dma_wait3A_745 = arith.constant 0 : i32
    %dma_wait3A_746 = tpu.memref_slice %arg4[%dma_wait3A_743, %dma_wait3A_744, %dma_wait3A_745] : memref<3x4x8192xf32, #tpu.memory_space<vmem>> -> memref<1x4x7192xf32, #tpu.memory_space<vmem>>
    %dma_wait3A_747 = tpu.memref_squeeze %dma_wait3A_746 : memref<1x4x7192xf32, #tpu.memory_space<vmem>> -> memref<4x7192xf32, #tpu.memory_space<vmem>>
    %dma_wait3A_748 = arith.constant 1000 : i32
    %dma_wait3A_749 = tpu.memref_slice %arg3[%add3A_716, %dma_wait3A_748] : memref<4096x8192xf32, #tpu.memory_space<hbm>> -> memref<4x7192xf32, #tpu.memory_space<hbm>>
    %dma_wait3A_750 = arith.constant 1000 : i32
    %dma_wait3A_751 = tpu.memref_slice %arg3[%add3A_716, %dma_wait3A_750] : memref<4096x8192xf32, #tpu.memory_space<hbm>> -> memref<4x7192xf32, #tpu.memory_space<hbm>>
    %dma_wait3A_752 = arith.constant 0 : i32
    %dma_wait3A_753 = arith.constant 0 : i32
    %dma_wait3A_754 = tpu.memref_slice %arg4[%dma_wait3A_743, %dma_wait3A_752, %dma_wait3A_753] : memref<3x4x8192xf32, #tpu.memory_space<vmem>> -> memref<1x4x7192xf32, #tpu.memory_space<vmem>>
    %dma_wait3A_755 = tpu.memref_squeeze %dma_wait3A_754 : memref<1x4x7192xf32, #tpu.memory_space<vmem>> -> memref<4x7192xf32, #tpu.memory_space<vmem>>
    tpu.wait_dma2 semaphore(%arg10 : memref<!tpu.dma_semaphore, #tpu.memory_space<semaphore_mem>>) src(%dma_wait3A_755 : memref<4x7192xf32, #tpu.memory_space<vmem>>) dst(%dma_wait3A_751 : memref<4x7192xf32, #tpu.memory_space<hbm>>)
    %dma_wait3A_756 = arith.constant 2 : i32
    %dma_wait3A_757 = arith.constant 0 : i32
    %dma_wait3A_758 = arith.constant 7192 : i32
    %dma_wait3A_759 = tpu.memref_slice %arg4[%dma_wait3A_756, %dma_wait3A_757, %dma_wait3A_758] : memref<3x4x8192xf32, #tpu.memory_space<vmem>> -> memref<1x4x1000xf32, #tpu.memory_space<vmem>>
    %dma_wait3A_760 = tpu.memref_squeeze %dma_wait3A_759 : memref<1x4x1000xf32, #tpu.memory_space<vmem>> -> memref<4x1000xf32, #tpu.memory_space<vmem>>
    %dma_wait3A_761 = arith.constant 0 : i32
    %dma_wait3A_762 = tpu.memref_slice %arg3[%add3A_716, %dma_wait3A_761] : memref<4096x8192xf32, #tpu.memory_space<hbm>> -> memref<4x1000xf32, #tpu.memory_space<hbm>>
    %dma_wait3A_763 = arith.constant 0 : i32
    %dma_wait3A_764 = tpu.memref_slice %arg3[%add3A_716, %dma_wait3A_763] : memref<4096x8192xf32, #tpu.memory_space<hbm>> -> memref<4x1000xf32, #tpu.memory_space<hbm>>
    %dma_wait3A_765 = arith.constant 0 : i32
    %dma_wait3A_766 = arith.constant 7192 : i32
    %dma_wait3A_767 = tpu.memref_slice %arg4[%dma_wait3A_756, %dma_wait3A_765, %dma_wait3A_766] : memref<3x4x8192xf32, #tpu.memory_space<vmem>> -> memref<1x4x1000xf32, #tpu.memory_space<vmem>>
    %dma_wait3A_768 = tpu.memref_squeeze %dma_wait3A_767 : memref<1x4x1000xf32, #tpu.memory_space<vmem>> -> memref<4x1000xf32, #tpu.memory_space<vmem>>
    tpu.wait_dma2 semaphore(%arg10 : memref<!tpu.dma_semaphore, #tpu.memory_space<semaphore_mem>>) src(%dma_wait3A_768 : memref<4x1000xf32, #tpu.memory_space<vmem>>) dst(%dma_wait3A_764 : memref<4x1000xf32, #tpu.memory_space<hbm>>)
    %add3A_769 = arith.constant 44 : i32
    %add3A_770 = arith.addi %mul3A_2, %add3A_769 : i32
    %dma_start3A_771 = arith.constant 2 : i32
    %dma_start3A_772 = arith.constant 0 : i32
    %dma_start3A_773 = arith.constant 0 : i32
    %dma_start3A_774 = tpu.memref_slice %arg4[%dma_start3A_771, %dma_start3A_772, %dma_start3A_773] : memref<3x4x8192xf32, #tpu.memory_space<vmem>> -> memref<1x4x8192xf32, #tpu.memory_space<vmem>>
    %dma_start3A_775 = tpu.memref_squeeze %dma_start3A_774 : memref<1x4x8192xf32, #tpu.memory_space<vmem>> -> memref<4x8192xf32, #tpu.memory_space<vmem>>
    %dma_start3A_776 = arith.constant 0 : i32
    %dma_start3A_777 = tpu.memref_slice %arg2[%add3A_770, %dma_start3A_776] : memref<4096x8192xf32, #tpu.memory_space<hbm>> -> memref<4x8192xf32, #tpu.memory_space<hbm>>
    %dma_start3A_778 = arith.constant 0 : i32
    %dma_start3A_779 = arith.constant 0 : i32
    %dma_start3A_780 = tpu.memref_slice %arg4[%dma_start3A_771, %dma_start3A_778, %dma_start3A_779] : memref<3x4x8192xf32, #tpu.memory_space<vmem>> -> memref<1x4x8192xf32, #tpu.memory_space<vmem>>
    %dma_start3A_781 = tpu.memref_squeeze %dma_start3A_780 : memref<1x4x8192xf32, #tpu.memory_space<vmem>> -> memref<4x8192xf32, #tpu.memory_space<vmem>>
    %dma_start3A_782 = arith.constant 0 : i32
    %dma_start3A_783 = tpu.memref_slice %arg2[%add3A_770, %dma_start3A_782] : memref<4096x8192xf32, #tpu.memory_space<hbm>> -> memref<4x8192xf32, #tpu.memory_space<hbm>>
    tpu.enqueue_dma source(%dma_start3A_783 : memref<4x8192xf32, #tpu.memory_space<hbm>>) target(%dma_start3A_781 : memref<4x8192xf32, #tpu.memory_space<vmem>>) target_semaphore(%arg7 : memref<!tpu.dma_semaphore, #tpu.memory_space<semaphore_mem>>)
    %dma_wait3A_784 = arith.constant 0 : i32
    %dma_wait3A_785 = arith.constant 0 : i32
    %dma_wait3A_786 = arith.constant 0 : i32
    %dma_wait3A_787 = tpu.memref_slice %arg4[%dma_wait3A_784, %dma_wait3A_785, %dma_wait3A_786] : memref<3x4x8192xf32, #tpu.memory_space<vmem>> -> memref<1x4x8192xf32, #tpu.memory_space<vmem>>
    %dma_wait3A_788 = tpu.memref_squeeze %dma_wait3A_787 : memref<1x4x8192xf32, #tpu.memory_space<vmem>> -> memref<4x8192xf32, #tpu.memory_space<vmem>>
    %dma_wait3A_789 = arith.constant 0 : i32
    %dma_wait3A_790 = tpu.memref_slice %arg2[%add3A_606, %dma_wait3A_789] : memref<4096x8192xf32, #tpu.memory_space<hbm>> -> memref<4x8192xf32, #tpu.memory_space<hbm>>
    %dma_wait3A_791 = arith.constant 0 : i32
    %dma_wait3A_792 = arith.constant 0 : i32
    %dma_wait3A_793 = tpu.memref_slice %arg4[%dma_wait3A_784, %dma_wait3A_791, %dma_wait3A_792] : memref<3x4x8192xf32, #tpu.memory_space<vmem>> -> memref<1x4x8192xf32, #tpu.memory_space<vmem>>
    %dma_wait3A_794 = tpu.memref_squeeze %dma_wait3A_793 : memref<1x4x8192xf32, #tpu.memory_space<vmem>> -> memref<4x8192xf32, #tpu.memory_space<vmem>>
    %dma_wait3A_795 = arith.constant 0 : i32
    %dma_wait3A_796 = tpu.memref_slice %arg2[%add3A_606, %dma_wait3A_795] : memref<4096x8192xf32, #tpu.memory_space<hbm>> -> memref<4x8192xf32, #tpu.memory_space<hbm>>
    tpu.wait_dma2 semaphore(%arg5 : memref<!tpu.dma_semaphore, #tpu.memory_space<semaphore_mem>>) src(%dma_wait3A_796 : memref<4x8192xf32, #tpu.memory_space<hbm>>) dst(%dma_wait3A_794 : memref<4x8192xf32, #tpu.memory_space<vmem>>)
    %add3A_797 = arith.constant 36 : i32
    %add3A_798 = arith.addi %mul3A_2, %add3A_797 : i32
    %dma_start3A_799 = arith.constant 0 : i32
    %dma_start3A_800 = arith.constant 0 : i32
    %dma_start3A_801 = arith.constant 0 : i32
    %dma_start3A_802 = tpu.memref_slice %arg4[%dma_start3A_799, %dma_start3A_800, %dma_start3A_801] : memref<3x4x8192xf32, #tpu.memory_space<vmem>> -> memref<1x4x7192xf32, #tpu.memory_space<vmem>>
    %dma_start3A_803 = tpu.memref_squeeze %dma_start3A_802 : memref<1x4x7192xf32, #tpu.memory_space<vmem>> -> memref<4x7192xf32, #tpu.memory_space<vmem>>
    %dma_start3A_804 = arith.constant 1000 : i32
    %dma_start3A_805 = tpu.memref_slice %arg3[%add3A_798, %dma_start3A_804] : memref<4096x8192xf32, #tpu.memory_space<hbm>> -> memref<4x7192xf32, #tpu.memory_space<hbm>>
    %dma_start3A_806 = arith.constant 1000 : i32
    %dma_start3A_807 = tpu.memref_slice %arg3[%add3A_798, %dma_start3A_806] : memref<4096x8192xf32, #tpu.memory_space<hbm>> -> memref<4x7192xf32, #tpu.memory_space<hbm>>
    %dma_start3A_808 = arith.constant 0 : i32
    %dma_start3A_809 = arith.constant 0 : i32
    %dma_start3A_810 = tpu.memref_slice %arg4[%dma_start3A_799, %dma_start3A_808, %dma_start3A_809] : memref<3x4x8192xf32, #tpu.memory_space<vmem>> -> memref<1x4x7192xf32, #tpu.memory_space<vmem>>
    %dma_start3A_811 = tpu.memref_squeeze %dma_start3A_810 : memref<1x4x7192xf32, #tpu.memory_space<vmem>> -> memref<4x7192xf32, #tpu.memory_space<vmem>>
    tpu.enqueue_dma source(%dma_start3A_811 : memref<4x7192xf32, #tpu.memory_space<vmem>>) target(%dma_start3A_807 : memref<4x7192xf32, #tpu.memory_space<hbm>>) target_semaphore(%arg8 : memref<!tpu.dma_semaphore, #tpu.memory_space<semaphore_mem>>)
    %dma_start3A_812 = arith.constant 0 : i32
    %dma_start3A_813 = arith.constant 0 : i32
    %dma_start3A_814 = arith.constant 7192 : i32
    %dma_start3A_815 = tpu.memref_slice %arg4[%dma_start3A_812, %dma_start3A_813, %dma_start3A_814] : memref<3x4x8192xf32, #tpu.memory_space<vmem>> -> memref<1x4x1000xf32, #tpu.memory_space<vmem>>
    %dma_start3A_816 = tpu.memref_squeeze %dma_start3A_815 : memref<1x4x1000xf32, #tpu.memory_space<vmem>> -> memref<4x1000xf32, #tpu.memory_space<vmem>>
    %dma_start3A_817 = arith.constant 0 : i32
    %dma_start3A_818 = tpu.memref_slice %arg3[%add3A_798, %dma_start3A_817] : memref<4096x8192xf32, #tpu.memory_space<hbm>> -> memref<4x1000xf32, #tpu.memory_space<hbm>>
    %dma_start3A_819 = arith.constant 0 : i32
    %dma_start3A_820 = tpu.memref_slice %arg3[%add3A_798, %dma_start3A_819] : memref<4096x8192xf32, #tpu.memory_space<hbm>> -> memref<4x1000xf32, #tpu.memory_space<hbm>>
    %dma_start3A_821 = arith.constant 0 : i32
    %dma_start3A_822 = arith.constant 7192 : i32
    %dma_start3A_823 = tpu.memref_slice %arg4[%dma_start3A_812, %dma_start3A_821, %dma_start3A_822] : memref<3x4x8192xf32, #tpu.memory_space<vmem>> -> memref<1x4x1000xf32, #tpu.memory_space<vmem>>
    %dma_start3A_824 = tpu.memref_squeeze %dma_start3A_823 : memref<1x4x1000xf32, #tpu.memory_space<vmem>> -> memref<4x1000xf32, #tpu.memory_space<vmem>>
    tpu.enqueue_dma source(%dma_start3A_824 : memref<4x1000xf32, #tpu.memory_space<vmem>>) target(%dma_start3A_820 : memref<4x1000xf32, #tpu.memory_space<hbm>>) target_semaphore(%arg8 : memref<!tpu.dma_semaphore, #tpu.memory_space<semaphore_mem>>)
    %dma_wait3A_825 = arith.constant 0 : i32
    %dma_wait3A_826 = arith.constant 0 : i32
    %dma_wait3A_827 = arith.constant 0 : i32
    %dma_wait3A_828 = tpu.memref_slice %arg4[%dma_wait3A_825, %dma_wait3A_826, %dma_wait3A_827] : memref<3x4x8192xf32, #tpu.memory_space<vmem>> -> memref<1x4x7192xf32, #tpu.memory_space<vmem>>
    %dma_wait3A_829 = tpu.memref_squeeze %dma_wait3A_828 : memref<1x4x7192xf32, #tpu.memory_space<vmem>> -> memref<4x7192xf32, #tpu.memory_space<vmem>>
    %dma_wait3A_830 = arith.constant 1000 : i32
    %dma_wait3A_831 = tpu.memref_slice %arg3[%add3A_798, %dma_wait3A_830] : memref<4096x8192xf32, #tpu.memory_space<hbm>> -> memref<4x7192xf32, #tpu.memory_space<hbm>>
    %dma_wait3A_832 = arith.constant 1000 : i32
    %dma_wait3A_833 = tpu.memref_slice %arg3[%add3A_798, %dma_wait3A_832] : memref<4096x8192xf32, #tpu.memory_space<hbm>> -> memref<4x7192xf32, #tpu.memory_space<hbm>>
    %dma_wait3A_834 = arith.constant 0 : i32
    %dma_wait3A_835 = arith.constant 0 : i32
    %dma_wait3A_836 = tpu.memref_slice %arg4[%dma_wait3A_825, %dma_wait3A_834, %dma_wait3A_835] : memref<3x4x8192xf32, #tpu.memory_space<vmem>> -> memref<1x4x7192xf32, #tpu.memory_space<vmem>>
    %dma_wait3A_837 = tpu.memref_squeeze %dma_wait3A_836 : memref<1x4x7192xf32, #tpu.memory_space<vmem>> -> memref<4x7192xf32, #tpu.memory_space<vmem>>
    tpu.wait_dma2 semaphore(%arg8 : memref<!tpu.dma_semaphore, #tpu.memory_space<semaphore_mem>>) src(%dma_wait3A_837 : memref<4x7192xf32, #tpu.memory_space<vmem>>) dst(%dma_wait3A_833 : memref<4x7192xf32, #tpu.memory_space<hbm>>)
    %dma_wait3A_838 = arith.constant 0 : i32
    %dma_wait3A_839 = arith.constant 0 : i32
    %dma_wait3A_840 = arith.constant 7192 : i32
    %dma_wait3A_841 = tpu.memref_slice %arg4[%dma_wait3A_838, %dma_wait3A_839, %dma_wait3A_840] : memref<3x4x8192xf32, #tpu.memory_space<vmem>> -> memref<1x4x1000xf32, #tpu.memory_space<vmem>>
    %dma_wait3A_842 = tpu.memref_squeeze %dma_wait3A_841 : memref<1x4x1000xf32, #tpu.memory_space<vmem>> -> memref<4x1000xf32, #tpu.memory_space<vmem>>
    %dma_wait3A_843 = arith.constant 0 : i32
    %dma_wait3A_844 = tpu.memref_slice %arg3[%add3A_798, %dma_wait3A_843] : memref<4096x8192xf32, #tpu.memory_space<hbm>> -> memref<4x1000xf32, #tpu.memory_space<hbm>>
    %dma_wait3A_845 = arith.constant 0 : i32
    %dma_wait3A_846 = tpu.memref_slice %arg3[%add3A_798, %dma_wait3A_845] : memref<4096x8192xf32, #tpu.memory_space<hbm>> -> memref<4x1000xf32, #tpu.memory_space<hbm>>
    %dma_wait3A_847 = arith.constant 0 : i32
    %dma_wait3A_848 = arith.constant 7192 : i32
    %dma_wait3A_849 = tpu.memref_slice %arg4[%dma_wait3A_838, %dma_wait3A_847, %dma_wait3A_848] : memref<3x4x8192xf32, #tpu.memory_space<vmem>> -> memref<1x4x1000xf32, #tpu.memory_space<vmem>>
    %dma_wait3A_850 = tpu.memref_squeeze %dma_wait3A_849 : memref<1x4x1000xf32, #tpu.memory_space<vmem>> -> memref<4x1000xf32, #tpu.memory_space<vmem>>
    tpu.wait_dma2 semaphore(%arg8 : memref<!tpu.dma_semaphore, #tpu.memory_space<semaphore_mem>>) src(%dma_wait3A_850 : memref<4x1000xf32, #tpu.memory_space<vmem>>) dst(%dma_wait3A_846 : memref<4x1000xf32, #tpu.memory_space<hbm>>)
    %add3A_851 = arith.constant 48 : i32
    %add3A_852 = arith.addi %mul3A_2, %add3A_851 : i32
    %dma_start3A_853 = arith.constant 0 : i32
    %dma_start3A_854 = arith.constant 0 : i32
    %dma_start3A_855 = arith.constant 0 : i32
    %dma_start3A_856 = tpu.memref_slice %arg4[%dma_start3A_853, %dma_start3A_854, %dma_start3A_855] : memref<3x4x8192xf32, #tpu.memory_space<vmem>> -> memref<1x4x8192xf32, #tpu.memory_space<vmem>>
    %dma_start3A_857 = tpu.memref_squeeze %dma_start3A_856 : memref<1x4x8192xf32, #tpu.memory_space<vmem>> -> memref<4x8192xf32, #tpu.memory_space<vmem>>
    %dma_start3A_858 = arith.constant 0 : i32
    %dma_start3A_859 = tpu.memref_slice %arg2[%add3A_852, %dma_start3A_858] : memref<4096x8192xf32, #tpu.memory_space<hbm>> -> memref<4x8192xf32, #tpu.memory_space<hbm>>
    %dma_start3A_860 = arith.constant 0 : i32
    %dma_start3A_861 = arith.constant 0 : i32
    %dma_start3A_862 = tpu.memref_slice %arg4[%dma_start3A_853, %dma_start3A_860, %dma_start3A_861] : memref<3x4x8192xf32, #tpu.memory_space<vmem>> -> memref<1x4x8192xf32, #tpu.memory_space<vmem>>
    %dma_start3A_863 = tpu.memref_squeeze %dma_start3A_862 : memref<1x4x8192xf32, #tpu.memory_space<vmem>> -> memref<4x8192xf32, #tpu.memory_space<vmem>>
    %dma_start3A_864 = arith.constant 0 : i32
    %dma_start3A_865 = tpu.memref_slice %arg2[%add3A_852, %dma_start3A_864] : memref<4096x8192xf32, #tpu.memory_space<hbm>> -> memref<4x8192xf32, #tpu.memory_space<hbm>>
    tpu.enqueue_dma source(%dma_start3A_865 : memref<4x8192xf32, #tpu.memory_space<hbm>>) target(%dma_start3A_863 : memref<4x8192xf32, #tpu.memory_space<vmem>>) target_semaphore(%arg5 : memref<!tpu.dma_semaphore, #tpu.memory_space<semaphore_mem>>)
    %dma_wait3A_866 = arith.constant 1 : i32
    %dma_wait3A_867 = arith.constant 0 : i32
    %dma_wait3A_868 = arith.constant 0 : i32
    %dma_wait3A_869 = tpu.memref_slice %arg4[%dma_wait3A_866, %dma_wait3A_867, %dma_wait3A_868] : memref<3x4x8192xf32, #tpu.memory_space<vmem>> -> memref<1x4x8192xf32, #tpu.memory_space<vmem>>
    %dma_wait3A_870 = tpu.memref_squeeze %dma_wait3A_869 : memref<1x4x8192xf32, #tpu.memory_space<vmem>> -> memref<4x8192xf32, #tpu.memory_space<vmem>>
    %dma_wait3A_871 = arith.constant 0 : i32
    %dma_wait3A_872 = tpu.memref_slice %arg2[%add3A_688, %dma_wait3A_871] : memref<4096x8192xf32, #tpu.memory_space<hbm>> -> memref<4x8192xf32, #tpu.memory_space<hbm>>
    %dma_wait3A_873 = arith.constant 0 : i32
    %dma_wait3A_874 = arith.constant 0 : i32
    %dma_wait3A_875 = tpu.memref_slice %arg4[%dma_wait3A_866, %dma_wait3A_873, %dma_wait3A_874] : memref<3x4x8192xf32, #tpu.memory_space<vmem>> -> memref<1x4x8192xf32, #tpu.memory_space<vmem>>
    %dma_wait3A_876 = tpu.memref_squeeze %dma_wait3A_875 : memref<1x4x8192xf32, #tpu.memory_space<vmem>> -> memref<4x8192xf32, #tpu.memory_space<vmem>>
    %dma_wait3A_877 = arith.constant 0 : i32
    %dma_wait3A_878 = tpu.memref_slice %arg2[%add3A_688, %dma_wait3A_877] : memref<4096x8192xf32, #tpu.memory_space<hbm>> -> memref<4x8192xf32, #tpu.memory_space<hbm>>
    tpu.wait_dma2 semaphore(%arg6 : memref<!tpu.dma_semaphore, #tpu.memory_space<semaphore_mem>>) src(%dma_wait3A_878 : memref<4x8192xf32, #tpu.memory_space<hbm>>) dst(%dma_wait3A_876 : memref<4x8192xf32, #tpu.memory_space<vmem>>)
    %add3A_879 = arith.constant 40 : i32
    %add3A_880 = arith.addi %mul3A_2, %add3A_879 : i32
    %dma_start3A_881 = arith.constant 1 : i32
    %dma_start3A_882 = arith.constant 0 : i32
    %dma_start3A_883 = arith.constant 0 : i32
    %dma_start3A_884 = tpu.memref_slice %arg4[%dma_start3A_881, %dma_start3A_882, %dma_start3A_883] : memref<3x4x8192xf32, #tpu.memory_space<vmem>> -> memref<1x4x7192xf32, #tpu.memory_space<vmem>>
    %dma_start3A_885 = tpu.memref_squeeze %dma_start3A_884 : memref<1x4x7192xf32, #tpu.memory_space<vmem>> -> memref<4x7192xf32, #tpu.memory_space<vmem>>
    %dma_start3A_886 = arith.constant 1000 : i32
    %dma_start3A_887 = tpu.memref_slice %arg3[%add3A_880, %dma_start3A_886] : memref<4096x8192xf32, #tpu.memory_space<hbm>> -> memref<4x7192xf32, #tpu.memory_space<hbm>>
    %dma_start3A_888 = arith.constant 1000 : i32
    %dma_start3A_889 = tpu.memref_slice %arg3[%add3A_880, %dma_start3A_888] : memref<4096x8192xf32, #tpu.memory_space<hbm>> -> memref<4x7192xf32, #tpu.memory_space<hbm>>
    %dma_start3A_890 = arith.constant 0 : i32
    %dma_start3A_891 = arith.constant 0 : i32
    %dma_start3A_892 = tpu.memref_slice %arg4[%dma_start3A_881, %dma_start3A_890, %dma_start3A_891] : memref<3x4x8192xf32, #tpu.memory_space<vmem>> -> memref<1x4x7192xf32, #tpu.memory_space<vmem>>
    %dma_start3A_893 = tpu.memref_squeeze %dma_start3A_892 : memref<1x4x7192xf32, #tpu.memory_space<vmem>> -> memref<4x7192xf32, #tpu.memory_space<vmem>>
    tpu.enqueue_dma source(%dma_start3A_893 : memref<4x7192xf32, #tpu.memory_space<vmem>>) target(%dma_start3A_889 : memref<4x7192xf32, #tpu.memory_space<hbm>>) target_semaphore(%arg9 : memref<!tpu.dma_semaphore, #tpu.memory_space<semaphore_mem>>)
    %dma_start3A_894 = arith.constant 1 : i32
    %dma_start3A_895 = arith.constant 0 : i32
    %dma_start3A_896 = arith.constant 7192 : i32
    %dma_start3A_897 = tpu.memref_slice %arg4[%dma_start3A_894, %dma_start3A_895, %dma_start3A_896] : memref<3x4x8192xf32, #tpu.memory_space<vmem>> -> memref<1x4x1000xf32, #tpu.memory_space<vmem>>
    %dma_start3A_898 = tpu.memref_squeeze %dma_start3A_897 : memref<1x4x1000xf32, #tpu.memory_space<vmem>> -> memref<4x1000xf32, #tpu.memory_space<vmem>>
    %dma_start3A_899 = arith.constant 0 : i32
    %dma_start3A_900 = tpu.memref_slice %arg3[%add3A_880, %dma_start3A_899] : memref<4096x8192xf32, #tpu.memory_space<hbm>> -> memref<4x1000xf32, #tpu.memory_space<hbm>>
    %dma_start3A_901 = arith.constant 0 : i32
    %dma_start3A_902 = tpu.memref_slice %arg3[%add3A_880, %dma_start3A_901] : memref<4096x8192xf32, #tpu.memory_space<hbm>> -> memref<4x1000xf32, #tpu.memory_space<hbm>>
    %dma_start3A_903 = arith.constant 0 : i32
    %dma_start3A_904 = arith.constant 7192 : i32
    %dma_start3A_905 = tpu.memref_slice %arg4[%dma_start3A_894, %dma_start3A_903, %dma_start3A_904] : memref<3x4x8192xf32, #tpu.memory_space<vmem>> -> memref<1x4x1000xf32, #tpu.memory_space<vmem>>
    %dma_start3A_906 = tpu.memref_squeeze %dma_start3A_905 : memref<1x4x1000xf32, #tpu.memory_space<vmem>> -> memref<4x1000xf32, #tpu.memory_space<vmem>>
    tpu.enqueue_dma source(%dma_start3A_906 : memref<4x1000xf32, #tpu.memory_space<vmem>>) target(%dma_start3A_902 : memref<4x1000xf32, #tpu.memory_space<hbm>>) target_semaphore(%arg9 : memref<!tpu.dma_semaphore, #tpu.memory_space<semaphore_mem>>)
    %dma_wait3A_907 = arith.constant 1 : i32
    %dma_wait3A_908 = arith.constant 0 : i32
    %dma_wait3A_909 = arith.constant 0 : i32
    %dma_wait3A_910 = tpu.memref_slice %arg4[%dma_wait3A_907, %dma_wait3A_908, %dma_wait3A_909] : memref<3x4x8192xf32, #tpu.memory_space<vmem>> -> memref<1x4x7192xf32, #tpu.memory_space<vmem>>
    %dma_wait3A_911 = tpu.memref_squeeze %dma_wait3A_910 : memref<1x4x7192xf32, #tpu.memory_space<vmem>> -> memref<4x7192xf32, #tpu.memory_space<vmem>>
    %dma_wait3A_912 = arith.constant 1000 : i32
    %dma_wait3A_913 = tpu.memref_slice %arg3[%add3A_880, %dma_wait3A_912] : memref<4096x8192xf32, #tpu.memory_space<hbm>> -> memref<4x7192xf32, #tpu.memory_space<hbm>>
    %dma_wait3A_914 = arith.constant 1000 : i32
    %dma_wait3A_915 = tpu.memref_slice %arg3[%add3A_880, %dma_wait3A_914] : memref<4096x8192xf32, #tpu.memory_space<hbm>> -> memref<4x7192xf32, #tpu.memory_space<hbm>>
    %dma_wait3A_916 = arith.constant 0 : i32
    %dma_wait3A_917 = arith.constant 0 : i32
    %dma_wait3A_918 = tpu.memref_slice %arg4[%dma_wait3A_907, %dma_wait3A_916, %dma_wait3A_917] : memref<3x4x8192xf32, #tpu.memory_space<vmem>> -> memref<1x4x7192xf32, #tpu.memory_space<vmem>>
    %dma_wait3A_919 = tpu.memref_squeeze %dma_wait3A_918 : memref<1x4x7192xf32, #tpu.memory_space<vmem>> -> memref<4x7192xf32, #tpu.memory_space<vmem>>
    tpu.wait_dma2 semaphore(%arg9 : memref<!tpu.dma_semaphore, #tpu.memory_space<semaphore_mem>>) src(%dma_wait3A_919 : memref<4x7192xf32, #tpu.memory_space<vmem>>) dst(%dma_wait3A_915 : memref<4x7192xf32, #tpu.memory_space<hbm>>)
    %dma_wait3A_920 = arith.constant 1 : i32
    %dma_wait3A_921 = arith.constant 0 : i32
    %dma_wait3A_922 = arith.constant 7192 : i32
    %dma_wait3A_923 = tpu.memref_slice %arg4[%dma_wait3A_920, %dma_wait3A_921, %dma_wait3A_922] : memref<3x4x8192xf32, #tpu.memory_space<vmem>> -> memref<1x4x1000xf32, #tpu.memory_space<vmem>>
    %dma_wait3A_924 = tpu.memref_squeeze %dma_wait3A_923 : memref<1x4x1000xf32, #tpu.memory_space<vmem>> -> memref<4x1000xf32, #tpu.memory_space<vmem>>
    %dma_wait3A_925 = arith.constant 0 : i32
    %dma_wait3A_926 = tpu.memref_slice %arg3[%add3A_880, %dma_wait3A_925] : memref<4096x8192xf32, #tpu.memory_space<hbm>> -> memref<4x1000xf32, #tpu.memory_space<hbm>>
    %dma_wait3A_927 = arith.constant 0 : i32
    %dma_wait3A_928 = tpu.memref_slice %arg3[%add3A_880, %dma_wait3A_927] : memref<4096x8192xf32, #tpu.memory_space<hbm>> -> memref<4x1000xf32, #tpu.memory_space<hbm>>
    %dma_wait3A_929 = arith.constant 0 : i32
    %dma_wait3A_930 = arith.constant 7192 : i32
    %dma_wait3A_931 = tpu.memref_slice %arg4[%dma_wait3A_920, %dma_wait3A_929, %dma_wait3A_930] : memref<3x4x8192xf32, #tpu.memory_space<vmem>> -> memref<1x4x1000xf32, #tpu.memory_space<vmem>>
    %dma_wait3A_932 = tpu.memref_squeeze %dma_wait3A_931 : memref<1x4x1000xf32, #tpu.memory_space<vmem>> -> memref<4x1000xf32, #tpu.memory_space<vmem>>
    tpu.wait_dma2 semaphore(%arg9 : memref<!tpu.dma_semaphore, #tpu.memory_space<semaphore_mem>>) src(%dma_wait3A_932 : memref<4x1000xf32, #tpu.memory_space<vmem>>) dst(%dma_wait3A_928 : memref<4x1000xf32, #tpu.memory_space<hbm>>)
    %add3A_933 = arith.constant 52 : i32
    %add3A_934 = arith.addi %mul3A_2, %add3A_933 : i32
    %dma_start3A_935 = arith.constant 1 : i32
    %dma_start3A_936 = arith.constant 0 : i32
    %dma_start3A_937 = arith.constant 0 : i32
    %dma_start3A_938 = tpu.memref_slice %arg4[%dma_start3A_935, %dma_start3A_936, %dma_start3A_937] : memref<3x4x8192xf32, #tpu.memory_space<vmem>> -> memref<1x4x8192xf32, #tpu.memory_space<vmem>>
    %dma_start3A_939 = tpu.memref_squeeze %dma_start3A_938 : memref<1x4x8192xf32, #tpu.memory_space<vmem>> -> memref<4x8192xf32, #tpu.memory_space<vmem>>
    %dma_start3A_940 = arith.constant 0 : i32
    %dma_start3A_941 = tpu.memref_slice %arg2[%add3A_934, %dma_start3A_940] : memref<4096x8192xf32, #tpu.memory_space<hbm>> -> memref<4x8192xf32, #tpu.memory_space<hbm>>
    %dma_start3A_942 = arith.constant 0 : i32
    %dma_start3A_943 = arith.constant 0 : i32
    %dma_start3A_944 = tpu.memref_slice %arg4[%dma_start3A_935, %dma_start3A_942, %dma_start3A_943] : memref<3x4x8192xf32, #tpu.memory_space<vmem>> -> memref<1x4x8192xf32, #tpu.memory_space<vmem>>
    %dma_start3A_945 = tpu.memref_squeeze %dma_start3A_944 : memref<1x4x8192xf32, #tpu.memory_space<vmem>> -> memref<4x8192xf32, #tpu.memory_space<vmem>>
    %dma_start3A_946 = arith.constant 0 : i32
    %dma_start3A_947 = tpu.memref_slice %arg2[%add3A_934, %dma_start3A_946] : memref<4096x8192xf32, #tpu.memory_space<hbm>> -> memref<4x8192xf32, #tpu.memory_space<hbm>>
    tpu.enqueue_dma source(%dma_start3A_947 : memref<4x8192xf32, #tpu.memory_space<hbm>>) target(%dma_start3A_945 : memref<4x8192xf32, #tpu.memory_space<vmem>>) target_semaphore(%arg6 : memref<!tpu.dma_semaphore, #tpu.memory_space<semaphore_mem>>)
    %dma_wait3A_948 = arith.constant 2 : i32
    %dma_wait3A_949 = arith.constant 0 : i32
    %dma_wait3A_950 = arith.constant 0 : i32
    %dma_wait3A_951 = tpu.memref_slice %arg4[%dma_wait3A_948, %dma_wait3A_949, %dma_wait3A_950] : memref<3x4x8192xf32, #tpu.memory_space<vmem>> -> memref<1x4x8192xf32, #tpu.memory_space<vmem>>
    %dma_wait3A_952 = tpu.memref_squeeze %dma_wait3A_951 : memref<1x4x8192xf32, #tpu.memory_space<vmem>> -> memref<4x8192xf32, #tpu.memory_space<vmem>>
    %dma_wait3A_953 = arith.constant 0 : i32
    %dma_wait3A_954 = tpu.memref_slice %arg2[%add3A_770, %dma_wait3A_953] : memref<4096x8192xf32, #tpu.memory_space<hbm>> -> memref<4x8192xf32, #tpu.memory_space<hbm>>
    %dma_wait3A_955 = arith.constant 0 : i32
    %dma_wait3A_956 = arith.constant 0 : i32
    %dma_wait3A_957 = tpu.memref_slice %arg4[%dma_wait3A_948, %dma_wait3A_955, %dma_wait3A_956] : memref<3x4x8192xf32, #tpu.memory_space<vmem>> -> memref<1x4x8192xf32, #tpu.memory_space<vmem>>
    %dma_wait3A_958 = tpu.memref_squeeze %dma_wait3A_957 : memref<1x4x8192xf32, #tpu.memory_space<vmem>> -> memref<4x8192xf32, #tpu.memory_space<vmem>>
    %dma_wait3A_959 = arith.constant 0 : i32
    %dma_wait3A_960 = tpu.memref_slice %arg2[%add3A_770, %dma_wait3A_959] : memref<4096x8192xf32, #tpu.memory_space<hbm>> -> memref<4x8192xf32, #tpu.memory_space<hbm>>
    tpu.wait_dma2 semaphore(%arg7 : memref<!tpu.dma_semaphore, #tpu.memory_space<semaphore_mem>>) src(%dma_wait3A_960 : memref<4x8192xf32, #tpu.memory_space<hbm>>) dst(%dma_wait3A_958 : memref<4x8192xf32, #tpu.memory_space<vmem>>)
    %add3A_961 = arith.constant 44 : i32
    %add3A_962 = arith.addi %mul3A_2, %add3A_961 : i32
    %dma_start3A_963 = arith.constant 2 : i32
    %dma_start3A_964 = arith.constant 0 : i32
    %dma_start3A_965 = arith.constant 0 : i32
    %dma_start3A_966 = tpu.memref_slice %arg4[%dma_start3A_963, %dma_start3A_964, %dma_start3A_965] : memref<3x4x8192xf32, #tpu.memory_space<vmem>> -> memref<1x4x7192xf32, #tpu.memory_space<vmem>>
    %dma_start3A_967 = tpu.memref_squeeze %dma_start3A_966 : memref<1x4x7192xf32, #tpu.memory_space<vmem>> -> memref<4x7192xf32, #tpu.memory_space<vmem>>
    %dma_start3A_968 = arith.constant 1000 : i32
    %dma_start3A_969 = tpu.memref_slice %arg3[%add3A_962, %dma_start3A_968] : memref<4096x8192xf32, #tpu.memory_space<hbm>> -> memref<4x7192xf32, #tpu.memory_space<hbm>>
    %dma_start3A_970 = arith.constant 1000 : i32
    %dma_start3A_971 = tpu.memref_slice %arg3[%add3A_962, %dma_start3A_970] : memref<4096x8192xf32, #tpu.memory_space<hbm>> -> memref<4x7192xf32, #tpu.memory_space<hbm>>
    %dma_start3A_972 = arith.constant 0 : i32
    %dma_start3A_973 = arith.constant 0 : i32
    %dma_start3A_974 = tpu.memref_slice %arg4[%dma_start3A_963, %dma_start3A_972, %dma_start3A_973] : memref<3x4x8192xf32, #tpu.memory_space<vmem>> -> memref<1x4x7192xf32, #tpu.memory_space<vmem>>
    %dma_start3A_975 = tpu.memref_squeeze %dma_start3A_974 : memref<1x4x7192xf32, #tpu.memory_space<vmem>> -> memref<4x7192xf32, #tpu.memory_space<vmem>>
    tpu.enqueue_dma source(%dma_start3A_975 : memref<4x7192xf32, #tpu.memory_space<vmem>>) target(%dma_start3A_971 : memref<4x7192xf32, #tpu.memory_space<hbm>>) target_semaphore(%arg10 : memref<!tpu.dma_semaphore, #tpu.memory_space<semaphore_mem>>)
    %dma_start3A_976 = arith.constant 2 : i32
    %dma_start3A_977 = arith.constant 0 : i32
    %dma_start3A_978 = arith.constant 7192 : i32
    %dma_start3A_979 = tpu.memref_slice %arg4[%dma_start3A_976, %dma_start3A_977, %dma_start3A_978] : memref<3x4x8192xf32, #tpu.memory_space<vmem>> -> memref<1x4x1000xf32, #tpu.memory_space<vmem>>
    %dma_start3A_980 = tpu.memref_squeeze %dma_start3A_979 : memref<1x4x1000xf32, #tpu.memory_space<vmem>> -> memref<4x1000xf32, #tpu.memory_space<vmem>>
    %dma_start3A_981 = arith.constant 0 : i32
    %dma_start3A_982 = tpu.memref_slice %arg3[%add3A_962, %dma_start3A_981] : memref<4096x8192xf32, #tpu.memory_space<hbm>> -> memref<4x1000xf32, #tpu.memory_space<hbm>>
    %dma_start3A_983 = arith.constant 0 : i32
    %dma_start3A_984 = tpu.memref_slice %arg3[%add3A_962, %dma_start3A_983] : memref<4096x8192xf32, #tpu.memory_space<hbm>> -> memref<4x1000xf32, #tpu.memory_space<hbm>>
    %dma_start3A_985 = arith.constant 0 : i32
    %dma_start3A_986 = arith.constant 7192 : i32
    %dma_start3A_987 = tpu.memref_slice %arg4[%dma_start3A_976, %dma_start3A_985, %dma_start3A_986] : memref<3x4x8192xf32, #tpu.memory_space<vmem>> -> memref<1x4x1000xf32, #tpu.memory_space<vmem>>
    %dma_start3A_988 = tpu.memref_squeeze %dma_start3A_987 : memref<1x4x1000xf32, #tpu.memory_space<vmem>> -> memref<4x1000xf32, #tpu.memory_space<vmem>>
    tpu.enqueue_dma source(%dma_start3A_988 : memref<4x1000xf32, #tpu.memory_space<vmem>>) target(%dma_start3A_984 : memref<4x1000xf32, #tpu.memory_space<hbm>>) target_semaphore(%arg10 : memref<!tpu.dma_semaphore, #tpu.memory_space<semaphore_mem>>)
    %dma_wait3A_989 = arith.constant 2 : i32
    %dma_wait3A_990 = arith.constant 0 : i32
    %dma_wait3A_991 = arith.constant 0 : i32
    %dma_wait3A_992 = tpu.memref_slice %arg4[%dma_wait3A_989, %dma_wait3A_990, %dma_wait3A_991] : memref<3x4x8192xf32, #tpu.memory_space<vmem>> -> memref<1x4x7192xf32, #tpu.memory_space<vmem>>
    %dma_wait3A_993 = tpu.memref_squeeze %dma_wait3A_992 : memref<1x4x7192xf32, #tpu.memory_space<vmem>> -> memref<4x7192xf32, #tpu.memory_space<vmem>>
    %dma_wait3A_994 = arith.constant 1000 : i32
    %dma_wait3A_995 = tpu.memref_slice %arg3[%add3A_962, %dma_wait3A_994] : memref<4096x8192xf32, #tpu.memory_space<hbm>> -> memref<4x7192xf32, #tpu.memory_space<hbm>>
    %dma_wait3A_996 = arith.constant 1000 : i32
    %dma_wait3A_997 = tpu.memref_slice %arg3[%add3A_962, %dma_wait3A_996] : memref<4096x8192xf32, #tpu.memory_space<hbm>> -> memref<4x7192xf32, #tpu.memory_space<hbm>>
    %dma_wait3A_998 = arith.constant 0 : i32
    %dma_wait3A_999 = arith.constant 0 : i32
    %dma_wait3A_1000 = tpu.memref_slice %arg4[%dma_wait3A_989, %dma_wait3A_998, %dma_wait3A_999] : memref<3x4x8192xf32, #tpu.memory_space<vmem>> -> memref<1x4x7192xf32, #tpu.memory_space<vmem>>
    %dma_wait3A_1001 = tpu.memref_squeeze %dma_wait3A_1000 : memref<1x4x7192xf32, #tpu.memory_space<vmem>> -> memref<4x7192xf32, #tpu.memory_space<vmem>>
    tpu.wait_dma2 semaphore(%arg10 : memref<!tpu.dma_semaphore, #tpu.memory_space<semaphore_mem>>) src(%dma_wait3A_1001 : memref<4x7192xf32, #tpu.memory_space<vmem>>) dst(%dma_wait3A_997 : memref<4x7192xf32, #tpu.memory_space<hbm>>)
    %dma_wait3A_1002 = arith.constant 2 : i32
    %dma_wait3A_1003 = arith.constant 0 : i32
    %dma_wait3A_1004 = arith.constant 7192 : i32
    %dma_wait3A_1005 = tpu.memref_slice %arg4[%dma_wait3A_1002, %dma_wait3A_1003, %dma_wait3A_1004] : memref<3x4x8192xf32, #tpu.memory_space<vmem>> -> memref<1x4x1000xf32, #tpu.memory_space<vmem>>
    %dma_wait3A_1006 = tpu.memref_squeeze %dma_wait3A_1005 : memref<1x4x1000xf32, #tpu.memory_space<vmem>> -> memref<4x1000xf32, #tpu.memory_space<vmem>>
    %dma_wait3A_1007 = arith.constant 0 : i32
    %dma_wait3A_1008 = tpu.memref_slice %arg3[%add3A_962, %dma_wait3A_1007] : memref<4096x8192xf32, #tpu.memory_space<hbm>> -> memref<4x1000xf32, #tpu.memory_space<hbm>>
    %dma_wait3A_1009 = arith.constant 0 : i32
    %dma_wait3A_1010 = tpu.memref_slice %arg3[%add3A_962, %dma_wait3A_1009] : memref<4096x8192xf32, #tpu.memory_space<hbm>> -> memref<4x1000xf32, #tpu.memory_space<hbm>>
    %dma_wait3A_1011 = arith.constant 0 : i32
    %dma_wait3A_1012 = arith.constant 7192 : i32
    %dma_wait3A_1013 = tpu.memref_slice %arg4[%dma_wait3A_1002, %dma_wait3A_1011, %dma_wait3A_1012] : memref<3x4x8192xf32, #tpu.memory_space<vmem>> -> memref<1x4x1000xf32, #tpu.memory_space<vmem>>
    %dma_wait3A_1014 = tpu.memref_squeeze %dma_wait3A_1013 : memref<1x4x1000xf32, #tpu.memory_space<vmem>> -> memref<4x1000xf32, #tpu.memory_space<vmem>>
    tpu.wait_dma2 semaphore(%arg10 : memref<!tpu.dma_semaphore, #tpu.memory_space<semaphore_mem>>) src(%dma_wait3A_1014 : memref<4x1000xf32, #tpu.memory_space<vmem>>) dst(%dma_wait3A_1010 : memref<4x1000xf32, #tpu.memory_space<hbm>>)
    %add3A_1015 = arith.constant 56 : i32
    %add3A_1016 = arith.addi %mul3A_2, %add3A_1015 : i32
    %dma_start3A_1017 = arith.constant 2 : i32
    %dma_start3A_1018 = arith.constant 0 : i32
    %dma_start3A_1019 = arith.constant 0 : i32
    %dma_start3A_1020 = tpu.memref_slice %arg4[%dma_start3A_1017, %dma_start3A_1018, %dma_start3A_1019] : memref<3x4x8192xf32, #tpu.memory_space<vmem>> -> memref<1x4x8192xf32, #tpu.memory_space<vmem>>
    %dma_start3A_1021 = tpu.memref_squeeze %dma_start3A_1020 : memref<1x4x8192xf32, #tpu.memory_space<vmem>> -> memref<4x8192xf32, #tpu.memory_space<vmem>>
    %dma_start3A_1022 = arith.constant 0 : i32
    %dma_start3A_1023 = tpu.memref_slice %arg2[%add3A_1016, %dma_start3A_1022] : memref<4096x8192xf32, #tpu.memory_space<hbm>> -> memref<4x8192xf32, #tpu.memory_space<hbm>>
    %dma_start3A_1024 = arith.constant 0 : i32
    %dma_start3A_1025 = arith.constant 0 : i32
    %dma_start3A_1026 = tpu.memref_slice %arg4[%dma_start3A_1017, %dma_start3A_1024, %dma_start3A_1025] : memref<3x4x8192xf32, #tpu.memory_space<vmem>> -> memref<1x4x8192xf32, #tpu.memory_space<vmem>>
    %dma_start3A_1027 = tpu.memref_squeeze %dma_start3A_1026 : memref<1x4x8192xf32, #tpu.memory_space<vmem>> -> memref<4x8192xf32, #tpu.memory_space<vmem>>
    %dma_start3A_1028 = arith.constant 0 : i32
    %dma_start3A_1029 = tpu.memref_slice %arg2[%add3A_1016, %dma_start3A_1028] : memref<4096x8192xf32, #tpu.memory_space<hbm>> -> memref<4x8192xf32, #tpu.memory_space<hbm>>
    tpu.enqueue_dma source(%dma_start3A_1029 : memref<4x8192xf32, #tpu.memory_space<hbm>>) target(%dma_start3A_1027 : memref<4x8192xf32, #tpu.memory_space<vmem>>) target_semaphore(%arg7 : memref<!tpu.dma_semaphore, #tpu.memory_space<semaphore_mem>>)
    %dma_wait3A_1030 = arith.constant 0 : i32
    %dma_wait3A_1031 = arith.constant 0 : i32
    %dma_wait3A_1032 = arith.constant 0 : i32
    %dma_wait3A_1033 = tpu.memref_slice %arg4[%dma_wait3A_1030, %dma_wait3A_1031, %dma_wait3A_1032] : memref<3x4x8192xf32, #tpu.memory_space<vmem>> -> memref<1x4x8192xf32, #tpu.memory_space<vmem>>
    %dma_wait3A_1034 = tpu.memref_squeeze %dma_wait3A_1033 : memref<1x4x8192xf32, #tpu.memory_space<vmem>> -> memref<4x8192xf32, #tpu.memory_space<vmem>>
    %dma_wait3A_1035 = arith.constant 0 : i32
    %dma_wait3A_1036 = tpu.memref_slice %arg2[%add3A_852, %dma_wait3A_1035] : memref<4096x8192xf32, #tpu.memory_space<hbm>> -> memref<4x8192xf32, #tpu.memory_space<hbm>>
    %dma_wait3A_1037 = arith.constant 0 : i32
    %dma_wait3A_1038 = arith.constant 0 : i32
    %dma_wait3A_1039 = tpu.memref_slice %arg4[%dma_wait3A_1030, %dma_wait3A_1037, %dma_wait3A_1038] : memref<3x4x8192xf32, #tpu.memory_space<vmem>> -> memref<1x4x8192xf32, #tpu.memory_space<vmem>>
    %dma_wait3A_1040 = tpu.memref_squeeze %dma_wait3A_1039 : memref<1x4x8192xf32, #tpu.memory_space<vmem>> -> memref<4x8192xf32, #tpu.memory_space<vmem>>
    %dma_wait3A_1041 = arith.constant 0 : i32
    %dma_wait3A_1042 = tpu.memref_slice %arg2[%add3A_852, %dma_wait3A_1041] : memref<4096x8192xf32, #tpu.memory_space<hbm>> -> memref<4x8192xf32, #tpu.memory_space<hbm>>
    tpu.wait_dma2 semaphore(%arg5 : memref<!tpu.dma_semaphore, #tpu.memory_space<semaphore_mem>>) src(%dma_wait3A_1042 : memref<4x8192xf32, #tpu.memory_space<hbm>>) dst(%dma_wait3A_1040 : memref<4x8192xf32, #tpu.memory_space<vmem>>)
    %add3A_1043 = arith.constant 48 : i32
    %add3A_1044 = arith.addi %mul3A_2, %add3A_1043 : i32
    %dma_start3A_1045 = arith.constant 0 : i32
    %dma_start3A_1046 = arith.constant 0 : i32
    %dma_start3A_1047 = arith.constant 0 : i32
    %dma_start3A_1048 = tpu.memref_slice %arg4[%dma_start3A_1045, %dma_start3A_1046, %dma_start3A_1047] : memref<3x4x8192xf32, #tpu.memory_space<vmem>> -> memref<1x4x7192xf32, #tpu.memory_space<vmem>>
    %dma_start3A_1049 = tpu.memref_squeeze %dma_start3A_1048 : memref<1x4x7192xf32, #tpu.memory_space<vmem>> -> memref<4x7192xf32, #tpu.memory_space<vmem>>
    %dma_start3A_1050 = arith.constant 1000 : i32
    %dma_start3A_1051 = tpu.memref_slice %arg3[%add3A_1044, %dma_start3A_1050] : memref<4096x8192xf32, #tpu.memory_space<hbm>> -> memref<4x7192xf32, #tpu.memory_space<hbm>>
    %dma_start3A_1052 = arith.constant 1000 : i32
    %dma_start3A_1053 = tpu.memref_slice %arg3[%add3A_1044, %dma_start3A_1052] : memref<4096x8192xf32, #tpu.memory_space<hbm>> -> memref<4x7192xf32, #tpu.memory_space<hbm>>
    %dma_start3A_1054 = arith.constant 0 : i32
    %dma_start3A_1055 = arith.constant 0 : i32
    %dma_start3A_1056 = tpu.memref_slice %arg4[%dma_start3A_1045, %dma_start3A_1054, %dma_start3A_1055] : memref<3x4x8192xf32, #tpu.memory_space<vmem>> -> memref<1x4x7192xf32, #tpu.memory_space<vmem>>
    %dma_start3A_1057 = tpu.memref_squeeze %dma_start3A_1056 : memref<1x4x7192xf32, #tpu.memory_space<vmem>> -> memref<4x7192xf32, #tpu.memory_space<vmem>>
    tpu.enqueue_dma source(%dma_start3A_1057 : memref<4x7192xf32, #tpu.memory_space<vmem>>) target(%dma_start3A_1053 : memref<4x7192xf32, #tpu.memory_space<hbm>>) target_semaphore(%arg8 : memref<!tpu.dma_semaphore, #tpu.memory_space<semaphore_mem>>)
    %dma_start3A_1058 = arith.constant 0 : i32
    %dma_start3A_1059 = arith.constant 0 : i32
    %dma_start3A_1060 = arith.constant 7192 : i32
    %dma_start3A_1061 = tpu.memref_slice %arg4[%dma_start3A_1058, %dma_start3A_1059, %dma_start3A_1060] : memref<3x4x8192xf32, #tpu.memory_space<vmem>> -> memref<1x4x1000xf32, #tpu.memory_space<vmem>>
    %dma_start3A_1062 = tpu.memref_squeeze %dma_start3A_1061 : memref<1x4x1000xf32, #tpu.memory_space<vmem>> -> memref<4x1000xf32, #tpu.memory_space<vmem>>
    %dma_start3A_1063 = arith.constant 0 : i32
    %dma_start3A_1064 = tpu.memref_slice %arg3[%add3A_1044, %dma_start3A_1063] : memref<4096x8192xf32, #tpu.memory_space<hbm>> -> memref<4x1000xf32, #tpu.memory_space<hbm>>
    %dma_start3A_1065 = arith.constant 0 : i32
    %dma_start3A_1066 = tpu.memref_slice %arg3[%add3A_1044, %dma_start3A_1065] : memref<4096x8192xf32, #tpu.memory_space<hbm>> -> memref<4x1000xf32, #tpu.memory_space<hbm>>
    %dma_start3A_1067 = arith.constant 0 : i32
    %dma_start3A_1068 = arith.constant 7192 : i32
    %dma_start3A_1069 = tpu.memref_slice %arg4[%dma_start3A_1058, %dma_start3A_1067, %dma_start3A_1068] : memref<3x4x8192xf32, #tpu.memory_space<vmem>> -> memref<1x4x1000xf32, #tpu.memory_space<vmem>>
    %dma_start3A_1070 = tpu.memref_squeeze %dma_start3A_1069 : memref<1x4x1000xf32, #tpu.memory_space<vmem>> -> memref<4x1000xf32, #tpu.memory_space<vmem>>
    tpu.enqueue_dma source(%dma_start3A_1070 : memref<4x1000xf32, #tpu.memory_space<vmem>>) target(%dma_start3A_1066 : memref<4x1000xf32, #tpu.memory_space<hbm>>) target_semaphore(%arg8 : memref<!tpu.dma_semaphore, #tpu.memory_space<semaphore_mem>>)
    %dma_wait3A_1071 = arith.constant 0 : i32
    %dma_wait3A_1072 = arith.constant 0 : i32
    %dma_wait3A_1073 = arith.constant 0 : i32
    %dma_wait3A_1074 = tpu.memref_slice %arg4[%dma_wait3A_1071, %dma_wait3A_1072, %dma_wait3A_1073] : memref<3x4x8192xf32, #tpu.memory_space<vmem>> -> memref<1x4x7192xf32, #tpu.memory_space<vmem>>
    %dma_wait3A_1075 = tpu.memref_squeeze %dma_wait3A_1074 : memref<1x4x7192xf32, #tpu.memory_space<vmem>> -> memref<4x7192xf32, #tpu.memory_space<vmem>>
    %dma_wait3A_1076 = arith.constant 1000 : i32
    %dma_wait3A_1077 = tpu.memref_slice %arg3[%add3A_1044, %dma_wait3A_1076] : memref<4096x8192xf32, #tpu.memory_space<hbm>> -> memref<4x7192xf32, #tpu.memory_space<hbm>>
    %dma_wait3A_1078 = arith.constant 1000 : i32
    %dma_wait3A_1079 = tpu.memref_slice %arg3[%add3A_1044, %dma_wait3A_1078] : memref<4096x8192xf32, #tpu.memory_space<hbm>> -> memref<4x7192xf32, #tpu.memory_space<hbm>>
    %dma_wait3A_1080 = arith.constant 0 : i32
    %dma_wait3A_1081 = arith.constant 0 : i32
    %dma_wait3A_1082 = tpu.memref_slice %arg4[%dma_wait3A_1071, %dma_wait3A_1080, %dma_wait3A_1081] : memref<3x4x8192xf32, #tpu.memory_space<vmem>> -> memref<1x4x7192xf32, #tpu.memory_space<vmem>>
    %dma_wait3A_1083 = tpu.memref_squeeze %dma_wait3A_1082 : memref<1x4x7192xf32, #tpu.memory_space<vmem>> -> memref<4x7192xf32, #tpu.memory_space<vmem>>
    tpu.wait_dma2 semaphore(%arg8 : memref<!tpu.dma_semaphore, #tpu.memory_space<semaphore_mem>>) src(%dma_wait3A_1083 : memref<4x7192xf32, #tpu.memory_space<vmem>>) dst(%dma_wait3A_1079 : memref<4x7192xf32, #tpu.memory_space<hbm>>)
    %dma_wait3A_1084 = arith.constant 0 : i32
    %dma_wait3A_1085 = arith.constant 0 : i32
    %dma_wait3A_1086 = arith.constant 7192 : i32
    %dma_wait3A_1087 = tpu.memref_slice %arg4[%dma_wait3A_1084, %dma_wait3A_1085, %dma_wait3A_1086] : memref<3x4x8192xf32, #tpu.memory_space<vmem>> -> memref<1x4x1000xf32, #tpu.memory_space<vmem>>
    %dma_wait3A_1088 = tpu.memref_squeeze %dma_wait3A_1087 : memref<1x4x1000xf32, #tpu.memory_space<vmem>> -> memref<4x1000xf32, #tpu.memory_space<vmem>>
    %dma_wait3A_1089 = arith.constant 0 : i32
    %dma_wait3A_1090 = tpu.memref_slice %arg3[%add3A_1044, %dma_wait3A_1089] : memref<4096x8192xf32, #tpu.memory_space<hbm>> -> memref<4x1000xf32, #tpu.memory_space<hbm>>
    %dma_wait3A_1091 = arith.constant 0 : i32
    %dma_wait3A_1092 = tpu.memref_slice %arg3[%add3A_1044, %dma_wait3A_1091] : memref<4096x8192xf32, #tpu.memory_space<hbm>> -> memref<4x1000xf32, #tpu.memory_space<hbm>>
    %dma_wait3A_1093 = arith.constant 0 : i32
    %dma_wait3A_1094 = arith.constant 7192 : i32
    %dma_wait3A_1095 = tpu.memref_slice %arg4[%dma_wait3A_1084, %dma_wait3A_1093, %dma_wait3A_1094] : memref<3x4x8192xf32, #tpu.memory_space<vmem>> -> memref<1x4x1000xf32, #tpu.memory_space<vmem>>
    %dma_wait3A_1096 = tpu.memref_squeeze %dma_wait3A_1095 : memref<1x4x1000xf32, #tpu.memory_space<vmem>> -> memref<4x1000xf32, #tpu.memory_space<vmem>>
    tpu.wait_dma2 semaphore(%arg8 : memref<!tpu.dma_semaphore, #tpu.memory_space<semaphore_mem>>) src(%dma_wait3A_1096 : memref<4x1000xf32, #tpu.memory_space<vmem>>) dst(%dma_wait3A_1092 : memref<4x1000xf32, #tpu.memory_space<hbm>>)
    %add3A_1097 = arith.constant 60 : i32
    %add3A_1098 = arith.addi %mul3A_2, %add3A_1097 : i32
    %dma_start3A_1099 = arith.constant 0 : i32
    %dma_start3A_1100 = arith.constant 0 : i32
    %dma_start3A_1101 = arith.constant 0 : i32
    %dma_start3A_1102 = tpu.memref_slice %arg4[%dma_start3A_1099, %dma_start3A_1100, %dma_start3A_1101] : memref<3x4x8192xf32, #tpu.memory_space<vmem>> -> memref<1x4x8192xf32, #tpu.memory_space<vmem>>
    %dma_start3A_1103 = tpu.memref_squeeze %dma_start3A_1102 : memref<1x4x8192xf32, #tpu.memory_space<vmem>> -> memref<4x8192xf32, #tpu.memory_space<vmem>>
    %dma_start3A_1104 = arith.constant 0 : i32
    %dma_start3A_1105 = tpu.memref_slice %arg2[%add3A_1098, %dma_start3A_1104] : memref<4096x8192xf32, #tpu.memory_space<hbm>> -> memref<4x8192xf32, #tpu.memory_space<hbm>>
    %dma_start3A_1106 = arith.constant 0 : i32
    %dma_start3A_1107 = arith.constant 0 : i32
    %dma_start3A_1108 = tpu.memref_slice %arg4[%dma_start3A_1099, %dma_start3A_1106, %dma_start3A_1107] : memref<3x4x8192xf32, #tpu.memory_space<vmem>> -> memref<1x4x8192xf32, #tpu.memory_space<vmem>>
    %dma_start3A_1109 = tpu.memref_squeeze %dma_start3A_1108 : memref<1x4x8192xf32, #tpu.memory_space<vmem>> -> memref<4x8192xf32, #tpu.memory_space<vmem>>
    %dma_start3A_1110 = arith.constant 0 : i32
    %dma_start3A_1111 = tpu.memref_slice %arg2[%add3A_1098, %dma_start3A_1110] : memref<4096x8192xf32, #tpu.memory_space<hbm>> -> memref<4x8192xf32, #tpu.memory_space<hbm>>
    tpu.enqueue_dma source(%dma_start3A_1111 : memref<4x8192xf32, #tpu.memory_space<hbm>>) target(%dma_start3A_1109 : memref<4x8192xf32, #tpu.memory_space<vmem>>) target_semaphore(%arg5 : memref<!tpu.dma_semaphore, #tpu.memory_space<semaphore_mem>>)
    %dma_wait3A_1112 = arith.constant 1 : i32
    %dma_wait3A_1113 = arith.constant 0 : i32
    %dma_wait3A_1114 = arith.constant 0 : i32
    %dma_wait3A_1115 = tpu.memref_slice %arg4[%dma_wait3A_1112, %dma_wait3A_1113, %dma_wait3A_1114] : memref<3x4x8192xf32, #tpu.memory_space<vmem>> -> memref<1x4x8192xf32, #tpu.memory_space<vmem>>
    %dma_wait3A_1116 = tpu.memref_squeeze %dma_wait3A_1115 : memref<1x4x8192xf32, #tpu.memory_space<vmem>> -> memref<4x8192xf32, #tpu.memory_space<vmem>>
    %dma_wait3A_1117 = arith.constant 0 : i32
    %dma_wait3A_1118 = tpu.memref_slice %arg2[%add3A_934, %dma_wait3A_1117] : memref<4096x8192xf32, #tpu.memory_space<hbm>> -> memref<4x8192xf32, #tpu.memory_space<hbm>>
    %dma_wait3A_1119 = arith.constant 0 : i32
    %dma_wait3A_1120 = arith.constant 0 : i32
    %dma_wait3A_1121 = tpu.memref_slice %arg4[%dma_wait3A_1112, %dma_wait3A_1119, %dma_wait3A_1120] : memref<3x4x8192xf32, #tpu.memory_space<vmem>> -> memref<1x4x8192xf32, #tpu.memory_space<vmem>>
    %dma_wait3A_1122 = tpu.memref_squeeze %dma_wait3A_1121 : memref<1x4x8192xf32, #tpu.memory_space<vmem>> -> memref<4x8192xf32, #tpu.memory_space<vmem>>
    %dma_wait3A_1123 = arith.constant 0 : i32
    %dma_wait3A_1124 = tpu.memref_slice %arg2[%add3A_934, %dma_wait3A_1123] : memref<4096x8192xf32, #tpu.memory_space<hbm>> -> memref<4x8192xf32, #tpu.memory_space<hbm>>
    tpu.wait_dma2 semaphore(%arg6 : memref<!tpu.dma_semaphore, #tpu.memory_space<semaphore_mem>>) src(%dma_wait3A_1124 : memref<4x8192xf32, #tpu.memory_space<hbm>>) dst(%dma_wait3A_1122 : memref<4x8192xf32, #tpu.memory_space<vmem>>)
    %add3A_1125 = arith.constant 52 : i32
    %add3A_1126 = arith.addi %mul3A_2, %add3A_1125 : i32
    %dma_start3A_1127 = arith.constant 1 : i32
    %dma_start3A_1128 = arith.constant 0 : i32
    %dma_start3A_1129 = arith.constant 0 : i32
    %dma_start3A_1130 = tpu.memref_slice %arg4[%dma_start3A_1127, %dma_start3A_1128, %dma_start3A_1129] : memref<3x4x8192xf32, #tpu.memory_space<vmem>> -> memref<1x4x7192xf32, #tpu.memory_space<vmem>>
    %dma_start3A_1131 = tpu.memref_squeeze %dma_start3A_1130 : memref<1x4x7192xf32, #tpu.memory_space<vmem>> -> memref<4x7192xf32, #tpu.memory_space<vmem>>
    %dma_start3A_1132 = arith.constant 1000 : i32
    %dma_start3A_1133 = tpu.memref_slice %arg3[%add3A_1126, %dma_start3A_1132] : memref<4096x8192xf32, #tpu.memory_space<hbm>> -> memref<4x7192xf32, #tpu.memory_space<hbm>>
    %dma_start3A_1134 = arith.constant 1000 : i32
    %dma_start3A_1135 = tpu.memref_slice %arg3[%add3A_1126, %dma_start3A_1134] : memref<4096x8192xf32, #tpu.memory_space<hbm>> -> memref<4x7192xf32, #tpu.memory_space<hbm>>
    %dma_start3A_1136 = arith.constant 0 : i32
    %dma_start3A_1137 = arith.constant 0 : i32
    %dma_start3A_1138 = tpu.memref_slice %arg4[%dma_start3A_1127, %dma_start3A_1136, %dma_start3A_1137] : memref<3x4x8192xf32, #tpu.memory_space<vmem>> -> memref<1x4x7192xf32, #tpu.memory_space<vmem>>
    %dma_start3A_1139 = tpu.memref_squeeze %dma_start3A_1138 : memref<1x4x7192xf32, #tpu.memory_space<vmem>> -> memref<4x7192xf32, #tpu.memory_space<vmem>>
    tpu.enqueue_dma source(%dma_start3A_1139 : memref<4x7192xf32, #tpu.memory_space<vmem>>) target(%dma_start3A_1135 : memref<4x7192xf32, #tpu.memory_space<hbm>>) target_semaphore(%arg9 : memref<!tpu.dma_semaphore, #tpu.memory_space<semaphore_mem>>)
    %dma_start3A_1140 = arith.constant 1 : i32
    %dma_start3A_1141 = arith.constant 0 : i32
    %dma_start3A_1142 = arith.constant 7192 : i32
    %dma_start3A_1143 = tpu.memref_slice %arg4[%dma_start3A_1140, %dma_start3A_1141, %dma_start3A_1142] : memref<3x4x8192xf32, #tpu.memory_space<vmem>> -> memref<1x4x1000xf32, #tpu.memory_space<vmem>>
    %dma_start3A_1144 = tpu.memref_squeeze %dma_start3A_1143 : memref<1x4x1000xf32, #tpu.memory_space<vmem>> -> memref<4x1000xf32, #tpu.memory_space<vmem>>
    %dma_start3A_1145 = arith.constant 0 : i32
    %dma_start3A_1146 = tpu.memref_slice %arg3[%add3A_1126, %dma_start3A_1145] : memref<4096x8192xf32, #tpu.memory_space<hbm>> -> memref<4x1000xf32, #tpu.memory_space<hbm>>
    %dma_start3A_1147 = arith.constant 0 : i32
    %dma_start3A_1148 = tpu.memref_slice %arg3[%add3A_1126, %dma_start3A_1147] : memref<4096x8192xf32, #tpu.memory_space<hbm>> -> memref<4x1000xf32, #tpu.memory_space<hbm>>
    %dma_start3A_1149 = arith.constant 0 : i32
    %dma_start3A_1150 = arith.constant 7192 : i32
    %dma_start3A_1151 = tpu.memref_slice %arg4[%dma_start3A_1140, %dma_start3A_1149, %dma_start3A_1150] : memref<3x4x8192xf32, #tpu.memory_space<vmem>> -> memref<1x4x1000xf32, #tpu.memory_space<vmem>>
    %dma_start3A_1152 = tpu.memref_squeeze %dma_start3A_1151 : memref<1x4x1000xf32, #tpu.memory_space<vmem>> -> memref<4x1000xf32, #tpu.memory_space<vmem>>
    tpu.enqueue_dma source(%dma_start3A_1152 : memref<4x1000xf32, #tpu.memory_space<vmem>>) target(%dma_start3A_1148 : memref<4x1000xf32, #tpu.memory_space<hbm>>) target_semaphore(%arg9 : memref<!tpu.dma_semaphore, #tpu.memory_space<semaphore_mem>>)
    %dma_wait3A_1153 = arith.constant 1 : i32
    %dma_wait3A_1154 = arith.constant 0 : i32
    %dma_wait3A_1155 = arith.constant 0 : i32
    %dma_wait3A_1156 = tpu.memref_slice %arg4[%dma_wait3A_1153, %dma_wait3A_1154, %dma_wait3A_1155] : memref<3x4x8192xf32, #tpu.memory_space<vmem>> -> memref<1x4x7192xf32, #tpu.memory_space<vmem>>
    %dma_wait3A_1157 = tpu.memref_squeeze %dma_wait3A_1156 : memref<1x4x7192xf32, #tpu.memory_space<vmem>> -> memref<4x7192xf32, #tpu.memory_space<vmem>>
    %dma_wait3A_1158 = arith.constant 1000 : i32
    %dma_wait3A_1159 = tpu.memref_slice %arg3[%add3A_1126, %dma_wait3A_1158] : memref<4096x8192xf32, #tpu.memory_space<hbm>> -> memref<4x7192xf32, #tpu.memory_space<hbm>>
    %dma_wait3A_1160 = arith.constant 1000 : i32
    %dma_wait3A_1161 = tpu.memref_slice %arg3[%add3A_1126, %dma_wait3A_1160] : memref<4096x8192xf32, #tpu.memory_space<hbm>> -> memref<4x7192xf32, #tpu.memory_space<hbm>>
    %dma_wait3A_1162 = arith.constant 0 : i32
    %dma_wait3A_1163 = arith.constant 0 : i32
    %dma_wait3A_1164 = tpu.memref_slice %arg4[%dma_wait3A_1153, %dma_wait3A_1162, %dma_wait3A_1163] : memref<3x4x8192xf32, #tpu.memory_space<vmem>> -> memref<1x4x7192xf32, #tpu.memory_space<vmem>>
    %dma_wait3A_1165 = tpu.memref_squeeze %dma_wait3A_1164 : memref<1x4x7192xf32, #tpu.memory_space<vmem>> -> memref<4x7192xf32, #tpu.memory_space<vmem>>
    tpu.wait_dma2 semaphore(%arg9 : memref<!tpu.dma_semaphore, #tpu.memory_space<semaphore_mem>>) src(%dma_wait3A_1165 : memref<4x7192xf32, #tpu.memory_space<vmem>>) dst(%dma_wait3A_1161 : memref<4x7192xf32, #tpu.memory_space<hbm>>)
    %dma_wait3A_1166 = arith.constant 1 : i32
    %dma_wait3A_1167 = arith.constant 0 : i32
    %dma_wait3A_1168 = arith.constant 7192 : i32
    %dma_wait3A_1169 = tpu.memref_slice %arg4[%dma_wait3A_1166, %dma_wait3A_1167, %dma_wait3A_1168] : memref<3x4x8192xf32, #tpu.memory_space<vmem>> -> memref<1x4x1000xf32, #tpu.memory_space<vmem>>
    %dma_wait3A_1170 = tpu.memref_squeeze %dma_wait3A_1169 : memref<1x4x1000xf32, #tpu.memory_space<vmem>> -> memref<4x1000xf32, #tpu.memory_space<vmem>>
    %dma_wait3A_1171 = arith.constant 0 : i32
    %dma_wait3A_1172 = tpu.memref_slice %arg3[%add3A_1126, %dma_wait3A_1171] : memref<4096x8192xf32, #tpu.memory_space<hbm>> -> memref<4x1000xf32, #tpu.memory_space<hbm>>
    %dma_wait3A_1173 = arith.constant 0 : i32
    %dma_wait3A_1174 = tpu.memref_slice %arg3[%add3A_1126, %dma_wait3A_1173] : memref<4096x8192xf32, #tpu.memory_space<hbm>> -> memref<4x1000xf32, #tpu.memory_space<hbm>>
    %dma_wait3A_1175 = arith.constant 0 : i32
    %dma_wait3A_1176 = arith.constant 7192 : i32
    %dma_wait3A_1177 = tpu.memref_slice %arg4[%dma_wait3A_1166, %dma_wait3A_1175, %dma_wait3A_1176] : memref<3x4x8192xf32, #tpu.memory_space<vmem>> -> memref<1x4x1000xf32, #tpu.memory_space<vmem>>
    %dma_wait3A_1178 = tpu.memref_squeeze %dma_wait3A_1177 : memref<1x4x1000xf32, #tpu.memory_space<vmem>> -> memref<4x1000xf32, #tpu.memory_space<vmem>>
    tpu.wait_dma2 semaphore(%arg9 : memref<!tpu.dma_semaphore, #tpu.memory_space<semaphore_mem>>) src(%dma_wait3A_1178 : memref<4x1000xf32, #tpu.memory_space<vmem>>) dst(%dma_wait3A_1174 : memref<4x1000xf32, #tpu.memory_space<hbm>>)
    %add3A_1179 = arith.constant 64 : i32
    %add3A_1180 = arith.addi %mul3A_2, %add3A_1179 : i32
    %dma_start3A_1181 = arith.constant 1 : i32
    %dma_start3A_1182 = arith.constant 0 : i32
    %dma_start3A_1183 = arith.constant 0 : i32
    %dma_start3A_1184 = tpu.memref_slice %arg4[%dma_start3A_1181, %dma_start3A_1182, %dma_start3A_1183] : memref<3x4x8192xf32, #tpu.memory_space<vmem>> -> memref<1x4x8192xf32, #tpu.memory_space<vmem>>
    %dma_start3A_1185 = tpu.memref_squeeze %dma_start3A_1184 : memref<1x4x8192xf32, #tpu.memory_space<vmem>> -> memref<4x8192xf32, #tpu.memory_space<vmem>>
    %dma_start3A_1186 = arith.constant 0 : i32
    %dma_start3A_1187 = tpu.memref_slice %arg2[%add3A_1180, %dma_start3A_1186] : memref<4096x8192xf32, #tpu.memory_space<hbm>> -> memref<4x8192xf32, #tpu.memory_space<hbm>>
    %dma_start3A_1188 = arith.constant 0 : i32
    %dma_start3A_1189 = arith.constant 0 : i32
    %dma_start3A_1190 = tpu.memref_slice %arg4[%dma_start3A_1181, %dma_start3A_1188, %dma_start3A_1189] : memref<3x4x8192xf32, #tpu.memory_space<vmem>> -> memref<1x4x8192xf32, #tpu.memory_space<vmem>>
    %dma_start3A_1191 = tpu.memref_squeeze %dma_start3A_1190 : memref<1x4x8192xf32, #tpu.memory_space<vmem>> -> memref<4x8192xf32, #tpu.memory_space<vmem>>
    %dma_start3A_1192 = arith.constant 0 : i32
    %dma_start3A_1193 = tpu.memref_slice %arg2[%add3A_1180, %dma_start3A_1192] : memref<4096x8192xf32, #tpu.memory_space<hbm>> -> memref<4x8192xf32, #tpu.memory_space<hbm>>
    tpu.enqueue_dma source(%dma_start3A_1193 : memref<4x8192xf32, #tpu.memory_space<hbm>>) target(%dma_start3A_1191 : memref<4x8192xf32, #tpu.memory_space<vmem>>) target_semaphore(%arg6 : memref<!tpu.dma_semaphore, #tpu.memory_space<semaphore_mem>>)
    %dma_wait3A_1194 = arith.constant 2 : i32
    %dma_wait3A_1195 = arith.constant 0 : i32
    %dma_wait3A_1196 = arith.constant 0 : i32
    %dma_wait3A_1197 = tpu.memref_slice %arg4[%dma_wait3A_1194, %dma_wait3A_1195, %dma_wait3A_1196] : memref<3x4x8192xf32, #tpu.memory_space<vmem>> -> memref<1x4x8192xf32, #tpu.memory_space<vmem>>
    %dma_wait3A_1198 = tpu.memref_squeeze %dma_wait3A_1197 : memref<1x4x8192xf32, #tpu.memory_space<vmem>> -> memref<4x8192xf32, #tpu.memory_space<vmem>>
    %dma_wait3A_1199 = arith.constant 0 : i32
    %dma_wait3A_1200 = tpu.memref_slice %arg2[%add3A_1016, %dma_wait3A_1199] : memref<4096x8192xf32, #tpu.memory_space<hbm>> -> memref<4x8192xf32, #tpu.memory_space<hbm>>
    %dma_wait3A_1201 = arith.constant 0 : i32
    %dma_wait3A_1202 = arith.constant 0 : i32
    %dma_wait3A_1203 = tpu.memref_slice %arg4[%dma_wait3A_1194, %dma_wait3A_1201, %dma_wait3A_1202] : memref<3x4x8192xf32, #tpu.memory_space<vmem>> -> memref<1x4x8192xf32, #tpu.memory_space<vmem>>
    %dma_wait3A_1204 = tpu.memref_squeeze %dma_wait3A_1203 : memref<1x4x8192xf32, #tpu.memory_space<vmem>> -> memref<4x8192xf32, #tpu.memory_space<vmem>>
    %dma_wait3A_1205 = arith.constant 0 : i32
    %dma_wait3A_1206 = tpu.memref_slice %arg2[%add3A_1016, %dma_wait3A_1205] : memref<4096x8192xf32, #tpu.memory_space<hbm>> -> memref<4x8192xf32, #tpu.memory_space<hbm>>
    tpu.wait_dma2 semaphore(%arg7 : memref<!tpu.dma_semaphore, #tpu.memory_space<semaphore_mem>>) src(%dma_wait3A_1206 : memref<4x8192xf32, #tpu.memory_space<hbm>>) dst(%dma_wait3A_1204 : memref<4x8192xf32, #tpu.memory_space<vmem>>)
    %add3A_1207 = arith.constant 56 : i32
    %add3A_1208 = arith.addi %mul3A_2, %add3A_1207 : i32
    %dma_start3A_1209 = arith.constant 2 : i32
    %dma_start3A_1210 = arith.constant 0 : i32
    %dma_start3A_1211 = arith.constant 0 : i32
    %dma_start3A_1212 = tpu.memref_slice %arg4[%dma_start3A_1209, %dma_start3A_1210, %dma_start3A_1211] : memref<3x4x8192xf32, #tpu.memory_space<vmem>> -> memref<1x4x7192xf32, #tpu.memory_space<vmem>>
    %dma_start3A_1213 = tpu.memref_squeeze %dma_start3A_1212 : memref<1x4x7192xf32, #tpu.memory_space<vmem>> -> memref<4x7192xf32, #tpu.memory_space<vmem>>
    %dma_start3A_1214 = arith.constant 1000 : i32
    %dma_start3A_1215 = tpu.memref_slice %arg3[%add3A_1208, %dma_start3A_1214] : memref<4096x8192xf32, #tpu.memory_space<hbm>> -> memref<4x7192xf32, #tpu.memory_space<hbm>>
    %dma_start3A_1216 = arith.constant 1000 : i32
    %dma_start3A_1217 = tpu.memref_slice %arg3[%add3A_1208, %dma_start3A_1216] : memref<4096x8192xf32, #tpu.memory_space<hbm>> -> memref<4x7192xf32, #tpu.memory_space<hbm>>
    %dma_start3A_1218 = arith.constant 0 : i32
    %dma_start3A_1219 = arith.constant 0 : i32
    %dma_start3A_1220 = tpu.memref_slice %arg4[%dma_start3A_1209, %dma_start3A_1218, %dma_start3A_1219] : memref<3x4x8192xf32, #tpu.memory_space<vmem>> -> memref<1x4x7192xf32, #tpu.memory_space<vmem>>
    %dma_start3A_1221 = tpu.memref_squeeze %dma_start3A_1220 : memref<1x4x7192xf32, #tpu.memory_space<vmem>> -> memref<4x7192xf32, #tpu.memory_space<vmem>>
    tpu.enqueue_dma source(%dma_start3A_1221 : memref<4x7192xf32, #tpu.memory_space<vmem>>) target(%dma_start3A_1217 : memref<4x7192xf32, #tpu.memory_space<hbm>>) target_semaphore(%arg10 : memref<!tpu.dma_semaphore, #tpu.memory_space<semaphore_mem>>)
    %dma_start3A_1222 = arith.constant 2 : i32
    %dma_start3A_1223 = arith.constant 0 : i32
    %dma_start3A_1224 = arith.constant 7192 : i32
    %dma_start3A_1225 = tpu.memref_slice %arg4[%dma_start3A_1222, %dma_start3A_1223, %dma_start3A_1224] : memref<3x4x8192xf32, #tpu.memory_space<vmem>> -> memref<1x4x1000xf32, #tpu.memory_space<vmem>>
    %dma_start3A_1226 = tpu.memref_squeeze %dma_start3A_1225 : memref<1x4x1000xf32, #tpu.memory_space<vmem>> -> memref<4x1000xf32, #tpu.memory_space<vmem>>
    %dma_start3A_1227 = arith.constant 0 : i32
    %dma_start3A_1228 = tpu.memref_slice %arg3[%add3A_1208, %dma_start3A_1227] : memref<4096x8192xf32, #tpu.memory_space<hbm>> -> memref<4x1000xf32, #tpu.memory_space<hbm>>
    %dma_start3A_1229 = arith.constant 0 : i32
    %dma_start3A_1230 = tpu.memref_slice %arg3[%add3A_1208, %dma_start3A_1229] : memref<4096x8192xf32, #tpu.memory_space<hbm>> -> memref<4x1000xf32, #tpu.memory_space<hbm>>
    %dma_start3A_1231 = arith.constant 0 : i32
    %dma_start3A_1232 = arith.constant 7192 : i32
    %dma_start3A_1233 = tpu.memref_slice %arg4[%dma_start3A_1222, %dma_start3A_1231, %dma_start3A_1232] : memref<3x4x8192xf32, #tpu.memory_space<vmem>> -> memref<1x4x1000xf32, #tpu.memory_space<vmem>>
    %dma_start3A_1234 = tpu.memref_squeeze %dma_start3A_1233 : memref<1x4x1000xf32, #tpu.memory_space<vmem>> -> memref<4x1000xf32, #tpu.memory_space<vmem>>
    tpu.enqueue_dma source(%dma_start3A_1234 : memref<4x1000xf32, #tpu.memory_space<vmem>>) target(%dma_start3A_1230 : memref<4x1000xf32, #tpu.memory_space<hbm>>) target_semaphore(%arg10 : memref<!tpu.dma_semaphore, #tpu.memory_space<semaphore_mem>>)
    %dma_wait3A_1235 = arith.constant 2 : i32
    %dma_wait3A_1236 = arith.constant 0 : i32
    %dma_wait3A_1237 = arith.constant 0 : i32
    %dma_wait3A_1238 = tpu.memref_slice %arg4[%dma_wait3A_1235, %dma_wait3A_1236, %dma_wait3A_1237] : memref<3x4x8192xf32, #tpu.memory_space<vmem>> -> memref<1x4x7192xf32, #tpu.memory_space<vmem>>
    %dma_wait3A_1239 = tpu.memref_squeeze %dma_wait3A_1238 : memref<1x4x7192xf32, #tpu.memory_space<vmem>> -> memref<4x7192xf32, #tpu.memory_space<vmem>>
    %dma_wait3A_1240 = arith.constant 1000 : i32
    %dma_wait3A_1241 = tpu.memref_slice %arg3[%add3A_1208, %dma_wait3A_1240] : memref<4096x8192xf32, #tpu.memory_space<hbm>> -> memref<4x7192xf32, #tpu.memory_space<hbm>>
    %dma_wait3A_1242 = arith.constant 1000 : i32
    %dma_wait3A_1243 = tpu.memref_slice %arg3[%add3A_1208, %dma_wait3A_1242] : memref<4096x8192xf32, #tpu.memory_space<hbm>> -> memref<4x7192xf32, #tpu.memory_space<hbm>>
    %dma_wait3A_1244 = arith.constant 0 : i32
    %dma_wait3A_1245 = arith.constant 0 : i32
    %dma_wait3A_1246 = tpu.memref_slice %arg4[%dma_wait3A_1235, %dma_wait3A_1244, %dma_wait3A_1245] : memref<3x4x8192xf32, #tpu.memory_space<vmem>> -> memref<1x4x7192xf32, #tpu.memory_space<vmem>>
    %dma_wait3A_1247 = tpu.memref_squeeze %dma_wait3A_1246 : memref<1x4x7192xf32, #tpu.memory_space<vmem>> -> memref<4x7192xf32, #tpu.memory_space<vmem>>
    tpu.wait_dma2 semaphore(%arg10 : memref<!tpu.dma_semaphore, #tpu.memory_space<semaphore_mem>>) src(%dma_wait3A_1247 : memref<4x7192xf32, #tpu.memory_space<vmem>>) dst(%dma_wait3A_1243 : memref<4x7192xf32, #tpu.memory_space<hbm>>)
    %dma_wait3A_1248 = arith.constant 2 : i32
    %dma_wait3A_1249 = arith.constant 0 : i32
    %dma_wait3A_1250 = arith.constant 7192 : i32
    %dma_wait3A_1251 = tpu.memref_slice %arg4[%dma_wait3A_1248, %dma_wait3A_1249, %dma_wait3A_1250] : memref<3x4x8192xf32, #tpu.memory_space<vmem>> -> memref<1x4x1000xf32, #tpu.memory_space<vmem>>
    %dma_wait3A_1252 = tpu.memref_squeeze %dma_wait3A_1251 : memref<1x4x1000xf32, #tpu.memory_space<vmem>> -> memref<4x1000xf32, #tpu.memory_space<vmem>>
    %dma_wait3A_1253 = arith.constant 0 : i32
    %dma_wait3A_1254 = tpu.memref_slice %arg3[%add3A_1208, %dma_wait3A_1253] : memref<4096x8192xf32, #tpu.memory_space<hbm>> -> memref<4x1000xf32, #tpu.memory_space<hbm>>
    %dma_wait3A_1255 = arith.constant 0 : i32
    %dma_wait3A_1256 = tpu.memref_slice %arg3[%add3A_1208, %dma_wait3A_1255] : memref<4096x8192xf32, #tpu.memory_space<hbm>> -> memref<4x1000xf32, #tpu.memory_space<hbm>>
    %dma_wait3A_1257 = arith.constant 0 : i32
    %dma_wait3A_1258 = arith.constant 7192 : i32
    %dma_wait3A_1259 = tpu.memref_slice %arg4[%dma_wait3A_1248, %dma_wait3A_1257, %dma_wait3A_1258] : memref<3x4x8192xf32, #tpu.memory_space<vmem>> -> memref<1x4x1000xf32, #tpu.memory_space<vmem>>
    %dma_wait3A_1260 = tpu.memref_squeeze %dma_wait3A_1259 : memref<1x4x1000xf32, #tpu.memory_space<vmem>> -> memref<4x1000xf32, #tpu.memory_space<vmem>>
    tpu.wait_dma2 semaphore(%arg10 : memref<!tpu.dma_semaphore, #tpu.memory_space<semaphore_mem>>) src(%dma_wait3A_1260 : memref<4x1000xf32, #tpu.memory_space<vmem>>) dst(%dma_wait3A_1256 : memref<4x1000xf32, #tpu.memory_space<hbm>>)
    %add3A_1261 = arith.constant 68 : i32
    %add3A_1262 = arith.addi %mul3A_2, %add3A_1261 : i32
    %dma_start3A_1263 = arith.constant 2 : i32
    %dma_start3A_1264 = arith.constant 0 : i32
    %dma_start3A_1265 = arith.constant 0 : i32
    %dma_start3A_1266 = tpu.memref_slice %arg4[%dma_start3A_1263, %dma_start3A_1264, %dma_start3A_1265] : memref<3x4x8192xf32, #tpu.memory_space<vmem>> -> memref<1x4x8192xf32, #tpu.memory_space<vmem>>
    %dma_start3A_1267 = tpu.memref_squeeze %dma_start3A_1266 : memref<1x4x8192xf32, #tpu.memory_space<vmem>> -> memref<4x8192xf32, #tpu.memory_space<vmem>>
    %dma_start3A_1268 = arith.constant 0 : i32
    %dma_start3A_1269 = tpu.memref_slice %arg2[%add3A_1262, %dma_start3A_1268] : memref<4096x8192xf32, #tpu.memory_space<hbm>> -> memref<4x8192xf32, #tpu.memory_space<hbm>>
    %dma_start3A_1270 = arith.constant 0 : i32
    %dma_start3A_1271 = arith.constant 0 : i32
    %dma_start3A_1272 = tpu.memref_slice %arg4[%dma_start3A_1263, %dma_start3A_1270, %dma_start3A_1271] : memref<3x4x8192xf32, #tpu.memory_space<vmem>> -> memref<1x4x8192xf32, #tpu.memory_space<vmem>>
    %dma_start3A_1273 = tpu.memref_squeeze %dma_start3A_1272 : memref<1x4x8192xf32, #tpu.memory_space<vmem>> -> memref<4x8192xf32, #tpu.memory_space<vmem>>
    %dma_start3A_1274 = arith.constant 0 : i32
    %dma_start3A_1275 = tpu.memref_slice %arg2[%add3A_1262, %dma_start3A_1274] : memref<4096x8192xf32, #tpu.memory_space<hbm>> -> memref<4x8192xf32, #tpu.memory_space<hbm>>
    tpu.enqueue_dma source(%dma_start3A_1275 : memref<4x8192xf32, #tpu.memory_space<hbm>>) target(%dma_start3A_1273 : memref<4x8192xf32, #tpu.memory_space<vmem>>) target_semaphore(%arg7 : memref<!tpu.dma_semaphore, #tpu.memory_space<semaphore_mem>>)
    %dma_wait3A_1276 = arith.constant 0 : i32
    %dma_wait3A_1277 = arith.constant 0 : i32
    %dma_wait3A_1278 = arith.constant 0 : i32
    %dma_wait3A_1279 = tpu.memref_slice %arg4[%dma_wait3A_1276, %dma_wait3A_1277, %dma_wait3A_1278] : memref<3x4x8192xf32, #tpu.memory_space<vmem>> -> memref<1x4x8192xf32, #tpu.memory_space<vmem>>
    %dma_wait3A_1280 = tpu.memref_squeeze %dma_wait3A_1279 : memref<1x4x8192xf32, #tpu.memory_space<vmem>> -> memref<4x8192xf32, #tpu.memory_space<vmem>>
    %dma_wait3A_1281 = arith.constant 0 : i32
    %dma_wait3A_1282 = tpu.memref_slice %arg2[%add3A_1098, %dma_wait3A_1281] : memref<4096x8192xf32, #tpu.memory_space<hbm>> -> memref<4x8192xf32, #tpu.memory_space<hbm>>
    %dma_wait3A_1283 = arith.constant 0 : i32
    %dma_wait3A_1284 = arith.constant 0 : i32
    %dma_wait3A_1285 = tpu.memref_slice %arg4[%dma_wait3A_1276, %dma_wait3A_1283, %dma_wait3A_1284] : memref<3x4x8192xf32, #tpu.memory_space<vmem>> -> memref<1x4x8192xf32, #tpu.memory_space<vmem>>
    %dma_wait3A_1286 = tpu.memref_squeeze %dma_wait3A_1285 : memref<1x4x8192xf32, #tpu.memory_space<vmem>> -> memref<4x8192xf32, #tpu.memory_space<vmem>>
    %dma_wait3A_1287 = arith.constant 0 : i32
    %dma_wait3A_1288 = tpu.memref_slice %arg2[%add3A_1098, %dma_wait3A_1287] : memref<4096x8192xf32, #tpu.memory_space<hbm>> -> memref<4x8192xf32, #tpu.memory_space<hbm>>
    tpu.wait_dma2 semaphore(%arg5 : memref<!tpu.dma_semaphore, #tpu.memory_space<semaphore_mem>>) src(%dma_wait3A_1288 : memref<4x8192xf32, #tpu.memory_space<hbm>>) dst(%dma_wait3A_1286 : memref<4x8192xf32, #tpu.memory_space<vmem>>)
    %add3A_1289 = arith.constant 60 : i32
    %add3A_1290 = arith.addi %mul3A_2, %add3A_1289 : i32
    %dma_start3A_1291 = arith.constant 0 : i32
    %dma_start3A_1292 = arith.constant 0 : i32
    %dma_start3A_1293 = arith.constant 0 : i32
    %dma_start3A_1294 = tpu.memref_slice %arg4[%dma_start3A_1291, %dma_start3A_1292, %dma_start3A_1293] : memref<3x4x8192xf32, #tpu.memory_space<vmem>> -> memref<1x4x7192xf32, #tpu.memory_space<vmem>>
    %dma_start3A_1295 = tpu.memref_squeeze %dma_start3A_1294 : memref<1x4x7192xf32, #tpu.memory_space<vmem>> -> memref<4x7192xf32, #tpu.memory_space<vmem>>
    %dma_start3A_1296 = arith.constant 1000 : i32
    %dma_start3A_1297 = tpu.memref_slice %arg3[%add3A_1290, %dma_start3A_1296] : memref<4096x8192xf32, #tpu.memory_space<hbm>> -> memref<4x7192xf32, #tpu.memory_space<hbm>>
    %dma_start3A_1298 = arith.constant 1000 : i32
    %dma_start3A_1299 = tpu.memref_slice %arg3[%add3A_1290, %dma_start3A_1298] : memref<4096x8192xf32, #tpu.memory_space<hbm>> -> memref<4x7192xf32, #tpu.memory_space<hbm>>
    %dma_start3A_1300 = arith.constant 0 : i32
    %dma_start3A_1301 = arith.constant 0 : i32
    %dma_start3A_1302 = tpu.memref_slice %arg4[%dma_start3A_1291, %dma_start3A_1300, %dma_start3A_1301] : memref<3x4x8192xf32, #tpu.memory_space<vmem>> -> memref<1x4x7192xf32, #tpu.memory_space<vmem>>
    %dma_start3A_1303 = tpu.memref_squeeze %dma_start3A_1302 : memref<1x4x7192xf32, #tpu.memory_space<vmem>> -> memref<4x7192xf32, #tpu.memory_space<vmem>>
    tpu.enqueue_dma source(%dma_start3A_1303 : memref<4x7192xf32, #tpu.memory_space<vmem>>) target(%dma_start3A_1299 : memref<4x7192xf32, #tpu.memory_space<hbm>>) target_semaphore(%arg8 : memref<!tpu.dma_semaphore, #tpu.memory_space<semaphore_mem>>)
    %dma_start3A_1304 = arith.constant 0 : i32
    %dma_start3A_1305 = arith.constant 0 : i32
    %dma_start3A_1306 = arith.constant 7192 : i32
    %dma_start3A_1307 = tpu.memref_slice %arg4[%dma_start3A_1304, %dma_start3A_1305, %dma_start3A_1306] : memref<3x4x8192xf32, #tpu.memory_space<vmem>> -> memref<1x4x1000xf32, #tpu.memory_space<vmem>>
    %dma_start3A_1308 = tpu.memref_squeeze %dma_start3A_1307 : memref<1x4x1000xf32, #tpu.memory_space<vmem>> -> memref<4x1000xf32, #tpu.memory_space<vmem>>
    %dma_start3A_1309 = arith.constant 0 : i32
    %dma_start3A_1310 = tpu.memref_slice %arg3[%add3A_1290, %dma_start3A_1309] : memref<4096x8192xf32, #tpu.memory_space<hbm>> -> memref<4x1000xf32, #tpu.memory_space<hbm>>
    %dma_start3A_1311 = arith.constant 0 : i32
    %dma_start3A_1312 = tpu.memref_slice %arg3[%add3A_1290, %dma_start3A_1311] : memref<4096x8192xf32, #tpu.memory_space<hbm>> -> memref<4x1000xf32, #tpu.memory_space<hbm>>
    %dma_start3A_1313 = arith.constant 0 : i32
    %dma_start3A_1314 = arith.constant 7192 : i32
    %dma_start3A_1315 = tpu.memref_slice %arg4[%dma_start3A_1304, %dma_start3A_1313, %dma_start3A_1314] : memref<3x4x8192xf32, #tpu.memory_space<vmem>> -> memref<1x4x1000xf32, #tpu.memory_space<vmem>>
    %dma_start3A_1316 = tpu.memref_squeeze %dma_start3A_1315 : memref<1x4x1000xf32, #tpu.memory_space<vmem>> -> memref<4x1000xf32, #tpu.memory_space<vmem>>
    tpu.enqueue_dma source(%dma_start3A_1316 : memref<4x1000xf32, #tpu.memory_space<vmem>>) target(%dma_start3A_1312 : memref<4x1000xf32, #tpu.memory_space<hbm>>) target_semaphore(%arg8 : memref<!tpu.dma_semaphore, #tpu.memory_space<semaphore_mem>>)
    %dma_wait3A_1317 = arith.constant 0 : i32
    %dma_wait3A_1318 = arith.constant 0 : i32
    %dma_wait3A_1319 = arith.constant 0 : i32
    %dma_wait3A_1320 = tpu.memref_slice %arg4[%dma_wait3A_1317, %dma_wait3A_1318, %dma_wait3A_1319] : memref<3x4x8192xf32, #tpu.memory_space<vmem>> -> memref<1x4x7192xf32, #tpu.memory_space<vmem>>
    %dma_wait3A_1321 = tpu.memref_squeeze %dma_wait3A_1320 : memref<1x4x7192xf32, #tpu.memory_space<vmem>> -> memref<4x7192xf32, #tpu.memory_space<vmem>>
    %dma_wait3A_1322 = arith.constant 1000 : i32
    %dma_wait3A_1323 = tpu.memref_slice %arg3[%add3A_1290, %dma_wait3A_1322] : memref<4096x8192xf32, #tpu.memory_space<hbm>> -> memref<4x7192xf32, #tpu.memory_space<hbm>>
    %dma_wait3A_1324 = arith.constant 1000 : i32
    %dma_wait3A_1325 = tpu.memref_slice %arg3[%add3A_1290, %dma_wait3A_1324] : memref<4096x8192xf32, #tpu.memory_space<hbm>> -> memref<4x7192xf32, #tpu.memory_space<hbm>>
    %dma_wait3A_1326 = arith.constant 0 : i32
    %dma_wait3A_1327 = arith.constant 0 : i32
    %dma_wait3A_1328 = tpu.memref_slice %arg4[%dma_wait3A_1317, %dma_wait3A_1326, %dma_wait3A_1327] : memref<3x4x8192xf32, #tpu.memory_space<vmem>> -> memref<1x4x7192xf32, #tpu.memory_space<vmem>>
    %dma_wait3A_1329 = tpu.memref_squeeze %dma_wait3A_1328 : memref<1x4x7192xf32, #tpu.memory_space<vmem>> -> memref<4x7192xf32, #tpu.memory_space<vmem>>
    tpu.wait_dma2 semaphore(%arg8 : memref<!tpu.dma_semaphore, #tpu.memory_space<semaphore_mem>>) src(%dma_wait3A_1329 : memref<4x7192xf32, #tpu.memory_space<vmem>>) dst(%dma_wait3A_1325 : memref<4x7192xf32, #tpu.memory_space<hbm>>)
    %dma_wait3A_1330 = arith.constant 0 : i32
    %dma_wait3A_1331 = arith.constant 0 : i32
    %dma_wait3A_1332 = arith.constant 7192 : i32
    %dma_wait3A_1333 = tpu.memref_slice %arg4[%dma_wait3A_1330, %dma_wait3A_1331, %dma_wait3A_1332] : memref<3x4x8192xf32, #tpu.memory_space<vmem>> -> memref<1x4x1000xf32, #tpu.memory_space<vmem>>
    %dma_wait3A_1334 = tpu.memref_squeeze %dma_wait3A_1333 : memref<1x4x1000xf32, #tpu.memory_space<vmem>> -> memref<4x1000xf32, #tpu.memory_space<vmem>>
    %dma_wait3A_1335 = arith.constant 0 : i32
    %dma_wait3A_1336 = tpu.memref_slice %arg3[%add3A_1290, %dma_wait3A_1335] : memref<4096x8192xf32, #tpu.memory_space<hbm>> -> memref<4x1000xf32, #tpu.memory_space<hbm>>
    %dma_wait3A_1337 = arith.constant 0 : i32
    %dma_wait3A_1338 = tpu.memref_slice %arg3[%add3A_1290, %dma_wait3A_1337] : memref<4096x8192xf32, #tpu.memory_space<hbm>> -> memref<4x1000xf32, #tpu.memory_space<hbm>>
    %dma_wait3A_1339 = arith.constant 0 : i32
    %dma_wait3A_1340 = arith.constant 7192 : i32
    %dma_wait3A_1341 = tpu.memref_slice %arg4[%dma_wait3A_1330, %dma_wait3A_1339, %dma_wait3A_1340] : memref<3x4x8192xf32, #tpu.memory_space<vmem>> -> memref<1x4x1000xf32, #tpu.memory_space<vmem>>
    %dma_wait3A_1342 = tpu.memref_squeeze %dma_wait3A_1341 : memref<1x4x1000xf32, #tpu.memory_space<vmem>> -> memref<4x1000xf32, #tpu.memory_space<vmem>>
    tpu.wait_dma2 semaphore(%arg8 : memref<!tpu.dma_semaphore, #tpu.memory_space<semaphore_mem>>) src(%dma_wait3A_1342 : memref<4x1000xf32, #tpu.memory_space<vmem>>) dst(%dma_wait3A_1338 : memref<4x1000xf32, #tpu.memory_space<hbm>>)
    %add3A_1343 = arith.constant 72 : i32
    %add3A_1344 = arith.addi %mul3A_2, %add3A_1343 : i32
    %dma_start3A_1345 = arith.constant 0 : i32
    %dma_start3A_1346 = arith.constant 0 : i32
    %dma_start3A_1347 = arith.constant 0 : i32
    %dma_start3A_1348 = tpu.memref_slice %arg4[%dma_start3A_1345, %dma_start3A_1346, %dma_start3A_1347] : memref<3x4x8192xf32, #tpu.memory_space<vmem>> -> memref<1x4x8192xf32, #tpu.memory_space<vmem>>
    %dma_start3A_1349 = tpu.memref_squeeze %dma_start3A_1348 : memref<1x4x8192xf32, #tpu.memory_space<vmem>> -> memref<4x8192xf32, #tpu.memory_space<vmem>>
    %dma_start3A_1350 = arith.constant 0 : i32
    %dma_start3A_1351 = tpu.memref_slice %arg2[%add3A_1344, %dma_start3A_1350] : memref<4096x8192xf32, #tpu.memory_space<hbm>> -> memref<4x8192xf32, #tpu.memory_space<hbm>>
    %dma_start3A_1352 = arith.constant 0 : i32
    %dma_start3A_1353 = arith.constant 0 : i32
    %dma_start3A_1354 = tpu.memref_slice %arg4[%dma_start3A_1345, %dma_start3A_1352, %dma_start3A_1353] : memref<3x4x8192xf32, #tpu.memory_space<vmem>> -> memref<1x4x8192xf32, #tpu.memory_space<vmem>>
    %dma_start3A_1355 = tpu.memref_squeeze %dma_start3A_1354 : memref<1x4x8192xf32, #tpu.memory_space<vmem>> -> memref<4x8192xf32, #tpu.memory_space<vmem>>
    %dma_start3A_1356 = arith.constant 0 : i32
    %dma_start3A_1357 = tpu.memref_slice %arg2[%add3A_1344, %dma_start3A_1356] : memref<4096x8192xf32, #tpu.memory_space<hbm>> -> memref<4x8192xf32, #tpu.memory_space<hbm>>
    tpu.enqueue_dma source(%dma_start3A_1357 : memref<4x8192xf32, #tpu.memory_space<hbm>>) target(%dma_start3A_1355 : memref<4x8192xf32, #tpu.memory_space<vmem>>) target_semaphore(%arg5 : memref<!tpu.dma_semaphore, #tpu.memory_space<semaphore_mem>>)
    %dma_wait3A_1358 = arith.constant 1 : i32
    %dma_wait3A_1359 = arith.constant 0 : i32
    %dma_wait3A_1360 = arith.constant 0 : i32
    %dma_wait3A_1361 = tpu.memref_slice %arg4[%dma_wait3A_1358, %dma_wait3A_1359, %dma_wait3A_1360] : memref<3x4x8192xf32, #tpu.memory_space<vmem>> -> memref<1x4x8192xf32, #tpu.memory_space<vmem>>
    %dma_wait3A_1362 = tpu.memref_squeeze %dma_wait3A_1361 : memref<1x4x8192xf32, #tpu.memory_space<vmem>> -> memref<4x8192xf32, #tpu.memory_space<vmem>>
    %dma_wait3A_1363 = arith.constant 0 : i32
    %dma_wait3A_1364 = tpu.memref_slice %arg2[%add3A_1180, %dma_wait3A_1363] : memref<4096x8192xf32, #tpu.memory_space<hbm>> -> memref<4x8192xf32, #tpu.memory_space<hbm>>
    %dma_wait3A_1365 = arith.constant 0 : i32
    %dma_wait3A_1366 = arith.constant 0 : i32
    %dma_wait3A_1367 = tpu.memref_slice %arg4[%dma_wait3A_1358, %dma_wait3A_1365, %dma_wait3A_1366] : memref<3x4x8192xf32, #tpu.memory_space<vmem>> -> memref<1x4x8192xf32, #tpu.memory_space<vmem>>
    %dma_wait3A_1368 = tpu.memref_squeeze %dma_wait3A_1367 : memref<1x4x8192xf32, #tpu.memory_space<vmem>> -> memref<4x8192xf32, #tpu.memory_space<vmem>>
    %dma_wait3A_1369 = arith.constant 0 : i32
    %dma_wait3A_1370 = tpu.memref_slice %arg2[%add3A_1180, %dma_wait3A_1369] : memref<4096x8192xf32, #tpu.memory_space<hbm>> -> memref<4x8192xf32, #tpu.memory_space<hbm>>
    tpu.wait_dma2 semaphore(%arg6 : memref<!tpu.dma_semaphore, #tpu.memory_space<semaphore_mem>>) src(%dma_wait3A_1370 : memref<4x8192xf32, #tpu.memory_space<hbm>>) dst(%dma_wait3A_1368 : memref<4x8192xf32, #tpu.memory_space<vmem>>)
    %add3A_1371 = arith.constant 64 : i32
    %add3A_1372 = arith.addi %mul3A_2, %add3A_1371 : i32
    %dma_start3A_1373 = arith.constant 1 : i32
    %dma_start3A_1374 = arith.constant 0 : i32
    %dma_start3A_1375 = arith.constant 0 : i32
    %dma_start3A_1376 = tpu.memref_slice %arg4[%dma_start3A_1373, %dma_start3A_1374, %dma_start3A_1375] : memref<3x4x8192xf32, #tpu.memory_space<vmem>> -> memref<1x4x7192xf32, #tpu.memory_space<vmem>>
    %dma_start3A_1377 = tpu.memref_squeeze %dma_start3A_1376 : memref<1x4x7192xf32, #tpu.memory_space<vmem>> -> memref<4x7192xf32, #tpu.memory_space<vmem>>
    %dma_start3A_1378 = arith.constant 1000 : i32
    %dma_start3A_1379 = tpu.memref_slice %arg3[%add3A_1372, %dma_start3A_1378] : memref<4096x8192xf32, #tpu.memory_space<hbm>> -> memref<4x7192xf32, #tpu.memory_space<hbm>>
    %dma_start3A_1380 = arith.constant 1000 : i32
    %dma_start3A_1381 = tpu.memref_slice %arg3[%add3A_1372, %dma_start3A_1380] : memref<4096x8192xf32, #tpu.memory_space<hbm>> -> memref<4x7192xf32, #tpu.memory_space<hbm>>
    %dma_start3A_1382 = arith.constant 0 : i32
    %dma_start3A_1383 = arith.constant 0 : i32
    %dma_start3A_1384 = tpu.memref_slice %arg4[%dma_start3A_1373, %dma_start3A_1382, %dma_start3A_1383] : memref<3x4x8192xf32, #tpu.memory_space<vmem>> -> memref<1x4x7192xf32, #tpu.memory_space<vmem>>
    %dma_start3A_1385 = tpu.memref_squeeze %dma_start3A_1384 : memref<1x4x7192xf32, #tpu.memory_space<vmem>> -> memref<4x7192xf32, #tpu.memory_space<vmem>>
    tpu.enqueue_dma source(%dma_start3A_1385 : memref<4x7192xf32, #tpu.memory_space<vmem>>) target(%dma_start3A_1381 : memref<4x7192xf32, #tpu.memory_space<hbm>>) target_semaphore(%arg9 : memref<!tpu.dma_semaphore, #tpu.memory_space<semaphore_mem>>)
    %dma_start3A_1386 = arith.constant 1 : i32
    %dma_start3A_1387 = arith.constant 0 : i32
    %dma_start3A_1388 = arith.constant 7192 : i32
    %dma_start3A_1389 = tpu.memref_slice %arg4[%dma_start3A_1386, %dma_start3A_1387, %dma_start3A_1388] : memref<3x4x8192xf32, #tpu.memory_space<vmem>> -> memref<1x4x1000xf32, #tpu.memory_space<vmem>>
    %dma_start3A_1390 = tpu.memref_squeeze %dma_start3A_1389 : memref<1x4x1000xf32, #tpu.memory_space<vmem>> -> memref<4x1000xf32, #tpu.memory_space<vmem>>
    %dma_start3A_1391 = arith.constant 0 : i32
    %dma_start3A_1392 = tpu.memref_slice %arg3[%add3A_1372, %dma_start3A_1391] : memref<4096x8192xf32, #tpu.memory_space<hbm>> -> memref<4x1000xf32, #tpu.memory_space<hbm>>
    %dma_start3A_1393 = arith.constant 0 : i32
    %dma_start3A_1394 = tpu.memref_slice %arg3[%add3A_1372, %dma_start3A_1393] : memref<4096x8192xf32, #tpu.memory_space<hbm>> -> memref<4x1000xf32, #tpu.memory_space<hbm>>
    %dma_start3A_1395 = arith.constant 0 : i32
    %dma_start3A_1396 = arith.constant 7192 : i32
    %dma_start3A_1397 = tpu.memref_slice %arg4[%dma_start3A_1386, %dma_start3A_1395, %dma_start3A_1396] : memref<3x4x8192xf32, #tpu.memory_space<vmem>> -> memref<1x4x1000xf32, #tpu.memory_space<vmem>>
    %dma_start3A_1398 = tpu.memref_squeeze %dma_start3A_1397 : memref<1x4x1000xf32, #tpu.memory_space<vmem>> -> memref<4x1000xf32, #tpu.memory_space<vmem>>
    tpu.enqueue_dma source(%dma_start3A_1398 : memref<4x1000xf32, #tpu.memory_space<vmem>>) target(%dma_start3A_1394 : memref<4x1000xf32, #tpu.memory_space<hbm>>) target_semaphore(%arg9 : memref<!tpu.dma_semaphore, #tpu.memory_space<semaphore_mem>>)
    %dma_wait3A_1399 = arith.constant 1 : i32
    %dma_wait3A_1400 = arith.constant 0 : i32
    %dma_wait3A_1401 = arith.constant 0 : i32
    %dma_wait3A_1402 = tpu.memref_slice %arg4[%dma_wait3A_1399, %dma_wait3A_1400, %dma_wait3A_1401] : memref<3x4x8192xf32, #tpu.memory_space<vmem>> -> memref<1x4x7192xf32, #tpu.memory_space<vmem>>
    %dma_wait3A_1403 = tpu.memref_squeeze %dma_wait3A_1402 : memref<1x4x7192xf32, #tpu.memory_space<vmem>> -> memref<4x7192xf32, #tpu.memory_space<vmem>>
    %dma_wait3A_1404 = arith.constant 1000 : i32
    %dma_wait3A_1405 = tpu.memref_slice %arg3[%add3A_1372, %dma_wait3A_1404] : memref<4096x8192xf32, #tpu.memory_space<hbm>> -> memref<4x7192xf32, #tpu.memory_space<hbm>>
    %dma_wait3A_1406 = arith.constant 1000 : i32
    %dma_wait3A_1407 = tpu.memref_slice %arg3[%add3A_1372, %dma_wait3A_1406] : memref<4096x8192xf32, #tpu.memory_space<hbm>> -> memref<4x7192xf32, #tpu.memory_space<hbm>>
    %dma_wait3A_1408 = arith.constant 0 : i32
    %dma_wait3A_1409 = arith.constant 0 : i32
    %dma_wait3A_1410 = tpu.memref_slice %arg4[%dma_wait3A_1399, %dma_wait3A_1408, %dma_wait3A_1409] : memref<3x4x8192xf32, #tpu.memory_space<vmem>> -> memref<1x4x7192xf32, #tpu.memory_space<vmem>>
    %dma_wait3A_1411 = tpu.memref_squeeze %dma_wait3A_1410 : memref<1x4x7192xf32, #tpu.memory_space<vmem>> -> memref<4x7192xf32, #tpu.memory_space<vmem>>
    tpu.wait_dma2 semaphore(%arg9 : memref<!tpu.dma_semaphore, #tpu.memory_space<semaphore_mem>>) src(%dma_wait3A_1411 : memref<4x7192xf32, #tpu.memory_space<vmem>>) dst(%dma_wait3A_1407 : memref<4x7192xf32, #tpu.memory_space<hbm>>)
    %dma_wait3A_1412 = arith.constant 1 : i32
    %dma_wait3A_1413 = arith.constant 0 : i32
    %dma_wait3A_1414 = arith.constant 7192 : i32
    %dma_wait3A_1415 = tpu.memref_slice %arg4[%dma_wait3A_1412, %dma_wait3A_1413, %dma_wait3A_1414] : memref<3x4x8192xf32, #tpu.memory_space<vmem>> -> memref<1x4x1000xf32, #tpu.memory_space<vmem>>
    %dma_wait3A_1416 = tpu.memref_squeeze %dma_wait3A_1415 : memref<1x4x1000xf32, #tpu.memory_space<vmem>> -> memref<4x1000xf32, #tpu.memory_space<vmem>>
    %dma_wait3A_1417 = arith.constant 0 : i32
    %dma_wait3A_1418 = tpu.memref_slice %arg3[%add3A_1372, %dma_wait3A_1417] : memref<4096x8192xf32, #tpu.memory_space<hbm>> -> memref<4x1000xf32, #tpu.memory_space<hbm>>
    %dma_wait3A_1419 = arith.constant 0 : i32
    %dma_wait3A_1420 = tpu.memref_slice %arg3[%add3A_1372, %dma_wait3A_1419] : memref<4096x8192xf32, #tpu.memory_space<hbm>> -> memref<4x1000xf32, #tpu.memory_space<hbm>>
    %dma_wait3A_1421 = arith.constant 0 : i32
    %dma_wait3A_1422 = arith.constant 7192 : i32
    %dma_wait3A_1423 = tpu.memref_slice %arg4[%dma_wait3A_1412, %dma_wait3A_1421, %dma_wait3A_1422] : memref<3x4x8192xf32, #tpu.memory_space<vmem>> -> memref<1x4x1000xf32, #tpu.memory_space<vmem>>
    %dma_wait3A_1424 = tpu.memref_squeeze %dma_wait3A_1423 : memref<1x4x1000xf32, #tpu.memory_space<vmem>> -> memref<4x1000xf32, #tpu.memory_space<vmem>>
    tpu.wait_dma2 semaphore(%arg9 : memref<!tpu.dma_semaphore, #tpu.memory_space<semaphore_mem>>) src(%dma_wait3A_1424 : memref<4x1000xf32, #tpu.memory_space<vmem>>) dst(%dma_wait3A_1420 : memref<4x1000xf32, #tpu.memory_space<hbm>>)
    %add3A_1425 = arith.constant 76 : i32
    %add3A_1426 = arith.addi %mul3A_2, %add3A_1425 : i32
    %dma_start3A_1427 = arith.constant 1 : i32
    %dma_start3A_1428 = arith.constant 0 : i32
    %dma_start3A_1429 = arith.constant 0 : i32
    %dma_start3A_1430 = tpu.memref_slice %arg4[%dma_start3A_1427, %dma_start3A_1428, %dma_start3A_1429] : memref<3x4x8192xf32, #tpu.memory_space<vmem>> -> memref<1x4x8192xf32, #tpu.memory_space<vmem>>
    %dma_start3A_1431 = tpu.memref_squeeze %dma_start3A_1430 : memref<1x4x8192xf32, #tpu.memory_space<vmem>> -> memref<4x8192xf32, #tpu.memory_space<vmem>>
    %dma_start3A_1432 = arith.constant 0 : i32
    %dma_start3A_1433 = tpu.memref_slice %arg2[%add3A_1426, %dma_start3A_1432] : memref<4096x8192xf32, #tpu.memory_space<hbm>> -> memref<4x8192xf32, #tpu.memory_space<hbm>>
    %dma_start3A_1434 = arith.constant 0 : i32
    %dma_start3A_1435 = arith.constant 0 : i32
    %dma_start3A_1436 = tpu.memref_slice %arg4[%dma_start3A_1427, %dma_start3A_1434, %dma_start3A_1435] : memref<3x4x8192xf32, #tpu.memory_space<vmem>> -> memref<1x4x8192xf32, #tpu.memory_space<vmem>>
    %dma_start3A_1437 = tpu.memref_squeeze %dma_start3A_1436 : memref<1x4x8192xf32, #tpu.memory_space<vmem>> -> memref<4x8192xf32, #tpu.memory_space<vmem>>
    %dma_start3A_1438 = arith.constant 0 : i32
    %dma_start3A_1439 = tpu.memref_slice %arg2[%add3A_1426, %dma_start3A_1438] : memref<4096x8192xf32, #tpu.memory_space<hbm>> -> memref<4x8192xf32, #tpu.memory_space<hbm>>
    tpu.enqueue_dma source(%dma_start3A_1439 : memref<4x8192xf32, #tpu.memory_space<hbm>>) target(%dma_start3A_1437 : memref<4x8192xf32, #tpu.memory_space<vmem>>) target_semaphore(%arg6 : memref<!tpu.dma_semaphore, #tpu.memory_space<semaphore_mem>>)
    %dma_wait3A_1440 = arith.constant 2 : i32
    %dma_wait3A_1441 = arith.constant 0 : i32
    %dma_wait3A_1442 = arith.constant 0 : i32
    %dma_wait3A_1443 = tpu.memref_slice %arg4[%dma_wait3A_1440, %dma_wait3A_1441, %dma_wait3A_1442] : memref<3x4x8192xf32, #tpu.memory_space<vmem>> -> memref<1x4x8192xf32, #tpu.memory_space<vmem>>
    %dma_wait3A_1444 = tpu.memref_squeeze %dma_wait3A_1443 : memref<1x4x8192xf32, #tpu.memory_space<vmem>> -> memref<4x8192xf32, #tpu.memory_space<vmem>>
    %dma_wait3A_1445 = arith.constant 0 : i32
    %dma_wait3A_1446 = tpu.memref_slice %arg2[%add3A_1262, %dma_wait3A_1445] : memref<4096x8192xf32, #tpu.memory_space<hbm>> -> memref<4x8192xf32, #tpu.memory_space<hbm>>
    %dma_wait3A_1447 = arith.constant 0 : i32
    %dma_wait3A_1448 = arith.constant 0 : i32
    %dma_wait3A_1449 = tpu.memref_slice %arg4[%dma_wait3A_1440, %dma_wait3A_1447, %dma_wait3A_1448] : memref<3x4x8192xf32, #tpu.memory_space<vmem>> -> memref<1x4x8192xf32, #tpu.memory_space<vmem>>
    %dma_wait3A_1450 = tpu.memref_squeeze %dma_wait3A_1449 : memref<1x4x8192xf32, #tpu.memory_space<vmem>> -> memref<4x8192xf32, #tpu.memory_space<vmem>>
    %dma_wait3A_1451 = arith.constant 0 : i32
    %dma_wait3A_1452 = tpu.memref_slice %arg2[%add3A_1262, %dma_wait3A_1451] : memref<4096x8192xf32, #tpu.memory_space<hbm>> -> memref<4x8192xf32, #tpu.memory_space<hbm>>
    tpu.wait_dma2 semaphore(%arg7 : memref<!tpu.dma_semaphore, #tpu.memory_space<semaphore_mem>>) src(%dma_wait3A_1452 : memref<4x8192xf32, #tpu.memory_space<hbm>>) dst(%dma_wait3A_1450 : memref<4x8192xf32, #tpu.memory_space<vmem>>)
    %add3A_1453 = arith.constant 68 : i32
    %add3A_1454 = arith.addi %mul3A_2, %add3A_1453 : i32
    %dma_start3A_1455 = arith.constant 2 : i32
    %dma_start3A_1456 = arith.constant 0 : i32
    %dma_start3A_1457 = arith.constant 0 : i32
    %dma_start3A_1458 = tpu.memref_slice %arg4[%dma_start3A_1455, %dma_start3A_1456, %dma_start3A_1457] : memref<3x4x8192xf32, #tpu.memory_space<vmem>> -> memref<1x4x7192xf32, #tpu.memory_space<vmem>>
    %dma_start3A_1459 = tpu.memref_squeeze %dma_start3A_1458 : memref<1x4x7192xf32, #tpu.memory_space<vmem>> -> memref<4x7192xf32, #tpu.memory_space<vmem>>
    %dma_start3A_1460 = arith.constant 1000 : i32
    %dma_start3A_1461 = tpu.memref_slice %arg3[%add3A_1454, %dma_start3A_1460] : memref<4096x8192xf32, #tpu.memory_space<hbm>> -> memref<4x7192xf32, #tpu.memory_space<hbm>>
    %dma_start3A_1462 = arith.constant 1000 : i32
    %dma_start3A_1463 = tpu.memref_slice %arg3[%add3A_1454, %dma_start3A_1462] : memref<4096x8192xf32, #tpu.memory_space<hbm>> -> memref<4x7192xf32, #tpu.memory_space<hbm>>
    %dma_start3A_1464 = arith.constant 0 : i32
    %dma_start3A_1465 = arith.constant 0 : i32
    %dma_start3A_1466 = tpu.memref_slice %arg4[%dma_start3A_1455, %dma_start3A_1464, %dma_start3A_1465] : memref<3x4x8192xf32, #tpu.memory_space<vmem>> -> memref<1x4x7192xf32, #tpu.memory_space<vmem>>
    %dma_start3A_1467 = tpu.memref_squeeze %dma_start3A_1466 : memref<1x4x7192xf32, #tpu.memory_space<vmem>> -> memref<4x7192xf32, #tpu.memory_space<vmem>>
    tpu.enqueue_dma source(%dma_start3A_1467 : memref<4x7192xf32, #tpu.memory_space<vmem>>) target(%dma_start3A_1463 : memref<4x7192xf32, #tpu.memory_space<hbm>>) target_semaphore(%arg10 : memref<!tpu.dma_semaphore, #tpu.memory_space<semaphore_mem>>)
    %dma_start3A_1468 = arith.constant 2 : i32
    %dma_start3A_1469 = arith.constant 0 : i32
    %dma_start3A_1470 = arith.constant 7192 : i32
    %dma_start3A_1471 = tpu.memref_slice %arg4[%dma_start3A_1468, %dma_start3A_1469, %dma_start3A_1470] : memref<3x4x8192xf32, #tpu.memory_space<vmem>> -> memref<1x4x1000xf32, #tpu.memory_space<vmem>>
    %dma_start3A_1472 = tpu.memref_squeeze %dma_start3A_1471 : memref<1x4x1000xf32, #tpu.memory_space<vmem>> -> memref<4x1000xf32, #tpu.memory_space<vmem>>
    %dma_start3A_1473 = arith.constant 0 : i32
    %dma_start3A_1474 = tpu.memref_slice %arg3[%add3A_1454, %dma_start3A_1473] : memref<4096x8192xf32, #tpu.memory_space<hbm>> -> memref<4x1000xf32, #tpu.memory_space<hbm>>
    %dma_start3A_1475 = arith.constant 0 : i32
    %dma_start3A_1476 = tpu.memref_slice %arg3[%add3A_1454, %dma_start3A_1475] : memref<4096x8192xf32, #tpu.memory_space<hbm>> -> memref<4x1000xf32, #tpu.memory_space<hbm>>
    %dma_start3A_1477 = arith.constant 0 : i32
    %dma_start3A_1478 = arith.constant 7192 : i32
    %dma_start3A_1479 = tpu.memref_slice %arg4[%dma_start3A_1468, %dma_start3A_1477, %dma_start3A_1478] : memref<3x4x8192xf32, #tpu.memory_space<vmem>> -> memref<1x4x1000xf32, #tpu.memory_space<vmem>>
    %dma_start3A_1480 = tpu.memref_squeeze %dma_start3A_1479 : memref<1x4x1000xf32, #tpu.memory_space<vmem>> -> memref<4x1000xf32, #tpu.memory_space<vmem>>
    tpu.enqueue_dma source(%dma_start3A_1480 : memref<4x1000xf32, #tpu.memory_space<vmem>>) target(%dma_start3A_1476 : memref<4x1000xf32, #tpu.memory_space<hbm>>) target_semaphore(%arg10 : memref<!tpu.dma_semaphore, #tpu.memory_space<semaphore_mem>>)
    %dma_wait3A_1481 = arith.constant 2 : i32
    %dma_wait3A_1482 = arith.constant 0 : i32
    %dma_wait3A_1483 = arith.constant 0 : i32
    %dma_wait3A_1484 = tpu.memref_slice %arg4[%dma_wait3A_1481, %dma_wait3A_1482, %dma_wait3A_1483] : memref<3x4x8192xf32, #tpu.memory_space<vmem>> -> memref<1x4x7192xf32, #tpu.memory_space<vmem>>
    %dma_wait3A_1485 = tpu.memref_squeeze %dma_wait3A_1484 : memref<1x4x7192xf32, #tpu.memory_space<vmem>> -> memref<4x7192xf32, #tpu.memory_space<vmem>>
    %dma_wait3A_1486 = arith.constant 1000 : i32
    %dma_wait3A_1487 = tpu.memref_slice %arg3[%add3A_1454, %dma_wait3A_1486] : memref<4096x8192xf32, #tpu.memory_space<hbm>> -> memref<4x7192xf32, #tpu.memory_space<hbm>>
    %dma_wait3A_1488 = arith.constant 1000 : i32
    %dma_wait3A_1489 = tpu.memref_slice %arg3[%add3A_1454, %dma_wait3A_1488] : memref<4096x8192xf32, #tpu.memory_space<hbm>> -> memref<4x7192xf32, #tpu.memory_space<hbm>>
    %dma_wait3A_1490 = arith.constant 0 : i32
    %dma_wait3A_1491 = arith.constant 0 : i32
    %dma_wait3A_1492 = tpu.memref_slice %arg4[%dma_wait3A_1481, %dma_wait3A_1490, %dma_wait3A_1491] : memref<3x4x8192xf32, #tpu.memory_space<vmem>> -> memref<1x4x7192xf32, #tpu.memory_space<vmem>>
    %dma_wait3A_1493 = tpu.memref_squeeze %dma_wait3A_1492 : memref<1x4x7192xf32, #tpu.memory_space<vmem>> -> memref<4x7192xf32, #tpu.memory_space<vmem>>
    tpu.wait_dma2 semaphore(%arg10 : memref<!tpu.dma_semaphore, #tpu.memory_space<semaphore_mem>>) src(%dma_wait3A_1493 : memref<4x7192xf32, #tpu.memory_space<vmem>>) dst(%dma_wait3A_1489 : memref<4x7192xf32, #tpu.memory_space<hbm>>)
    %dma_wait3A_1494 = arith.constant 2 : i32
    %dma_wait3A_1495 = arith.constant 0 : i32
    %dma_wait3A_1496 = arith.constant 7192 : i32
    %dma_wait3A_1497 = tpu.memref_slice %arg4[%dma_wait3A_1494, %dma_wait3A_1495, %dma_wait3A_1496] : memref<3x4x8192xf32, #tpu.memory_space<vmem>> -> memref<1x4x1000xf32, #tpu.memory_space<vmem>>
    %dma_wait3A_1498 = tpu.memref_squeeze %dma_wait3A_1497 : memref<1x4x1000xf32, #tpu.memory_space<vmem>> -> memref<4x1000xf32, #tpu.memory_space<vmem>>
    %dma_wait3A_1499 = arith.constant 0 : i32
    %dma_wait3A_1500 = tpu.memref_slice %arg3[%add3A_1454, %dma_wait3A_1499] : memref<4096x8192xf32, #tpu.memory_space<hbm>> -> memref<4x1000xf32, #tpu.memory_space<hbm>>
    %dma_wait3A_1501 = arith.constant 0 : i32
    %dma_wait3A_1502 = tpu.memref_slice %arg3[%add3A_1454, %dma_wait3A_1501] : memref<4096x8192xf32, #tpu.memory_space<hbm>> -> memref<4x1000xf32, #tpu.memory_space<hbm>>
    %dma_wait3A_1503 = arith.constant 0 : i32
    %dma_wait3A_1504 = arith.constant 7192 : i32
    %dma_wait3A_1505 = tpu.memref_slice %arg4[%dma_wait3A_1494, %dma_wait3A_1503, %dma_wait3A_1504] : memref<3x4x8192xf32, #tpu.memory_space<vmem>> -> memref<1x4x1000xf32, #tpu.memory_space<vmem>>
    %dma_wait3A_1506 = tpu.memref_squeeze %dma_wait3A_1505 : memref<1x4x1000xf32, #tpu.memory_space<vmem>> -> memref<4x1000xf32, #tpu.memory_space<vmem>>
    tpu.wait_dma2 semaphore(%arg10 : memref<!tpu.dma_semaphore, #tpu.memory_space<semaphore_mem>>) src(%dma_wait3A_1506 : memref<4x1000xf32, #tpu.memory_space<vmem>>) dst(%dma_wait3A_1502 : memref<4x1000xf32, #tpu.memory_space<hbm>>)
    %add3A_1507 = arith.constant 80 : i32
    %add3A_1508 = arith.addi %mul3A_2, %add3A_1507 : i32
    %dma_start3A_1509 = arith.constant 2 : i32
    %dma_start3A_1510 = arith.constant 0 : i32
    %dma_start3A_1511 = arith.constant 0 : i32
    %dma_start3A_1512 = tpu.memref_slice %arg4[%dma_start3A_1509, %dma_start3A_1510, %dma_start3A_1511] : memref<3x4x8192xf32, #tpu.memory_space<vmem>> -> memref<1x4x8192xf32, #tpu.memory_space<vmem>>
    %dma_start3A_1513 = tpu.memref_squeeze %dma_start3A_1512 : memref<1x4x8192xf32, #tpu.memory_space<vmem>> -> memref<4x8192xf32, #tpu.memory_space<vmem>>
    %dma_start3A_1514 = arith.constant 0 : i32
    %dma_start3A_1515 = tpu.memref_slice %arg2[%add3A_1508, %dma_start3A_1514] : memref<4096x8192xf32, #tpu.memory_space<hbm>> -> memref<4x8192xf32, #tpu.memory_space<hbm>>
    %dma_start3A_1516 = arith.constant 0 : i32
    %dma_start3A_1517 = arith.constant 0 : i32
    %dma_start3A_1518 = tpu.memref_slice %arg4[%dma_start3A_1509, %dma_start3A_1516, %dma_start3A_1517] : memref<3x4x8192xf32, #tpu.memory_space<vmem>> -> memref<1x4x8192xf32, #tpu.memory_space<vmem>>
    %dma_start3A_1519 = tpu.memref_squeeze %dma_start3A_1518 : memref<1x4x8192xf32, #tpu.memory_space<vmem>> -> memref<4x8192xf32, #tpu.memory_space<vmem>>
    %dma_start3A_1520 = arith.constant 0 : i32
    %dma_start3A_1521 = tpu.memref_slice %arg2[%add3A_1508, %dma_start3A_1520] : memref<4096x8192xf32, #tpu.memory_space<hbm>> -> memref<4x8192xf32, #tpu.memory_space<hbm>>
    tpu.enqueue_dma source(%dma_start3A_1521 : memref<4x8192xf32, #tpu.memory_space<hbm>>) target(%dma_start3A_1519 : memref<4x8192xf32, #tpu.memory_space<vmem>>) target_semaphore(%arg7 : memref<!tpu.dma_semaphore, #tpu.memory_space<semaphore_mem>>)
    %dma_wait3A_1522 = arith.constant 0 : i32
    %dma_wait3A_1523 = arith.constant 0 : i32
    %dma_wait3A_1524 = arith.constant 0 : i32
    %dma_wait3A_1525 = tpu.memref_slice %arg4[%dma_wait3A_1522, %dma_wait3A_1523, %dma_wait3A_1524] : memref<3x4x8192xf32, #tpu.memory_space<vmem>> -> memref<1x4x8192xf32, #tpu.memory_space<vmem>>
    %dma_wait3A_1526 = tpu.memref_squeeze %dma_wait3A_1525 : memref<1x4x8192xf32, #tpu.memory_space<vmem>> -> memref<4x8192xf32, #tpu.memory_space<vmem>>
    %dma_wait3A_1527 = arith.constant 0 : i32
    %dma_wait3A_1528 = tpu.memref_slice %arg2[%add3A_1344, %dma_wait3A_1527] : memref<4096x8192xf32, #tpu.memory_space<hbm>> -> memref<4x8192xf32, #tpu.memory_space<hbm>>
    %dma_wait3A_1529 = arith.constant 0 : i32
    %dma_wait3A_1530 = arith.constant 0 : i32
    %dma_wait3A_1531 = tpu.memref_slice %arg4[%dma_wait3A_1522, %dma_wait3A_1529, %dma_wait3A_1530] : memref<3x4x8192xf32, #tpu.memory_space<vmem>> -> memref<1x4x8192xf32, #tpu.memory_space<vmem>>
    %dma_wait3A_1532 = tpu.memref_squeeze %dma_wait3A_1531 : memref<1x4x8192xf32, #tpu.memory_space<vmem>> -> memref<4x8192xf32, #tpu.memory_space<vmem>>
    %dma_wait3A_1533 = arith.constant 0 : i32
    %dma_wait3A_1534 = tpu.memref_slice %arg2[%add3A_1344, %dma_wait3A_1533] : memref<4096x8192xf32, #tpu.memory_space<hbm>> -> memref<4x8192xf32, #tpu.memory_space<hbm>>
    tpu.wait_dma2 semaphore(%arg5 : memref<!tpu.dma_semaphore, #tpu.memory_space<semaphore_mem>>) src(%dma_wait3A_1534 : memref<4x8192xf32, #tpu.memory_space<hbm>>) dst(%dma_wait3A_1532 : memref<4x8192xf32, #tpu.memory_space<vmem>>)
    %add3A_1535 = arith.constant 72 : i32
    %add3A_1536 = arith.addi %mul3A_2, %add3A_1535 : i32
    %dma_start3A_1537 = arith.constant 0 : i32
    %dma_start3A_1538 = arith.constant 0 : i32
    %dma_start3A_1539 = arith.constant 0 : i32
    %dma_start3A_1540 = tpu.memref_slice %arg4[%dma_start3A_1537, %dma_start3A_1538, %dma_start3A_1539] : memref<3x4x8192xf32, #tpu.memory_space<vmem>> -> memref<1x4x7192xf32, #tpu.memory_space<vmem>>
    %dma_start3A_1541 = tpu.memref_squeeze %dma_start3A_1540 : memref<1x4x7192xf32, #tpu.memory_space<vmem>> -> memref<4x7192xf32, #tpu.memory_space<vmem>>
    %dma_start3A_1542 = arith.constant 1000 : i32
    %dma_start3A_1543 = tpu.memref_slice %arg3[%add3A_1536, %dma_start3A_1542] : memref<4096x8192xf32, #tpu.memory_space<hbm>> -> memref<4x7192xf32, #tpu.memory_space<hbm>>
    %dma_start3A_1544 = arith.constant 1000 : i32
    %dma_start3A_1545 = tpu.memref_slice %arg3[%add3A_1536, %dma_start3A_1544] : memref<4096x8192xf32, #tpu.memory_space<hbm>> -> memref<4x7192xf32, #tpu.memory_space<hbm>>
    %dma_start3A_1546 = arith.constant 0 : i32
    %dma_start3A_1547 = arith.constant 0 : i32
    %dma_start3A_1548 = tpu.memref_slice %arg4[%dma_start3A_1537, %dma_start3A_1546, %dma_start3A_1547] : memref<3x4x8192xf32, #tpu.memory_space<vmem>> -> memref<1x4x7192xf32, #tpu.memory_space<vmem>>
    %dma_start3A_1549 = tpu.memref_squeeze %dma_start3A_1548 : memref<1x4x7192xf32, #tpu.memory_space<vmem>> -> memref<4x7192xf32, #tpu.memory_space<vmem>>
    tpu.enqueue_dma source(%dma_start3A_1549 : memref<4x7192xf32, #tpu.memory_space<vmem>>) target(%dma_start3A_1545 : memref<4x7192xf32, #tpu.memory_space<hbm>>) target_semaphore(%arg8 : memref<!tpu.dma_semaphore, #tpu.memory_space<semaphore_mem>>)
    %dma_start3A_1550 = arith.constant 0 : i32
    %dma_start3A_1551 = arith.constant 0 : i32
    %dma_start3A_1552 = arith.constant 7192 : i32
    %dma_start3A_1553 = tpu.memref_slice %arg4[%dma_start3A_1550, %dma_start3A_1551, %dma_start3A_1552] : memref<3x4x8192xf32, #tpu.memory_space<vmem>> -> memref<1x4x1000xf32, #tpu.memory_space<vmem>>
    %dma_start3A_1554 = tpu.memref_squeeze %dma_start3A_1553 : memref<1x4x1000xf32, #tpu.memory_space<vmem>> -> memref<4x1000xf32, #tpu.memory_space<vmem>>
    %dma_start3A_1555 = arith.constant 0 : i32
    %dma_start3A_1556 = tpu.memref_slice %arg3[%add3A_1536, %dma_start3A_1555] : memref<4096x8192xf32, #tpu.memory_space<hbm>> -> memref<4x1000xf32, #tpu.memory_space<hbm>>
    %dma_start3A_1557 = arith.constant 0 : i32
    %dma_start3A_1558 = tpu.memref_slice %arg3[%add3A_1536, %dma_start3A_1557] : memref<4096x8192xf32, #tpu.memory_space<hbm>> -> memref<4x1000xf32, #tpu.memory_space<hbm>>
    %dma_start3A_1559 = arith.constant 0 : i32
    %dma_start3A_1560 = arith.constant 7192 : i32
    %dma_start3A_1561 = tpu.memref_slice %arg4[%dma_start3A_1550, %dma_start3A_1559, %dma_start3A_1560] : memref<3x4x8192xf32, #tpu.memory_space<vmem>> -> memref<1x4x1000xf32, #tpu.memory_space<vmem>>
    %dma_start3A_1562 = tpu.memref_squeeze %dma_start3A_1561 : memref<1x4x1000xf32, #tpu.memory_space<vmem>> -> memref<4x1000xf32, #tpu.memory_space<vmem>>
    tpu.enqueue_dma source(%dma_start3A_1562 : memref<4x1000xf32, #tpu.memory_space<vmem>>) target(%dma_start3A_1558 : memref<4x1000xf32, #tpu.memory_space<hbm>>) target_semaphore(%arg8 : memref<!tpu.dma_semaphore, #tpu.memory_space<semaphore_mem>>)
    %dma_wait3A_1563 = arith.constant 0 : i32
    %dma_wait3A_1564 = arith.constant 0 : i32
    %dma_wait3A_1565 = arith.constant 0 : i32
    %dma_wait3A_1566 = tpu.memref_slice %arg4[%dma_wait3A_1563, %dma_wait3A_1564, %dma_wait3A_1565] : memref<3x4x8192xf32, #tpu.memory_space<vmem>> -> memref<1x4x7192xf32, #tpu.memory_space<vmem>>
    %dma_wait3A_1567 = tpu.memref_squeeze %dma_wait3A_1566 : memref<1x4x7192xf32, #tpu.memory_space<vmem>> -> memref<4x7192xf32, #tpu.memory_space<vmem>>
    %dma_wait3A_1568 = arith.constant 1000 : i32
    %dma_wait3A_1569 = tpu.memref_slice %arg3[%add3A_1536, %dma_wait3A_1568] : memref<4096x8192xf32, #tpu.memory_space<hbm>> -> memref<4x7192xf32, #tpu.memory_space<hbm>>
    %dma_wait3A_1570 = arith.constant 1000 : i32
    %dma_wait3A_1571 = tpu.memref_slice %arg3[%add3A_1536, %dma_wait3A_1570] : memref<4096x8192xf32, #tpu.memory_space<hbm>> -> memref<4x7192xf32, #tpu.memory_space<hbm>>
    %dma_wait3A_1572 = arith.constant 0 : i32
    %dma_wait3A_1573 = arith.constant 0 : i32
    %dma_wait3A_1574 = tpu.memref_slice %arg4[%dma_wait3A_1563, %dma_wait3A_1572, %dma_wait3A_1573] : memref<3x4x8192xf32, #tpu.memory_space<vmem>> -> memref<1x4x7192xf32, #tpu.memory_space<vmem>>
    %dma_wait3A_1575 = tpu.memref_squeeze %dma_wait3A_1574 : memref<1x4x7192xf32, #tpu.memory_space<vmem>> -> memref<4x7192xf32, #tpu.memory_space<vmem>>
    tpu.wait_dma2 semaphore(%arg8 : memref<!tpu.dma_semaphore, #tpu.memory_space<semaphore_mem>>) src(%dma_wait3A_1575 : memref<4x7192xf32, #tpu.memory_space<vmem>>) dst(%dma_wait3A_1571 : memref<4x7192xf32, #tpu.memory_space<hbm>>)
    %dma_wait3A_1576 = arith.constant 0 : i32
    %dma_wait3A_1577 = arith.constant 0 : i32
    %dma_wait3A_1578 = arith.constant 7192 : i32
    %dma_wait3A_1579 = tpu.memref_slice %arg4[%dma_wait3A_1576, %dma_wait3A_1577, %dma_wait3A_1578] : memref<3x4x8192xf32, #tpu.memory_space<vmem>> -> memref<1x4x1000xf32, #tpu.memory_space<vmem>>
    %dma_wait3A_1580 = tpu.memref_squeeze %dma_wait3A_1579 : memref<1x4x1000xf32, #tpu.memory_space<vmem>> -> memref<4x1000xf32, #tpu.memory_space<vmem>>
    %dma_wait3A_1581 = arith.constant 0 : i32
    %dma_wait3A_1582 = tpu.memref_slice %arg3[%add3A_1536, %dma_wait3A_1581] : memref<4096x8192xf32, #tpu.memory_space<hbm>> -> memref<4x1000xf32, #tpu.memory_space<hbm>>
    %dma_wait3A_1583 = arith.constant 0 : i32
    %dma_wait3A_1584 = tpu.memref_slice %arg3[%add3A_1536, %dma_wait3A_1583] : memref<4096x8192xf32, #tpu.memory_space<hbm>> -> memref<4x1000xf32, #tpu.memory_space<hbm>>
    %dma_wait3A_1585 = arith.constant 0 : i32
    %dma_wait3A_1586 = arith.constant 7192 : i32
    %dma_wait3A_1587 = tpu.memref_slice %arg4[%dma_wait3A_1576, %dma_wait3A_1585, %dma_wait3A_1586] : memref<3x4x8192xf32, #tpu.memory_space<vmem>> -> memref<1x4x1000xf32, #tpu.memory_space<vmem>>
    %dma_wait3A_1588 = tpu.memref_squeeze %dma_wait3A_1587 : memref<1x4x1000xf32, #tpu.memory_space<vmem>> -> memref<4x1000xf32, #tpu.memory_space<vmem>>
    tpu.wait_dma2 semaphore(%arg8 : memref<!tpu.dma_semaphore, #tpu.memory_space<semaphore_mem>>) src(%dma_wait3A_1588 : memref<4x1000xf32, #tpu.memory_space<vmem>>) dst(%dma_wait3A_1584 : memref<4x1000xf32, #tpu.memory_space<hbm>>)
    %add3A_1589 = arith.constant 84 : i32
    %add3A_1590 = arith.addi %mul3A_2, %add3A_1589 : i32
    %dma_start3A_1591 = arith.constant 0 : i32
    %dma_start3A_1592 = arith.constant 0 : i32
    %dma_start3A_1593 = arith.constant 0 : i32
    %dma_start3A_1594 = tpu.memref_slice %arg4[%dma_start3A_1591, %dma_start3A_1592, %dma_start3A_1593] : memref<3x4x8192xf32, #tpu.memory_space<vmem>> -> memref<1x4x8192xf32, #tpu.memory_space<vmem>>
    %dma_start3A_1595 = tpu.memref_squeeze %dma_start3A_1594 : memref<1x4x8192xf32, #tpu.memory_space<vmem>> -> memref<4x8192xf32, #tpu.memory_space<vmem>>
    %dma_start3A_1596 = arith.constant 0 : i32
    %dma_start3A_1597 = tpu.memref_slice %arg2[%add3A_1590, %dma_start3A_1596] : memref<4096x8192xf32, #tpu.memory_space<hbm>> -> memref<4x8192xf32, #tpu.memory_space<hbm>>
    %dma_start3A_1598 = arith.constant 0 : i32
    %dma_start3A_1599 = arith.constant 0 : i32
    %dma_start3A_1600 = tpu.memref_slice %arg4[%dma_start3A_1591, %dma_start3A_1598, %dma_start3A_1599] : memref<3x4x8192xf32, #tpu.memory_space<vmem>> -> memref<1x4x8192xf32, #tpu.memory_space<vmem>>
    %dma_start3A_1601 = tpu.memref_squeeze %dma_start3A_1600 : memref<1x4x8192xf32, #tpu.memory_space<vmem>> -> memref<4x8192xf32, #tpu.memory_space<vmem>>
    %dma_start3A_1602 = arith.constant 0 : i32
    %dma_start3A_1603 = tpu.memref_slice %arg2[%add3A_1590, %dma_start3A_1602] : memref<4096x8192xf32, #tpu.memory_space<hbm>> -> memref<4x8192xf32, #tpu.memory_space<hbm>>
    tpu.enqueue_dma source(%dma_start3A_1603 : memref<4x8192xf32, #tpu.memory_space<hbm>>) target(%dma_start3A_1601 : memref<4x8192xf32, #tpu.memory_space<vmem>>) target_semaphore(%arg5 : memref<!tpu.dma_semaphore, #tpu.memory_space<semaphore_mem>>)
    %dma_wait3A_1604 = arith.constant 1 : i32
    %dma_wait3A_1605 = arith.constant 0 : i32
    %dma_wait3A_1606 = arith.constant 0 : i32
    %dma_wait3A_1607 = tpu.memref_slice %arg4[%dma_wait3A_1604, %dma_wait3A_1605, %dma_wait3A_1606] : memref<3x4x8192xf32, #tpu.memory_space<vmem>> -> memref<1x4x8192xf32, #tpu.memory_space<vmem>>
    %dma_wait3A_1608 = tpu.memref_squeeze %dma_wait3A_1607 : memref<1x4x8192xf32, #tpu.memory_space<vmem>> -> memref<4x8192xf32, #tpu.memory_space<vmem>>
    %dma_wait3A_1609 = arith.constant 0 : i32
    %dma_wait3A_1610 = tpu.memref_slice %arg2[%add3A_1426, %dma_wait3A_1609] : memref<4096x8192xf32, #tpu.memory_space<hbm>> -> memref<4x8192xf32, #tpu.memory_space<hbm>>
    %dma_wait3A_1611 = arith.constant 0 : i32
    %dma_wait3A_1612 = arith.constant 0 : i32
    %dma_wait3A_1613 = tpu.memref_slice %arg4[%dma_wait3A_1604, %dma_wait3A_1611, %dma_wait3A_1612] : memref<3x4x8192xf32, #tpu.memory_space<vmem>> -> memref<1x4x8192xf32, #tpu.memory_space<vmem>>
    %dma_wait3A_1614 = tpu.memref_squeeze %dma_wait3A_1613 : memref<1x4x8192xf32, #tpu.memory_space<vmem>> -> memref<4x8192xf32, #tpu.memory_space<vmem>>
    %dma_wait3A_1615 = arith.constant 0 : i32
    %dma_wait3A_1616 = tpu.memref_slice %arg2[%add3A_1426, %dma_wait3A_1615] : memref<4096x8192xf32, #tpu.memory_space<hbm>> -> memref<4x8192xf32, #tpu.memory_space<hbm>>
    tpu.wait_dma2 semaphore(%arg6 : memref<!tpu.dma_semaphore, #tpu.memory_space<semaphore_mem>>) src(%dma_wait3A_1616 : memref<4x8192xf32, #tpu.memory_space<hbm>>) dst(%dma_wait3A_1614 : memref<4x8192xf32, #tpu.memory_space<vmem>>)
    %add3A_1617 = arith.constant 76 : i32
    %add3A_1618 = arith.addi %mul3A_2, %add3A_1617 : i32
    %dma_start3A_1619 = arith.constant 1 : i32
    %dma_start3A_1620 = arith.constant 0 : i32
    %dma_start3A_1621 = arith.constant 0 : i32
    %dma_start3A_1622 = tpu.memref_slice %arg4[%dma_start3A_1619, %dma_start3A_1620, %dma_start3A_1621] : memref<3x4x8192xf32, #tpu.memory_space<vmem>> -> memref<1x4x7192xf32, #tpu.memory_space<vmem>>
    %dma_start3A_1623 = tpu.memref_squeeze %dma_start3A_1622 : memref<1x4x7192xf32, #tpu.memory_space<vmem>> -> memref<4x7192xf32, #tpu.memory_space<vmem>>
    %dma_start3A_1624 = arith.constant 1000 : i32
    %dma_start3A_1625 = tpu.memref_slice %arg3[%add3A_1618, %dma_start3A_1624] : memref<4096x8192xf32, #tpu.memory_space<hbm>> -> memref<4x7192xf32, #tpu.memory_space<hbm>>
    %dma_start3A_1626 = arith.constant 1000 : i32
    %dma_start3A_1627 = tpu.memref_slice %arg3[%add3A_1618, %dma_start3A_1626] : memref<4096x8192xf32, #tpu.memory_space<hbm>> -> memref<4x7192xf32, #tpu.memory_space<hbm>>
    %dma_start3A_1628 = arith.constant 0 : i32
    %dma_start3A_1629 = arith.constant 0 : i32
    %dma_start3A_1630 = tpu.memref_slice %arg4[%dma_start3A_1619, %dma_start3A_1628, %dma_start3A_1629] : memref<3x4x8192xf32, #tpu.memory_space<vmem>> -> memref<1x4x7192xf32, #tpu.memory_space<vmem>>
    %dma_start3A_1631 = tpu.memref_squeeze %dma_start3A_1630 : memref<1x4x7192xf32, #tpu.memory_space<vmem>> -> memref<4x7192xf32, #tpu.memory_space<vmem>>
    tpu.enqueue_dma source(%dma_start3A_1631 : memref<4x7192xf32, #tpu.memory_space<vmem>>) target(%dma_start3A_1627 : memref<4x7192xf32, #tpu.memory_space<hbm>>) target_semaphore(%arg9 : memref<!tpu.dma_semaphore, #tpu.memory_space<semaphore_mem>>)
    %dma_start3A_1632 = arith.constant 1 : i32
    %dma_start3A_1633 = arith.constant 0 : i32
    %dma_start3A_1634 = arith.constant 7192 : i32
    %dma_start3A_1635 = tpu.memref_slice %arg4[%dma_start3A_1632, %dma_start3A_1633, %dma_start3A_1634] : memref<3x4x8192xf32, #tpu.memory_space<vmem>> -> memref<1x4x1000xf32, #tpu.memory_space<vmem>>
    %dma_start3A_1636 = tpu.memref_squeeze %dma_start3A_1635 : memref<1x4x1000xf32, #tpu.memory_space<vmem>> -> memref<4x1000xf32, #tpu.memory_space<vmem>>
    %dma_start3A_1637 = arith.constant 0 : i32
    %dma_start3A_1638 = tpu.memref_slice %arg3[%add3A_1618, %dma_start3A_1637] : memref<4096x8192xf32, #tpu.memory_space<hbm>> -> memref<4x1000xf32, #tpu.memory_space<hbm>>
    %dma_start3A_1639 = arith.constant 0 : i32
    %dma_start3A_1640 = tpu.memref_slice %arg3[%add3A_1618, %dma_start3A_1639] : memref<4096x8192xf32, #tpu.memory_space<hbm>> -> memref<4x1000xf32, #tpu.memory_space<hbm>>
    %dma_start3A_1641 = arith.constant 0 : i32
    %dma_start3A_1642 = arith.constant 7192 : i32
    %dma_start3A_1643 = tpu.memref_slice %arg4[%dma_start3A_1632, %dma_start3A_1641, %dma_start3A_1642] : memref<3x4x8192xf32, #tpu.memory_space<vmem>> -> memref<1x4x1000xf32, #tpu.memory_space<vmem>>
    %dma_start3A_1644 = tpu.memref_squeeze %dma_start3A_1643 : memref<1x4x1000xf32, #tpu.memory_space<vmem>> -> memref<4x1000xf32, #tpu.memory_space<vmem>>
    tpu.enqueue_dma source(%dma_start3A_1644 : memref<4x1000xf32, #tpu.memory_space<vmem>>) target(%dma_start3A_1640 : memref<4x1000xf32, #tpu.memory_space<hbm>>) target_semaphore(%arg9 : memref<!tpu.dma_semaphore, #tpu.memory_space<semaphore_mem>>)
    %dma_wait3A_1645 = arith.constant 1 : i32
    %dma_wait3A_1646 = arith.constant 0 : i32
    %dma_wait3A_1647 = arith.constant 0 : i32
    %dma_wait3A_1648 = tpu.memref_slice %arg4[%dma_wait3A_1645, %dma_wait3A_1646, %dma_wait3A_1647] : memref<3x4x8192xf32, #tpu.memory_space<vmem>> -> memref<1x4x7192xf32, #tpu.memory_space<vmem>>
    %dma_wait3A_1649 = tpu.memref_squeeze %dma_wait3A_1648 : memref<1x4x7192xf32, #tpu.memory_space<vmem>> -> memref<4x7192xf32, #tpu.memory_space<vmem>>
    %dma_wait3A_1650 = arith.constant 1000 : i32
    %dma_wait3A_1651 = tpu.memref_slice %arg3[%add3A_1618, %dma_wait3A_1650] : memref<4096x8192xf32, #tpu.memory_space<hbm>> -> memref<4x7192xf32, #tpu.memory_space<hbm>>
    %dma_wait3A_1652 = arith.constant 1000 : i32
    %dma_wait3A_1653 = tpu.memref_slice %arg3[%add3A_1618, %dma_wait3A_1652] : memref<4096x8192xf32, #tpu.memory_space<hbm>> -> memref<4x7192xf32, #tpu.memory_space<hbm>>
    %dma_wait3A_1654 = arith.constant 0 : i32
    %dma_wait3A_1655 = arith.constant 0 : i32
    %dma_wait3A_1656 = tpu.memref_slice %arg4[%dma_wait3A_1645, %dma_wait3A_1654, %dma_wait3A_1655] : memref<3x4x8192xf32, #tpu.memory_space<vmem>> -> memref<1x4x7192xf32, #tpu.memory_space<vmem>>
    %dma_wait3A_1657 = tpu.memref_squeeze %dma_wait3A_1656 : memref<1x4x7192xf32, #tpu.memory_space<vmem>> -> memref<4x7192xf32, #tpu.memory_space<vmem>>
    tpu.wait_dma2 semaphore(%arg9 : memref<!tpu.dma_semaphore, #tpu.memory_space<semaphore_mem>>) src(%dma_wait3A_1657 : memref<4x7192xf32, #tpu.memory_space<vmem>>) dst(%dma_wait3A_1653 : memref<4x7192xf32, #tpu.memory_space<hbm>>)
    %dma_wait3A_1658 = arith.constant 1 : i32
    %dma_wait3A_1659 = arith.constant 0 : i32
    %dma_wait3A_1660 = arith.constant 7192 : i32
    %dma_wait3A_1661 = tpu.memref_slice %arg4[%dma_wait3A_1658, %dma_wait3A_1659, %dma_wait3A_1660] : memref<3x4x8192xf32, #tpu.memory_space<vmem>> -> memref<1x4x1000xf32, #tpu.memory_space<vmem>>
    %dma_wait3A_1662 = tpu.memref_squeeze %dma_wait3A_1661 : memref<1x4x1000xf32, #tpu.memory_space<vmem>> -> memref<4x1000xf32, #tpu.memory_space<vmem>>
    %dma_wait3A_1663 = arith.constant 0 : i32
    %dma_wait3A_1664 = tpu.memref_slice %arg3[%add3A_1618, %dma_wait3A_1663] : memref<4096x8192xf32, #tpu.memory_space<hbm>> -> memref<4x1000xf32, #tpu.memory_space<hbm>>
    %dma_wait3A_1665 = arith.constant 0 : i32
    %dma_wait3A_1666 = tpu.memref_slice %arg3[%add3A_1618, %dma_wait3A_1665] : memref<4096x8192xf32, #tpu.memory_space<hbm>> -> memref<4x1000xf32, #tpu.memory_space<hbm>>
    %dma_wait3A_1667 = arith.constant 0 : i32
    %dma_wait3A_1668 = arith.constant 7192 : i32
    %dma_wait3A_1669 = tpu.memref_slice %arg4[%dma_wait3A_1658, %dma_wait3A_1667, %dma_wait3A_1668] : memref<3x4x8192xf32, #tpu.memory_space<vmem>> -> memref<1x4x1000xf32, #tpu.memory_space<vmem>>
    %dma_wait3A_1670 = tpu.memref_squeeze %dma_wait3A_1669 : memref<1x4x1000xf32, #tpu.memory_space<vmem>> -> memref<4x1000xf32, #tpu.memory_space<vmem>>
    tpu.wait_dma2 semaphore(%arg9 : memref<!tpu.dma_semaphore, #tpu.memory_space<semaphore_mem>>) src(%dma_wait3A_1670 : memref<4x1000xf32, #tpu.memory_space<vmem>>) dst(%dma_wait3A_1666 : memref<4x1000xf32, #tpu.memory_space<hbm>>)
    %add3A_1671 = arith.constant 88 : i32
    %add3A_1672 = arith.addi %mul3A_2, %add3A_1671 : i32
    %dma_start3A_1673 = arith.constant 1 : i32
    %dma_start3A_1674 = arith.constant 0 : i32
    %dma_start3A_1675 = arith.constant 0 : i32
    %dma_start3A_1676 = tpu.memref_slice %arg4[%dma_start3A_1673, %dma_start3A_1674, %dma_start3A_1675] : memref<3x4x8192xf32, #tpu.memory_space<vmem>> -> memref<1x4x8192xf32, #tpu.memory_space<vmem>>
    %dma_start3A_1677 = tpu.memref_squeeze %dma_start3A_1676 : memref<1x4x8192xf32, #tpu.memory_space<vmem>> -> memref<4x8192xf32, #tpu.memory_space<vmem>>
    %dma_start3A_1678 = arith.constant 0 : i32
    %dma_start3A_1679 = tpu.memref_slice %arg2[%add3A_1672, %dma_start3A_1678] : memref<4096x8192xf32, #tpu.memory_space<hbm>> -> memref<4x8192xf32, #tpu.memory_space<hbm>>
    %dma_start3A_1680 = arith.constant 0 : i32
    %dma_start3A_1681 = arith.constant 0 : i32
    %dma_start3A_1682 = tpu.memref_slice %arg4[%dma_start3A_1673, %dma_start3A_1680, %dma_start3A_1681] : memref<3x4x8192xf32, #tpu.memory_space<vmem>> -> memref<1x4x8192xf32, #tpu.memory_space<vmem>>
    %dma_start3A_1683 = tpu.memref_squeeze %dma_start3A_1682 : memref<1x4x8192xf32, #tpu.memory_space<vmem>> -> memref<4x8192xf32, #tpu.memory_space<vmem>>
    %dma_start3A_1684 = arith.constant 0 : i32
    %dma_start3A_1685 = tpu.memref_slice %arg2[%add3A_1672, %dma_start3A_1684] : memref<4096x8192xf32, #tpu.memory_space<hbm>> -> memref<4x8192xf32, #tpu.memory_space<hbm>>
    tpu.enqueue_dma source(%dma_start3A_1685 : memref<4x8192xf32, #tpu.memory_space<hbm>>) target(%dma_start3A_1683 : memref<4x8192xf32, #tpu.memory_space<vmem>>) target_semaphore(%arg6 : memref<!tpu.dma_semaphore, #tpu.memory_space<semaphore_mem>>)
    %dma_wait3A_1686 = arith.constant 2 : i32
    %dma_wait3A_1687 = arith.constant 0 : i32
    %dma_wait3A_1688 = arith.constant 0 : i32
    %dma_wait3A_1689 = tpu.memref_slice %arg4[%dma_wait3A_1686, %dma_wait3A_1687, %dma_wait3A_1688] : memref<3x4x8192xf32, #tpu.memory_space<vmem>> -> memref<1x4x8192xf32, #tpu.memory_space<vmem>>
    %dma_wait3A_1690 = tpu.memref_squeeze %dma_wait3A_1689 : memref<1x4x8192xf32, #tpu.memory_space<vmem>> -> memref<4x8192xf32, #tpu.memory_space<vmem>>
    %dma_wait3A_1691 = arith.constant 0 : i32
    %dma_wait3A_1692 = tpu.memref_slice %arg2[%add3A_1508, %dma_wait3A_1691] : memref<4096x8192xf32, #tpu.memory_space<hbm>> -> memref<4x8192xf32, #tpu.memory_space<hbm>>
    %dma_wait3A_1693 = arith.constant 0 : i32
    %dma_wait3A_1694 = arith.constant 0 : i32
    %dma_wait3A_1695 = tpu.memref_slice %arg4[%dma_wait3A_1686, %dma_wait3A_1693, %dma_wait3A_1694] : memref<3x4x8192xf32, #tpu.memory_space<vmem>> -> memref<1x4x8192xf32, #tpu.memory_space<vmem>>
    %dma_wait3A_1696 = tpu.memref_squeeze %dma_wait3A_1695 : memref<1x4x8192xf32, #tpu.memory_space<vmem>> -> memref<4x8192xf32, #tpu.memory_space<vmem>>
    %dma_wait3A_1697 = arith.constant 0 : i32
    %dma_wait3A_1698 = tpu.memref_slice %arg2[%add3A_1508, %dma_wait3A_1697] : memref<4096x8192xf32, #tpu.memory_space<hbm>> -> memref<4x8192xf32, #tpu.memory_space<hbm>>
    tpu.wait_dma2 semaphore(%arg7 : memref<!tpu.dma_semaphore, #tpu.memory_space<semaphore_mem>>) src(%dma_wait3A_1698 : memref<4x8192xf32, #tpu.memory_space<hbm>>) dst(%dma_wait3A_1696 : memref<4x8192xf32, #tpu.memory_space<vmem>>)
    %add3A_1699 = arith.constant 80 : i32
    %add3A_1700 = arith.addi %mul3A_2, %add3A_1699 : i32
    %dma_start3A_1701 = arith.constant 2 : i32
    %dma_start3A_1702 = arith.constant 0 : i32
    %dma_start3A_1703 = arith.constant 0 : i32
    %dma_start3A_1704 = tpu.memref_slice %arg4[%dma_start3A_1701, %dma_start3A_1702, %dma_start3A_1703] : memref<3x4x8192xf32, #tpu.memory_space<vmem>> -> memref<1x4x7192xf32, #tpu.memory_space<vmem>>
    %dma_start3A_1705 = tpu.memref_squeeze %dma_start3A_1704 : memref<1x4x7192xf32, #tpu.memory_space<vmem>> -> memref<4x7192xf32, #tpu.memory_space<vmem>>
    %dma_start3A_1706 = arith.constant 1000 : i32
    %dma_start3A_1707 = tpu.memref_slice %arg3[%add3A_1700, %dma_start3A_1706] : memref<4096x8192xf32, #tpu.memory_space<hbm>> -> memref<4x7192xf32, #tpu.memory_space<hbm>>
    %dma_start3A_1708 = arith.constant 1000 : i32
    %dma_start3A_1709 = tpu.memref_slice %arg3[%add3A_1700, %dma_start3A_1708] : memref<4096x8192xf32, #tpu.memory_space<hbm>> -> memref<4x7192xf32, #tpu.memory_space<hbm>>
    %dma_start3A_1710 = arith.constant 0 : i32
    %dma_start3A_1711 = arith.constant 0 : i32
    %dma_start3A_1712 = tpu.memref_slice %arg4[%dma_start3A_1701, %dma_start3A_1710, %dma_start3A_1711] : memref<3x4x8192xf32, #tpu.memory_space<vmem>> -> memref<1x4x7192xf32, #tpu.memory_space<vmem>>
    %dma_start3A_1713 = tpu.memref_squeeze %dma_start3A_1712 : memref<1x4x7192xf32, #tpu.memory_space<vmem>> -> memref<4x7192xf32, #tpu.memory_space<vmem>>
    tpu.enqueue_dma source(%dma_start3A_1713 : memref<4x7192xf32, #tpu.memory_space<vmem>>) target(%dma_start3A_1709 : memref<4x7192xf32, #tpu.memory_space<hbm>>) target_semaphore(%arg10 : memref<!tpu.dma_semaphore, #tpu.memory_space<semaphore_mem>>)
    %dma_start3A_1714 = arith.constant 2 : i32
    %dma_start3A_1715 = arith.constant 0 : i32
    %dma_start3A_1716 = arith.constant 7192 : i32
    %dma_start3A_1717 = tpu.memref_slice %arg4[%dma_start3A_1714, %dma_start3A_1715, %dma_start3A_1716] : memref<3x4x8192xf32, #tpu.memory_space<vmem>> -> memref<1x4x1000xf32, #tpu.memory_space<vmem>>
    %dma_start3A_1718 = tpu.memref_squeeze %dma_start3A_1717 : memref<1x4x1000xf32, #tpu.memory_space<vmem>> -> memref<4x1000xf32, #tpu.memory_space<vmem>>
    %dma_start3A_1719 = arith.constant 0 : i32
    %dma_start3A_1720 = tpu.memref_slice %arg3[%add3A_1700, %dma_start3A_1719] : memref<4096x8192xf32, #tpu.memory_space<hbm>> -> memref<4x1000xf32, #tpu.memory_space<hbm>>
    %dma_start3A_1721 = arith.constant 0 : i32
    %dma_start3A_1722 = tpu.memref_slice %arg3[%add3A_1700, %dma_start3A_1721] : memref<4096x8192xf32, #tpu.memory_space<hbm>> -> memref<4x1000xf32, #tpu.memory_space<hbm>>
    %dma_start3A_1723 = arith.constant 0 : i32
    %dma_start3A_1724 = arith.constant 7192 : i32
    %dma_start3A_1725 = tpu.memref_slice %arg4[%dma_start3A_1714, %dma_start3A_1723, %dma_start3A_1724] : memref<3x4x8192xf32, #tpu.memory_space<vmem>> -> memref<1x4x1000xf32, #tpu.memory_space<vmem>>
    %dma_start3A_1726 = tpu.memref_squeeze %dma_start3A_1725 : memref<1x4x1000xf32, #tpu.memory_space<vmem>> -> memref<4x1000xf32, #tpu.memory_space<vmem>>
    tpu.enqueue_dma source(%dma_start3A_1726 : memref<4x1000xf32, #tpu.memory_space<vmem>>) target(%dma_start3A_1722 : memref<4x1000xf32, #tpu.memory_space<hbm>>) target_semaphore(%arg10 : memref<!tpu.dma_semaphore, #tpu.memory_space<semaphore_mem>>)
    %dma_wait3A_1727 = arith.constant 2 : i32
    %dma_wait3A_1728 = arith.constant 0 : i32
    %dma_wait3A_1729 = arith.constant 0 : i32
    %dma_wait3A_1730 = tpu.memref_slice %arg4[%dma_wait3A_1727, %dma_wait3A_1728, %dma_wait3A_1729] : memref<3x4x8192xf32, #tpu.memory_space<vmem>> -> memref<1x4x7192xf32, #tpu.memory_space<vmem>>
    %dma_wait3A_1731 = tpu.memref_squeeze %dma_wait3A_1730 : memref<1x4x7192xf32, #tpu.memory_space<vmem>> -> memref<4x7192xf32, #tpu.memory_space<vmem>>
    %dma_wait3A_1732 = arith.constant 1000 : i32
    %dma_wait3A_1733 = tpu.memref_slice %arg3[%add3A_1700, %dma_wait3A_1732] : memref<4096x8192xf32, #tpu.memory_space<hbm>> -> memref<4x7192xf32, #tpu.memory_space<hbm>>
    %dma_wait3A_1734 = arith.constant 1000 : i32
    %dma_wait3A_1735 = tpu.memref_slice %arg3[%add3A_1700, %dma_wait3A_1734] : memref<4096x8192xf32, #tpu.memory_space<hbm>> -> memref<4x7192xf32, #tpu.memory_space<hbm>>
    %dma_wait3A_1736 = arith.constant 0 : i32
    %dma_wait3A_1737 = arith.constant 0 : i32
    %dma_wait3A_1738 = tpu.memref_slice %arg4[%dma_wait3A_1727, %dma_wait3A_1736, %dma_wait3A_1737] : memref<3x4x8192xf32, #tpu.memory_space<vmem>> -> memref<1x4x7192xf32, #tpu.memory_space<vmem>>
    %dma_wait3A_1739 = tpu.memref_squeeze %dma_wait3A_1738 : memref<1x4x7192xf32, #tpu.memory_space<vmem>> -> memref<4x7192xf32, #tpu.memory_space<vmem>>
    tpu.wait_dma2 semaphore(%arg10 : memref<!tpu.dma_semaphore, #tpu.memory_space<semaphore_mem>>) src(%dma_wait3A_1739 : memref<4x7192xf32, #tpu.memory_space<vmem>>) dst(%dma_wait3A_1735 : memref<4x7192xf32, #tpu.memory_space<hbm>>)
    %dma_wait3A_1740 = arith.constant 2 : i32
    %dma_wait3A_1741 = arith.constant 0 : i32
    %dma_wait3A_1742 = arith.constant 7192 : i32
    %dma_wait3A_1743 = tpu.memref_slice %arg4[%dma_wait3A_1740, %dma_wait3A_1741, %dma_wait3A_1742] : memref<3x4x8192xf32, #tpu.memory_space<vmem>> -> memref<1x4x1000xf32, #tpu.memory_space<vmem>>
    %dma_wait3A_1744 = tpu.memref_squeeze %dma_wait3A_1743 : memref<1x4x1000xf32, #tpu.memory_space<vmem>> -> memref<4x1000xf32, #tpu.memory_space<vmem>>
    %dma_wait3A_1745 = arith.constant 0 : i32
    %dma_wait3A_1746 = tpu.memref_slice %arg3[%add3A_1700, %dma_wait3A_1745] : memref<4096x8192xf32, #tpu.memory_space<hbm>> -> memref<4x1000xf32, #tpu.memory_space<hbm>>
    %dma_wait3A_1747 = arith.constant 0 : i32
    %dma_wait3A_1748 = tpu.memref_slice %arg3[%add3A_1700, %dma_wait3A_1747] : memref<4096x8192xf32, #tpu.memory_space<hbm>> -> memref<4x1000xf32, #tpu.memory_space<hbm>>
    %dma_wait3A_1749 = arith.constant 0 : i32
    %dma_wait3A_1750 = arith.constant 7192 : i32
    %dma_wait3A_1751 = tpu.memref_slice %arg4[%dma_wait3A_1740, %dma_wait3A_1749, %dma_wait3A_1750] : memref<3x4x8192xf32, #tpu.memory_space<vmem>> -> memref<1x4x1000xf32, #tpu.memory_space<vmem>>
    %dma_wait3A_1752 = tpu.memref_squeeze %dma_wait3A_1751 : memref<1x4x1000xf32, #tpu.memory_space<vmem>> -> memref<4x1000xf32, #tpu.memory_space<vmem>>
    tpu.wait_dma2 semaphore(%arg10 : memref<!tpu.dma_semaphore, #tpu.memory_space<semaphore_mem>>) src(%dma_wait3A_1752 : memref<4x1000xf32, #tpu.memory_space<vmem>>) dst(%dma_wait3A_1748 : memref<4x1000xf32, #tpu.memory_space<hbm>>)
    %add3A_1753 = arith.constant 92 : i32
    %add3A_1754 = arith.addi %mul3A_2, %add3A_1753 : i32
    %dma_start3A_1755 = arith.constant 2 : i32
    %dma_start3A_1756 = arith.constant 0 : i32
    %dma_start3A_1757 = arith.constant 0 : i32
    %dma_start3A_1758 = tpu.memref_slice %arg4[%dma_start3A_1755, %dma_start3A_1756, %dma_start3A_1757] : memref<3x4x8192xf32, #tpu.memory_space<vmem>> -> memref<1x4x8192xf32, #tpu.memory_space<vmem>>
    %dma_start3A_1759 = tpu.memref_squeeze %dma_start3A_1758 : memref<1x4x8192xf32, #tpu.memory_space<vmem>> -> memref<4x8192xf32, #tpu.memory_space<vmem>>
    %dma_start3A_1760 = arith.constant 0 : i32
    %dma_start3A_1761 = tpu.memref_slice %arg2[%add3A_1754, %dma_start3A_1760] : memref<4096x8192xf32, #tpu.memory_space<hbm>> -> memref<4x8192xf32, #tpu.memory_space<hbm>>
    %dma_start3A_1762 = arith.constant 0 : i32
    %dma_start3A_1763 = arith.constant 0 : i32
    %dma_start3A_1764 = tpu.memref_slice %arg4[%dma_start3A_1755, %dma_start3A_1762, %dma_start3A_1763] : memref<3x4x8192xf32, #tpu.memory_space<vmem>> -> memref<1x4x8192xf32, #tpu.memory_space<vmem>>
    %dma_start3A_1765 = tpu.memref_squeeze %dma_start3A_1764 : memref<1x4x8192xf32, #tpu.memory_space<vmem>> -> memref<4x8192xf32, #tpu.memory_space<vmem>>
    %dma_start3A_1766 = arith.constant 0 : i32
    %dma_start3A_1767 = tpu.memref_slice %arg2[%add3A_1754, %dma_start3A_1766] : memref<4096x8192xf32, #tpu.memory_space<hbm>> -> memref<4x8192xf32, #tpu.memory_space<hbm>>
    tpu.enqueue_dma source(%dma_start3A_1767 : memref<4x8192xf32, #tpu.memory_space<hbm>>) target(%dma_start3A_1765 : memref<4x8192xf32, #tpu.memory_space<vmem>>) target_semaphore(%arg7 : memref<!tpu.dma_semaphore, #tpu.memory_space<semaphore_mem>>)
    %dma_wait3A_1768 = arith.constant 0 : i32
    %dma_wait3A_1769 = arith.constant 0 : i32
    %dma_wait3A_1770 = arith.constant 0 : i32
    %dma_wait3A_1771 = tpu.memref_slice %arg4[%dma_wait3A_1768, %dma_wait3A_1769, %dma_wait3A_1770] : memref<3x4x8192xf32, #tpu.memory_space<vmem>> -> memref<1x4x8192xf32, #tpu.memory_space<vmem>>
    %dma_wait3A_1772 = tpu.memref_squeeze %dma_wait3A_1771 : memref<1x4x8192xf32, #tpu.memory_space<vmem>> -> memref<4x8192xf32, #tpu.memory_space<vmem>>
    %dma_wait3A_1773 = arith.constant 0 : i32
    %dma_wait3A_1774 = tpu.memref_slice %arg2[%add3A_1590, %dma_wait3A_1773] : memref<4096x8192xf32, #tpu.memory_space<hbm>> -> memref<4x8192xf32, #tpu.memory_space<hbm>>
    %dma_wait3A_1775 = arith.constant 0 : i32
    %dma_wait3A_1776 = arith.constant 0 : i32
    %dma_wait3A_1777 = tpu.memref_slice %arg4[%dma_wait3A_1768, %dma_wait3A_1775, %dma_wait3A_1776] : memref<3x4x8192xf32, #tpu.memory_space<vmem>> -> memref<1x4x8192xf32, #tpu.memory_space<vmem>>
    %dma_wait3A_1778 = tpu.memref_squeeze %dma_wait3A_1777 : memref<1x4x8192xf32, #tpu.memory_space<vmem>> -> memref<4x8192xf32, #tpu.memory_space<vmem>>
    %dma_wait3A_1779 = arith.constant 0 : i32
    %dma_wait3A_1780 = tpu.memref_slice %arg2[%add3A_1590, %dma_wait3A_1779] : memref<4096x8192xf32, #tpu.memory_space<hbm>> -> memref<4x8192xf32, #tpu.memory_space<hbm>>
    tpu.wait_dma2 semaphore(%arg5 : memref<!tpu.dma_semaphore, #tpu.memory_space<semaphore_mem>>) src(%dma_wait3A_1780 : memref<4x8192xf32, #tpu.memory_space<hbm>>) dst(%dma_wait3A_1778 : memref<4x8192xf32, #tpu.memory_space<vmem>>)
    %add3A_1781 = arith.constant 84 : i32
    %add3A_1782 = arith.addi %mul3A_2, %add3A_1781 : i32
    %dma_start3A_1783 = arith.constant 0 : i32
    %dma_start3A_1784 = arith.constant 0 : i32
    %dma_start3A_1785 = arith.constant 0 : i32
    %dma_start3A_1786 = tpu.memref_slice %arg4[%dma_start3A_1783, %dma_start3A_1784, %dma_start3A_1785] : memref<3x4x8192xf32, #tpu.memory_space<vmem>> -> memref<1x4x7192xf32, #tpu.memory_space<vmem>>
    %dma_start3A_1787 = tpu.memref_squeeze %dma_start3A_1786 : memref<1x4x7192xf32, #tpu.memory_space<vmem>> -> memref<4x7192xf32, #tpu.memory_space<vmem>>
    %dma_start3A_1788 = arith.constant 1000 : i32
    %dma_start3A_1789 = tpu.memref_slice %arg3[%add3A_1782, %dma_start3A_1788] : memref<4096x8192xf32, #tpu.memory_space<hbm>> -> memref<4x7192xf32, #tpu.memory_space<hbm>>
    %dma_start3A_1790 = arith.constant 1000 : i32
    %dma_start3A_1791 = tpu.memref_slice %arg3[%add3A_1782, %dma_start3A_1790] : memref<4096x8192xf32, #tpu.memory_space<hbm>> -> memref<4x7192xf32, #tpu.memory_space<hbm>>
    %dma_start3A_1792 = arith.constant 0 : i32
    %dma_start3A_1793 = arith.constant 0 : i32
    %dma_start3A_1794 = tpu.memref_slice %arg4[%dma_start3A_1783, %dma_start3A_1792, %dma_start3A_1793] : memref<3x4x8192xf32, #tpu.memory_space<vmem>> -> memref<1x4x7192xf32, #tpu.memory_space<vmem>>
    %dma_start3A_1795 = tpu.memref_squeeze %dma_start3A_1794 : memref<1x4x7192xf32, #tpu.memory_space<vmem>> -> memref<4x7192xf32, #tpu.memory_space<vmem>>
    tpu.enqueue_dma source(%dma_start3A_1795 : memref<4x7192xf32, #tpu.memory_space<vmem>>) target(%dma_start3A_1791 : memref<4x7192xf32, #tpu.memory_space<hbm>>) target_semaphore(%arg8 : memref<!tpu.dma_semaphore, #tpu.memory_space<semaphore_mem>>)
    %dma_start3A_1796 = arith.constant 0 : i32
    %dma_start3A_1797 = arith.constant 0 : i32
    %dma_start3A_1798 = arith.constant 7192 : i32
    %dma_start3A_1799 = tpu.memref_slice %arg4[%dma_start3A_1796, %dma_start3A_1797, %dma_start3A_1798] : memref<3x4x8192xf32, #tpu.memory_space<vmem>> -> memref<1x4x1000xf32, #tpu.memory_space<vmem>>
    %dma_start3A_1800 = tpu.memref_squeeze %dma_start3A_1799 : memref<1x4x1000xf32, #tpu.memory_space<vmem>> -> memref<4x1000xf32, #tpu.memory_space<vmem>>
    %dma_start3A_1801 = arith.constant 0 : i32
    %dma_start3A_1802 = tpu.memref_slice %arg3[%add3A_1782, %dma_start3A_1801] : memref<4096x8192xf32, #tpu.memory_space<hbm>> -> memref<4x1000xf32, #tpu.memory_space<hbm>>
    %dma_start3A_1803 = arith.constant 0 : i32
    %dma_start3A_1804 = tpu.memref_slice %arg3[%add3A_1782, %dma_start3A_1803] : memref<4096x8192xf32, #tpu.memory_space<hbm>> -> memref<4x1000xf32, #tpu.memory_space<hbm>>
    %dma_start3A_1805 = arith.constant 0 : i32
    %dma_start3A_1806 = arith.constant 7192 : i32
    %dma_start3A_1807 = tpu.memref_slice %arg4[%dma_start3A_1796, %dma_start3A_1805, %dma_start3A_1806] : memref<3x4x8192xf32, #tpu.memory_space<vmem>> -> memref<1x4x1000xf32, #tpu.memory_space<vmem>>
    %dma_start3A_1808 = tpu.memref_squeeze %dma_start3A_1807 : memref<1x4x1000xf32, #tpu.memory_space<vmem>> -> memref<4x1000xf32, #tpu.memory_space<vmem>>
    tpu.enqueue_dma source(%dma_start3A_1808 : memref<4x1000xf32, #tpu.memory_space<vmem>>) target(%dma_start3A_1804 : memref<4x1000xf32, #tpu.memory_space<hbm>>) target_semaphore(%arg8 : memref<!tpu.dma_semaphore, #tpu.memory_space<semaphore_mem>>)
    %dma_wait3A_1809 = arith.constant 0 : i32
    %dma_wait3A_1810 = arith.constant 0 : i32
    %dma_wait3A_1811 = arith.constant 0 : i32
    %dma_wait3A_1812 = tpu.memref_slice %arg4[%dma_wait3A_1809, %dma_wait3A_1810, %dma_wait3A_1811] : memref<3x4x8192xf32, #tpu.memory_space<vmem>> -> memref<1x4x7192xf32, #tpu.memory_space<vmem>>
    %dma_wait3A_1813 = tpu.memref_squeeze %dma_wait3A_1812 : memref<1x4x7192xf32, #tpu.memory_space<vmem>> -> memref<4x7192xf32, #tpu.memory_space<vmem>>
    %dma_wait3A_1814 = arith.constant 1000 : i32
    %dma_wait3A_1815 = tpu.memref_slice %arg3[%add3A_1782, %dma_wait3A_1814] : memref<4096x8192xf32, #tpu.memory_space<hbm>> -> memref<4x7192xf32, #tpu.memory_space<hbm>>
    %dma_wait3A_1816 = arith.constant 1000 : i32
    %dma_wait3A_1817 = tpu.memref_slice %arg3[%add3A_1782, %dma_wait3A_1816] : memref<4096x8192xf32, #tpu.memory_space<hbm>> -> memref<4x7192xf32, #tpu.memory_space<hbm>>
    %dma_wait3A_1818 = arith.constant 0 : i32
    %dma_wait3A_1819 = arith.constant 0 : i32
    %dma_wait3A_1820 = tpu.memref_slice %arg4[%dma_wait3A_1809, %dma_wait3A_1818, %dma_wait3A_1819] : memref<3x4x8192xf32, #tpu.memory_space<vmem>> -> memref<1x4x7192xf32, #tpu.memory_space<vmem>>
    %dma_wait3A_1821 = tpu.memref_squeeze %dma_wait3A_1820 : memref<1x4x7192xf32, #tpu.memory_space<vmem>> -> memref<4x7192xf32, #tpu.memory_space<vmem>>
    tpu.wait_dma2 semaphore(%arg8 : memref<!tpu.dma_semaphore, #tpu.memory_space<semaphore_mem>>) src(%dma_wait3A_1821 : memref<4x7192xf32, #tpu.memory_space<vmem>>) dst(%dma_wait3A_1817 : memref<4x7192xf32, #tpu.memory_space<hbm>>)
    %dma_wait3A_1822 = arith.constant 0 : i32
    %dma_wait3A_1823 = arith.constant 0 : i32
    %dma_wait3A_1824 = arith.constant 7192 : i32
    %dma_wait3A_1825 = tpu.memref_slice %arg4[%dma_wait3A_1822, %dma_wait3A_1823, %dma_wait3A_1824] : memref<3x4x8192xf32, #tpu.memory_space<vmem>> -> memref<1x4x1000xf32, #tpu.memory_space<vmem>>
    %dma_wait3A_1826 = tpu.memref_squeeze %dma_wait3A_1825 : memref<1x4x1000xf32, #tpu.memory_space<vmem>> -> memref<4x1000xf32, #tpu.memory_space<vmem>>
    %dma_wait3A_1827 = arith.constant 0 : i32
    %dma_wait3A_1828 = tpu.memref_slice %arg3[%add3A_1782, %dma_wait3A_1827] : memref<4096x8192xf32, #tpu.memory_space<hbm>> -> memref<4x1000xf32, #tpu.memory_space<hbm>>
    %dma_wait3A_1829 = arith.constant 0 : i32
    %dma_wait3A_1830 = tpu.memref_slice %arg3[%add3A_1782, %dma_wait3A_1829] : memref<4096x8192xf32, #tpu.memory_space<hbm>> -> memref<4x1000xf32, #tpu.memory_space<hbm>>
    %dma_wait3A_1831 = arith.constant 0 : i32
    %dma_wait3A_1832 = arith.constant 7192 : i32
    %dma_wait3A_1833 = tpu.memref_slice %arg4[%dma_wait3A_1822, %dma_wait3A_1831, %dma_wait3A_1832] : memref<3x4x8192xf32, #tpu.memory_space<vmem>> -> memref<1x4x1000xf32, #tpu.memory_space<vmem>>
    %dma_wait3A_1834 = tpu.memref_squeeze %dma_wait3A_1833 : memref<1x4x1000xf32, #tpu.memory_space<vmem>> -> memref<4x1000xf32, #tpu.memory_space<vmem>>
    tpu.wait_dma2 semaphore(%arg8 : memref<!tpu.dma_semaphore, #tpu.memory_space<semaphore_mem>>) src(%dma_wait3A_1834 : memref<4x1000xf32, #tpu.memory_space<vmem>>) dst(%dma_wait3A_1830 : memref<4x1000xf32, #tpu.memory_space<hbm>>)
    %add3A_1835 = arith.constant 96 : i32
    %add3A_1836 = arith.addi %mul3A_2, %add3A_1835 : i32
    %dma_start3A_1837 = arith.constant 0 : i32
    %dma_start3A_1838 = arith.constant 0 : i32
    %dma_start3A_1839 = arith.constant 0 : i32
    %dma_start3A_1840 = tpu.memref_slice %arg4[%dma_start3A_1837, %dma_start3A_1838, %dma_start3A_1839] : memref<3x4x8192xf32, #tpu.memory_space<vmem>> -> memref<1x4x8192xf32, #tpu.memory_space<vmem>>
    %dma_start3A_1841 = tpu.memref_squeeze %dma_start3A_1840 : memref<1x4x8192xf32, #tpu.memory_space<vmem>> -> memref<4x8192xf32, #tpu.memory_space<vmem>>
    %dma_start3A_1842 = arith.constant 0 : i32
    %dma_start3A_1843 = tpu.memref_slice %arg2[%add3A_1836, %dma_start3A_1842] : memref<4096x8192xf32, #tpu.memory_space<hbm>> -> memref<4x8192xf32, #tpu.memory_space<hbm>>
    %dma_start3A_1844 = arith.constant 0 : i32
    %dma_start3A_1845 = arith.constant 0 : i32
    %dma_start3A_1846 = tpu.memref_slice %arg4[%dma_start3A_1837, %dma_start3A_1844, %dma_start3A_1845] : memref<3x4x8192xf32, #tpu.memory_space<vmem>> -> memref<1x4x8192xf32, #tpu.memory_space<vmem>>
    %dma_start3A_1847 = tpu.memref_squeeze %dma_start3A_1846 : memref<1x4x8192xf32, #tpu.memory_space<vmem>> -> memref<4x8192xf32, #tpu.memory_space<vmem>>
    %dma_start3A_1848 = arith.constant 0 : i32
    %dma_start3A_1849 = tpu.memref_slice %arg2[%add3A_1836, %dma_start3A_1848] : memref<4096x8192xf32, #tpu.memory_space<hbm>> -> memref<4x8192xf32, #tpu.memory_space<hbm>>
    tpu.enqueue_dma source(%dma_start3A_1849 : memref<4x8192xf32, #tpu.memory_space<hbm>>) target(%dma_start3A_1847 : memref<4x8192xf32, #tpu.memory_space<vmem>>) target_semaphore(%arg5 : memref<!tpu.dma_semaphore, #tpu.memory_space<semaphore_mem>>)
    %dma_wait3A_1850 = arith.constant 1 : i32
    %dma_wait3A_1851 = arith.constant 0 : i32
    %dma_wait3A_1852 = arith.constant 0 : i32
    %dma_wait3A_1853 = tpu.memref_slice %arg4[%dma_wait3A_1850, %dma_wait3A_1851, %dma_wait3A_1852] : memref<3x4x8192xf32, #tpu.memory_space<vmem>> -> memref<1x4x8192xf32, #tpu.memory_space<vmem>>
    %dma_wait3A_1854 = tpu.memref_squeeze %dma_wait3A_1853 : memref<1x4x8192xf32, #tpu.memory_space<vmem>> -> memref<4x8192xf32, #tpu.memory_space<vmem>>
    %dma_wait3A_1855 = arith.constant 0 : i32
    %dma_wait3A_1856 = tpu.memref_slice %arg2[%add3A_1672, %dma_wait3A_1855] : memref<4096x8192xf32, #tpu.memory_space<hbm>> -> memref<4x8192xf32, #tpu.memory_space<hbm>>
    %dma_wait3A_1857 = arith.constant 0 : i32
    %dma_wait3A_1858 = arith.constant 0 : i32
    %dma_wait3A_1859 = tpu.memref_slice %arg4[%dma_wait3A_1850, %dma_wait3A_1857, %dma_wait3A_1858] : memref<3x4x8192xf32, #tpu.memory_space<vmem>> -> memref<1x4x8192xf32, #tpu.memory_space<vmem>>
    %dma_wait3A_1860 = tpu.memref_squeeze %dma_wait3A_1859 : memref<1x4x8192xf32, #tpu.memory_space<vmem>> -> memref<4x8192xf32, #tpu.memory_space<vmem>>
    %dma_wait3A_1861 = arith.constant 0 : i32
    %dma_wait3A_1862 = tpu.memref_slice %arg2[%add3A_1672, %dma_wait3A_1861] : memref<4096x8192xf32, #tpu.memory_space<hbm>> -> memref<4x8192xf32, #tpu.memory_space<hbm>>
    tpu.wait_dma2 semaphore(%arg6 : memref<!tpu.dma_semaphore, #tpu.memory_space<semaphore_mem>>) src(%dma_wait3A_1862 : memref<4x8192xf32, #tpu.memory_space<hbm>>) dst(%dma_wait3A_1860 : memref<4x8192xf32, #tpu.memory_space<vmem>>)
    %add3A_1863 = arith.constant 88 : i32
    %add3A_1864 = arith.addi %mul3A_2, %add3A_1863 : i32
    %dma_start3A_1865 = arith.constant 1 : i32
    %dma_start3A_1866 = arith.constant 0 : i32
    %dma_start3A_1867 = arith.constant 0 : i32
    %dma_start3A_1868 = tpu.memref_slice %arg4[%dma_start3A_1865, %dma_start3A_1866, %dma_start3A_1867] : memref<3x4x8192xf32, #tpu.memory_space<vmem>> -> memref<1x4x7192xf32, #tpu.memory_space<vmem>>
    %dma_start3A_1869 = tpu.memref_squeeze %dma_start3A_1868 : memref<1x4x7192xf32, #tpu.memory_space<vmem>> -> memref<4x7192xf32, #tpu.memory_space<vmem>>
    %dma_start3A_1870 = arith.constant 1000 : i32
    %dma_start3A_1871 = tpu.memref_slice %arg3[%add3A_1864, %dma_start3A_1870] : memref<4096x8192xf32, #tpu.memory_space<hbm>> -> memref<4x7192xf32, #tpu.memory_space<hbm>>
    %dma_start3A_1872 = arith.constant 1000 : i32
    %dma_start3A_1873 = tpu.memref_slice %arg3[%add3A_1864, %dma_start3A_1872] : memref<4096x8192xf32, #tpu.memory_space<hbm>> -> memref<4x7192xf32, #tpu.memory_space<hbm>>
    %dma_start3A_1874 = arith.constant 0 : i32
    %dma_start3A_1875 = arith.constant 0 : i32
    %dma_start3A_1876 = tpu.memref_slice %arg4[%dma_start3A_1865, %dma_start3A_1874, %dma_start3A_1875] : memref<3x4x8192xf32, #tpu.memory_space<vmem>> -> memref<1x4x7192xf32, #tpu.memory_space<vmem>>
    %dma_start3A_1877 = tpu.memref_squeeze %dma_start3A_1876 : memref<1x4x7192xf32, #tpu.memory_space<vmem>> -> memref<4x7192xf32, #tpu.memory_space<vmem>>
    tpu.enqueue_dma source(%dma_start3A_1877 : memref<4x7192xf32, #tpu.memory_space<vmem>>) target(%dma_start3A_1873 : memref<4x7192xf32, #tpu.memory_space<hbm>>) target_semaphore(%arg9 : memref<!tpu.dma_semaphore, #tpu.memory_space<semaphore_mem>>)
    %dma_start3A_1878 = arith.constant 1 : i32
    %dma_start3A_1879 = arith.constant 0 : i32
    %dma_start3A_1880 = arith.constant 7192 : i32
    %dma_start3A_1881 = tpu.memref_slice %arg4[%dma_start3A_1878, %dma_start3A_1879, %dma_start3A_1880] : memref<3x4x8192xf32, #tpu.memory_space<vmem>> -> memref<1x4x1000xf32, #tpu.memory_space<vmem>>
    %dma_start3A_1882 = tpu.memref_squeeze %dma_start3A_1881 : memref<1x4x1000xf32, #tpu.memory_space<vmem>> -> memref<4x1000xf32, #tpu.memory_space<vmem>>
    %dma_start3A_1883 = arith.constant 0 : i32
    %dma_start3A_1884 = tpu.memref_slice %arg3[%add3A_1864, %dma_start3A_1883] : memref<4096x8192xf32, #tpu.memory_space<hbm>> -> memref<4x1000xf32, #tpu.memory_space<hbm>>
    %dma_start3A_1885 = arith.constant 0 : i32
    %dma_start3A_1886 = tpu.memref_slice %arg3[%add3A_1864, %dma_start3A_1885] : memref<4096x8192xf32, #tpu.memory_space<hbm>> -> memref<4x1000xf32, #tpu.memory_space<hbm>>
    %dma_start3A_1887 = arith.constant 0 : i32
    %dma_start3A_1888 = arith.constant 7192 : i32
    %dma_start3A_1889 = tpu.memref_slice %arg4[%dma_start3A_1878, %dma_start3A_1887, %dma_start3A_1888] : memref<3x4x8192xf32, #tpu.memory_space<vmem>> -> memref<1x4x1000xf32, #tpu.memory_space<vmem>>
    %dma_start3A_1890 = tpu.memref_squeeze %dma_start3A_1889 : memref<1x4x1000xf32, #tpu.memory_space<vmem>> -> memref<4x1000xf32, #tpu.memory_space<vmem>>
    tpu.enqueue_dma source(%dma_start3A_1890 : memref<4x1000xf32, #tpu.memory_space<vmem>>) target(%dma_start3A_1886 : memref<4x1000xf32, #tpu.memory_space<hbm>>) target_semaphore(%arg9 : memref<!tpu.dma_semaphore, #tpu.memory_space<semaphore_mem>>)
    %dma_wait3A_1891 = arith.constant 1 : i32
    %dma_wait3A_1892 = arith.constant 0 : i32
    %dma_wait3A_1893 = arith.constant 0 : i32
    %dma_wait3A_1894 = tpu.memref_slice %arg4[%dma_wait3A_1891, %dma_wait3A_1892, %dma_wait3A_1893] : memref<3x4x8192xf32, #tpu.memory_space<vmem>> -> memref<1x4x7192xf32, #tpu.memory_space<vmem>>
    %dma_wait3A_1895 = tpu.memref_squeeze %dma_wait3A_1894 : memref<1x4x7192xf32, #tpu.memory_space<vmem>> -> memref<4x7192xf32, #tpu.memory_space<vmem>>
    %dma_wait3A_1896 = arith.constant 1000 : i32
    %dma_wait3A_1897 = tpu.memref_slice %arg3[%add3A_1864, %dma_wait3A_1896] : memref<4096x8192xf32, #tpu.memory_space<hbm>> -> memref<4x7192xf32, #tpu.memory_space<hbm>>
    %dma_wait3A_1898 = arith.constant 1000 : i32
    %dma_wait3A_1899 = tpu.memref_slice %arg3[%add3A_1864, %dma_wait3A_1898] : memref<4096x8192xf32, #tpu.memory_space<hbm>> -> memref<4x7192xf32, #tpu.memory_space<hbm>>
    %dma_wait3A_1900 = arith.constant 0 : i32
    %dma_wait3A_1901 = arith.constant 0 : i32
    %dma_wait3A_1902 = tpu.memref_slice %arg4[%dma_wait3A_1891, %dma_wait3A_1900, %dma_wait3A_1901] : memref<3x4x8192xf32, #tpu.memory_space<vmem>> -> memref<1x4x7192xf32, #tpu.memory_space<vmem>>
    %dma_wait3A_1903 = tpu.memref_squeeze %dma_wait3A_1902 : memref<1x4x7192xf32, #tpu.memory_space<vmem>> -> memref<4x7192xf32, #tpu.memory_space<vmem>>
    tpu.wait_dma2 semaphore(%arg9 : memref<!tpu.dma_semaphore, #tpu.memory_space<semaphore_mem>>) src(%dma_wait3A_1903 : memref<4x7192xf32, #tpu.memory_space<vmem>>) dst(%dma_wait3A_1899 : memref<4x7192xf32, #tpu.memory_space<hbm>>)
    %dma_wait3A_1904 = arith.constant 1 : i32
    %dma_wait3A_1905 = arith.constant 0 : i32
    %dma_wait3A_1906 = arith.constant 7192 : i32
    %dma_wait3A_1907 = tpu.memref_slice %arg4[%dma_wait3A_1904, %dma_wait3A_1905, %dma_wait3A_1906] : memref<3x4x8192xf32, #tpu.memory_space<vmem>> -> memref<1x4x1000xf32, #tpu.memory_space<vmem>>
    %dma_wait3A_1908 = tpu.memref_squeeze %dma_wait3A_1907 : memref<1x4x1000xf32, #tpu.memory_space<vmem>> -> memref<4x1000xf32, #tpu.memory_space<vmem>>
    %dma_wait3A_1909 = arith.constant 0 : i32
    %dma_wait3A_1910 = tpu.memref_slice %arg3[%add3A_1864, %dma_wait3A_1909] : memref<4096x8192xf32, #tpu.memory_space<hbm>> -> memref<4x1000xf32, #tpu.memory_space<hbm>>
    %dma_wait3A_1911 = arith.constant 0 : i32
    %dma_wait3A_1912 = tpu.memref_slice %arg3[%add3A_1864, %dma_wait3A_1911] : memref<4096x8192xf32, #tpu.memory_space<hbm>> -> memref<4x1000xf32, #tpu.memory_space<hbm>>
    %dma_wait3A_1913 = arith.constant 0 : i32
    %dma_wait3A_1914 = arith.constant 7192 : i32
    %dma_wait3A_1915 = tpu.memref_slice %arg4[%dma_wait3A_1904, %dma_wait3A_1913, %dma_wait3A_1914] : memref<3x4x8192xf32, #tpu.memory_space<vmem>> -> memref<1x4x1000xf32, #tpu.memory_space<vmem>>
    %dma_wait3A_1916 = tpu.memref_squeeze %dma_wait3A_1915 : memref<1x4x1000xf32, #tpu.memory_space<vmem>> -> memref<4x1000xf32, #tpu.memory_space<vmem>>
    tpu.wait_dma2 semaphore(%arg9 : memref<!tpu.dma_semaphore, #tpu.memory_space<semaphore_mem>>) src(%dma_wait3A_1916 : memref<4x1000xf32, #tpu.memory_space<vmem>>) dst(%dma_wait3A_1912 : memref<4x1000xf32, #tpu.memory_space<hbm>>)
    %add3A_1917 = arith.constant 100 : i32
    %add3A_1918 = arith.addi %mul3A_2, %add3A_1917 : i32
    %dma_start3A_1919 = arith.constant 1 : i32
    %dma_start3A_1920 = arith.constant 0 : i32
    %dma_start3A_1921 = arith.constant 0 : i32
    %dma_start3A_1922 = tpu.memref_slice %arg4[%dma_start3A_1919, %dma_start3A_1920, %dma_start3A_1921] : memref<3x4x8192xf32, #tpu.memory_space<vmem>> -> memref<1x4x8192xf32, #tpu.memory_space<vmem>>
    %dma_start3A_1923 = tpu.memref_squeeze %dma_start3A_1922 : memref<1x4x8192xf32, #tpu.memory_space<vmem>> -> memref<4x8192xf32, #tpu.memory_space<vmem>>
    %dma_start3A_1924 = arith.constant 0 : i32
    %dma_start3A_1925 = tpu.memref_slice %arg2[%add3A_1918, %dma_start3A_1924] : memref<4096x8192xf32, #tpu.memory_space<hbm>> -> memref<4x8192xf32, #tpu.memory_space<hbm>>
    %dma_start3A_1926 = arith.constant 0 : i32
    %dma_start3A_1927 = arith.constant 0 : i32
    %dma_start3A_1928 = tpu.memref_slice %arg4[%dma_start3A_1919, %dma_start3A_1926, %dma_start3A_1927] : memref<3x4x8192xf32, #tpu.memory_space<vmem>> -> memref<1x4x8192xf32, #tpu.memory_space<vmem>>
    %dma_start3A_1929 = tpu.memref_squeeze %dma_start3A_1928 : memref<1x4x8192xf32, #tpu.memory_space<vmem>> -> memref<4x8192xf32, #tpu.memory_space<vmem>>
    %dma_start3A_1930 = arith.constant 0 : i32
    %dma_start3A_1931 = tpu.memref_slice %arg2[%add3A_1918, %dma_start3A_1930] : memref<4096x8192xf32, #tpu.memory_space<hbm>> -> memref<4x8192xf32, #tpu.memory_space<hbm>>
    tpu.enqueue_dma source(%dma_start3A_1931 : memref<4x8192xf32, #tpu.memory_space<hbm>>) target(%dma_start3A_1929 : memref<4x8192xf32, #tpu.memory_space<vmem>>) target_semaphore(%arg6 : memref<!tpu.dma_semaphore, #tpu.memory_space<semaphore_mem>>)
    %dma_wait3A_1932 = arith.constant 2 : i32
    %dma_wait3A_1933 = arith.constant 0 : i32
    %dma_wait3A_1934 = arith.constant 0 : i32
    %dma_wait3A_1935 = tpu.memref_slice %arg4[%dma_wait3A_1932, %dma_wait3A_1933, %dma_wait3A_1934] : memref<3x4x8192xf32, #tpu.memory_space<vmem>> -> memref<1x4x8192xf32, #tpu.memory_space<vmem>>
    %dma_wait3A_1936 = tpu.memref_squeeze %dma_wait3A_1935 : memref<1x4x8192xf32, #tpu.memory_space<vmem>> -> memref<4x8192xf32, #tpu.memory_space<vmem>>
    %dma_wait3A_1937 = arith.constant 0 : i32
    %dma_wait3A_1938 = tpu.memref_slice %arg2[%add3A_1754, %dma_wait3A_1937] : memref<4096x8192xf32, #tpu.memory_space<hbm>> -> memref<4x8192xf32, #tpu.memory_space<hbm>>
    %dma_wait3A_1939 = arith.constant 0 : i32
    %dma_wait3A_1940 = arith.constant 0 : i32
    %dma_wait3A_1941 = tpu.memref_slice %arg4[%dma_wait3A_1932, %dma_wait3A_1939, %dma_wait3A_1940] : memref<3x4x8192xf32, #tpu.memory_space<vmem>> -> memref<1x4x8192xf32, #tpu.memory_space<vmem>>
    %dma_wait3A_1942 = tpu.memref_squeeze %dma_wait3A_1941 : memref<1x4x8192xf32, #tpu.memory_space<vmem>> -> memref<4x8192xf32, #tpu.memory_space<vmem>>
    %dma_wait3A_1943 = arith.constant 0 : i32
    %dma_wait3A_1944 = tpu.memref_slice %arg2[%add3A_1754, %dma_wait3A_1943] : memref<4096x8192xf32, #tpu.memory_space<hbm>> -> memref<4x8192xf32, #tpu.memory_space<hbm>>
    tpu.wait_dma2 semaphore(%arg7 : memref<!tpu.dma_semaphore, #tpu.memory_space<semaphore_mem>>) src(%dma_wait3A_1944 : memref<4x8192xf32, #tpu.memory_space<hbm>>) dst(%dma_wait3A_1942 : memref<4x8192xf32, #tpu.memory_space<vmem>>)
    %add3A_1945 = arith.constant 92 : i32
    %add3A_1946 = arith.addi %mul3A_2, %add3A_1945 : i32
    %dma_start3A_1947 = arith.constant 2 : i32
    %dma_start3A_1948 = arith.constant 0 : i32
    %dma_start3A_1949 = arith.constant 0 : i32
    %dma_start3A_1950 = tpu.memref_slice %arg4[%dma_start3A_1947, %dma_start3A_1948, %dma_start3A_1949] : memref<3x4x8192xf32, #tpu.memory_space<vmem>> -> memref<1x4x7192xf32, #tpu.memory_space<vmem>>
    %dma_start3A_1951 = tpu.memref_squeeze %dma_start3A_1950 : memref<1x4x7192xf32, #tpu.memory_space<vmem>> -> memref<4x7192xf32, #tpu.memory_space<vmem>>
    %dma_start3A_1952 = arith.constant 1000 : i32
    %dma_start3A_1953 = tpu.memref_slice %arg3[%add3A_1946, %dma_start3A_1952] : memref<4096x8192xf32, #tpu.memory_space<hbm>> -> memref<4x7192xf32, #tpu.memory_space<hbm>>
    %dma_start3A_1954 = arith.constant 1000 : i32
    %dma_start3A_1955 = tpu.memref_slice %arg3[%add3A_1946, %dma_start3A_1954] : memref<4096x8192xf32, #tpu.memory_space<hbm>> -> memref<4x7192xf32, #tpu.memory_space<hbm>>
    %dma_start3A_1956 = arith.constant 0 : i32
    %dma_start3A_1957 = arith.constant 0 : i32
    %dma_start3A_1958 = tpu.memref_slice %arg4[%dma_start3A_1947, %dma_start3A_1956, %dma_start3A_1957] : memref<3x4x8192xf32, #tpu.memory_space<vmem>> -> memref<1x4x7192xf32, #tpu.memory_space<vmem>>
    %dma_start3A_1959 = tpu.memref_squeeze %dma_start3A_1958 : memref<1x4x7192xf32, #tpu.memory_space<vmem>> -> memref<4x7192xf32, #tpu.memory_space<vmem>>
    tpu.enqueue_dma source(%dma_start3A_1959 : memref<4x7192xf32, #tpu.memory_space<vmem>>) target(%dma_start3A_1955 : memref<4x7192xf32, #tpu.memory_space<hbm>>) target_semaphore(%arg10 : memref<!tpu.dma_semaphore, #tpu.memory_space<semaphore_mem>>)
    %dma_start3A_1960 = arith.constant 2 : i32
    %dma_start3A_1961 = arith.constant 0 : i32
    %dma_start3A_1962 = arith.constant 7192 : i32
    %dma_start3A_1963 = tpu.memref_slice %arg4[%dma_start3A_1960, %dma_start3A_1961, %dma_start3A_1962] : memref<3x4x8192xf32, #tpu.memory_space<vmem>> -> memref<1x4x1000xf32, #tpu.memory_space<vmem>>
    %dma_start3A_1964 = tpu.memref_squeeze %dma_start3A_1963 : memref<1x4x1000xf32, #tpu.memory_space<vmem>> -> memref<4x1000xf32, #tpu.memory_space<vmem>>
    %dma_start3A_1965 = arith.constant 0 : i32
    %dma_start3A_1966 = tpu.memref_slice %arg3[%add3A_1946, %dma_start3A_1965] : memref<4096x8192xf32, #tpu.memory_space<hbm>> -> memref<4x1000xf32, #tpu.memory_space<hbm>>
    %dma_start3A_1967 = arith.constant 0 : i32
    %dma_start3A_1968 = tpu.memref_slice %arg3[%add3A_1946, %dma_start3A_1967] : memref<4096x8192xf32, #tpu.memory_space<hbm>> -> memref<4x1000xf32, #tpu.memory_space<hbm>>
    %dma_start3A_1969 = arith.constant 0 : i32
    %dma_start3A_1970 = arith.constant 7192 : i32
    %dma_start3A_1971 = tpu.memref_slice %arg4[%dma_start3A_1960, %dma_start3A_1969, %dma_start3A_1970] : memref<3x4x8192xf32, #tpu.memory_space<vmem>> -> memref<1x4x1000xf32, #tpu.memory_space<vmem>>
    %dma_start3A_1972 = tpu.memref_squeeze %dma_start3A_1971 : memref<1x4x1000xf32, #tpu.memory_space<vmem>> -> memref<4x1000xf32, #tpu.memory_space<vmem>>
    tpu.enqueue_dma source(%dma_start3A_1972 : memref<4x1000xf32, #tpu.memory_space<vmem>>) target(%dma_start3A_1968 : memref<4x1000xf32, #tpu.memory_space<hbm>>) target_semaphore(%arg10 : memref<!tpu.dma_semaphore, #tpu.memory_space<semaphore_mem>>)
    %dma_wait3A_1973 = arith.constant 2 : i32
    %dma_wait3A_1974 = arith.constant 0 : i32
    %dma_wait3A_1975 = arith.constant 0 : i32
    %dma_wait3A_1976 = tpu.memref_slice %arg4[%dma_wait3A_1973, %dma_wait3A_1974, %dma_wait3A_1975] : memref<3x4x8192xf32, #tpu.memory_space<vmem>> -> memref<1x4x7192xf32, #tpu.memory_space<vmem>>
    %dma_wait3A_1977 = tpu.memref_squeeze %dma_wait3A_1976 : memref<1x4x7192xf32, #tpu.memory_space<vmem>> -> memref<4x7192xf32, #tpu.memory_space<vmem>>
    %dma_wait3A_1978 = arith.constant 1000 : i32
    %dma_wait3A_1979 = tpu.memref_slice %arg3[%add3A_1946, %dma_wait3A_1978] : memref<4096x8192xf32, #tpu.memory_space<hbm>> -> memref<4x7192xf32, #tpu.memory_space<hbm>>
    %dma_wait3A_1980 = arith.constant 1000 : i32
    %dma_wait3A_1981 = tpu.memref_slice %arg3[%add3A_1946, %dma_wait3A_1980] : memref<4096x8192xf32, #tpu.memory_space<hbm>> -> memref<4x7192xf32, #tpu.memory_space<hbm>>
    %dma_wait3A_1982 = arith.constant 0 : i32
    %dma_wait3A_1983 = arith.constant 0 : i32
    %dma_wait3A_1984 = tpu.memref_slice %arg4[%dma_wait3A_1973, %dma_wait3A_1982, %dma_wait3A_1983] : memref<3x4x8192xf32, #tpu.memory_space<vmem>> -> memref<1x4x7192xf32, #tpu.memory_space<vmem>>
    %dma_wait3A_1985 = tpu.memref_squeeze %dma_wait3A_1984 : memref<1x4x7192xf32, #tpu.memory_space<vmem>> -> memref<4x7192xf32, #tpu.memory_space<vmem>>
    tpu.wait_dma2 semaphore(%arg10 : memref<!tpu.dma_semaphore, #tpu.memory_space<semaphore_mem>>) src(%dma_wait3A_1985 : memref<4x7192xf32, #tpu.memory_space<vmem>>) dst(%dma_wait3A_1981 : memref<4x7192xf32, #tpu.memory_space<hbm>>)
    %dma_wait3A_1986 = arith.constant 2 : i32
    %dma_wait3A_1987 = arith.constant 0 : i32
    %dma_wait3A_1988 = arith.constant 7192 : i32
    %dma_wait3A_1989 = tpu.memref_slice %arg4[%dma_wait3A_1986, %dma_wait3A_1987, %dma_wait3A_1988] : memref<3x4x8192xf32, #tpu.memory_space<vmem>> -> memref<1x4x1000xf32, #tpu.memory_space<vmem>>
    %dma_wait3A_1990 = tpu.memref_squeeze %dma_wait3A_1989 : memref<1x4x1000xf32, #tpu.memory_space<vmem>> -> memref<4x1000xf32, #tpu.memory_space<vmem>>
    %dma_wait3A_1991 = arith.constant 0 : i32
    %dma_wait3A_1992 = tpu.memref_slice %arg3[%add3A_1946, %dma_wait3A_1991] : memref<4096x8192xf32, #tpu.memory_space<hbm>> -> memref<4x1000xf32, #tpu.memory_space<hbm>>
    %dma_wait3A_1993 = arith.constant 0 : i32
    %dma_wait3A_1994 = tpu.memref_slice %arg3[%add3A_1946, %dma_wait3A_1993] : memref<4096x8192xf32, #tpu.memory_space<hbm>> -> memref<4x1000xf32, #tpu.memory_space<hbm>>
    %dma_wait3A_1995 = arith.constant 0 : i32
    %dma_wait3A_1996 = arith.constant 7192 : i32
    %dma_wait3A_1997 = tpu.memref_slice %arg4[%dma_wait3A_1986, %dma_wait3A_1995, %dma_wait3A_1996] : memref<3x4x8192xf32, #tpu.memory_space<vmem>> -> memref<1x4x1000xf32, #tpu.memory_space<vmem>>
    %dma_wait3A_1998 = tpu.memref_squeeze %dma_wait3A_1997 : memref<1x4x1000xf32, #tpu.memory_space<vmem>> -> memref<4x1000xf32, #tpu.memory_space<vmem>>
    tpu.wait_dma2 semaphore(%arg10 : memref<!tpu.dma_semaphore, #tpu.memory_space<semaphore_mem>>) src(%dma_wait3A_1998 : memref<4x1000xf32, #tpu.memory_space<vmem>>) dst(%dma_wait3A_1994 : memref<4x1000xf32, #tpu.memory_space<hbm>>)
    %add3A_1999 = arith.constant 104 : i32
    %add3A_2000 = arith.addi %mul3A_2, %add3A_1999 : i32
    %dma_start3A_2001 = arith.constant 2 : i32
    %dma_start3A_2002 = arith.constant 0 : i32
    %dma_start3A_2003 = arith.constant 0 : i32
    %dma_start3A_2004 = tpu.memref_slice %arg4[%dma_start3A_2001, %dma_start3A_2002, %dma_start3A_2003] : memref<3x4x8192xf32, #tpu.memory_space<vmem>> -> memref<1x4x8192xf32, #tpu.memory_space<vmem>>
    %dma_start3A_2005 = tpu.memref_squeeze %dma_start3A_2004 : memref<1x4x8192xf32, #tpu.memory_space<vmem>> -> memref<4x8192xf32, #tpu.memory_space<vmem>>
    %dma_start3A_2006 = arith.constant 0 : i32
    %dma_start3A_2007 = tpu.memref_slice %arg2[%add3A_2000, %dma_start3A_2006] : memref<4096x8192xf32, #tpu.memory_space<hbm>> -> memref<4x8192xf32, #tpu.memory_space<hbm>>
    %dma_start3A_2008 = arith.constant 0 : i32
    %dma_start3A_2009 = arith.constant 0 : i32
    %dma_start3A_2010 = tpu.memref_slice %arg4[%dma_start3A_2001, %dma_start3A_2008, %dma_start3A_2009] : memref<3x4x8192xf32, #tpu.memory_space<vmem>> -> memref<1x4x8192xf32, #tpu.memory_space<vmem>>
    %dma_start3A_2011 = tpu.memref_squeeze %dma_start3A_2010 : memref<1x4x8192xf32, #tpu.memory_space<vmem>> -> memref<4x8192xf32, #tpu.memory_space<vmem>>
    %dma_start3A_2012 = arith.constant 0 : i32
    %dma_start3A_2013 = tpu.memref_slice %arg2[%add3A_2000, %dma_start3A_2012] : memref<4096x8192xf32, #tpu.memory_space<hbm>> -> memref<4x8192xf32, #tpu.memory_space<hbm>>
    tpu.enqueue_dma source(%dma_start3A_2013 : memref<4x8192xf32, #tpu.memory_space<hbm>>) target(%dma_start3A_2011 : memref<4x8192xf32, #tpu.memory_space<vmem>>) target_semaphore(%arg7 : memref<!tpu.dma_semaphore, #tpu.memory_space<semaphore_mem>>)
    %dma_wait3A_2014 = arith.constant 0 : i32
    %dma_wait3A_2015 = arith.constant 0 : i32
    %dma_wait3A_2016 = arith.constant 0 : i32
    %dma_wait3A_2017 = tpu.memref_slice %arg4[%dma_wait3A_2014, %dma_wait3A_2015, %dma_wait3A_2016] : memref<3x4x8192xf32, #tpu.memory_space<vmem>> -> memref<1x4x8192xf32, #tpu.memory_space<vmem>>
    %dma_wait3A_2018 = tpu.memref_squeeze %dma_wait3A_2017 : memref<1x4x8192xf32, #tpu.memory_space<vmem>> -> memref<4x8192xf32, #tpu.memory_space<vmem>>
    %dma_wait3A_2019 = arith.constant 0 : i32
    %dma_wait3A_2020 = tpu.memref_slice %arg2[%add3A_1836, %dma_wait3A_2019] : memref<4096x8192xf32, #tpu.memory_space<hbm>> -> memref<4x8192xf32, #tpu.memory_space<hbm>>
    %dma_wait3A_2021 = arith.constant 0 : i32
    %dma_wait3A_2022 = arith.constant 0 : i32
    %dma_wait3A_2023 = tpu.memref_slice %arg4[%dma_wait3A_2014, %dma_wait3A_2021, %dma_wait3A_2022] : memref<3x4x8192xf32, #tpu.memory_space<vmem>> -> memref<1x4x8192xf32, #tpu.memory_space<vmem>>
    %dma_wait3A_2024 = tpu.memref_squeeze %dma_wait3A_2023 : memref<1x4x8192xf32, #tpu.memory_space<vmem>> -> memref<4x8192xf32, #tpu.memory_space<vmem>>
    %dma_wait3A_2025 = arith.constant 0 : i32
    %dma_wait3A_2026 = tpu.memref_slice %arg2[%add3A_1836, %dma_wait3A_2025] : memref<4096x8192xf32, #tpu.memory_space<hbm>> -> memref<4x8192xf32, #tpu.memory_space<hbm>>
    tpu.wait_dma2 semaphore(%arg5 : memref<!tpu.dma_semaphore, #tpu.memory_space<semaphore_mem>>) src(%dma_wait3A_2026 : memref<4x8192xf32, #tpu.memory_space<hbm>>) dst(%dma_wait3A_2024 : memref<4x8192xf32, #tpu.memory_space<vmem>>)
    %add3A_2027 = arith.constant 96 : i32
    %add3A_2028 = arith.addi %mul3A_2, %add3A_2027 : i32
    %dma_start3A_2029 = arith.constant 0 : i32
    %dma_start3A_2030 = arith.constant 0 : i32
    %dma_start3A_2031 = arith.constant 0 : i32
    %dma_start3A_2032 = tpu.memref_slice %arg4[%dma_start3A_2029, %dma_start3A_2030, %dma_start3A_2031] : memref<3x4x8192xf32, #tpu.memory_space<vmem>> -> memref<1x4x7192xf32, #tpu.memory_space<vmem>>
    %dma_start3A_2033 = tpu.memref_squeeze %dma_start3A_2032 : memref<1x4x7192xf32, #tpu.memory_space<vmem>> -> memref<4x7192xf32, #tpu.memory_space<vmem>>
    %dma_start3A_2034 = arith.constant 1000 : i32
    %dma_start3A_2035 = tpu.memref_slice %arg3[%add3A_2028, %dma_start3A_2034] : memref<4096x8192xf32, #tpu.memory_space<hbm>> -> memref<4x7192xf32, #tpu.memory_space<hbm>>
    %dma_start3A_2036 = arith.constant 1000 : i32
    %dma_start3A_2037 = tpu.memref_slice %arg3[%add3A_2028, %dma_start3A_2036] : memref<4096x8192xf32, #tpu.memory_space<hbm>> -> memref<4x7192xf32, #tpu.memory_space<hbm>>
    %dma_start3A_2038 = arith.constant 0 : i32
    %dma_start3A_2039 = arith.constant 0 : i32
    %dma_start3A_2040 = tpu.memref_slice %arg4[%dma_start3A_2029, %dma_start3A_2038, %dma_start3A_2039] : memref<3x4x8192xf32, #tpu.memory_space<vmem>> -> memref<1x4x7192xf32, #tpu.memory_space<vmem>>
    %dma_start3A_2041 = tpu.memref_squeeze %dma_start3A_2040 : memref<1x4x7192xf32, #tpu.memory_space<vmem>> -> memref<4x7192xf32, #tpu.memory_space<vmem>>
    tpu.enqueue_dma source(%dma_start3A_2041 : memref<4x7192xf32, #tpu.memory_space<vmem>>) target(%dma_start3A_2037 : memref<4x7192xf32, #tpu.memory_space<hbm>>) target_semaphore(%arg8 : memref<!tpu.dma_semaphore, #tpu.memory_space<semaphore_mem>>)
    %dma_start3A_2042 = arith.constant 0 : i32
    %dma_start3A_2043 = arith.constant 0 : i32
    %dma_start3A_2044 = arith.constant 7192 : i32
    %dma_start3A_2045 = tpu.memref_slice %arg4[%dma_start3A_2042, %dma_start3A_2043, %dma_start3A_2044] : memref<3x4x8192xf32, #tpu.memory_space<vmem>> -> memref<1x4x1000xf32, #tpu.memory_space<vmem>>
    %dma_start3A_2046 = tpu.memref_squeeze %dma_start3A_2045 : memref<1x4x1000xf32, #tpu.memory_space<vmem>> -> memref<4x1000xf32, #tpu.memory_space<vmem>>
    %dma_start3A_2047 = arith.constant 0 : i32
    %dma_start3A_2048 = tpu.memref_slice %arg3[%add3A_2028, %dma_start3A_2047] : memref<4096x8192xf32, #tpu.memory_space<hbm>> -> memref<4x1000xf32, #tpu.memory_space<hbm>>
    %dma_start3A_2049 = arith.constant 0 : i32
    %dma_start3A_2050 = tpu.memref_slice %arg3[%add3A_2028, %dma_start3A_2049] : memref<4096x8192xf32, #tpu.memory_space<hbm>> -> memref<4x1000xf32, #tpu.memory_space<hbm>>
    %dma_start3A_2051 = arith.constant 0 : i32
    %dma_start3A_2052 = arith.constant 7192 : i32
    %dma_start3A_2053 = tpu.memref_slice %arg4[%dma_start3A_2042, %dma_start3A_2051, %dma_start3A_2052] : memref<3x4x8192xf32, #tpu.memory_space<vmem>> -> memref<1x4x1000xf32, #tpu.memory_space<vmem>>
    %dma_start3A_2054 = tpu.memref_squeeze %dma_start3A_2053 : memref<1x4x1000xf32, #tpu.memory_space<vmem>> -> memref<4x1000xf32, #tpu.memory_space<vmem>>
    tpu.enqueue_dma source(%dma_start3A_2054 : memref<4x1000xf32, #tpu.memory_space<vmem>>) target(%dma_start3A_2050 : memref<4x1000xf32, #tpu.memory_space<hbm>>) target_semaphore(%arg8 : memref<!tpu.dma_semaphore, #tpu.memory_space<semaphore_mem>>)
    %dma_wait3A_2055 = arith.constant 0 : i32
    %dma_wait3A_2056 = arith.constant 0 : i32
    %dma_wait3A_2057 = arith.constant 0 : i32
    %dma_wait3A_2058 = tpu.memref_slice %arg4[%dma_wait3A_2055, %dma_wait3A_2056, %dma_wait3A_2057] : memref<3x4x8192xf32, #tpu.memory_space<vmem>> -> memref<1x4x7192xf32, #tpu.memory_space<vmem>>
    %dma_wait3A_2059 = tpu.memref_squeeze %dma_wait3A_2058 : memref<1x4x7192xf32, #tpu.memory_space<vmem>> -> memref<4x7192xf32, #tpu.memory_space<vmem>>
    %dma_wait3A_2060 = arith.constant 1000 : i32
    %dma_wait3A_2061 = tpu.memref_slice %arg3[%add3A_2028, %dma_wait3A_2060] : memref<4096x8192xf32, #tpu.memory_space<hbm>> -> memref<4x7192xf32, #tpu.memory_space<hbm>>
    %dma_wait3A_2062 = arith.constant 1000 : i32
    %dma_wait3A_2063 = tpu.memref_slice %arg3[%add3A_2028, %dma_wait3A_2062] : memref<4096x8192xf32, #tpu.memory_space<hbm>> -> memref<4x7192xf32, #tpu.memory_space<hbm>>
    %dma_wait3A_2064 = arith.constant 0 : i32
    %dma_wait3A_2065 = arith.constant 0 : i32
    %dma_wait3A_2066 = tpu.memref_slice %arg4[%dma_wait3A_2055, %dma_wait3A_2064, %dma_wait3A_2065] : memref<3x4x8192xf32, #tpu.memory_space<vmem>> -> memref<1x4x7192xf32, #tpu.memory_space<vmem>>
    %dma_wait3A_2067 = tpu.memref_squeeze %dma_wait3A_2066 : memref<1x4x7192xf32, #tpu.memory_space<vmem>> -> memref<4x7192xf32, #tpu.memory_space<vmem>>
    tpu.wait_dma2 semaphore(%arg8 : memref<!tpu.dma_semaphore, #tpu.memory_space<semaphore_mem>>) src(%dma_wait3A_2067 : memref<4x7192xf32, #tpu.memory_space<vmem>>) dst(%dma_wait3A_2063 : memref<4x7192xf32, #tpu.memory_space<hbm>>)
    %dma_wait3A_2068 = arith.constant 0 : i32
    %dma_wait3A_2069 = arith.constant 0 : i32
    %dma_wait3A_2070 = arith.constant 7192 : i32
    %dma_wait3A_2071 = tpu.memref_slice %arg4[%dma_wait3A_2068, %dma_wait3A_2069, %dma_wait3A_2070] : memref<3x4x8192xf32, #tpu.memory_space<vmem>> -> memref<1x4x1000xf32, #tpu.memory_space<vmem>>
    %dma_wait3A_2072 = tpu.memref_squeeze %dma_wait3A_2071 : memref<1x4x1000xf32, #tpu.memory_space<vmem>> -> memref<4x1000xf32, #tpu.memory_space<vmem>>
    %dma_wait3A_2073 = arith.constant 0 : i32
    %dma_wait3A_2074 = tpu.memref_slice %arg3[%add3A_2028, %dma_wait3A_2073] : memref<4096x8192xf32, #tpu.memory_space<hbm>> -> memref<4x1000xf32, #tpu.memory_space<hbm>>
    %dma_wait3A_2075 = arith.constant 0 : i32
    %dma_wait3A_2076 = tpu.memref_slice %arg3[%add3A_2028, %dma_wait3A_2075] : memref<4096x8192xf32, #tpu.memory_space<hbm>> -> memref<4x1000xf32, #tpu.memory_space<hbm>>
    %dma_wait3A_2077 = arith.constant 0 : i32
    %dma_wait3A_2078 = arith.constant 7192 : i32
    %dma_wait3A_2079 = tpu.memref_slice %arg4[%dma_wait3A_2068, %dma_wait3A_2077, %dma_wait3A_2078] : memref<3x4x8192xf32, #tpu.memory_space<vmem>> -> memref<1x4x1000xf32, #tpu.memory_space<vmem>>
    %dma_wait3A_2080 = tpu.memref_squeeze %dma_wait3A_2079 : memref<1x4x1000xf32, #tpu.memory_space<vmem>> -> memref<4x1000xf32, #tpu.memory_space<vmem>>
    tpu.wait_dma2 semaphore(%arg8 : memref<!tpu.dma_semaphore, #tpu.memory_space<semaphore_mem>>) src(%dma_wait3A_2080 : memref<4x1000xf32, #tpu.memory_space<vmem>>) dst(%dma_wait3A_2076 : memref<4x1000xf32, #tpu.memory_space<hbm>>)
    %add3A_2081 = arith.constant 108 : i32
    %add3A_2082 = arith.addi %mul3A_2, %add3A_2081 : i32
    %dma_start3A_2083 = arith.constant 0 : i32
    %dma_start3A_2084 = arith.constant 0 : i32
    %dma_start3A_2085 = arith.constant 0 : i32
    %dma_start3A_2086 = tpu.memref_slice %arg4[%dma_start3A_2083, %dma_start3A_2084, %dma_start3A_2085] : memref<3x4x8192xf32, #tpu.memory_space<vmem>> -> memref<1x4x8192xf32, #tpu.memory_space<vmem>>
    %dma_start3A_2087 = tpu.memref_squeeze %dma_start3A_2086 : memref<1x4x8192xf32, #tpu.memory_space<vmem>> -> memref<4x8192xf32, #tpu.memory_space<vmem>>
    %dma_start3A_2088 = arith.constant 0 : i32
    %dma_start3A_2089 = tpu.memref_slice %arg2[%add3A_2082, %dma_start3A_2088] : memref<4096x8192xf32, #tpu.memory_space<hbm>> -> memref<4x8192xf32, #tpu.memory_space<hbm>>
    %dma_start3A_2090 = arith.constant 0 : i32
    %dma_start3A_2091 = arith.constant 0 : i32
    %dma_start3A_2092 = tpu.memref_slice %arg4[%dma_start3A_2083, %dma_start3A_2090, %dma_start3A_2091] : memref<3x4x8192xf32, #tpu.memory_space<vmem>> -> memref<1x4x8192xf32, #tpu.memory_space<vmem>>
    %dma_start3A_2093 = tpu.memref_squeeze %dma_start3A_2092 : memref<1x4x8192xf32, #tpu.memory_space<vmem>> -> memref<4x8192xf32, #tpu.memory_space<vmem>>
    %dma_start3A_2094 = arith.constant 0 : i32
    %dma_start3A_2095 = tpu.memref_slice %arg2[%add3A_2082, %dma_start3A_2094] : memref<4096x8192xf32, #tpu.memory_space<hbm>> -> memref<4x8192xf32, #tpu.memory_space<hbm>>
    tpu.enqueue_dma source(%dma_start3A_2095 : memref<4x8192xf32, #tpu.memory_space<hbm>>) target(%dma_start3A_2093 : memref<4x8192xf32, #tpu.memory_space<vmem>>) target_semaphore(%arg5 : memref<!tpu.dma_semaphore, #tpu.memory_space<semaphore_mem>>)
    %dma_wait3A_2096 = arith.constant 1 : i32
    %dma_wait3A_2097 = arith.constant 0 : i32
    %dma_wait3A_2098 = arith.constant 0 : i32
    %dma_wait3A_2099 = tpu.memref_slice %arg4[%dma_wait3A_2096, %dma_wait3A_2097, %dma_wait3A_2098] : memref<3x4x8192xf32, #tpu.memory_space<vmem>> -> memref<1x4x8192xf32, #tpu.memory_space<vmem>>
    %dma_wait3A_2100 = tpu.memref_squeeze %dma_wait3A_2099 : memref<1x4x8192xf32, #tpu.memory_space<vmem>> -> memref<4x8192xf32, #tpu.memory_space<vmem>>
    %dma_wait3A_2101 = arith.constant 0 : i32
    %dma_wait3A_2102 = tpu.memref_slice %arg2[%add3A_1918, %dma_wait3A_2101] : memref<4096x8192xf32, #tpu.memory_space<hbm>> -> memref<4x8192xf32, #tpu.memory_space<hbm>>
    %dma_wait3A_2103 = arith.constant 0 : i32
    %dma_wait3A_2104 = arith.constant 0 : i32
    %dma_wait3A_2105 = tpu.memref_slice %arg4[%dma_wait3A_2096, %dma_wait3A_2103, %dma_wait3A_2104] : memref<3x4x8192xf32, #tpu.memory_space<vmem>> -> memref<1x4x8192xf32, #tpu.memory_space<vmem>>
    %dma_wait3A_2106 = tpu.memref_squeeze %dma_wait3A_2105 : memref<1x4x8192xf32, #tpu.memory_space<vmem>> -> memref<4x8192xf32, #tpu.memory_space<vmem>>
    %dma_wait3A_2107 = arith.constant 0 : i32
    %dma_wait3A_2108 = tpu.memref_slice %arg2[%add3A_1918, %dma_wait3A_2107] : memref<4096x8192xf32, #tpu.memory_space<hbm>> -> memref<4x8192xf32, #tpu.memory_space<hbm>>
    tpu.wait_dma2 semaphore(%arg6 : memref<!tpu.dma_semaphore, #tpu.memory_space<semaphore_mem>>) src(%dma_wait3A_2108 : memref<4x8192xf32, #tpu.memory_space<hbm>>) dst(%dma_wait3A_2106 : memref<4x8192xf32, #tpu.memory_space<vmem>>)
    %add3A_2109 = arith.constant 100 : i32
    %add3A_2110 = arith.addi %mul3A_2, %add3A_2109 : i32
    %dma_start3A_2111 = arith.constant 1 : i32
    %dma_start3A_2112 = arith.constant 0 : i32
    %dma_start3A_2113 = arith.constant 0 : i32
    %dma_start3A_2114 = tpu.memref_slice %arg4[%dma_start3A_2111, %dma_start3A_2112, %dma_start3A_2113] : memref<3x4x8192xf32, #tpu.memory_space<vmem>> -> memref<1x4x7192xf32, #tpu.memory_space<vmem>>
    %dma_start3A_2115 = tpu.memref_squeeze %dma_start3A_2114 : memref<1x4x7192xf32, #tpu.memory_space<vmem>> -> memref<4x7192xf32, #tpu.memory_space<vmem>>
    %dma_start3A_2116 = arith.constant 1000 : i32
    %dma_start3A_2117 = tpu.memref_slice %arg3[%add3A_2110, %dma_start3A_2116] : memref<4096x8192xf32, #tpu.memory_space<hbm>> -> memref<4x7192xf32, #tpu.memory_space<hbm>>
    %dma_start3A_2118 = arith.constant 1000 : i32
    %dma_start3A_2119 = tpu.memref_slice %arg3[%add3A_2110, %dma_start3A_2118] : memref<4096x8192xf32, #tpu.memory_space<hbm>> -> memref<4x7192xf32, #tpu.memory_space<hbm>>
    %dma_start3A_2120 = arith.constant 0 : i32
    %dma_start3A_2121 = arith.constant 0 : i32
    %dma_start3A_2122 = tpu.memref_slice %arg4[%dma_start3A_2111, %dma_start3A_2120, %dma_start3A_2121] : memref<3x4x8192xf32, #tpu.memory_space<vmem>> -> memref<1x4x7192xf32, #tpu.memory_space<vmem>>
    %dma_start3A_2123 = tpu.memref_squeeze %dma_start3A_2122 : memref<1x4x7192xf32, #tpu.memory_space<vmem>> -> memref<4x7192xf32, #tpu.memory_space<vmem>>
    tpu.enqueue_dma source(%dma_start3A_2123 : memref<4x7192xf32, #tpu.memory_space<vmem>>) target(%dma_start3A_2119 : memref<4x7192xf32, #tpu.memory_space<hbm>>) target_semaphore(%arg9 : memref<!tpu.dma_semaphore, #tpu.memory_space<semaphore_mem>>)
    %dma_start3A_2124 = arith.constant 1 : i32
    %dma_start3A_2125 = arith.constant 0 : i32
    %dma_start3A_2126 = arith.constant 7192 : i32
    %dma_start3A_2127 = tpu.memref_slice %arg4[%dma_start3A_2124, %dma_start3A_2125, %dma_start3A_2126] : memref<3x4x8192xf32, #tpu.memory_space<vmem>> -> memref<1x4x1000xf32, #tpu.memory_space<vmem>>
    %dma_start3A_2128 = tpu.memref_squeeze %dma_start3A_2127 : memref<1x4x1000xf32, #tpu.memory_space<vmem>> -> memref<4x1000xf32, #tpu.memory_space<vmem>>
    %dma_start3A_2129 = arith.constant 0 : i32
    %dma_start3A_2130 = tpu.memref_slice %arg3[%add3A_2110, %dma_start3A_2129] : memref<4096x8192xf32, #tpu.memory_space<hbm>> -> memref<4x1000xf32, #tpu.memory_space<hbm>>
    %dma_start3A_2131 = arith.constant 0 : i32
    %dma_start3A_2132 = tpu.memref_slice %arg3[%add3A_2110, %dma_start3A_2131] : memref<4096x8192xf32, #tpu.memory_space<hbm>> -> memref<4x1000xf32, #tpu.memory_space<hbm>>
    %dma_start3A_2133 = arith.constant 0 : i32
    %dma_start3A_2134 = arith.constant 7192 : i32
    %dma_start3A_2135 = tpu.memref_slice %arg4[%dma_start3A_2124, %dma_start3A_2133, %dma_start3A_2134] : memref<3x4x8192xf32, #tpu.memory_space<vmem>> -> memref<1x4x1000xf32, #tpu.memory_space<vmem>>
    %dma_start3A_2136 = tpu.memref_squeeze %dma_start3A_2135 : memref<1x4x1000xf32, #tpu.memory_space<vmem>> -> memref<4x1000xf32, #tpu.memory_space<vmem>>
    tpu.enqueue_dma source(%dma_start3A_2136 : memref<4x1000xf32, #tpu.memory_space<vmem>>) target(%dma_start3A_2132 : memref<4x1000xf32, #tpu.memory_space<hbm>>) target_semaphore(%arg9 : memref<!tpu.dma_semaphore, #tpu.memory_space<semaphore_mem>>)
    %dma_wait3A_2137 = arith.constant 1 : i32
    %dma_wait3A_2138 = arith.constant 0 : i32
    %dma_wait3A_2139 = arith.constant 0 : i32
    %dma_wait3A_2140 = tpu.memref_slice %arg4[%dma_wait3A_2137, %dma_wait3A_2138, %dma_wait3A_2139] : memref<3x4x8192xf32, #tpu.memory_space<vmem>> -> memref<1x4x7192xf32, #tpu.memory_space<vmem>>
    %dma_wait3A_2141 = tpu.memref_squeeze %dma_wait3A_2140 : memref<1x4x7192xf32, #tpu.memory_space<vmem>> -> memref<4x7192xf32, #tpu.memory_space<vmem>>
    %dma_wait3A_2142 = arith.constant 1000 : i32
    %dma_wait3A_2143 = tpu.memref_slice %arg3[%add3A_2110, %dma_wait3A_2142] : memref<4096x8192xf32, #tpu.memory_space<hbm>> -> memref<4x7192xf32, #tpu.memory_space<hbm>>
    %dma_wait3A_2144 = arith.constant 1000 : i32
    %dma_wait3A_2145 = tpu.memref_slice %arg3[%add3A_2110, %dma_wait3A_2144] : memref<4096x8192xf32, #tpu.memory_space<hbm>> -> memref<4x7192xf32, #tpu.memory_space<hbm>>
    %dma_wait3A_2146 = arith.constant 0 : i32
    %dma_wait3A_2147 = arith.constant 0 : i32
    %dma_wait3A_2148 = tpu.memref_slice %arg4[%dma_wait3A_2137, %dma_wait3A_2146, %dma_wait3A_2147] : memref<3x4x8192xf32, #tpu.memory_space<vmem>> -> memref<1x4x7192xf32, #tpu.memory_space<vmem>>
    %dma_wait3A_2149 = tpu.memref_squeeze %dma_wait3A_2148 : memref<1x4x7192xf32, #tpu.memory_space<vmem>> -> memref<4x7192xf32, #tpu.memory_space<vmem>>
    tpu.wait_dma2 semaphore(%arg9 : memref<!tpu.dma_semaphore, #tpu.memory_space<semaphore_mem>>) src(%dma_wait3A_2149 : memref<4x7192xf32, #tpu.memory_space<vmem>>) dst(%dma_wait3A_2145 : memref<4x7192xf32, #tpu.memory_space<hbm>>)
    %dma_wait3A_2150 = arith.constant 1 : i32
    %dma_wait3A_2151 = arith.constant 0 : i32
    %dma_wait3A_2152 = arith.constant 7192 : i32
    %dma_wait3A_2153 = tpu.memref_slice %arg4[%dma_wait3A_2150, %dma_wait3A_2151, %dma_wait3A_2152] : memref<3x4x8192xf32, #tpu.memory_space<vmem>> -> memref<1x4x1000xf32, #tpu.memory_space<vmem>>
    %dma_wait3A_2154 = tpu.memref_squeeze %dma_wait3A_2153 : memref<1x4x1000xf32, #tpu.memory_space<vmem>> -> memref<4x1000xf32, #tpu.memory_space<vmem>>
    %dma_wait3A_2155 = arith.constant 0 : i32
    %dma_wait3A_2156 = tpu.memref_slice %arg3[%add3A_2110, %dma_wait3A_2155] : memref<4096x8192xf32, #tpu.memory_space<hbm>> -> memref<4x1000xf32, #tpu.memory_space<hbm>>
    %dma_wait3A_2157 = arith.constant 0 : i32
    %dma_wait3A_2158 = tpu.memref_slice %arg3[%add3A_2110, %dma_wait3A_2157] : memref<4096x8192xf32, #tpu.memory_space<hbm>> -> memref<4x1000xf32, #tpu.memory_space<hbm>>
    %dma_wait3A_2159 = arith.constant 0 : i32
    %dma_wait3A_2160 = arith.constant 7192 : i32
    %dma_wait3A_2161 = tpu.memref_slice %arg4[%dma_wait3A_2150, %dma_wait3A_2159, %dma_wait3A_2160] : memref<3x4x8192xf32, #tpu.memory_space<vmem>> -> memref<1x4x1000xf32, #tpu.memory_space<vmem>>
    %dma_wait3A_2162 = tpu.memref_squeeze %dma_wait3A_2161 : memref<1x4x1000xf32, #tpu.memory_space<vmem>> -> memref<4x1000xf32, #tpu.memory_space<vmem>>
    tpu.wait_dma2 semaphore(%arg9 : memref<!tpu.dma_semaphore, #tpu.memory_space<semaphore_mem>>) src(%dma_wait3A_2162 : memref<4x1000xf32, #tpu.memory_space<vmem>>) dst(%dma_wait3A_2158 : memref<4x1000xf32, #tpu.memory_space<hbm>>)
    %add3A_2163 = arith.constant 112 : i32
    %add3A_2164 = arith.addi %mul3A_2, %add3A_2163 : i32
    %dma_start3A_2165 = arith.constant 1 : i32
    %dma_start3A_2166 = arith.constant 0 : i32
    %dma_start3A_2167 = arith.constant 0 : i32
    %dma_start3A_2168 = tpu.memref_slice %arg4[%dma_start3A_2165, %dma_start3A_2166, %dma_start3A_2167] : memref<3x4x8192xf32, #tpu.memory_space<vmem>> -> memref<1x4x8192xf32, #tpu.memory_space<vmem>>
    %dma_start3A_2169 = tpu.memref_squeeze %dma_start3A_2168 : memref<1x4x8192xf32, #tpu.memory_space<vmem>> -> memref<4x8192xf32, #tpu.memory_space<vmem>>
    %dma_start3A_2170 = arith.constant 0 : i32
    %dma_start3A_2171 = tpu.memref_slice %arg2[%add3A_2164, %dma_start3A_2170] : memref<4096x8192xf32, #tpu.memory_space<hbm>> -> memref<4x8192xf32, #tpu.memory_space<hbm>>
    %dma_start3A_2172 = arith.constant 0 : i32
    %dma_start3A_2173 = arith.constant 0 : i32
    %dma_start3A_2174 = tpu.memref_slice %arg4[%dma_start3A_2165, %dma_start3A_2172, %dma_start3A_2173] : memref<3x4x8192xf32, #tpu.memory_space<vmem>> -> memref<1x4x8192xf32, #tpu.memory_space<vmem>>
    %dma_start3A_2175 = tpu.memref_squeeze %dma_start3A_2174 : memref<1x4x8192xf32, #tpu.memory_space<vmem>> -> memref<4x8192xf32, #tpu.memory_space<vmem>>
    %dma_start3A_2176 = arith.constant 0 : i32
    %dma_start3A_2177 = tpu.memref_slice %arg2[%add3A_2164, %dma_start3A_2176] : memref<4096x8192xf32, #tpu.memory_space<hbm>> -> memref<4x8192xf32, #tpu.memory_space<hbm>>
    tpu.enqueue_dma source(%dma_start3A_2177 : memref<4x8192xf32, #tpu.memory_space<hbm>>) target(%dma_start3A_2175 : memref<4x8192xf32, #tpu.memory_space<vmem>>) target_semaphore(%arg6 : memref<!tpu.dma_semaphore, #tpu.memory_space<semaphore_mem>>)
    %dma_wait3A_2178 = arith.constant 2 : i32
    %dma_wait3A_2179 = arith.constant 0 : i32
    %dma_wait3A_2180 = arith.constant 0 : i32
    %dma_wait3A_2181 = tpu.memref_slice %arg4[%dma_wait3A_2178, %dma_wait3A_2179, %dma_wait3A_2180] : memref<3x4x8192xf32, #tpu.memory_space<vmem>> -> memref<1x4x8192xf32, #tpu.memory_space<vmem>>
    %dma_wait3A_2182 = tpu.memref_squeeze %dma_wait3A_2181 : memref<1x4x8192xf32, #tpu.memory_space<vmem>> -> memref<4x8192xf32, #tpu.memory_space<vmem>>
    %dma_wait3A_2183 = arith.constant 0 : i32
    %dma_wait3A_2184 = tpu.memref_slice %arg2[%add3A_2000, %dma_wait3A_2183] : memref<4096x8192xf32, #tpu.memory_space<hbm>> -> memref<4x8192xf32, #tpu.memory_space<hbm>>
    %dma_wait3A_2185 = arith.constant 0 : i32
    %dma_wait3A_2186 = arith.constant 0 : i32
    %dma_wait3A_2187 = tpu.memref_slice %arg4[%dma_wait3A_2178, %dma_wait3A_2185, %dma_wait3A_2186] : memref<3x4x8192xf32, #tpu.memory_space<vmem>> -> memref<1x4x8192xf32, #tpu.memory_space<vmem>>
    %dma_wait3A_2188 = tpu.memref_squeeze %dma_wait3A_2187 : memref<1x4x8192xf32, #tpu.memory_space<vmem>> -> memref<4x8192xf32, #tpu.memory_space<vmem>>
    %dma_wait3A_2189 = arith.constant 0 : i32
    %dma_wait3A_2190 = tpu.memref_slice %arg2[%add3A_2000, %dma_wait3A_2189] : memref<4096x8192xf32, #tpu.memory_space<hbm>> -> memref<4x8192xf32, #tpu.memory_space<hbm>>
    tpu.wait_dma2 semaphore(%arg7 : memref<!tpu.dma_semaphore, #tpu.memory_space<semaphore_mem>>) src(%dma_wait3A_2190 : memref<4x8192xf32, #tpu.memory_space<hbm>>) dst(%dma_wait3A_2188 : memref<4x8192xf32, #tpu.memory_space<vmem>>)
    %add3A_2191 = arith.constant 104 : i32
    %add3A_2192 = arith.addi %mul3A_2, %add3A_2191 : i32
    %dma_start3A_2193 = arith.constant 2 : i32
    %dma_start3A_2194 = arith.constant 0 : i32
    %dma_start3A_2195 = arith.constant 0 : i32
    %dma_start3A_2196 = tpu.memref_slice %arg4[%dma_start3A_2193, %dma_start3A_2194, %dma_start3A_2195] : memref<3x4x8192xf32, #tpu.memory_space<vmem>> -> memref<1x4x7192xf32, #tpu.memory_space<vmem>>
    %dma_start3A_2197 = tpu.memref_squeeze %dma_start3A_2196 : memref<1x4x7192xf32, #tpu.memory_space<vmem>> -> memref<4x7192xf32, #tpu.memory_space<vmem>>
    %dma_start3A_2198 = arith.constant 1000 : i32
    %dma_start3A_2199 = tpu.memref_slice %arg3[%add3A_2192, %dma_start3A_2198] : memref<4096x8192xf32, #tpu.memory_space<hbm>> -> memref<4x7192xf32, #tpu.memory_space<hbm>>
    %dma_start3A_2200 = arith.constant 1000 : i32
    %dma_start3A_2201 = tpu.memref_slice %arg3[%add3A_2192, %dma_start3A_2200] : memref<4096x8192xf32, #tpu.memory_space<hbm>> -> memref<4x7192xf32, #tpu.memory_space<hbm>>
    %dma_start3A_2202 = arith.constant 0 : i32
    %dma_start3A_2203 = arith.constant 0 : i32
    %dma_start3A_2204 = tpu.memref_slice %arg4[%dma_start3A_2193, %dma_start3A_2202, %dma_start3A_2203] : memref<3x4x8192xf32, #tpu.memory_space<vmem>> -> memref<1x4x7192xf32, #tpu.memory_space<vmem>>
    %dma_start3A_2205 = tpu.memref_squeeze %dma_start3A_2204 : memref<1x4x7192xf32, #tpu.memory_space<vmem>> -> memref<4x7192xf32, #tpu.memory_space<vmem>>
    tpu.enqueue_dma source(%dma_start3A_2205 : memref<4x7192xf32, #tpu.memory_space<vmem>>) target(%dma_start3A_2201 : memref<4x7192xf32, #tpu.memory_space<hbm>>) target_semaphore(%arg10 : memref<!tpu.dma_semaphore, #tpu.memory_space<semaphore_mem>>)
    %dma_start3A_2206 = arith.constant 2 : i32
    %dma_start3A_2207 = arith.constant 0 : i32
    %dma_start3A_2208 = arith.constant 7192 : i32
    %dma_start3A_2209 = tpu.memref_slice %arg4[%dma_start3A_2206, %dma_start3A_2207, %dma_start3A_2208] : memref<3x4x8192xf32, #tpu.memory_space<vmem>> -> memref<1x4x1000xf32, #tpu.memory_space<vmem>>
    %dma_start3A_2210 = tpu.memref_squeeze %dma_start3A_2209 : memref<1x4x1000xf32, #tpu.memory_space<vmem>> -> memref<4x1000xf32, #tpu.memory_space<vmem>>
    %dma_start3A_2211 = arith.constant 0 : i32
    %dma_start3A_2212 = tpu.memref_slice %arg3[%add3A_2192, %dma_start3A_2211] : memref<4096x8192xf32, #tpu.memory_space<hbm>> -> memref<4x1000xf32, #tpu.memory_space<hbm>>
    %dma_start3A_2213 = arith.constant 0 : i32
    %dma_start3A_2214 = tpu.memref_slice %arg3[%add3A_2192, %dma_start3A_2213] : memref<4096x8192xf32, #tpu.memory_space<hbm>> -> memref<4x1000xf32, #tpu.memory_space<hbm>>
    %dma_start3A_2215 = arith.constant 0 : i32
    %dma_start3A_2216 = arith.constant 7192 : i32
    %dma_start3A_2217 = tpu.memref_slice %arg4[%dma_start3A_2206, %dma_start3A_2215, %dma_start3A_2216] : memref<3x4x8192xf32, #tpu.memory_space<vmem>> -> memref<1x4x1000xf32, #tpu.memory_space<vmem>>
    %dma_start3A_2218 = tpu.memref_squeeze %dma_start3A_2217 : memref<1x4x1000xf32, #tpu.memory_space<vmem>> -> memref<4x1000xf32, #tpu.memory_space<vmem>>
    tpu.enqueue_dma source(%dma_start3A_2218 : memref<4x1000xf32, #tpu.memory_space<vmem>>) target(%dma_start3A_2214 : memref<4x1000xf32, #tpu.memory_space<hbm>>) target_semaphore(%arg10 : memref<!tpu.dma_semaphore, #tpu.memory_space<semaphore_mem>>)
    %dma_wait3A_2219 = arith.constant 2 : i32
    %dma_wait3A_2220 = arith.constant 0 : i32
    %dma_wait3A_2221 = arith.constant 0 : i32
    %dma_wait3A_2222 = tpu.memref_slice %arg4[%dma_wait3A_2219, %dma_wait3A_2220, %dma_wait3A_2221] : memref<3x4x8192xf32, #tpu.memory_space<vmem>> -> memref<1x4x7192xf32, #tpu.memory_space<vmem>>
    %dma_wait3A_2223 = tpu.memref_squeeze %dma_wait3A_2222 : memref<1x4x7192xf32, #tpu.memory_space<vmem>> -> memref<4x7192xf32, #tpu.memory_space<vmem>>
    %dma_wait3A_2224 = arith.constant 1000 : i32
    %dma_wait3A_2225 = tpu.memref_slice %arg3[%add3A_2192, %dma_wait3A_2224] : memref<4096x8192xf32, #tpu.memory_space<hbm>> -> memref<4x7192xf32, #tpu.memory_space<hbm>>
    %dma_wait3A_2226 = arith.constant 1000 : i32
    %dma_wait3A_2227 = tpu.memref_slice %arg3[%add3A_2192, %dma_wait3A_2226] : memref<4096x8192xf32, #tpu.memory_space<hbm>> -> memref<4x7192xf32, #tpu.memory_space<hbm>>
    %dma_wait3A_2228 = arith.constant 0 : i32
    %dma_wait3A_2229 = arith.constant 0 : i32
    %dma_wait3A_2230 = tpu.memref_slice %arg4[%dma_wait3A_2219, %dma_wait3A_2228, %dma_wait3A_2229] : memref<3x4x8192xf32, #tpu.memory_space<vmem>> -> memref<1x4x7192xf32, #tpu.memory_space<vmem>>
    %dma_wait3A_2231 = tpu.memref_squeeze %dma_wait3A_2230 : memref<1x4x7192xf32, #tpu.memory_space<vmem>> -> memref<4x7192xf32, #tpu.memory_space<vmem>>
    tpu.wait_dma2 semaphore(%arg10 : memref<!tpu.dma_semaphore, #tpu.memory_space<semaphore_mem>>) src(%dma_wait3A_2231 : memref<4x7192xf32, #tpu.memory_space<vmem>>) dst(%dma_wait3A_2227 : memref<4x7192xf32, #tpu.memory_space<hbm>>)
    %dma_wait3A_2232 = arith.constant 2 : i32
    %dma_wait3A_2233 = arith.constant 0 : i32
    %dma_wait3A_2234 = arith.constant 7192 : i32
    %dma_wait3A_2235 = tpu.memref_slice %arg4[%dma_wait3A_2232, %dma_wait3A_2233, %dma_wait3A_2234] : memref<3x4x8192xf32, #tpu.memory_space<vmem>> -> memref<1x4x1000xf32, #tpu.memory_space<vmem>>
    %dma_wait3A_2236 = tpu.memref_squeeze %dma_wait3A_2235 : memref<1x4x1000xf32, #tpu.memory_space<vmem>> -> memref<4x1000xf32, #tpu.memory_space<vmem>>
    %dma_wait3A_2237 = arith.constant 0 : i32
    %dma_wait3A_2238 = tpu.memref_slice %arg3[%add3A_2192, %dma_wait3A_2237] : memref<4096x8192xf32, #tpu.memory_space<hbm>> -> memref<4x1000xf32, #tpu.memory_space<hbm>>
    %dma_wait3A_2239 = arith.constant 0 : i32
    %dma_wait3A_2240 = tpu.memref_slice %arg3[%add3A_2192, %dma_wait3A_2239] : memref<4096x8192xf32, #tpu.memory_space<hbm>> -> memref<4x1000xf32, #tpu.memory_space<hbm>>
    %dma_wait3A_2241 = arith.constant 0 : i32
    %dma_wait3A_2242 = arith.constant 7192 : i32
    %dma_wait3A_2243 = tpu.memref_slice %arg4[%dma_wait3A_2232, %dma_wait3A_2241, %dma_wait3A_2242] : memref<3x4x8192xf32, #tpu.memory_space<vmem>> -> memref<1x4x1000xf32, #tpu.memory_space<vmem>>
    %dma_wait3A_2244 = tpu.memref_squeeze %dma_wait3A_2243 : memref<1x4x1000xf32, #tpu.memory_space<vmem>> -> memref<4x1000xf32, #tpu.memory_space<vmem>>
    tpu.wait_dma2 semaphore(%arg10 : memref<!tpu.dma_semaphore, #tpu.memory_space<semaphore_mem>>) src(%dma_wait3A_2244 : memref<4x1000xf32, #tpu.memory_space<vmem>>) dst(%dma_wait3A_2240 : memref<4x1000xf32, #tpu.memory_space<hbm>>)
    %add3A_2245 = arith.constant 116 : i32
    %add3A_2246 = arith.addi %mul3A_2, %add3A_2245 : i32
    %dma_start3A_2247 = arith.constant 2 : i32
    %dma_start3A_2248 = arith.constant 0 : i32
    %dma_start3A_2249 = arith.constant 0 : i32
    %dma_start3A_2250 = tpu.memref_slice %arg4[%dma_start3A_2247, %dma_start3A_2248, %dma_start3A_2249] : memref<3x4x8192xf32, #tpu.memory_space<vmem>> -> memref<1x4x8192xf32, #tpu.memory_space<vmem>>
    %dma_start3A_2251 = tpu.memref_squeeze %dma_start3A_2250 : memref<1x4x8192xf32, #tpu.memory_space<vmem>> -> memref<4x8192xf32, #tpu.memory_space<vmem>>
    %dma_start3A_2252 = arith.constant 0 : i32
    %dma_start3A_2253 = tpu.memref_slice %arg2[%add3A_2246, %dma_start3A_2252] : memref<4096x8192xf32, #tpu.memory_space<hbm>> -> memref<4x8192xf32, #tpu.memory_space<hbm>>
    %dma_start3A_2254 = arith.constant 0 : i32
    %dma_start3A_2255 = arith.constant 0 : i32
    %dma_start3A_2256 = tpu.memref_slice %arg4[%dma_start3A_2247, %dma_start3A_2254, %dma_start3A_2255] : memref<3x4x8192xf32, #tpu.memory_space<vmem>> -> memref<1x4x8192xf32, #tpu.memory_space<vmem>>
    %dma_start3A_2257 = tpu.memref_squeeze %dma_start3A_2256 : memref<1x4x8192xf32, #tpu.memory_space<vmem>> -> memref<4x8192xf32, #tpu.memory_space<vmem>>
    %dma_start3A_2258 = arith.constant 0 : i32
    %dma_start3A_2259 = tpu.memref_slice %arg2[%add3A_2246, %dma_start3A_2258] : memref<4096x8192xf32, #tpu.memory_space<hbm>> -> memref<4x8192xf32, #tpu.memory_space<hbm>>
    tpu.enqueue_dma source(%dma_start3A_2259 : memref<4x8192xf32, #tpu.memory_space<hbm>>) target(%dma_start3A_2257 : memref<4x8192xf32, #tpu.memory_space<vmem>>) target_semaphore(%arg7 : memref<!tpu.dma_semaphore, #tpu.memory_space<semaphore_mem>>)
    %dma_wait3A_2260 = arith.constant 0 : i32
    %dma_wait3A_2261 = arith.constant 0 : i32
    %dma_wait3A_2262 = arith.constant 0 : i32
    %dma_wait3A_2263 = tpu.memref_slice %arg4[%dma_wait3A_2260, %dma_wait3A_2261, %dma_wait3A_2262] : memref<3x4x8192xf32, #tpu.memory_space<vmem>> -> memref<1x4x8192xf32, #tpu.memory_space<vmem>>
    %dma_wait3A_2264 = tpu.memref_squeeze %dma_wait3A_2263 : memref<1x4x8192xf32, #tpu.memory_space<vmem>> -> memref<4x8192xf32, #tpu.memory_space<vmem>>
    %dma_wait3A_2265 = arith.constant 0 : i32
    %dma_wait3A_2266 = tpu.memref_slice %arg2[%add3A_2082, %dma_wait3A_2265] : memref<4096x8192xf32, #tpu.memory_space<hbm>> -> memref<4x8192xf32, #tpu.memory_space<hbm>>
    %dma_wait3A_2267 = arith.constant 0 : i32
    %dma_wait3A_2268 = arith.constant 0 : i32
    %dma_wait3A_2269 = tpu.memref_slice %arg4[%dma_wait3A_2260, %dma_wait3A_2267, %dma_wait3A_2268] : memref<3x4x8192xf32, #tpu.memory_space<vmem>> -> memref<1x4x8192xf32, #tpu.memory_space<vmem>>
    %dma_wait3A_2270 = tpu.memref_squeeze %dma_wait3A_2269 : memref<1x4x8192xf32, #tpu.memory_space<vmem>> -> memref<4x8192xf32, #tpu.memory_space<vmem>>
    %dma_wait3A_2271 = arith.constant 0 : i32
    %dma_wait3A_2272 = tpu.memref_slice %arg2[%add3A_2082, %dma_wait3A_2271] : memref<4096x8192xf32, #tpu.memory_space<hbm>> -> memref<4x8192xf32, #tpu.memory_space<hbm>>
    tpu.wait_dma2 semaphore(%arg5 : memref<!tpu.dma_semaphore, #tpu.memory_space<semaphore_mem>>) src(%dma_wait3A_2272 : memref<4x8192xf32, #tpu.memory_space<hbm>>) dst(%dma_wait3A_2270 : memref<4x8192xf32, #tpu.memory_space<vmem>>)
    %add3A_2273 = arith.constant 108 : i32
    %add3A_2274 = arith.addi %mul3A_2, %add3A_2273 : i32
    %dma_start3A_2275 = arith.constant 0 : i32
    %dma_start3A_2276 = arith.constant 0 : i32
    %dma_start3A_2277 = arith.constant 0 : i32
    %dma_start3A_2278 = tpu.memref_slice %arg4[%dma_start3A_2275, %dma_start3A_2276, %dma_start3A_2277] : memref<3x4x8192xf32, #tpu.memory_space<vmem>> -> memref<1x4x7192xf32, #tpu.memory_space<vmem>>
    %dma_start3A_2279 = tpu.memref_squeeze %dma_start3A_2278 : memref<1x4x7192xf32, #tpu.memory_space<vmem>> -> memref<4x7192xf32, #tpu.memory_space<vmem>>
    %dma_start3A_2280 = arith.constant 1000 : i32
    %dma_start3A_2281 = tpu.memref_slice %arg3[%add3A_2274, %dma_start3A_2280] : memref<4096x8192xf32, #tpu.memory_space<hbm>> -> memref<4x7192xf32, #tpu.memory_space<hbm>>
    %dma_start3A_2282 = arith.constant 1000 : i32
    %dma_start3A_2283 = tpu.memref_slice %arg3[%add3A_2274, %dma_start3A_2282] : memref<4096x8192xf32, #tpu.memory_space<hbm>> -> memref<4x7192xf32, #tpu.memory_space<hbm>>
    %dma_start3A_2284 = arith.constant 0 : i32
    %dma_start3A_2285 = arith.constant 0 : i32
    %dma_start3A_2286 = tpu.memref_slice %arg4[%dma_start3A_2275, %dma_start3A_2284, %dma_start3A_2285] : memref<3x4x8192xf32, #tpu.memory_space<vmem>> -> memref<1x4x7192xf32, #tpu.memory_space<vmem>>
    %dma_start3A_2287 = tpu.memref_squeeze %dma_start3A_2286 : memref<1x4x7192xf32, #tpu.memory_space<vmem>> -> memref<4x7192xf32, #tpu.memory_space<vmem>>
    tpu.enqueue_dma source(%dma_start3A_2287 : memref<4x7192xf32, #tpu.memory_space<vmem>>) target(%dma_start3A_2283 : memref<4x7192xf32, #tpu.memory_space<hbm>>) target_semaphore(%arg8 : memref<!tpu.dma_semaphore, #tpu.memory_space<semaphore_mem>>)
    %dma_start3A_2288 = arith.constant 0 : i32
    %dma_start3A_2289 = arith.constant 0 : i32
    %dma_start3A_2290 = arith.constant 7192 : i32
    %dma_start3A_2291 = tpu.memref_slice %arg4[%dma_start3A_2288, %dma_start3A_2289, %dma_start3A_2290] : memref<3x4x8192xf32, #tpu.memory_space<vmem>> -> memref<1x4x1000xf32, #tpu.memory_space<vmem>>
    %dma_start3A_2292 = tpu.memref_squeeze %dma_start3A_2291 : memref<1x4x1000xf32, #tpu.memory_space<vmem>> -> memref<4x1000xf32, #tpu.memory_space<vmem>>
    %dma_start3A_2293 = arith.constant 0 : i32
    %dma_start3A_2294 = tpu.memref_slice %arg3[%add3A_2274, %dma_start3A_2293] : memref<4096x8192xf32, #tpu.memory_space<hbm>> -> memref<4x1000xf32, #tpu.memory_space<hbm>>
    %dma_start3A_2295 = arith.constant 0 : i32
    %dma_start3A_2296 = tpu.memref_slice %arg3[%add3A_2274, %dma_start3A_2295] : memref<4096x8192xf32, #tpu.memory_space<hbm>> -> memref<4x1000xf32, #tpu.memory_space<hbm>>
    %dma_start3A_2297 = arith.constant 0 : i32
    %dma_start3A_2298 = arith.constant 7192 : i32
    %dma_start3A_2299 = tpu.memref_slice %arg4[%dma_start3A_2288, %dma_start3A_2297, %dma_start3A_2298] : memref<3x4x8192xf32, #tpu.memory_space<vmem>> -> memref<1x4x1000xf32, #tpu.memory_space<vmem>>
    %dma_start3A_2300 = tpu.memref_squeeze %dma_start3A_2299 : memref<1x4x1000xf32, #tpu.memory_space<vmem>> -> memref<4x1000xf32, #tpu.memory_space<vmem>>
    tpu.enqueue_dma source(%dma_start3A_2300 : memref<4x1000xf32, #tpu.memory_space<vmem>>) target(%dma_start3A_2296 : memref<4x1000xf32, #tpu.memory_space<hbm>>) target_semaphore(%arg8 : memref<!tpu.dma_semaphore, #tpu.memory_space<semaphore_mem>>)
    %dma_wait3A_2301 = arith.constant 0 : i32
    %dma_wait3A_2302 = arith.constant 0 : i32
    %dma_wait3A_2303 = arith.constant 0 : i32
    %dma_wait3A_2304 = tpu.memref_slice %arg4[%dma_wait3A_2301, %dma_wait3A_2302, %dma_wait3A_2303] : memref<3x4x8192xf32, #tpu.memory_space<vmem>> -> memref<1x4x7192xf32, #tpu.memory_space<vmem>>
    %dma_wait3A_2305 = tpu.memref_squeeze %dma_wait3A_2304 : memref<1x4x7192xf32, #tpu.memory_space<vmem>> -> memref<4x7192xf32, #tpu.memory_space<vmem>>
    %dma_wait3A_2306 = arith.constant 1000 : i32
    %dma_wait3A_2307 = tpu.memref_slice %arg3[%add3A_2274, %dma_wait3A_2306] : memref<4096x8192xf32, #tpu.memory_space<hbm>> -> memref<4x7192xf32, #tpu.memory_space<hbm>>
    %dma_wait3A_2308 = arith.constant 1000 : i32
    %dma_wait3A_2309 = tpu.memref_slice %arg3[%add3A_2274, %dma_wait3A_2308] : memref<4096x8192xf32, #tpu.memory_space<hbm>> -> memref<4x7192xf32, #tpu.memory_space<hbm>>
    %dma_wait3A_2310 = arith.constant 0 : i32
    %dma_wait3A_2311 = arith.constant 0 : i32
    %dma_wait3A_2312 = tpu.memref_slice %arg4[%dma_wait3A_2301, %dma_wait3A_2310, %dma_wait3A_2311] : memref<3x4x8192xf32, #tpu.memory_space<vmem>> -> memref<1x4x7192xf32, #tpu.memory_space<vmem>>
    %dma_wait3A_2313 = tpu.memref_squeeze %dma_wait3A_2312 : memref<1x4x7192xf32, #tpu.memory_space<vmem>> -> memref<4x7192xf32, #tpu.memory_space<vmem>>
    tpu.wait_dma2 semaphore(%arg8 : memref<!tpu.dma_semaphore, #tpu.memory_space<semaphore_mem>>) src(%dma_wait3A_2313 : memref<4x7192xf32, #tpu.memory_space<vmem>>) dst(%dma_wait3A_2309 : memref<4x7192xf32, #tpu.memory_space<hbm>>)
    %dma_wait3A_2314 = arith.constant 0 : i32
    %dma_wait3A_2315 = arith.constant 0 : i32
    %dma_wait3A_2316 = arith.constant 7192 : i32
    %dma_wait3A_2317 = tpu.memref_slice %arg4[%dma_wait3A_2314, %dma_wait3A_2315, %dma_wait3A_2316] : memref<3x4x8192xf32, #tpu.memory_space<vmem>> -> memref<1x4x1000xf32, #tpu.memory_space<vmem>>
    %dma_wait3A_2318 = tpu.memref_squeeze %dma_wait3A_2317 : memref<1x4x1000xf32, #tpu.memory_space<vmem>> -> memref<4x1000xf32, #tpu.memory_space<vmem>>
    %dma_wait3A_2319 = arith.constant 0 : i32
    %dma_wait3A_2320 = tpu.memref_slice %arg3[%add3A_2274, %dma_wait3A_2319] : memref<4096x8192xf32, #tpu.memory_space<hbm>> -> memref<4x1000xf32, #tpu.memory_space<hbm>>
    %dma_wait3A_2321 = arith.constant 0 : i32
    %dma_wait3A_2322 = tpu.memref_slice %arg3[%add3A_2274, %dma_wait3A_2321] : memref<4096x8192xf32, #tpu.memory_space<hbm>> -> memref<4x1000xf32, #tpu.memory_space<hbm>>
    %dma_wait3A_2323 = arith.constant 0 : i32
    %dma_wait3A_2324 = arith.constant 7192 : i32
    %dma_wait3A_2325 = tpu.memref_slice %arg4[%dma_wait3A_2314, %dma_wait3A_2323, %dma_wait3A_2324] : memref<3x4x8192xf32, #tpu.memory_space<vmem>> -> memref<1x4x1000xf32, #tpu.memory_space<vmem>>
    %dma_wait3A_2326 = tpu.memref_squeeze %dma_wait3A_2325 : memref<1x4x1000xf32, #tpu.memory_space<vmem>> -> memref<4x1000xf32, #tpu.memory_space<vmem>>
    tpu.wait_dma2 semaphore(%arg8 : memref<!tpu.dma_semaphore, #tpu.memory_space<semaphore_mem>>) src(%dma_wait3A_2326 : memref<4x1000xf32, #tpu.memory_space<vmem>>) dst(%dma_wait3A_2322 : memref<4x1000xf32, #tpu.memory_space<hbm>>)
    %add3A_2327 = arith.constant 120 : i32
    %add3A_2328 = arith.addi %mul3A_2, %add3A_2327 : i32
    %dma_start3A_2329 = arith.constant 0 : i32
    %dma_start3A_2330 = arith.constant 0 : i32
    %dma_start3A_2331 = arith.constant 0 : i32
    %dma_start3A_2332 = tpu.memref_slice %arg4[%dma_start3A_2329, %dma_start3A_2330, %dma_start3A_2331] : memref<3x4x8192xf32, #tpu.memory_space<vmem>> -> memref<1x4x8192xf32, #tpu.memory_space<vmem>>
    %dma_start3A_2333 = tpu.memref_squeeze %dma_start3A_2332 : memref<1x4x8192xf32, #tpu.memory_space<vmem>> -> memref<4x8192xf32, #tpu.memory_space<vmem>>
    %dma_start3A_2334 = arith.constant 0 : i32
    %dma_start3A_2335 = tpu.memref_slice %arg2[%add3A_2328, %dma_start3A_2334] : memref<4096x8192xf32, #tpu.memory_space<hbm>> -> memref<4x8192xf32, #tpu.memory_space<hbm>>
    %dma_start3A_2336 = arith.constant 0 : i32
    %dma_start3A_2337 = arith.constant 0 : i32
    %dma_start3A_2338 = tpu.memref_slice %arg4[%dma_start3A_2329, %dma_start3A_2336, %dma_start3A_2337] : memref<3x4x8192xf32, #tpu.memory_space<vmem>> -> memref<1x4x8192xf32, #tpu.memory_space<vmem>>
    %dma_start3A_2339 = tpu.memref_squeeze %dma_start3A_2338 : memref<1x4x8192xf32, #tpu.memory_space<vmem>> -> memref<4x8192xf32, #tpu.memory_space<vmem>>
    %dma_start3A_2340 = arith.constant 0 : i32
    %dma_start3A_2341 = tpu.memref_slice %arg2[%add3A_2328, %dma_start3A_2340] : memref<4096x8192xf32, #tpu.memory_space<hbm>> -> memref<4x8192xf32, #tpu.memory_space<hbm>>
    tpu.enqueue_dma source(%dma_start3A_2341 : memref<4x8192xf32, #tpu.memory_space<hbm>>) target(%dma_start3A_2339 : memref<4x8192xf32, #tpu.memory_space<vmem>>) target_semaphore(%arg5 : memref<!tpu.dma_semaphore, #tpu.memory_space<semaphore_mem>>)
    %dma_wait3A_2342 = arith.constant 1 : i32
    %dma_wait3A_2343 = arith.constant 0 : i32
    %dma_wait3A_2344 = arith.constant 0 : i32
    %dma_wait3A_2345 = tpu.memref_slice %arg4[%dma_wait3A_2342, %dma_wait3A_2343, %dma_wait3A_2344] : memref<3x4x8192xf32, #tpu.memory_space<vmem>> -> memref<1x4x8192xf32, #tpu.memory_space<vmem>>
    %dma_wait3A_2346 = tpu.memref_squeeze %dma_wait3A_2345 : memref<1x4x8192xf32, #tpu.memory_space<vmem>> -> memref<4x8192xf32, #tpu.memory_space<vmem>>
    %dma_wait3A_2347 = arith.constant 0 : i32
    %dma_wait3A_2348 = tpu.memref_slice %arg2[%add3A_2164, %dma_wait3A_2347] : memref<4096x8192xf32, #tpu.memory_space<hbm>> -> memref<4x8192xf32, #tpu.memory_space<hbm>>
    %dma_wait3A_2349 = arith.constant 0 : i32
    %dma_wait3A_2350 = arith.constant 0 : i32
    %dma_wait3A_2351 = tpu.memref_slice %arg4[%dma_wait3A_2342, %dma_wait3A_2349, %dma_wait3A_2350] : memref<3x4x8192xf32, #tpu.memory_space<vmem>> -> memref<1x4x8192xf32, #tpu.memory_space<vmem>>
    %dma_wait3A_2352 = tpu.memref_squeeze %dma_wait3A_2351 : memref<1x4x8192xf32, #tpu.memory_space<vmem>> -> memref<4x8192xf32, #tpu.memory_space<vmem>>
    %dma_wait3A_2353 = arith.constant 0 : i32
    %dma_wait3A_2354 = tpu.memref_slice %arg2[%add3A_2164, %dma_wait3A_2353] : memref<4096x8192xf32, #tpu.memory_space<hbm>> -> memref<4x8192xf32, #tpu.memory_space<hbm>>
    tpu.wait_dma2 semaphore(%arg6 : memref<!tpu.dma_semaphore, #tpu.memory_space<semaphore_mem>>) src(%dma_wait3A_2354 : memref<4x8192xf32, #tpu.memory_space<hbm>>) dst(%dma_wait3A_2352 : memref<4x8192xf32, #tpu.memory_space<vmem>>)
    %add3A_2355 = arith.constant 112 : i32
    %add3A_2356 = arith.addi %mul3A_2, %add3A_2355 : i32
    %dma_start3A_2357 = arith.constant 1 : i32
    %dma_start3A_2358 = arith.constant 0 : i32
    %dma_start3A_2359 = arith.constant 0 : i32
    %dma_start3A_2360 = tpu.memref_slice %arg4[%dma_start3A_2357, %dma_start3A_2358, %dma_start3A_2359] : memref<3x4x8192xf32, #tpu.memory_space<vmem>> -> memref<1x4x7192xf32, #tpu.memory_space<vmem>>
    %dma_start3A_2361 = tpu.memref_squeeze %dma_start3A_2360 : memref<1x4x7192xf32, #tpu.memory_space<vmem>> -> memref<4x7192xf32, #tpu.memory_space<vmem>>
    %dma_start3A_2362 = arith.constant 1000 : i32
    %dma_start3A_2363 = tpu.memref_slice %arg3[%add3A_2356, %dma_start3A_2362] : memref<4096x8192xf32, #tpu.memory_space<hbm>> -> memref<4x7192xf32, #tpu.memory_space<hbm>>
    %dma_start3A_2364 = arith.constant 1000 : i32
    %dma_start3A_2365 = tpu.memref_slice %arg3[%add3A_2356, %dma_start3A_2364] : memref<4096x8192xf32, #tpu.memory_space<hbm>> -> memref<4x7192xf32, #tpu.memory_space<hbm>>
    %dma_start3A_2366 = arith.constant 0 : i32
    %dma_start3A_2367 = arith.constant 0 : i32
    %dma_start3A_2368 = tpu.memref_slice %arg4[%dma_start3A_2357, %dma_start3A_2366, %dma_start3A_2367] : memref<3x4x8192xf32, #tpu.memory_space<vmem>> -> memref<1x4x7192xf32, #tpu.memory_space<vmem>>
    %dma_start3A_2369 = tpu.memref_squeeze %dma_start3A_2368 : memref<1x4x7192xf32, #tpu.memory_space<vmem>> -> memref<4x7192xf32, #tpu.memory_space<vmem>>
    tpu.enqueue_dma source(%dma_start3A_2369 : memref<4x7192xf32, #tpu.memory_space<vmem>>) target(%dma_start3A_2365 : memref<4x7192xf32, #tpu.memory_space<hbm>>) target_semaphore(%arg9 : memref<!tpu.dma_semaphore, #tpu.memory_space<semaphore_mem>>)
    %dma_start3A_2370 = arith.constant 1 : i32
    %dma_start3A_2371 = arith.constant 0 : i32
    %dma_start3A_2372 = arith.constant 7192 : i32
    %dma_start3A_2373 = tpu.memref_slice %arg4[%dma_start3A_2370, %dma_start3A_2371, %dma_start3A_2372] : memref<3x4x8192xf32, #tpu.memory_space<vmem>> -> memref<1x4x1000xf32, #tpu.memory_space<vmem>>
    %dma_start3A_2374 = tpu.memref_squeeze %dma_start3A_2373 : memref<1x4x1000xf32, #tpu.memory_space<vmem>> -> memref<4x1000xf32, #tpu.memory_space<vmem>>
    %dma_start3A_2375 = arith.constant 0 : i32
    %dma_start3A_2376 = tpu.memref_slice %arg3[%add3A_2356, %dma_start3A_2375] : memref<4096x8192xf32, #tpu.memory_space<hbm>> -> memref<4x1000xf32, #tpu.memory_space<hbm>>
    %dma_start3A_2377 = arith.constant 0 : i32
    %dma_start3A_2378 = tpu.memref_slice %arg3[%add3A_2356, %dma_start3A_2377] : memref<4096x8192xf32, #tpu.memory_space<hbm>> -> memref<4x1000xf32, #tpu.memory_space<hbm>>
    %dma_start3A_2379 = arith.constant 0 : i32
    %dma_start3A_2380 = arith.constant 7192 : i32
    %dma_start3A_2381 = tpu.memref_slice %arg4[%dma_start3A_2370, %dma_start3A_2379, %dma_start3A_2380] : memref<3x4x8192xf32, #tpu.memory_space<vmem>> -> memref<1x4x1000xf32, #tpu.memory_space<vmem>>
    %dma_start3A_2382 = tpu.memref_squeeze %dma_start3A_2381 : memref<1x4x1000xf32, #tpu.memory_space<vmem>> -> memref<4x1000xf32, #tpu.memory_space<vmem>>
    tpu.enqueue_dma source(%dma_start3A_2382 : memref<4x1000xf32, #tpu.memory_space<vmem>>) target(%dma_start3A_2378 : memref<4x1000xf32, #tpu.memory_space<hbm>>) target_semaphore(%arg9 : memref<!tpu.dma_semaphore, #tpu.memory_space<semaphore_mem>>)
    %dma_wait3A_2383 = arith.constant 1 : i32
    %dma_wait3A_2384 = arith.constant 0 : i32
    %dma_wait3A_2385 = arith.constant 0 : i32
    %dma_wait3A_2386 = tpu.memref_slice %arg4[%dma_wait3A_2383, %dma_wait3A_2384, %dma_wait3A_2385] : memref<3x4x8192xf32, #tpu.memory_space<vmem>> -> memref<1x4x7192xf32, #tpu.memory_space<vmem>>
    %dma_wait3A_2387 = tpu.memref_squeeze %dma_wait3A_2386 : memref<1x4x7192xf32, #tpu.memory_space<vmem>> -> memref<4x7192xf32, #tpu.memory_space<vmem>>
    %dma_wait3A_2388 = arith.constant 1000 : i32
    %dma_wait3A_2389 = tpu.memref_slice %arg3[%add3A_2356, %dma_wait3A_2388] : memref<4096x8192xf32, #tpu.memory_space<hbm>> -> memref<4x7192xf32, #tpu.memory_space<hbm>>
    %dma_wait3A_2390 = arith.constant 1000 : i32
    %dma_wait3A_2391 = tpu.memref_slice %arg3[%add3A_2356, %dma_wait3A_2390] : memref<4096x8192xf32, #tpu.memory_space<hbm>> -> memref<4x7192xf32, #tpu.memory_space<hbm>>
    %dma_wait3A_2392 = arith.constant 0 : i32
    %dma_wait3A_2393 = arith.constant 0 : i32
    %dma_wait3A_2394 = tpu.memref_slice %arg4[%dma_wait3A_2383, %dma_wait3A_2392, %dma_wait3A_2393] : memref<3x4x8192xf32, #tpu.memory_space<vmem>> -> memref<1x4x7192xf32, #tpu.memory_space<vmem>>
    %dma_wait3A_2395 = tpu.memref_squeeze %dma_wait3A_2394 : memref<1x4x7192xf32, #tpu.memory_space<vmem>> -> memref<4x7192xf32, #tpu.memory_space<vmem>>
    tpu.wait_dma2 semaphore(%arg9 : memref<!tpu.dma_semaphore, #tpu.memory_space<semaphore_mem>>) src(%dma_wait3A_2395 : memref<4x7192xf32, #tpu.memory_space<vmem>>) dst(%dma_wait3A_2391 : memref<4x7192xf32, #tpu.memory_space<hbm>>)
    %dma_wait3A_2396 = arith.constant 1 : i32
    %dma_wait3A_2397 = arith.constant 0 : i32
    %dma_wait3A_2398 = arith.constant 7192 : i32
    %dma_wait3A_2399 = tpu.memref_slice %arg4[%dma_wait3A_2396, %dma_wait3A_2397, %dma_wait3A_2398] : memref<3x4x8192xf32, #tpu.memory_space<vmem>> -> memref<1x4x1000xf32, #tpu.memory_space<vmem>>
    %dma_wait3A_2400 = tpu.memref_squeeze %dma_wait3A_2399 : memref<1x4x1000xf32, #tpu.memory_space<vmem>> -> memref<4x1000xf32, #tpu.memory_space<vmem>>
    %dma_wait3A_2401 = arith.constant 0 : i32
    %dma_wait3A_2402 = tpu.memref_slice %arg3[%add3A_2356, %dma_wait3A_2401] : memref<4096x8192xf32, #tpu.memory_space<hbm>> -> memref<4x1000xf32, #tpu.memory_space<hbm>>
    %dma_wait3A_2403 = arith.constant 0 : i32
    %dma_wait3A_2404 = tpu.memref_slice %arg3[%add3A_2356, %dma_wait3A_2403] : memref<4096x8192xf32, #tpu.memory_space<hbm>> -> memref<4x1000xf32, #tpu.memory_space<hbm>>
    %dma_wait3A_2405 = arith.constant 0 : i32
    %dma_wait3A_2406 = arith.constant 7192 : i32
    %dma_wait3A_2407 = tpu.memref_slice %arg4[%dma_wait3A_2396, %dma_wait3A_2405, %dma_wait3A_2406] : memref<3x4x8192xf32, #tpu.memory_space<vmem>> -> memref<1x4x1000xf32, #tpu.memory_space<vmem>>
    %dma_wait3A_2408 = tpu.memref_squeeze %dma_wait3A_2407 : memref<1x4x1000xf32, #tpu.memory_space<vmem>> -> memref<4x1000xf32, #tpu.memory_space<vmem>>
    tpu.wait_dma2 semaphore(%arg9 : memref<!tpu.dma_semaphore, #tpu.memory_space<semaphore_mem>>) src(%dma_wait3A_2408 : memref<4x1000xf32, #tpu.memory_space<vmem>>) dst(%dma_wait3A_2404 : memref<4x1000xf32, #tpu.memory_space<hbm>>)
    %add3A_2409 = arith.constant 124 : i32
    %add3A_2410 = arith.addi %mul3A_2, %add3A_2409 : i32
    %dma_start3A_2411 = arith.constant 1 : i32
    %dma_start3A_2412 = arith.constant 0 : i32
    %dma_start3A_2413 = arith.constant 0 : i32
    %dma_start3A_2414 = tpu.memref_slice %arg4[%dma_start3A_2411, %dma_start3A_2412, %dma_start3A_2413] : memref<3x4x8192xf32, #tpu.memory_space<vmem>> -> memref<1x4x8192xf32, #tpu.memory_space<vmem>>
    %dma_start3A_2415 = tpu.memref_squeeze %dma_start3A_2414 : memref<1x4x8192xf32, #tpu.memory_space<vmem>> -> memref<4x8192xf32, #tpu.memory_space<vmem>>
    %dma_start3A_2416 = arith.constant 0 : i32
    %dma_start3A_2417 = tpu.memref_slice %arg2[%add3A_2410, %dma_start3A_2416] : memref<4096x8192xf32, #tpu.memory_space<hbm>> -> memref<4x8192xf32, #tpu.memory_space<hbm>>
    %dma_start3A_2418 = arith.constant 0 : i32
    %dma_start3A_2419 = arith.constant 0 : i32
    %dma_start3A_2420 = tpu.memref_slice %arg4[%dma_start3A_2411, %dma_start3A_2418, %dma_start3A_2419] : memref<3x4x8192xf32, #tpu.memory_space<vmem>> -> memref<1x4x8192xf32, #tpu.memory_space<vmem>>
    %dma_start3A_2421 = tpu.memref_squeeze %dma_start3A_2420 : memref<1x4x8192xf32, #tpu.memory_space<vmem>> -> memref<4x8192xf32, #tpu.memory_space<vmem>>
    %dma_start3A_2422 = arith.constant 0 : i32
    %dma_start3A_2423 = tpu.memref_slice %arg2[%add3A_2410, %dma_start3A_2422] : memref<4096x8192xf32, #tpu.memory_space<hbm>> -> memref<4x8192xf32, #tpu.memory_space<hbm>>
    tpu.enqueue_dma source(%dma_start3A_2423 : memref<4x8192xf32, #tpu.memory_space<hbm>>) target(%dma_start3A_2421 : memref<4x8192xf32, #tpu.memory_space<vmem>>) target_semaphore(%arg6 : memref<!tpu.dma_semaphore, #tpu.memory_space<semaphore_mem>>)
    %dma_wait3A_2424 = arith.constant 2 : i32
    %dma_wait3A_2425 = arith.constant 0 : i32
    %dma_wait3A_2426 = arith.constant 0 : i32
    %dma_wait3A_2427 = tpu.memref_slice %arg4[%dma_wait3A_2424, %dma_wait3A_2425, %dma_wait3A_2426] : memref<3x4x8192xf32, #tpu.memory_space<vmem>> -> memref<1x4x8192xf32, #tpu.memory_space<vmem>>
    %dma_wait3A_2428 = tpu.memref_squeeze %dma_wait3A_2427 : memref<1x4x8192xf32, #tpu.memory_space<vmem>> -> memref<4x8192xf32, #tpu.memory_space<vmem>>
    %dma_wait3A_2429 = arith.constant 0 : i32
    %dma_wait3A_2430 = tpu.memref_slice %arg2[%add3A_2246, %dma_wait3A_2429] : memref<4096x8192xf32, #tpu.memory_space<hbm>> -> memref<4x8192xf32, #tpu.memory_space<hbm>>
    %dma_wait3A_2431 = arith.constant 0 : i32
    %dma_wait3A_2432 = arith.constant 0 : i32
    %dma_wait3A_2433 = tpu.memref_slice %arg4[%dma_wait3A_2424, %dma_wait3A_2431, %dma_wait3A_2432] : memref<3x4x8192xf32, #tpu.memory_space<vmem>> -> memref<1x4x8192xf32, #tpu.memory_space<vmem>>
    %dma_wait3A_2434 = tpu.memref_squeeze %dma_wait3A_2433 : memref<1x4x8192xf32, #tpu.memory_space<vmem>> -> memref<4x8192xf32, #tpu.memory_space<vmem>>
    %dma_wait3A_2435 = arith.constant 0 : i32
    %dma_wait3A_2436 = tpu.memref_slice %arg2[%add3A_2246, %dma_wait3A_2435] : memref<4096x8192xf32, #tpu.memory_space<hbm>> -> memref<4x8192xf32, #tpu.memory_space<hbm>>
    tpu.wait_dma2 semaphore(%arg7 : memref<!tpu.dma_semaphore, #tpu.memory_space<semaphore_mem>>) src(%dma_wait3A_2436 : memref<4x8192xf32, #tpu.memory_space<hbm>>) dst(%dma_wait3A_2434 : memref<4x8192xf32, #tpu.memory_space<vmem>>)
    %add3A_2437 = arith.constant 116 : i32
    %add3A_2438 = arith.addi %mul3A_2, %add3A_2437 : i32
    %dma_start3A_2439 = arith.constant 2 : i32
    %dma_start3A_2440 = arith.constant 0 : i32
    %dma_start3A_2441 = arith.constant 0 : i32
    %dma_start3A_2442 = tpu.memref_slice %arg4[%dma_start3A_2439, %dma_start3A_2440, %dma_start3A_2441] : memref<3x4x8192xf32, #tpu.memory_space<vmem>> -> memref<1x4x7192xf32, #tpu.memory_space<vmem>>
    %dma_start3A_2443 = tpu.memref_squeeze %dma_start3A_2442 : memref<1x4x7192xf32, #tpu.memory_space<vmem>> -> memref<4x7192xf32, #tpu.memory_space<vmem>>
    %dma_start3A_2444 = arith.constant 1000 : i32
    %dma_start3A_2445 = tpu.memref_slice %arg3[%add3A_2438, %dma_start3A_2444] : memref<4096x8192xf32, #tpu.memory_space<hbm>> -> memref<4x7192xf32, #tpu.memory_space<hbm>>
    %dma_start3A_2446 = arith.constant 1000 : i32
    %dma_start3A_2447 = tpu.memref_slice %arg3[%add3A_2438, %dma_start3A_2446] : memref<4096x8192xf32, #tpu.memory_space<hbm>> -> memref<4x7192xf32, #tpu.memory_space<hbm>>
    %dma_start3A_2448 = arith.constant 0 : i32
    %dma_start3A_2449 = arith.constant 0 : i32
    %dma_start3A_2450 = tpu.memref_slice %arg4[%dma_start3A_2439, %dma_start3A_2448, %dma_start3A_2449] : memref<3x4x8192xf32, #tpu.memory_space<vmem>> -> memref<1x4x7192xf32, #tpu.memory_space<vmem>>
    %dma_start3A_2451 = tpu.memref_squeeze %dma_start3A_2450 : memref<1x4x7192xf32, #tpu.memory_space<vmem>> -> memref<4x7192xf32, #tpu.memory_space<vmem>>
    tpu.enqueue_dma source(%dma_start3A_2451 : memref<4x7192xf32, #tpu.memory_space<vmem>>) target(%dma_start3A_2447 : memref<4x7192xf32, #tpu.memory_space<hbm>>) target_semaphore(%arg10 : memref<!tpu.dma_semaphore, #tpu.memory_space<semaphore_mem>>)
    %dma_start3A_2452 = arith.constant 2 : i32
    %dma_start3A_2453 = arith.constant 0 : i32
    %dma_start3A_2454 = arith.constant 7192 : i32
    %dma_start3A_2455 = tpu.memref_slice %arg4[%dma_start3A_2452, %dma_start3A_2453, %dma_start3A_2454] : memref<3x4x8192xf32, #tpu.memory_space<vmem>> -> memref<1x4x1000xf32, #tpu.memory_space<vmem>>
    %dma_start3A_2456 = tpu.memref_squeeze %dma_start3A_2455 : memref<1x4x1000xf32, #tpu.memory_space<vmem>> -> memref<4x1000xf32, #tpu.memory_space<vmem>>
    %dma_start3A_2457 = arith.constant 0 : i32
    %dma_start3A_2458 = tpu.memref_slice %arg3[%add3A_2438, %dma_start3A_2457] : memref<4096x8192xf32, #tpu.memory_space<hbm>> -> memref<4x1000xf32, #tpu.memory_space<hbm>>
    %dma_start3A_2459 = arith.constant 0 : i32
    %dma_start3A_2460 = tpu.memref_slice %arg3[%add3A_2438, %dma_start3A_2459] : memref<4096x8192xf32, #tpu.memory_space<hbm>> -> memref<4x1000xf32, #tpu.memory_space<hbm>>
    %dma_start3A_2461 = arith.constant 0 : i32
    %dma_start3A_2462 = arith.constant 7192 : i32
    %dma_start3A_2463 = tpu.memref_slice %arg4[%dma_start3A_2452, %dma_start3A_2461, %dma_start3A_2462] : memref<3x4x8192xf32, #tpu.memory_space<vmem>> -> memref<1x4x1000xf32, #tpu.memory_space<vmem>>
    %dma_start3A_2464 = tpu.memref_squeeze %dma_start3A_2463 : memref<1x4x1000xf32, #tpu.memory_space<vmem>> -> memref<4x1000xf32, #tpu.memory_space<vmem>>
    tpu.enqueue_dma source(%dma_start3A_2464 : memref<4x1000xf32, #tpu.memory_space<vmem>>) target(%dma_start3A_2460 : memref<4x1000xf32, #tpu.memory_space<hbm>>) target_semaphore(%arg10 : memref<!tpu.dma_semaphore, #tpu.memory_space<semaphore_mem>>)
    %dma_wait3A_2465 = arith.constant 0 : i32
    %dma_wait3A_2466 = arith.constant 0 : i32
    %dma_wait3A_2467 = arith.constant 0 : i32
    %dma_wait3A_2468 = tpu.memref_slice %arg4[%dma_wait3A_2465, %dma_wait3A_2466, %dma_wait3A_2467] : memref<3x4x8192xf32, #tpu.memory_space<vmem>> -> memref<1x4x8192xf32, #tpu.memory_space<vmem>>
    %dma_wait3A_2469 = tpu.memref_squeeze %dma_wait3A_2468 : memref<1x4x8192xf32, #tpu.memory_space<vmem>> -> memref<4x8192xf32, #tpu.memory_space<vmem>>
    %dma_wait3A_2470 = arith.constant 0 : i32
    %dma_wait3A_2471 = tpu.memref_slice %arg2[%add3A_2328, %dma_wait3A_2470] : memref<4096x8192xf32, #tpu.memory_space<hbm>> -> memref<4x8192xf32, #tpu.memory_space<hbm>>
    %dma_wait3A_2472 = arith.constant 0 : i32
    %dma_wait3A_2473 = arith.constant 0 : i32
    %dma_wait3A_2474 = tpu.memref_slice %arg4[%dma_wait3A_2465, %dma_wait3A_2472, %dma_wait3A_2473] : memref<3x4x8192xf32, #tpu.memory_space<vmem>> -> memref<1x4x8192xf32, #tpu.memory_space<vmem>>
    %dma_wait3A_2475 = tpu.memref_squeeze %dma_wait3A_2474 : memref<1x4x8192xf32, #tpu.memory_space<vmem>> -> memref<4x8192xf32, #tpu.memory_space<vmem>>
    %dma_wait3A_2476 = arith.constant 0 : i32
    %dma_wait3A_2477 = tpu.memref_slice %arg2[%add3A_2328, %dma_wait3A_2476] : memref<4096x8192xf32, #tpu.memory_space<hbm>> -> memref<4x8192xf32, #tpu.memory_space<hbm>>
    tpu.wait_dma2 semaphore(%arg5 : memref<!tpu.dma_semaphore, #tpu.memory_space<semaphore_mem>>) src(%dma_wait3A_2477 : memref<4x8192xf32, #tpu.memory_space<hbm>>) dst(%dma_wait3A_2475 : memref<4x8192xf32, #tpu.memory_space<vmem>>)
    %add3A_2478 = arith.constant 120 : i32
    %add3A_2479 = arith.addi %mul3A_2, %add3A_2478 : i32
    %dma_start3A_2480 = arith.constant 0 : i32
    %dma_start3A_2481 = arith.constant 0 : i32
    %dma_start3A_2482 = arith.constant 0 : i32
    %dma_start3A_2483 = tpu.memref_slice %arg4[%dma_start3A_2480, %dma_start3A_2481, %dma_start3A_2482] : memref<3x4x8192xf32, #tpu.memory_space<vmem>> -> memref<1x4x7192xf32, #tpu.memory_space<vmem>>
    %dma_start3A_2484 = tpu.memref_squeeze %dma_start3A_2483 : memref<1x4x7192xf32, #tpu.memory_space<vmem>> -> memref<4x7192xf32, #tpu.memory_space<vmem>>
    %dma_start3A_2485 = arith.constant 1000 : i32
    %dma_start3A_2486 = tpu.memref_slice %arg3[%add3A_2479, %dma_start3A_2485] : memref<4096x8192xf32, #tpu.memory_space<hbm>> -> memref<4x7192xf32, #tpu.memory_space<hbm>>
    %dma_start3A_2487 = arith.constant 1000 : i32
    %dma_start3A_2488 = tpu.memref_slice %arg3[%add3A_2479, %dma_start3A_2487] : memref<4096x8192xf32, #tpu.memory_space<hbm>> -> memref<4x7192xf32, #tpu.memory_space<hbm>>
    %dma_start3A_2489 = arith.constant 0 : i32
    %dma_start3A_2490 = arith.constant 0 : i32
    %dma_start3A_2491 = tpu.memref_slice %arg4[%dma_start3A_2480, %dma_start3A_2489, %dma_start3A_2490] : memref<3x4x8192xf32, #tpu.memory_space<vmem>> -> memref<1x4x7192xf32, #tpu.memory_space<vmem>>
    %dma_start3A_2492 = tpu.memref_squeeze %dma_start3A_2491 : memref<1x4x7192xf32, #tpu.memory_space<vmem>> -> memref<4x7192xf32, #tpu.memory_space<vmem>>
    tpu.enqueue_dma source(%dma_start3A_2492 : memref<4x7192xf32, #tpu.memory_space<vmem>>) target(%dma_start3A_2488 : memref<4x7192xf32, #tpu.memory_space<hbm>>) target_semaphore(%arg8 : memref<!tpu.dma_semaphore, #tpu.memory_space<semaphore_mem>>)
    %dma_start3A_2493 = arith.constant 0 : i32
    %dma_start3A_2494 = arith.constant 0 : i32
    %dma_start3A_2495 = arith.constant 7192 : i32
    %dma_start3A_2496 = tpu.memref_slice %arg4[%dma_start3A_2493, %dma_start3A_2494, %dma_start3A_2495] : memref<3x4x8192xf32, #tpu.memory_space<vmem>> -> memref<1x4x1000xf32, #tpu.memory_space<vmem>>
    %dma_start3A_2497 = tpu.memref_squeeze %dma_start3A_2496 : memref<1x4x1000xf32, #tpu.memory_space<vmem>> -> memref<4x1000xf32, #tpu.memory_space<vmem>>
    %dma_start3A_2498 = arith.constant 0 : i32
    %dma_start3A_2499 = tpu.memref_slice %arg3[%add3A_2479, %dma_start3A_2498] : memref<4096x8192xf32, #tpu.memory_space<hbm>> -> memref<4x1000xf32, #tpu.memory_space<hbm>>
    %dma_start3A_2500 = arith.constant 0 : i32
    %dma_start3A_2501 = tpu.memref_slice %arg3[%add3A_2479, %dma_start3A_2500] : memref<4096x8192xf32, #tpu.memory_space<hbm>> -> memref<4x1000xf32, #tpu.memory_space<hbm>>
    %dma_start3A_2502 = arith.constant 0 : i32
    %dma_start3A_2503 = arith.constant 7192 : i32
    %dma_start3A_2504 = tpu.memref_slice %arg4[%dma_start3A_2493, %dma_start3A_2502, %dma_start3A_2503] : memref<3x4x8192xf32, #tpu.memory_space<vmem>> -> memref<1x4x1000xf32, #tpu.memory_space<vmem>>
    %dma_start3A_2505 = tpu.memref_squeeze %dma_start3A_2504 : memref<1x4x1000xf32, #tpu.memory_space<vmem>> -> memref<4x1000xf32, #tpu.memory_space<vmem>>
    tpu.enqueue_dma source(%dma_start3A_2505 : memref<4x1000xf32, #tpu.memory_space<vmem>>) target(%dma_start3A_2501 : memref<4x1000xf32, #tpu.memory_space<hbm>>) target_semaphore(%arg8 : memref<!tpu.dma_semaphore, #tpu.memory_space<semaphore_mem>>)
    %dma_wait3A_2506 = arith.constant 1 : i32
    %dma_wait3A_2507 = arith.constant 0 : i32
    %dma_wait3A_2508 = arith.constant 0 : i32
    %dma_wait3A_2509 = tpu.memref_slice %arg4[%dma_wait3A_2506, %dma_wait3A_2507, %dma_wait3A_2508] : memref<3x4x8192xf32, #tpu.memory_space<vmem>> -> memref<1x4x8192xf32, #tpu.memory_space<vmem>>
    %dma_wait3A_2510 = tpu.memref_squeeze %dma_wait3A_2509 : memref<1x4x8192xf32, #tpu.memory_space<vmem>> -> memref<4x8192xf32, #tpu.memory_space<vmem>>
    %dma_wait3A_2511 = arith.constant 0 : i32
    %dma_wait3A_2512 = tpu.memref_slice %arg2[%add3A_2410, %dma_wait3A_2511] : memref<4096x8192xf32, #tpu.memory_space<hbm>> -> memref<4x8192xf32, #tpu.memory_space<hbm>>
    %dma_wait3A_2513 = arith.constant 0 : i32
    %dma_wait3A_2514 = arith.constant 0 : i32
    %dma_wait3A_2515 = tpu.memref_slice %arg4[%dma_wait3A_2506, %dma_wait3A_2513, %dma_wait3A_2514] : memref<3x4x8192xf32, #tpu.memory_space<vmem>> -> memref<1x4x8192xf32, #tpu.memory_space<vmem>>
    %dma_wait3A_2516 = tpu.memref_squeeze %dma_wait3A_2515 : memref<1x4x8192xf32, #tpu.memory_space<vmem>> -> memref<4x8192xf32, #tpu.memory_space<vmem>>
    %dma_wait3A_2517 = arith.constant 0 : i32
    %dma_wait3A_2518 = tpu.memref_slice %arg2[%add3A_2410, %dma_wait3A_2517] : memref<4096x8192xf32, #tpu.memory_space<hbm>> -> memref<4x8192xf32, #tpu.memory_space<hbm>>
    tpu.wait_dma2 semaphore(%arg6 : memref<!tpu.dma_semaphore, #tpu.memory_space<semaphore_mem>>) src(%dma_wait3A_2518 : memref<4x8192xf32, #tpu.memory_space<hbm>>) dst(%dma_wait3A_2516 : memref<4x8192xf32, #tpu.memory_space<vmem>>)
    %add3A_2519 = arith.constant 124 : i32
    %add3A_2520 = arith.addi %mul3A_2, %add3A_2519 : i32
    %dma_start3A_2521 = arith.constant 1 : i32
    %dma_start3A_2522 = arith.constant 0 : i32
    %dma_start3A_2523 = arith.constant 0 : i32
    %dma_start3A_2524 = tpu.memref_slice %arg4[%dma_start3A_2521, %dma_start3A_2522, %dma_start3A_2523] : memref<3x4x8192xf32, #tpu.memory_space<vmem>> -> memref<1x4x7192xf32, #tpu.memory_space<vmem>>
    %dma_start3A_2525 = tpu.memref_squeeze %dma_start3A_2524 : memref<1x4x7192xf32, #tpu.memory_space<vmem>> -> memref<4x7192xf32, #tpu.memory_space<vmem>>
    %dma_start3A_2526 = arith.constant 1000 : i32
    %dma_start3A_2527 = tpu.memref_slice %arg3[%add3A_2520, %dma_start3A_2526] : memref<4096x8192xf32, #tpu.memory_space<hbm>> -> memref<4x7192xf32, #tpu.memory_space<hbm>>
    %dma_start3A_2528 = arith.constant 1000 : i32
    %dma_start3A_2529 = tpu.memref_slice %arg3[%add3A_2520, %dma_start3A_2528] : memref<4096x8192xf32, #tpu.memory_space<hbm>> -> memref<4x7192xf32, #tpu.memory_space<hbm>>
    %dma_start3A_2530 = arith.constant 0 : i32
    %dma_start3A_2531 = arith.constant 0 : i32
    %dma_start3A_2532 = tpu.memref_slice %arg4[%dma_start3A_2521, %dma_start3A_2530, %dma_start3A_2531] : memref<3x4x8192xf32, #tpu.memory_space<vmem>> -> memref<1x4x7192xf32, #tpu.memory_space<vmem>>
    %dma_start3A_2533 = tpu.memref_squeeze %dma_start3A_2532 : memref<1x4x7192xf32, #tpu.memory_space<vmem>> -> memref<4x7192xf32, #tpu.memory_space<vmem>>
    tpu.enqueue_dma source(%dma_start3A_2533 : memref<4x7192xf32, #tpu.memory_space<vmem>>) target(%dma_start3A_2529 : memref<4x7192xf32, #tpu.memory_space<hbm>>) target_semaphore(%arg9 : memref<!tpu.dma_semaphore, #tpu.memory_space<semaphore_mem>>)
    %dma_start3A_2534 = arith.constant 1 : i32
    %dma_start3A_2535 = arith.constant 0 : i32
    %dma_start3A_2536 = arith.constant 7192 : i32
    %dma_start3A_2537 = tpu.memref_slice %arg4[%dma_start3A_2534, %dma_start3A_2535, %dma_start3A_2536] : memref<3x4x8192xf32, #tpu.memory_space<vmem>> -> memref<1x4x1000xf32, #tpu.memory_space<vmem>>
    %dma_start3A_2538 = tpu.memref_squeeze %dma_start3A_2537 : memref<1x4x1000xf32, #tpu.memory_space<vmem>> -> memref<4x1000xf32, #tpu.memory_space<vmem>>
    %dma_start3A_2539 = arith.constant 0 : i32
    %dma_start3A_2540 = tpu.memref_slice %arg3[%add3A_2520, %dma_start3A_2539] : memref<4096x8192xf32, #tpu.memory_space<hbm>> -> memref<4x1000xf32, #tpu.memory_space<hbm>>
    %dma_start3A_2541 = arith.constant 0 : i32
    %dma_start3A_2542 = tpu.memref_slice %arg3[%add3A_2520, %dma_start3A_2541] : memref<4096x8192xf32, #tpu.memory_space<hbm>> -> memref<4x1000xf32, #tpu.memory_space<hbm>>
    %dma_start3A_2543 = arith.constant 0 : i32
    %dma_start3A_2544 = arith.constant 7192 : i32
    %dma_start3A_2545 = tpu.memref_slice %arg4[%dma_start3A_2534, %dma_start3A_2543, %dma_start3A_2544] : memref<3x4x8192xf32, #tpu.memory_space<vmem>> -> memref<1x4x1000xf32, #tpu.memory_space<vmem>>
    %dma_start3A_2546 = tpu.memref_squeeze %dma_start3A_2545 : memref<1x4x1000xf32, #tpu.memory_space<vmem>> -> memref<4x1000xf32, #tpu.memory_space<vmem>>
    tpu.enqueue_dma source(%dma_start3A_2546 : memref<4x1000xf32, #tpu.memory_space<vmem>>) target(%dma_start3A_2542 : memref<4x1000xf32, #tpu.memory_space<hbm>>) target_semaphore(%arg9 : memref<!tpu.dma_semaphore, #tpu.memory_space<semaphore_mem>>)
    %dma_wait3A_2547 = arith.constant 2 : i32
    %dma_wait3A_2548 = arith.constant 0 : i32
    %dma_wait3A_2549 = arith.constant 0 : i32
    %dma_wait3A_2550 = tpu.memref_slice %arg4[%dma_wait3A_2547, %dma_wait3A_2548, %dma_wait3A_2549] : memref<3x4x8192xf32, #tpu.memory_space<vmem>> -> memref<1x4x7192xf32, #tpu.memory_space<vmem>>
    %dma_wait3A_2551 = tpu.memref_squeeze %dma_wait3A_2550 : memref<1x4x7192xf32, #tpu.memory_space<vmem>> -> memref<4x7192xf32, #tpu.memory_space<vmem>>
    %dma_wait3A_2552 = arith.constant 1000 : i32
    %dma_wait3A_2553 = tpu.memref_slice %arg3[%add3A_2438, %dma_wait3A_2552] : memref<4096x8192xf32, #tpu.memory_space<hbm>> -> memref<4x7192xf32, #tpu.memory_space<hbm>>
    %dma_wait3A_2554 = arith.constant 1000 : i32
    %dma_wait3A_2555 = tpu.memref_slice %arg3[%add3A_2438, %dma_wait3A_2554] : memref<4096x8192xf32, #tpu.memory_space<hbm>> -> memref<4x7192xf32, #tpu.memory_space<hbm>>
    %dma_wait3A_2556 = arith.constant 0 : i32
    %dma_wait3A_2557 = arith.constant 0 : i32
    %dma_wait3A_2558 = tpu.memref_slice %arg4[%dma_wait3A_2547, %dma_wait3A_2556, %dma_wait3A_2557] : memref<3x4x8192xf32, #tpu.memory_space<vmem>> -> memref<1x4x7192xf32, #tpu.memory_space<vmem>>
    %dma_wait3A_2559 = tpu.memref_squeeze %dma_wait3A_2558 : memref<1x4x7192xf32, #tpu.memory_space<vmem>> -> memref<4x7192xf32, #tpu.memory_space<vmem>>
    tpu.wait_dma2 semaphore(%arg10 : memref<!tpu.dma_semaphore, #tpu.memory_space<semaphore_mem>>) src(%dma_wait3A_2559 : memref<4x7192xf32, #tpu.memory_space<vmem>>) dst(%dma_wait3A_2555 : memref<4x7192xf32, #tpu.memory_space<hbm>>)
    %dma_wait3A_2560 = arith.constant 2 : i32
    %dma_wait3A_2561 = arith.constant 0 : i32
    %dma_wait3A_2562 = arith.constant 7192 : i32
    %dma_wait3A_2563 = tpu.memref_slice %arg4[%dma_wait3A_2560, %dma_wait3A_2561, %dma_wait3A_2562] : memref<3x4x8192xf32, #tpu.memory_space<vmem>> -> memref<1x4x1000xf32, #tpu.memory_space<vmem>>
    %dma_wait3A_2564 = tpu.memref_squeeze %dma_wait3A_2563 : memref<1x4x1000xf32, #tpu.memory_space<vmem>> -> memref<4x1000xf32, #tpu.memory_space<vmem>>
    %dma_wait3A_2565 = arith.constant 0 : i32
    %dma_wait3A_2566 = tpu.memref_slice %arg3[%add3A_2438, %dma_wait3A_2565] : memref<4096x8192xf32, #tpu.memory_space<hbm>> -> memref<4x1000xf32, #tpu.memory_space<hbm>>
    %dma_wait3A_2567 = arith.constant 0 : i32
    %dma_wait3A_2568 = tpu.memref_slice %arg3[%add3A_2438, %dma_wait3A_2567] : memref<4096x8192xf32, #tpu.memory_space<hbm>> -> memref<4x1000xf32, #tpu.memory_space<hbm>>
    %dma_wait3A_2569 = arith.constant 0 : i32
    %dma_wait3A_2570 = arith.constant 7192 : i32
    %dma_wait3A_2571 = tpu.memref_slice %arg4[%dma_wait3A_2560, %dma_wait3A_2569, %dma_wait3A_2570] : memref<3x4x8192xf32, #tpu.memory_space<vmem>> -> memref<1x4x1000xf32, #tpu.memory_space<vmem>>
    %dma_wait3A_2572 = tpu.memref_squeeze %dma_wait3A_2571 : memref<1x4x1000xf32, #tpu.memory_space<vmem>> -> memref<4x1000xf32, #tpu.memory_space<vmem>>
    tpu.wait_dma2 semaphore(%arg10 : memref<!tpu.dma_semaphore, #tpu.memory_space<semaphore_mem>>) src(%dma_wait3A_2572 : memref<4x1000xf32, #tpu.memory_space<vmem>>) dst(%dma_wait3A_2568 : memref<4x1000xf32, #tpu.memory_space<hbm>>)
    %dma_wait3A_2573 = arith.constant 0 : i32
    %dma_wait3A_2574 = arith.constant 0 : i32
    %dma_wait3A_2575 = arith.constant 0 : i32
    %dma_wait3A_2576 = tpu.memref_slice %arg4[%dma_wait3A_2573, %dma_wait3A_2574, %dma_wait3A_2575] : memref<3x4x8192xf32, #tpu.memory_space<vmem>> -> memref<1x4x7192xf32, #tpu.memory_space<vmem>>
    %dma_wait3A_2577 = tpu.memref_squeeze %dma_wait3A_2576 : memref<1x4x7192xf32, #tpu.memory_space<vmem>> -> memref<4x7192xf32, #tpu.memory_space<vmem>>
    %dma_wait3A_2578 = arith.constant 1000 : i32
    %dma_wait3A_2579 = tpu.memref_slice %arg3[%add3A_2479, %dma_wait3A_2578] : memref<4096x8192xf32, #tpu.memory_space<hbm>> -> memref<4x7192xf32, #tpu.memory_space<hbm>>
    %dma_wait3A_2580 = arith.constant 1000 : i32
    %dma_wait3A_2581 = tpu.memref_slice %arg3[%add3A_2479, %dma_wait3A_2580] : memref<4096x8192xf32, #tpu.memory_space<hbm>> -> memref<4x7192xf32, #tpu.memory_space<hbm>>
    %dma_wait3A_2582 = arith.constant 0 : i32
    %dma_wait3A_2583 = arith.constant 0 : i32
    %dma_wait3A_2584 = tpu.memref_slice %arg4[%dma_wait3A_2573, %dma_wait3A_2582, %dma_wait3A_2583] : memref<3x4x8192xf32, #tpu.memory_space<vmem>> -> memref<1x4x7192xf32, #tpu.memory_space<vmem>>
    %dma_wait3A_2585 = tpu.memref_squeeze %dma_wait3A_2584 : memref<1x4x7192xf32, #tpu.memory_space<vmem>> -> memref<4x7192xf32, #tpu.memory_space<vmem>>
    tpu.wait_dma2 semaphore(%arg8 : memref<!tpu.dma_semaphore, #tpu.memory_space<semaphore_mem>>) src(%dma_wait3A_2585 : memref<4x7192xf32, #tpu.memory_space<vmem>>) dst(%dma_wait3A_2581 : memref<4x7192xf32, #tpu.memory_space<hbm>>)
    %dma_wait3A_2586 = arith.constant 0 : i32
    %dma_wait3A_2587 = arith.constant 0 : i32
    %dma_wait3A_2588 = arith.constant 7192 : i32
    %dma_wait3A_2589 = tpu.memref_slice %arg4[%dma_wait3A_2586, %dma_wait3A_2587, %dma_wait3A_2588] : memref<3x4x8192xf32, #tpu.memory_space<vmem>> -> memref<1x4x1000xf32, #tpu.memory_space<vmem>>
    %dma_wait3A_2590 = tpu.memref_squeeze %dma_wait3A_2589 : memref<1x4x1000xf32, #tpu.memory_space<vmem>> -> memref<4x1000xf32, #tpu.memory_space<vmem>>
    %dma_wait3A_2591 = arith.constant 0 : i32
    %dma_wait3A_2592 = tpu.memref_slice %arg3[%add3A_2479, %dma_wait3A_2591] : memref<4096x8192xf32, #tpu.memory_space<hbm>> -> memref<4x1000xf32, #tpu.memory_space<hbm>>
    %dma_wait3A_2593 = arith.constant 0 : i32
    %dma_wait3A_2594 = tpu.memref_slice %arg3[%add3A_2479, %dma_wait3A_2593] : memref<4096x8192xf32, #tpu.memory_space<hbm>> -> memref<4x1000xf32, #tpu.memory_space<hbm>>
    %dma_wait3A_2595 = arith.constant 0 : i32
    %dma_wait3A_2596 = arith.constant 7192 : i32
    %dma_wait3A_2597 = tpu.memref_slice %arg4[%dma_wait3A_2586, %dma_wait3A_2595, %dma_wait3A_2596] : memref<3x4x8192xf32, #tpu.memory_space<vmem>> -> memref<1x4x1000xf32, #tpu.memory_space<vmem>>
    %dma_wait3A_2598 = tpu.memref_squeeze %dma_wait3A_2597 : memref<1x4x1000xf32, #tpu.memory_space<vmem>> -> memref<4x1000xf32, #tpu.memory_space<vmem>>
    tpu.wait_dma2 semaphore(%arg8 : memref<!tpu.dma_semaphore, #tpu.memory_space<semaphore_mem>>) src(%dma_wait3A_2598 : memref<4x1000xf32, #tpu.memory_space<vmem>>) dst(%dma_wait3A_2594 : memref<4x1000xf32, #tpu.memory_space<hbm>>)
    %dma_wait3A_2599 = arith.constant 1 : i32
    %dma_wait3A_2600 = arith.constant 0 : i32
    %dma_wait3A_2601 = arith.constant 0 : i32
    %dma_wait3A_2602 = tpu.memref_slice %arg4[%dma_wait3A_2599, %dma_wait3A_2600, %dma_wait3A_2601] : memref<3x4x8192xf32, #tpu.memory_space<vmem>> -> memref<1x4x7192xf32, #tpu.memory_space<vmem>>
    %dma_wait3A_2603 = tpu.memref_squeeze %dma_wait3A_2602 : memref<1x4x7192xf32, #tpu.memory_space<vmem>> -> memref<4x7192xf32, #tpu.memory_space<vmem>>
    %dma_wait3A_2604 = arith.constant 1000 : i32
    %dma_wait3A_2605 = tpu.memref_slice %arg3[%add3A_2520, %dma_wait3A_2604] : memref<4096x8192xf32, #tpu.memory_space<hbm>> -> memref<4x7192xf32, #tpu.memory_space<hbm>>
    %dma_wait3A_2606 = arith.constant 1000 : i32
    %dma_wait3A_2607 = tpu.memref_slice %arg3[%add3A_2520, %dma_wait3A_2606] : memref<4096x8192xf32, #tpu.memory_space<hbm>> -> memref<4x7192xf32, #tpu.memory_space<hbm>>
    %dma_wait3A_2608 = arith.constant 0 : i32
    %dma_wait3A_2609 = arith.constant 0 : i32
    %dma_wait3A_2610 = tpu.memref_slice %arg4[%dma_wait3A_2599, %dma_wait3A_2608, %dma_wait3A_2609] : memref<3x4x8192xf32, #tpu.memory_space<vmem>> -> memref<1x4x7192xf32, #tpu.memory_space<vmem>>
    %dma_wait3A_2611 = tpu.memref_squeeze %dma_wait3A_2610 : memref<1x4x7192xf32, #tpu.memory_space<vmem>> -> memref<4x7192xf32, #tpu.memory_space<vmem>>
    tpu.wait_dma2 semaphore(%arg9 : memref<!tpu.dma_semaphore, #tpu.memory_space<semaphore_mem>>) src(%dma_wait3A_2611 : memref<4x7192xf32, #tpu.memory_space<vmem>>) dst(%dma_wait3A_2607 : memref<4x7192xf32, #tpu.memory_space<hbm>>)
    %dma_wait3A_2612 = arith.constant 1 : i32
    %dma_wait3A_2613 = arith.constant 0 : i32
    %dma_wait3A_2614 = arith.constant 7192 : i32
    %dma_wait3A_2615 = tpu.memref_slice %arg4[%dma_wait3A_2612, %dma_wait3A_2613, %dma_wait3A_2614] : memref<3x4x8192xf32, #tpu.memory_space<vmem>> -> memref<1x4x1000xf32, #tpu.memory_space<vmem>>
    %dma_wait3A_2616 = tpu.memref_squeeze %dma_wait3A_2615 : memref<1x4x1000xf32, #tpu.memory_space<vmem>> -> memref<4x1000xf32, #tpu.memory_space<vmem>>
    %dma_wait3A_2617 = arith.constant 0 : i32
    %dma_wait3A_2618 = tpu.memref_slice %arg3[%add3A_2520, %dma_wait3A_2617] : memref<4096x8192xf32, #tpu.memory_space<hbm>> -> memref<4x1000xf32, #tpu.memory_space<hbm>>
    %dma_wait3A_2619 = arith.constant 0 : i32
    %dma_wait3A_2620 = tpu.memref_slice %arg3[%add3A_2520, %dma_wait3A_2619] : memref<4096x8192xf32, #tpu.memory_space<hbm>> -> memref<4x1000xf32, #tpu.memory_space<hbm>>
    %dma_wait3A_2621 = arith.constant 0 : i32
    %dma_wait3A_2622 = arith.constant 7192 : i32
    %dma_wait3A_2623 = tpu.memref_slice %arg4[%dma_wait3A_2612, %dma_wait3A_2621, %dma_wait3A_2622] : memref<3x4x8192xf32, #tpu.memory_space<vmem>> -> memref<1x4x1000xf32, #tpu.memory_space<vmem>>
    %dma_wait3A_2624 = tpu.memref_squeeze %dma_wait3A_2623 : memref<1x4x1000xf32, #tpu.memory_space<vmem>> -> memref<4x1000xf32, #tpu.memory_space<vmem>>
    tpu.wait_dma2 semaphore(%arg9 : memref<!tpu.dma_semaphore, #tpu.memory_space<semaphore_mem>>) src(%dma_wait3A_2624 : memref<4x1000xf32, #tpu.memory_space<vmem>>) dst(%dma_wait3A_2620 : memref<4x1000xf32, #tpu.memory_space<hbm>>)
    return
  }
}

</mosaic_0001>

<sc_bundles>
// kernel: kernel.3.cloned.1.call-start
scs
__scs_entry_jumppad:
0x0: {  	(pc) =	sbr.rel $0x88, $3  }
0x1: {  	(tag) =	ssettag $0x0;
	lr =	simm.s32 $0x1  }
0x2: {  	[smem:$0x3FA0] =	sst lr;
	_ =	strace $0xD0000000  }
0x3: {  	_ = 	snop  }
0x4: {  	_ = 	snop  }
0x5: {  	_ = 	snop  }
0x6: {  	_ = 	snop  }
0x7: {  	_ = 	snop  }
__scs_overlays_trampoline_lowered:
0x8: {  	[smem:$0x3FAF] =	sst s0  }
0x9: {  	[smem:$0x3FB0] =	sst s1  }
0xa: {  	[smem:$0x3FB1] =	sst s2  }
0xb: {  	[smem:$0x3FB2] =	sst s3  }
0xc: {  	[smem:$0x3FB3] =	sst s4  }
0xd: {  	[smem:$0x3FB4] =	sst s5  }
0xe: {  	[smem:$0x3FB5] =	sst s6  }
0xf: {  	[smem:$0x3FB6] =	sst s7  }
0x10: {  	[smem:$0x3FB7] =	sst s8  }
0x11: {  	[smem:$0x3FB8] =	sst s9;
	s0 =	simm.s32 @!p0 $0x0  }
0x12: {  	s1 =	sld [smem:$0x3F9E];
	s0 =	simm.s32 @p0 $0x1  }
0x13: {  	[smem:$0x3FB9] =	sst s0;
	s0 =	simm.s32 @!p1 $0x0  }
0x14: {  	s2 =	sld [smem:$0x3F9D];
	s0 =	simm.s32 @p1 $0x1  }
0x15: {  	[smem:$0x3FBA] =	sst s0;
	s0 =	simm.s32 @!p2 $0x0  }
0x16: {  	s3 =	sld [smem:$0x3FDB];
	s0 =	simm.s32 @p2 $0x1  }
0x17: {  	s4 =	simm.s32 $0x1BF5;
	[smem:$0x3FBC] =	sst s0  }
0x18: {  	s0 =	sld [smem:$0x3F9F];
	_ =	swait.ge [sflag:s4], $0x0  }
0x19: {  	s7 =	sld [smem:$0x3FA0]  }
0x1a: {  	s8 =	sadd.s32 $0xFFFFE003, lr  }
0x1b: {  	s9 =	sadd.s32 $0xFFFFFEF7, lr;
	s5 =	simm.s32 $0xFFFFFFFF;
	p2 =	slt.u32 s8, $0xFFFFF086  }
0x1c: {  	p1 =	slt.u32 s9, $0xF7A;
	s5 =	simm.s32 @!p2 $0x0  }
0x1d: {  	s5 =	simm.s32 @p1 $0x1;
	p0 =	seq.s32 s7, s2  }
0x1e: {  	s7 =	smul.u32 @!p0 $0xF7A, s2;
	p2 =	seq.s32 @!p0 s5, $0x0  }
0x1f: {  	s9 =	smul.u32 $0xF7A, s1;
	s8 =	simm.s32 @!p0 $0x1BF5;
	p2 =	por !p2, p0  }
0x20: {  	[sflag:s8] =	ssyncset.s32 @!p0 $0xFFFFF086;
	s6 =	sadd.s32 @!p0 s3, s7;
	s7 =	simm.s32 @!p0 $0x108  }
0x21: {  	s3 =	sadd.s32 s3, s9;
	s6 =	sadd.s32 @!p0 $0x88, s6;
	s7 =	simm.s32 @p2 $0x1082  }
0x22: {  	[simem:s7], [sflag:s8] =	dma.local @!p0 [hbm:s6], $0xF7A  }
0x23: {  	s9 =	sor.u32 $0xD0000000, s2;
	s6 =	simm.s32 $0x108;
	_ =	swait.ge @!p0 [sflag:s8], $0x0  }
0x24: {  	s3 =	sadd.s32 $0x88, s3;
	s6 =	simm.s32 @!p1 $0x1082;
	[sflag:s4] =	ssyncset.s32 $0xFFFFF086  }
0x25: {  	[simem:s6], [sflag:s4] =	dma.local [hbm:s3], $0xF7A  }
0x26: {  	[smem:$0x3FA0] =	sst s1;
	(tag) =	ssettag s2;
	_ =	strace s9  }
0x27: {  	s1 =	sld [smem:$0x3FB0]  }
0x28: {  	s2 =	sld [smem:$0x3FB1]  }
0x29: {  	s4 =	sld [smem:$0x3FB3]  }
0x2a: {  	p0 =	seq.s32 s5, $0x0;
	s5 =	sld [smem:$0x3FB4]  }
0x2b: {  	s6 =	sld [smem:$0x3FB5]  }
0x2c: {  	s7 =	sld [smem:$0x3FB6]  }
0x2d: {  	s3 =	simm.s32 $0x108;
	s8 =	sld [smem:$0x3FB7]  }
0x2e: {  	s3 =	simm.s32 @!p0 $0x1082;
	s9 =	sld [smem:$0x3FB8]  }
0x2f: {  	lr =	sadd.s32 s0, s3;
	s0 =	sld [smem:$0x3FAF]  }
0x30: {  	s3 =	sld [smem:$0x3FB2]  }
0x31: {  	[smem:$0x3FBB] =	sst s10  }
0x32: {  	s10 =	sld [smem:$0x3FB9];
	_ =	sdelay $0x3  }
0x33: {  	p0 =	seq.s32 s10, $0x1;
	s10 =	sld [smem:$0x3FBB];
	_ =	sdelay $0x3  }
0x34: {  	[smem:$0x3FBB] =	sst s10  }
0x35: {  	s10 =	sld [smem:$0x3FBA];
	_ =	sdelay $0x3  }
0x36: {  	p1 =	seq.s32 s10, $0x1;
	s10 =	sld [smem:$0x3FBB];
	_ =	sdelay $0x3  }
0x37: {  	[smem:$0x3FBB] =	sst s10  }
0x38: {  	s10 =	sld [smem:$0x3FBC]  }
0x39: {  	_ = 	snop;
	(pc) =	sbr.ind lr, $3  }
0x3a: {  	_ = 	snop  }
0x3b: {  	_ = 	snop  }
0x3c: {  	p2 =	seq.s32 s10, $0x1;
	s10 =	sld [smem:$0x3FBB]  }
0x3d: {  	_ =	shalt  }
0x3e: {  	_ =	shalt  }
0x3f: {  	_ =	shalt  }
0x40: {  	_ =	shalt  }
0x41: {  	_ =	shalt  }
0x42: {  	_ =	shalt  }
0x43: {  	_ =	shalt  }
0x44: {  	_ =	shalt  }
0x45: {  	_ =	shalt  }
0x46: {  	_ =	shalt  }
0x47: {  	_ =	shalt  }
0x48: {  	_ =	shalt  }
0x49: {  	_ =	shalt  }
0x4a: {  	_ =	shalt  }
0x4b: {  	_ =	shalt  }
0x4c: {  	_ =	shalt  }
0x4d: {  	_ =	shalt  }
0x4e: {  	_ =	shalt  }
0x4f: {  	_ =	shalt  }
0x50: {  	_ =	shalt  }
0x51: {  	_ =	shalt  }
0x52: {  	_ =	shalt  }
0x53: {  	_ =	shalt  }
0x54: {  	_ =	shalt  }
0x55: {  	_ =	shalt  }
0x56: {  	_ =	shalt  }
0x57: {  	_ =	shalt  }
0x58: {  	_ =	shalt  }
0x59: {  	_ =	shalt  }
0x5a: {  	_ =	shalt  }
0x5b: {  	_ =	shalt  }
0x5c: {  	_ =	shalt  }
0x5d: {  	_ =	shalt  }
0x5e: {  	_ =	shalt  }
0x5f: {  	_ =	shalt  }
0x60: {  	_ =	shalt  }
0x61: {  	_ =	shalt  }
0x62: {  	_ =	shalt  }
0x63: {  	_ =	shalt  }
0x64: {  	_ =	shalt  }
0x65: {  	_ =	shalt  }
0x66: {  	_ =	shalt  }
0x67: {  	_ =	shalt  }
0x68: {  	_ =	shalt  }
0x69: {  	_ =	shalt  }
0x6a: {  	_ =	shalt  }
0x6b: {  	_ =	shalt  }
0x6c: {  	_ =	shalt  }
0x6d: {  	_ =	shalt  }
0x6e: {  	_ =	shalt  }
0x6f: {  	_ =	shalt  }
0x70: {  	_ =	shalt  }
0x71: {  	_ =	shalt  }
0x72: {  	_ =	shalt  }
0x73: {  	_ =	shalt  }
0x74: {  	_ =	shalt  }
0x75: {  	_ =	shalt  }
0x76: {  	_ =	shalt  }
0x77: {  	_ =	shalt  }
0x78: {  	_ =	shalt  }
0x79: {  	_ =	shalt  }
0x7a: {  	_ =	shalt  }
0x7b: {  	_ =	shalt  }
0x7c: {  	_ =	shalt  }
0x7d: {  	_ =	shalt  }
0x7e: {  	_ =	shalt  }
0x7f: {  	_ =	shalt  }
0x80: {  	_ =	shalt  }
0x81: {  	_ =	shalt  }
0x82: {  	_ =	shalt  }
0x83: {  	_ =	shalt  }
0x84: {  	_ =	shalt  }
0x85: {  	_ =	shalt  }
0x86: {  	_ =	shalt  }
0x87: {  	_ =	shalt  }
.Lfunc_end0:
.L_simem_size_0:
called_computation.1_lowered:
.L_overlay_start_0:
0x88: {  	s2 =	sld [smem:$0x3FD9]  }
0x89: {  	s3 =	sld [smem:$0x3FFE];
	_ =	sdelay $0x1  }
0x8a: {  	s1 =	srdreg.scid  }
0x8b: {  	s0 =	sand.u32 $0x1, s1  }
0x8c: {  	s17 =	sshll.u32 s0, $0xA;
	s2 =	sadd.s32 s3, s2  }
0x8d: {  	s2 =	sadd.s32 s2, s17  }
0x8e: {  	[smem:$0x3FC7] =	sst s2  }
0x8f: {  	_ = 	snop  }
0x90: {  	s2 =	sld [smem:$0x3FD0];
	(tm) =	ssettm $0x1  }
0x91: {  	s18 =	sld [smem:$0x3FFB];
	_ =	sdelay $0x3  }
0x92: {  	_ =	strace s18  }
0x93: {  	s3 =	sld [smem:$0x3FFC];
	_ =	sdelay $0x3  }
0x94: {  	_ =	strace s3  }
0x95: {  	s3 =	sld [smem:$0x3FFD];
	_ =	sdelay $0x3  }
0x96: {  	_ =	strace s3  }
0x97: {  	_ =	strace $0x8FFFFFFF  }
0x98: {  	s19 =	sld [smem:$0x3FDB];
	_ =	sdelay $0x1  }
0x99: {  	s4 =	simm.s32 $_scs_section_size  }
0x9a: {  	s5 =	simm.s32 $_size__tile_overlayer_lowered;
	s6 =	simm.s32 $_tile_overlayer_lowered  }
0x9b: {  	s22 =	simm.s32 $0x1BFF;
	s21 =	sshll.u32 s6, $0x1;
	s3 =	sadd.s32 s4, s19  }
0x9c: {  	s7 =	simm.s32 $0x0;
	s20 =	sshll.u32 s5, $0x1;
	s5 =	sadd.s32 s21, s3  }
0x9d: {  	[timem:s7], [sflag:s22] =	dma.local [hbm:s5], s20  }
0x9e: {  	_ =	swait.ge [sflag:s22], s20  }
0x9f: {  	s4 =	ssub.s32 $0x0, s20;
	[sflag:s22] =	ssyncset.done $0x0  }
0xa0: {  	[sflag:s22] =	ssyncadd.s32 s4;
	_ =	sdelay $0x1  }
0xa1: {  	s23 =	simm.s32 $0x1B8B  }
0xa2: {  	_ =	swait.ge [sflag:s23], $0x1  }
0xa3: {  	[sflag:s23] =	ssyncset.done $0x0  }
0xa4: {  	s25 =	simm.s32 $0x1B8E;
	s24 =	sld [smem:$0x3FFE];
	[sflag:s23] =	ssyncadd.s32 $0xFFFFFFFF  }
0xa5: {  	s26 =	simm.s32 $execute0_lowered;
	[smem:$0x3FD2] =	sst s25  }
0xa6: {  	s5 =	sshll.u32 s26, $0x1;
	_ =	strace $0x80000049;
	[dreg:$0x1] =	wrdreg $0xFFFFFFFF  }
0xa7: {  	s28 =	simm.s32 $_size_execute0_lowered;
	s3 =	sadd.s32 s3, s5;
	[dreg:$0x0] =	wrdreg $0x0  }
0xa8: {  	s5 =	sshll.u32 s28, $0x1;
	[dreg:$0x2] =	wrdreg s3  }
0xa9: {  	[dreg:$0x3] =	wrdreg s5  }
0xaa: {  	[dreg:$0x4] =	wrdreg $0xC0  }
0xab: {  	_ =	task [dreg:s7], $0x5FFFF  }
0xac: {  	[dreg:$0x1] =	wrdreg $0xFFFFFFFF  }
0xad: {  	[dreg:$0x0] =	wrdreg $0x60  }
0xae: {  	[dreg:$0x2] =	wrdreg s2  }
0xaf: {  	[dreg:$0x3] =	wrdreg s24  }
0xb0: {  	[dreg:$0x4] =	wrdreg $0x9  }
0xb1: {  	_ =	task.clear_ibuf [dreg:s7], $0x5FFFF;
	_ =	strace $0x90000049  }
0xb2: {  	s29 =	simm.s32 $0x9;
	_ =	strace $0x8000004B  }
0xb3: {  	_ =	swait.ge [sflag:s29], $0x1  }
0xb4: {  	[sflag:s29] =	ssyncadd.s32 $0xFFFFFFFF  }
0xb5: {  	_ =	strace $0x9000004B  }
0xb6: {  	_ =	sfence  }
0xb7: {  	s30 =	sld [smem:$0x0];
	_ =	sdelay $0x2  }
0xb8: {  	s31 =	sshll.u32 s1, $0xD;
	s1 =	sshrl.u32 s1, $0x2  }
0xb9: {  	s3 =	sand.u32 $0x4000, s31;
	s1 =	sadd.s32 s1, s30  }
0xba: {  	s0 =	sor.u32 s3, s0;
	s1 =	sshll.u32 s1, $0x11  }
0xbb: {  	s0 =	sor.u32 s1, s0  }
0xbc: {  	s0 =	sadd.s32 $0x8F2B, s0  }
0xbd: {  	[sflag:s0] =	ssyncadd.remote.s32 $0x1  }
0xbe: {  	_ =	sfence.sel $0xFFFF  }
0xbf: {  	[dreg:$0x0] =	wrdreg $0xFFFFFFFF;
	(pc) =	sbr.abs _section_cstart, $3  }
0xc0: {  	[dreg:$0x1] =	wrdreg $0xFFFFFFFF  }
0xc1: {  	_ =	task.clear_ibuf [dreg:s7], $0x2FFFF;
	_ =	strace $0x9FFFFFFF  }
0xc2: {  	(tm) =	ssettm $0x7FFFFFFF  }
0xc3: {  	_ =	shalt  }
tec
execute0_lowered:
.L_overlay_start_1:
0x0: {  	(tag) =	ssettag $0x1  }
0x1: {  	s2 =	srdreg.scid  }
0x2: {  	s0 =	stileid.u32;
	s4 =	sand.u32 $0x1, s2  }
0x3: {  	s3 =	sshll.u32 s0, $0x12;
	s5 =	sshll.u32 s4, $0x11  }
0x4: {  	s1 =	rddreg [dreg:$0x0];
	s2 =	simm.s32 $0x0;
	s3 =	sor.u32 s5, s3  }
0x5: {  	[smem:$0x7FF] =	sst s2;
	s22 =	sor.u32 $0x1000, s3  }
0x6: {  	_ =	strace $0x8000004A;
	s6 =	sadd.s32 s1, s3;
	[smem:$0x7B8] =	sst s22  }
0x7: {  	s23 =	sor.u32 $0x2000, s3;
	[dreg:$0x3] =	wrdreg s6  }
0x8: {  	s24 =	sor.u32 $0x3000, s3;
	[smem:$0x7BA] =	sst s23  }
0x9: {  	s25 =	sor.u32 $0x4000, s3;
	[smem:$0x7BC] =	sst s24  }
0xa: {  	s26 =	sor.u32 $0x5000, s3;
	[smem:$0x7BE] =	sst s25  }
0xb: {  	s28 =	sor.u32 $0x6000, s3;
	[smem:$0x7C0] =	sst s26  }
0xc: {  	s7 =	sadd.s32 s1, s22;
	[smem:$0x7C2] =	sst s28  }
0xd: {  	s8 =	sadd.s32 s1, s23;
	[dreg:$0x4] =	wrdreg s7  }
0xe: {  	s9 =	sadd.s32 s1, s24;
	[dreg:$0x5] =	wrdreg s8  }
0xf: {  	s10 =	sadd.s32 s1, s25;
	[dreg:$0x6] =	wrdreg s9  }
0x10: {  	s11 =	sadd.s32 s1, s26;
	[dreg:$0x7] =	wrdreg s10  }
0x11: {  	s12 =	sadd.s32 s1, s28;
	s25 =	sor.u32 $0x14000, s3;
	[dreg:$0x8] =	wrdreg s11  }
0x12: {  	s26 =	sor.u32 $0x15000, s3;
	[dreg:$0x9] =	wrdreg s12;
	s30 =	sadd.s32 s1, s25  }
0x13: {  	s28 =	sor.u32 $0x16000, s3;
	s0 =	sadd.s32 s1, s26;
	[dreg:$0x17] =	wrdreg s30  }
0x14: {  	s31 =	sor.u32 $0x19000, s3;
	s5 =	sadd.s32 s1, s28;
	[dreg:$0x18] =	wrdreg s0  }
0x15: {  	s11 =	sor.u32 $0x7000, s3;
	s8 =	sadd.s32 s1, s31;
	[dreg:$0x19] =	wrdreg s5  }
0x16: {  	s12 =	sor.u32 $0x8000, s3;
	s13 =	sadd.s32 s1, s11;
	[dreg:$0x1c] =	wrdreg s8  }
0x17: {  	s9 =	sor.u32 $0x1A000, s3;
	s14 =	sadd.s32 s1, s12;
	[dreg:$0xa] =	wrdreg s13  }
0x18: {  	s30 =	sor.u32 $0x18000, s3;
	s10 =	sadd.s32 s1, s9;
	[dreg:$0xb] =	wrdreg s14  }
0x19: {  	s8 =	sor.u32 $0x1B000, s3;
	s7 =	sadd.s32 s1, s30;
	[dreg:$0x1d] =	wrdreg s10  }
0x1a: {  	s13 =	sor.u32 $0x9000, s3;
	s0 =	sadd.s32 s1, s8;
	[dreg:$0x1b] =	wrdreg s7  }
0x1b: {  	s14 =	sor.u32 $0xA000, s3;
	s15 =	sadd.s32 s1, s13;
	[dreg:$0x1e] =	wrdreg s0  }
0x1c: {  	s16 =	sadd.s32 s1, s14;
	[dreg:$0xc] =	wrdreg s15;
	s15 =	sor.u32 $0xB000, s3  }
0x1d: {  	s7 =	sor.u32 $0x1C000, s3;
	[dreg:$0xd] =	wrdreg s16;
	s17 =	sadd.s32 s1, s15  }
0x1e: {  	s5 =	sadd.s32 s1, s7;
	[dreg:$0xe] =	wrdreg s17;
	s17 =	sor.u32 $0xD000, s3  }
0x1f: {  	s16 =	sor.u32 $0xC000, s3;
	[dreg:$0x1f] =	wrdreg s5;
	s19 =	sadd.s32 s1, s17  }
0x20: {  	s18 =	sadd.s32 s1, s16;
	[dreg:$0x10] =	wrdreg s19;
	s19 =	sor.u32 $0xF000, s3  }
0x21: {  	s5 =	sor.u32 $0x1E000, s3;
	[dreg:$0xf] =	wrdreg s18;
	s21 =	sadd.s32 s1, s19  }
0x22: {  	s0 =	sadd.s32 s1, s5;
	[dreg:$0x12] =	wrdreg s21;
	s21 =	sor.u32 $0x11000, s3  }
0x23: {  	s18 =	sor.u32 $0xE000, s3;
	[smem:$0x7B6] =	sst s0;
	s23 =	sadd.s32 s1, s21  }
0x24: {  	s20 =	sadd.s32 s1, s18;
	[dreg:$0x14] =	wrdreg s23;
	s23 =	sor.u32 $0x13000, s3  }
0x25: {  	[dreg:$0x11] =	wrdreg s20;
	s20 =	sor.u32 $0x10000, s3;
	s29 =	sadd.s32 s1, s23  }
0x26: {  	s22 =	sadd.s32 s1, s20;
	[dreg:$0x16] =	wrdreg s29;
	s29 =	sor.u32 $0x17000, s3  }
0x27: {  	[dreg:$0x13] =	wrdreg s22;
	s22 =	sor.u32 $0x12000, s3;
	s6 =	sadd.s32 s1, s29  }
0x28: {  	s24 =	sadd.s32 s1, s22;
	[dreg:$0x1a] =	wrdreg s6;
	s6 =	sor.u32 $0x1D000, s3  }
0x29: {  	[dreg:$0x15] =	wrdreg s24;
	s10 =	sadd.s32 s1, s6  }
0x2a: {  	s24 =	ssub.s32 $0x2, s4;
	s4 =	sor.u32 $0x1F000, s3;
	[smem:$0x7B5] =	sst s10  }
0x2b: {  	s1 =	sadd.s32 s1, s4;
	s10 =	rddreg [dreg:$0x1]  }
0x2c: {  	[smem:$0x7B7] =	sst s1;
	s0 =	sadd.s32 $0x800, s10;
	s10 =	sshrl.u32 s24, $0x1  }
0x2d: {  	s10 =	ssub.s32 s24, s10;
	s24 =	sld [smem:$0x7B8];
	s11 =	sadd.s32 s0, s11  }
0x2e: {  	s12 =	sadd.s32 s0, s12;
	[smem:$0x7C4] =	sst s11  }
0x2f: {  	s13 =	sadd.s32 s0, s13;
	[smem:$0x7C5] =	sst s12  }
0x30: {  	s14 =	sadd.s32 s0, s14;
	[smem:$0x7C6] =	sst s13  }
0x31: {  	s15 =	sadd.s32 s0, s15;
	[smem:$0x7C7] =	sst s14  }
0x32: {  	s16 =	sadd.s32 s0, s16;
	[smem:$0x7C8] =	sst s15  }
0x33: {  	s17 =	sadd.s32 s0, s17;
	[smem:$0x7C9] =	sst s16  }
0x34: {  	s18 =	sadd.s32 s0, s18;
	[smem:$0x7CA] =	sst s17  }
0x35: {  	s19 =	sadd.s32 s0, s19;
	[smem:$0x7CB] =	sst s18  }
0x36: {  	s20 =	sadd.s32 s0, s20;
	[smem:$0x7CC] =	sst s19  }
0x37: {  	s1 =	sadd.s32 s0, s3;
	[smem:$0x7CD] =	sst s20  }
0x38: {  	s11 =	sadd.s32 s0, s22;
	[smem:$0x7FC] =	sst s1  }
0x39: {  	s12 =	sadd.s32 s0, s23;
	[smem:$0x7CF] =	sst s11  }
0x3a: {  	s13 =	sadd.s32 s0, s25;
	[smem:$0x7D0] =	sst s12  }
0x3b: {  	s14 =	sadd.s32 s0, s26;
	[smem:$0x7D1] =	sst s13  }
0x3c: {  	s15 =	sadd.s32 s0, s28;
	[smem:$0x7D2] =	sst s14  }
0x3d: {  	s16 =	sadd.s32 s0, s29;
	[smem:$0x7D3] =	sst s15  }
0x3e: {  	s17 =	sadd.s32 s0, s30;
	[smem:$0x7D4] =	sst s16  }
0x3f: {  	s18 =	sadd.s32 s0, s31;
	[smem:$0x7D5] =	sst s17  }
0x40: {  	s19 =	sadd.s32 s0, s9;
	[smem:$0x7D6] =	sst s18  }
0x41: {  	s20 =	sadd.s32 s0, s8;
	[smem:$0x7D7] =	sst s19  }
0x42: {  	s22 =	sadd.s32 s0, s6;
	[smem:$0x7D8] =	sst s20  }
0x43: {  	s23 =	sadd.s32 s0, s5;
	[smem:$0x7DA] =	sst s22  }
0x44: {  	s25 =	sadd.s32 $0x107D, s1;
	[smem:$0x7DB] =	sst s23  }
0x45: {  	s26 =	sadd.s32 $0x207D, s1;
	[smem:$0x7DE] =	sst s25  }
0x46: {  	s28 =	sadd.s32 $0x307D, s1;
	[smem:$0x7DF] =	sst s26  }
0x47: {  	s29 =	sadd.s32 $0x407D, s1;
	[smem:$0x7E0] =	sst s28  }
0x48: {  	s30 =	sadd.s32 $0x507D, s1;
	[smem:$0x7E1] =	sst s29  }
0x49: {  	s5 =	sadd.s32 $0x707D, s1;
	[smem:$0x7E2] =	sst s30  }
0x4a: {  	s6 =	sadd.s32 $0x807D, s1;
	[smem:$0x7E4] =	sst s5  }
0x4b: {  	s8 =	sadd.s32 $0xA07D, s1;
	[smem:$0x7E5] =	sst s6  }
0x4c: {  	s9 =	sadd.s32 $0xB07D, s1;
	[smem:$0x7E7] =	sst s8  }
0x4d: {  	[smem:$0x7E8] =	sst s9  }
0x4e: {  	s11 =	sadd.s32 $0xD07D, s1;
	s3 =	sadd.s32 s0, s24;
	s24 =	sld [smem:$0x7BA]  }
0x4f: {  	s12 =	sadd.s32 $0xE07D, s1;
	[smem:$0x7EA] =	sst s11  }
0x50: {  	s13 =	sadd.s32 $0xF07D, s1;
	[smem:$0x7EB] =	sst s12  }
0x51: {  	s14 =	sadd.s32 $0x1007D, s1;
	[smem:$0x7EC] =	sst s13  }
0x52: {  	s15 =	sadd.s32 $0x1107D, s1;
	[smem:$0x7ED] =	sst s14  }
0x53: {  	s16 =	sadd.s32 $0x1207D, s1;
	[smem:$0x7EE] =	sst s15  }
0x54: {  	s17 =	sadd.s32 $0x1307D, s1;
	[smem:$0x7EF] =	sst s16  }
0x55: {  	s18 =	sadd.s32 $0x1407D, s1;
	[smem:$0x7F0] =	sst s17  }
0x56: {  	s19 =	sadd.s32 $0x1507D, s1;
	[smem:$0x7F1] =	sst s18  }
0x57: {  	s20 =	sadd.s32 $0x1607D, s1;
	[smem:$0x7F2] =	sst s19  }
0x58: {  	s22 =	sadd.s32 $0x1807D, s1;
	[smem:$0x7F3] =	sst s20  }
0x59: {  	s23 =	sadd.s32 $0x1907D, s1;
	[smem:$0x7F5] =	sst s22  }
0x5a: {  	[smem:$0x7F6] =	sst s23  }
0x5b: {  	[smem:$0x7B9] =	sst s3  }
0x5c: {  	s25 =	sadd.s32 $0x1B07D, s1;
	s3 =	sadd.s32 s0, s24;
	s24 =	sld [smem:$0x7BC]  }
0x5d: {  	[smem:$0x7F8] =	sst s25  }
0x5e: {  	[smem:$0x7BB] =	sst s3  }
0x5f: {  	s26 =	sadd.s32 $0x1C07D, s1;
	s3 =	sadd.s32 s0, s24;
	s24 =	sld [smem:$0x7BE]  }
0x60: {  	[smem:$0x7F9] =	sst s26  }
0x61: {  	[smem:$0x7BD] =	sst s3  }
0x62: {  	s28 =	sadd.s32 $0x1D07D, s1;
	s3 =	sadd.s32 s0, s24;
	s24 =	sld [smem:$0x7C0]  }
0x63: {  	[smem:$0x7FA] =	sst s28  }
0x64: {  	[smem:$0x7BF] =	sst s3  }
0x65: {  	s29 =	sadd.s32 $0x1E07D, s1;
	s3 =	sadd.s32 s0, s24;
	s24 =	sld [smem:$0x7C2]  }
0x66: {  	s30 =	sadd.s32 $0x1F07D, s1;
	[smem:$0x7FB] =	sst s29  }
0x67: {  	[smem:$0x7FD] =	sst s30  }
0x68: {  	[smem:$0x7C1] =	sst s3;
	s3 =	sadd.s32 s0, s24  }
0x69: {  	s24 =	sadd.s32 s0, s21;
	[smem:$0x7C3] =	sst s3  }
0x6a: {  	s21 =	sadd.s32 s0, s7;
	[smem:$0x7CE] =	sst s24  }
0x6b: {  	s31 =	simm.s32 $0x5;
	s0 =	sadd.s32 s0, s4;
	[smem:$0x7D9] =	sst s21  }
0x6c: {  	s11 =	simm.s32 $0x8000;
	s7 =	sadd.s32 $0x907D, s1;
	[smem:$0x7DC] =	sst s0  }
0x6d: {  	s4 =	smax.u32 s10, $0x1;
	s10 =	sadd.s32 $0xC07D, s1;
	[smem:$0x7E6] =	sst s7  }
0x6e: {  	s15 =	simm.s32 $0x10000;
	s24 =	sadd.s32 $0x7D, s1;
	[smem:$0x7E9] =	sst s10  }
0x6f: {  	s13 =	simm.s32 $0x1;
	s3 =	sadd.s32 $0x607D, s1;
	[smem:$0x7DD] =	sst s24  }
0x70: {  	s22 =	simm.s32 $0x2;
	s21 =	sadd.s32 $0x1707D, s1;
	[smem:$0x7E3] =	sst s3  }
0x71: {  	s0 =	simm.s32 $0x3;
	[smem:$0x7F4] =	sst s21;
	s24 =	sadd.s32 $0x1A07D, s1  }
0x72: {  	s21 =	simm.s32 $0x4;
	s3 =	simm.s32 $0x6;
	[smem:$0x7F7] =	sst s24  }
.LBB2_1:
0x73: {  	[smem:$0x7B4] =	sst s4  }
0x74: {  	s1 =	rddreg [dreg:$0x3]  }
0x75: {  	[tilespmem:s2], [sflag:$0x1] =	stream.linear.gather [hbm4b:s1+s2], $0x8000, $0x38;
	[tilespmem:$0x18000] =	vst v63  }
0x76: {  	s18 =	rddreg [dreg:$0x4]  }
0x77: {  	[tilespmem:s11], [sflag:$0x2] =	stream.linear.gather [hbm4b:s18+s2], $0x8000, $0x38;
	[tilespmem:$0x18000] =	vst v63  }
0x78: {  	s19 =	rddreg [dreg:$0x5]  }
0x79: {  	[tilespmem:s15], [sflag:$0x3] =	stream.linear.gather [hbm4b:s19+s2], $0x8000, $0x38;
	[tilespmem:$0x18000] =	vst v63  }
0x7a: {  	_ =	swait.ge [sflag:s13], $0x8000  }
0x7b: {  	s20 =	sld [smem:$0x7DD]  }
0x7c: {  	[sflag:s13] =	ssyncset.done $0x0  }
0x7d: {  	[sflag:s13] =	ssyncadd.s32 $0xFFFF8000  }
0x7e: {  	[hbm4b:s20+s2] =	stream.linear.scatter [tilespmem:s2], [sflag:$0x4], $0x1C18, $0x38;
	[tilespmem:$0x18000] =	vst v63  }
0x7f: {  	s5 =	simm.s32 $0x2000;
	s23 =	sadd.s32 $0x400, s20  }
0x80: {  	[hbm4b:s23+s2] =	stream.linear.scatter [tilespmem:s5], [sflag:$0x4], $0x1C18, $0x38;
	[tilespmem:$0x18000] =	vst v63  }
0x81: {  	s25 =	simm.s32 $0x4000;
	s24 =	sadd.s32 $0x800, s20  }
0x82: {  	[hbm4b:s24+s2] =	stream.linear.scatter [tilespmem:s25], [sflag:$0x4], $0x1C18, $0x38;
	[tilespmem:$0x18000] =	vst v63  }
0x83: {  	s28 =	simm.s32 $0x6000;
	s29 =	sld [smem:$0x7FC];
	s26 =	sadd.s32 $0xC00, s20  }
0x84: {  	[hbm4b:s26+s2] =	stream.linear.scatter [tilespmem:s28], [sflag:$0x4], $0x1C18, $0x38;
	[tilespmem:$0x18000] =	vst v63  }
0x85: {  	s30 =	simm.s32 $0x1C18  }
0x86: {  	[hbm4b:s29+s2] =	stream.linear.scatter [tilespmem:s30], [sflag:$0x4], $0x3E8, $0x38;
	[tilespmem:$0x18000] =	vst v63  }
0x87: {  	s7 =	simm.s32 $0x3C18;
	s5 =	sadd.s32 $0x400, s29  }
0x88: {  	[hbm4b:s5+s2] =	stream.linear.scatter [tilespmem:s7], [sflag:$0x4], $0x3E8, $0x38;
	[tilespmem:$0x18000] =	vst v63  }
0x89: {  	s9 =	simm.s32 $0x5C18;
	s8 =	sadd.s32 $0x800, s29  }
0x8a: {  	[hbm4b:s8+s2] =	stream.linear.scatter [tilespmem:s9], [sflag:$0x4], $0x3E8, $0x38;
	[tilespmem:$0x18000] =	vst v63  }
0x8b: {  	s12 =	simm.s32 $0x7C18;
	s10 =	sadd.s32 $0xC00, s29  }
0x8c: {  	[hbm4b:s10+s2] =	stream.linear.scatter [tilespmem:s12], [sflag:$0x4], $0x3E8, $0x38;
	[tilespmem:$0x18000] =	vst v63  }
0x8d: {  	_ =	swait.ge [sflag:s21], $0x7060  }
0x8e: {  	[sflag:s21] =	ssyncset.done $0x0  }
0x8f: {  	[sflag:s21] =	ssyncadd.s32 $0xFFFF8FA0  }
0x90: {  	_ =	swait.ge [sflag:s21], $0xFA0  }
0x91: {  	[sflag:s21] =	ssyncset.done $0x0  }
0x92: {  	s14 =	rddreg [dreg:$0x6];
	[sflag:s21] =	ssyncadd.s32 $0xFFFFF060  }
0x93: {  	[tilespmem:s2], [sflag:$0x1] =	stream.linear.gather [hbm4b:s14+s2], $0x8000, $0x38;
	[tilespmem:$0x18000] =	vst v63  }
0x94: {  	_ =	swait.ge [sflag:s22], $0x8000  }
0x95: {  	s16 =	sld [smem:$0x7DE]  }
0x96: {  	[sflag:s22] =	ssyncset.done $0x0  }
0x97: {  	[sflag:s22] =	ssyncadd.s32 $0xFFFF8000  }
0x98: {  	[hbm4b:s16+s2] =	stream.linear.scatter [tilespmem:s11], [sflag:$0x5], $0x1C18, $0x38;
	[tilespmem:$0x18000] =	vst v63  }
0x99: {  	s19 =	simm.s32 $0xA000;
	s18 =	sadd.s32 $0x400, s16  }
0x9a: {  	[hbm4b:s18+s2] =	stream.linear.scatter [tilespmem:s19], [sflag:$0x5], $0x1C18, $0x38;
	[tilespmem:$0x18000] =	vst v63  }
0x9b: {  	s25 =	simm.s32 $0xC000;
	s24 =	sadd.s32 $0x800, s16  }
0x9c: {  	[hbm4b:s24+s2] =	stream.linear.scatter [tilespmem:s25], [sflag:$0x5], $0x1C18, $0x38;
	[tilespmem:$0x18000] =	vst v63  }
0x9d: {  	s28 =	simm.s32 $0xE000;
	s29 =	sld [smem:$0x7B9];
	s26 =	sadd.s32 $0xC00, s16  }
0x9e: {  	[hbm4b:s26+s2] =	stream.linear.scatter [tilespmem:s28], [sflag:$0x5], $0x1C18, $0x38;
	[tilespmem:$0x18000] =	vst v63  }
0x9f: {  	s30 =	simm.s32 $0x9C18  }
0xa0: {  	[hbm4b:s29+s2] =	stream.linear.scatter [tilespmem:s30], [sflag:$0x5], $0x3E8, $0x38;
	[tilespmem:$0x18000] =	vst v63  }
0xa1: {  	s7 =	simm.s32 $0xBC18;
	s5 =	sadd.s32 $0x400, s29  }
0xa2: {  	[hbm4b:s5+s2] =	stream.linear.scatter [tilespmem:s7], [sflag:$0x5], $0x3E8, $0x38;
	[tilespmem:$0x18000] =	vst v63  }
0xa3: {  	s10 =	simm.s32 $0xDC18;
	s8 =	sadd.s32 $0x800, s29  }
0xa4: {  	[hbm4b:s8+s2] =	stream.linear.scatter [tilespmem:s10], [sflag:$0x5], $0x3E8, $0x38;
	[tilespmem:$0x18000] =	vst v63  }
0xa5: {  	s14 =	sadd.s32 $0xC00, s29;
	s16 =	simm.s32 $0xFC18  }
0xa6: {  	[hbm4b:s14+s2] =	stream.linear.scatter [tilespmem:s16], [sflag:$0x5], $0x3E8, $0x38;
	[tilespmem:$0x18000] =	vst v63  }
0xa7: {  	_ =	swait.ge [sflag:s31], $0x7060  }
0xa8: {  	[sflag:s31] =	ssyncset.done $0x0  }
0xa9: {  	[sflag:s31] =	ssyncadd.s32 $0xFFFF8FA0  }
0xaa: {  	_ =	swait.ge [sflag:s31], $0xFA0  }
0xab: {  	[sflag:s31] =	ssyncset.done $0x0  }
0xac: {  	s18 =	rddreg [dreg:$0x7];
	[sflag:s31] =	ssyncadd.s32 $0xFFFFF060  }
0xad: {  	[tilespmem:s11], [sflag:$0x2] =	stream.linear.gather [hbm4b:s18+s2], $0x8000, $0x38;
	[tilespmem:$0x18000] =	vst v63  }
0xae: {  	_ =	swait.ge [sflag:s0], $0x8000  }
0xaf: {  	s19 =	sld [smem:$0x7DF]  }
0xb0: {  	[sflag:s0] =	ssyncset.done $0x0  }
0xb1: {  	[sflag:s0] =	ssyncadd.s32 $0xFFFF8000  }
0xb2: {  	[hbm4b:s19+s2] =	stream.linear.scatter [tilespmem:s15], [sflag:$0x6], $0x1C18, $0x38;
	[tilespmem:$0x18000] =	vst v63  }
0xb3: {  	s7 =	simm.s32 $0x12000;
	s24 =	sadd.s32 $0x400, s19  }
0xb4: {  	[hbm4b:s24+s2] =	stream.linear.scatter [tilespmem:s7], [sflag:$0x6], $0x1C18, $0x38;
	[tilespmem:$0x18000] =	vst v63  }
0xb5: {  	s8 =	simm.s32 $0x14000;
	s25 =	sadd.s32 $0x800, s19  }
0xb6: {  	[hbm4b:s25+s2] =	stream.linear.scatter [tilespmem:s8], [sflag:$0x6], $0x1C18, $0x38;
	[tilespmem:$0x18000] =	vst v63  }
0xb7: {  	s29 =	simm.s32 $0x16000;
	s30 =	sld [smem:$0x7BB];
	s28 =	sadd.s32 $0xC00, s19  }
0xb8: {  	[hbm4b:s28+s2] =	stream.linear.scatter [tilespmem:s29], [sflag:$0x6], $0x1C18, $0x38;
	[tilespmem:$0x18000] =	vst v63  }
0xb9: {  	s8 =	simm.s32 $0x11C18  }
0xba: {  	[hbm4b:s30+s2] =	stream.linear.scatter [tilespmem:s8], [sflag:$0x6], $0x3E8, $0x38;
	[tilespmem:$0x18000] =	vst v63  }
0xbb: {  	s14 =	simm.s32 $0x13C18;
	s10 =	sadd.s32 $0x400, s30  }
0xbc: {  	[hbm4b:s10+s2] =	stream.linear.scatter [tilespmem:s14], [sflag:$0x6], $0x3E8, $0x38;
	[tilespmem:$0x18000] =	vst v63  }
0xbd: {  	s16 =	simm.s32 $0x15C18;
	s14 =	sadd.s32 $0x800, s30  }
0xbe: {  	[hbm4b:s14+s2] =	stream.linear.scatter [tilespmem:s16], [sflag:$0x6], $0x3E8, $0x38;
	[tilespmem:$0x18000] =	vst v63  }
0xbf: {  	s18 =	sadd.s32 $0xC00, s30;
	s19 =	simm.s32 $0x17C18  }
0xc0: {  	[hbm4b:s18+s2] =	stream.linear.scatter [tilespmem:s19], [sflag:$0x6], $0x3E8, $0x38;
	[tilespmem:$0x18000] =	vst v63  }
0xc1: {  	_ =	swait.ge [sflag:s3], $0x7060  }
0xc2: {  	[sflag:s3] =	ssyncset.done $0x0  }
0xc3: {  	[sflag:s3] =	ssyncadd.s32 $0xFFFF8FA0  }
0xc4: {  	_ =	swait.ge [sflag:s3], $0xFA0  }
0xc5: {  	[sflag:s3] =	ssyncset.done $0x0  }
0xc6: {  	s24 =	rddreg [dreg:$0x8];
	[sflag:s3] =	ssyncadd.s32 $0xFFFFF060  }
0xc7: {  	[tilespmem:s15], [sflag:$0x3] =	stream.linear.gather [hbm4b:s24+s2], $0x8000, $0x38;
	[tilespmem:$0x18000] =	vst v63  }
0xc8: {  	_ =	swait.ge [sflag:s13], $0x8000  }
0xc9: {  	s28 =	sld [smem:$0x7E0]  }
0xca: {  	[sflag:s13] =	ssyncset.done $0x0  }
0xcb: {  	[sflag:s13] =	ssyncadd.s32 $0xFFFF8000  }
0xcc: {  	[hbm4b:s28+s2] =	stream.linear.scatter [tilespmem:s2], [sflag:$0x4], $0x1C18, $0x38;
	[tilespmem:$0x18000] =	vst v63  }
0xcd: {  	s19 =	simm.s32 $0x2000;
	s29 =	sadd.s32 $0x400, s28  }
0xce: {  	[hbm4b:s29+s2] =	stream.linear.scatter [tilespmem:s19], [sflag:$0x4], $0x1C18, $0x38;
	[tilespmem:$0x18000] =	vst v63  }
0xcf: {  	s6 =	simm.s32 $0x4000;
	s30 =	sadd.s32 $0x800, s28  }
0xd0: {  	[hbm4b:s30+s2] =	stream.linear.scatter [tilespmem:s6], [sflag:$0x4], $0x1C18, $0x38;
	[tilespmem:$0x18000] =	vst v63  }
0xd1: {  	s17 =	simm.s32 $0x6000;
	s5 =	sld [smem:$0x7BD];
	s4 =	sadd.s32 $0xC00, s28  }
0xd2: {  	[hbm4b:s4+s2] =	stream.linear.scatter [tilespmem:s17], [sflag:$0x4], $0x1C18, $0x38;
	[tilespmem:$0x18000] =	vst v63  }
0xd3: {  	s18 =	simm.s32 $0x1C18  }
0xd4: {  	[hbm4b:s5+s2] =	stream.linear.scatter [tilespmem:s18], [sflag:$0x4], $0x3E8, $0x38;
	[tilespmem:$0x18000] =	vst v63  }
0xd5: {  	s6 =	sadd.s32 $0x400, s5;
	s17 =	simm.s32 $0x3C18  }
0xd6: {  	[hbm4b:s6+s2] =	stream.linear.scatter [tilespmem:s17], [sflag:$0x4], $0x3E8, $0x38;
	[tilespmem:$0x18000] =	vst v63  }
0xd7: {  	s20 =	simm.s32 $0x5C18;
	s8 =	sadd.s32 $0x800, s5  }
0xd8: {  	[hbm4b:s8+s2] =	stream.linear.scatter [tilespmem:s20], [sflag:$0x4], $0x3E8, $0x38;
	[tilespmem:$0x18000] =	vst v63  }
0xd9: {  	s23 =	simm.s32 $0x7C18;
	s14 =	sadd.s32 $0xC00, s5  }
0xda: {  	[hbm4b:s14+s2] =	stream.linear.scatter [tilespmem:s23], [sflag:$0x4], $0x3E8, $0x38;
	[tilespmem:$0x18000] =	vst v63  }
0xdb: {  	_ =	swait.ge [sflag:s21], $0x7060  }
0xdc: {  	[sflag:s21] =	ssyncset.done $0x0  }
0xdd: {  	[sflag:s21] =	ssyncadd.s32 $0xFFFF8FA0  }
0xde: {  	_ =	swait.ge [sflag:s21], $0xFA0  }
0xdf: {  	[sflag:s21] =	ssyncset.done $0x0  }
0xe0: {  	s20 =	rddreg [dreg:$0x9];
	[sflag:s21] =	ssyncadd.s32 $0xFFFFF060  }
0xe1: {  	[tilespmem:s2], [sflag:$0x1] =	stream.linear.gather [hbm4b:s20+s2], $0x8000, $0x38;
	[tilespmem:$0x18000] =	vst v63  }
0xe2: {  	_ =	swait.ge [sflag:s22], $0x8000  }
0xe3: {  	s23 =	sld [smem:$0x7E1]  }
0xe4: {  	[sflag:s22] =	ssyncset.done $0x0  }
0xe5: {  	[sflag:s22] =	ssyncadd.s32 $0xFFFF8000  }
0xe6: {  	[hbm4b:s23+s2] =	stream.linear.scatter [tilespmem:s11], [sflag:$0x5], $0x1C18, $0x38;
	[tilespmem:$0x18000] =	vst v63  }
0xe7: {  	s6 =	simm.s32 $0xA000;
	s24 =	sadd.s32 $0x400, s23  }
0xe8: {  	[hbm4b:s24+s2] =	stream.linear.scatter [tilespmem:s6], [sflag:$0x5], $0x1C18, $0x38;
	[tilespmem:$0x18000] =	vst v63  }
0xe9: {  	s20 =	simm.s32 $0xC000;
	s28 =	sadd.s32 $0x800, s23  }
0xea: {  	[hbm4b:s28+s2] =	stream.linear.scatter [tilespmem:s20], [sflag:$0x5], $0x1C18, $0x38;
	[tilespmem:$0x18000] =	vst v63  }
0xeb: {  	s12 =	simm.s32 $0xE000;
	s5 =	sld [smem:$0x7BF];
	s4 =	sadd.s32 $0xC00, s23  }
0xec: {  	[hbm4b:s4+s2] =	stream.linear.scatter [tilespmem:s12], [sflag:$0x5], $0x1C18, $0x38;
	[tilespmem:$0x18000] =	vst v63  }
0xed: {  	s9 =	simm.s32 $0x9C18  }
0xee: {  	[hbm4b:s5+s2] =	stream.linear.scatter [tilespmem:s9], [sflag:$0x5], $0x3E8, $0x38;
	[tilespmem:$0x18000] =	vst v63  }
0xef: {  	s26 =	simm.s32 $0xBC18;
	s12 =	sadd.s32 $0x400, s5  }
0xf0: {  	[hbm4b:s12+s2] =	stream.linear.scatter [tilespmem:s26], [sflag:$0x5], $0x3E8, $0x38;
	[tilespmem:$0x18000] =	vst v63  }
0xf1: {  	s8 =	simm.s32 $0xDC18;
	s23 =	sadd.s32 $0x800, s5  }
0xf2: {  	[hbm4b:s23+s2] =	stream.linear.scatter [tilespmem:s8], [sflag:$0x5], $0x3E8, $0x38;
	[tilespmem:$0x18000] =	vst v63  }
0xf3: {  	s26 =	sadd.s32 $0xC00, s5;
	s5 =	simm.s32 $0xFC18  }
0xf4: {  	[hbm4b:s26+s2] =	stream.linear.scatter [tilespmem:s5], [sflag:$0x5], $0x3E8, $0x38;
	[tilespmem:$0x18000] =	vst v63  }
0xf5: {  	_ =	swait.ge [sflag:s31], $0x7060  }
0xf6: {  	[sflag:s31] =	ssyncset.done $0x0  }
0xf7: {  	[sflag:s31] =	ssyncadd.s32 $0xFFFF8FA0  }
0xf8: {  	_ =	swait.ge [sflag:s31], $0xFA0  }
0xf9: {  	[sflag:s31] =	ssyncset.done $0x0  }
0xfa: {  	s4 =	rddreg [dreg:$0xa];
	[sflag:s31] =	ssyncadd.s32 $0xFFFFF060  }
0xfb: {  	[tilespmem:s11], [sflag:$0x2] =	stream.linear.gather [hbm4b:s4+s2], $0x8000, $0x38;
	[tilespmem:$0x18000] =	vst v63  }
0xfc: {  	_ =	swait.ge [sflag:s0], $0x8000  }
0xfd: {  	s4 =	sld [smem:$0x7E2]  }
0xfe: {  	[sflag:s0] =	ssyncset.done $0x0  }
0xff: {  	[sflag:s0] =	ssyncadd.s32 $0xFFFF8000  }
0x100: {  	[hbm4b:s4+s2] =	stream.linear.scatter [tilespmem:s15], [sflag:$0x6], $0x1C18, $0x38;
	[tilespmem:$0x18000] =	vst v63  }
0x101: {  	s23 =	simm.s32 $0x12000;
	s12 =	sadd.s32 $0x400, s4  }
0x102: {  	[hbm4b:s12+s2] =	stream.linear.scatter [tilespmem:s23], [sflag:$0x6], $0x1C18, $0x38;
	[tilespmem:$0x18000] =	vst v63  }
0x103: {  	s7 =	simm.s32 $0x14000;
	s26 =	sadd.s32 $0x800, s4  }
0x104: {  	[hbm4b:s26+s2] =	stream.linear.scatter [tilespmem:s7], [sflag:$0x6], $0x1C18, $0x38;
	[tilespmem:$0x18000] =	vst v63  }
0x105: {  	s12 =	sadd.s32 $0xC00, s4;
	s4 =	sld [smem:$0x7C1];
	s7 =	simm.s32 $0x16000  }
0x106: {  	[hbm4b:s12+s2] =	stream.linear.scatter [tilespmem:s7], [sflag:$0x6], $0x1C18, $0x38;
	[tilespmem:$0x18000] =	vst v63  }
0x107: {  	s12 =	simm.s32 $0x11C18  }
0x108: {  	[hbm4b:s4+s2] =	stream.linear.scatter [tilespmem:s12], [sflag:$0x6], $0x3E8, $0x38;
	[tilespmem:$0x18000] =	vst v63  }
0x109: {  	s10 =	simm.s32 $0x13C18;
	s1 =	sadd.s32 $0x400, s4  }
0x10a: {  	[hbm4b:s1+s2] =	stream.linear.scatter [tilespmem:s10], [sflag:$0x6], $0x3E8, $0x38;
	[tilespmem:$0x18000] =	vst v63  }
0x10b: {  	s25 =	simm.s32 $0x15C18;
	s1 =	sadd.s32 $0x800, s4  }
0x10c: {  	[hbm4b:s1+s2] =	stream.linear.scatter [tilespmem:s25], [sflag:$0x6], $0x3E8, $0x38;
	[tilespmem:$0x18000] =	vst v63  }
0x10d: {  	s16 =	simm.s32 $0x17C18;
	s4 =	sadd.s32 $0xC00, s4  }
0x10e: {  	[hbm4b:s4+s2] =	stream.linear.scatter [tilespmem:s16], [sflag:$0x6], $0x3E8, $0x38;
	[tilespmem:$0x18000] =	vst v63  }
0x10f: {  	_ =	swait.ge [sflag:s3], $0x7060  }
0x110: {  	[sflag:s3] =	ssyncset.done $0x0  }
0x111: {  	[sflag:s3] =	ssyncadd.s32 $0xFFFF8FA0  }
0x112: {  	_ =	swait.ge [sflag:s3], $0xFA0  }
0x113: {  	[sflag:s3] =	ssyncset.done $0x0  }
0x114: {  	s4 =	rddreg [dreg:$0xb];
	[sflag:s3] =	ssyncadd.s32 $0xFFFFF060  }
0x115: {  	[tilespmem:s15], [sflag:$0x3] =	stream.linear.gather [hbm4b:s4+s2], $0x8000, $0x38;
	[tilespmem:$0x18000] =	vst v63  }
0x116: {  	_ =	swait.ge [sflag:s13], $0x8000  }
0x117: {  	s4 =	sld [smem:$0x7E3]  }
0x118: {  	[sflag:s13] =	ssyncset.done $0x0  }
0x119: {  	[sflag:s13] =	ssyncadd.s32 $0xFFFF8000  }
0x11a: {  	[hbm4b:s4+s2] =	stream.linear.scatter [tilespmem:s2], [sflag:$0x4], $0x1C18, $0x38;
	[tilespmem:$0x18000] =	vst v63  }
0x11b: {  	s1 =	sadd.s32 $0x400, s4  }
0x11c: {  	[hbm4b:s1+s2] =	stream.linear.scatter [tilespmem:s19], [sflag:$0x4], $0x1C18, $0x38;
	[tilespmem:$0x18000] =	vst v63  }
0x11d: {  	s30 =	simm.s32 $0x4000;
	s1 =	sadd.s32 $0x800, s4  }
0x11e: {  	[hbm4b:s1+s2] =	stream.linear.scatter [tilespmem:s30], [sflag:$0x4], $0x1C18, $0x38;
	[tilespmem:$0x18000] =	vst v63  }
0x11f: {  	s4 =	sadd.s32 $0xC00, s4;
	s30 =	simm.s32 $0x6000  }
0x120: {  	[hbm4b:s4+s2] =	stream.linear.scatter [tilespmem:s30], [sflag:$0x4], $0x1C18, $0x38;
	[tilespmem:$0x18000] =	vst v63  }
0x121: {  	s4 =	sld [smem:$0x7C3];
	_ =	sdelay $0x2  }
0x122: {  	[hbm4b:s4+s2] =	stream.linear.scatter [tilespmem:s18], [sflag:$0x4], $0x3E8, $0x38;
	[tilespmem:$0x18000] =	vst v63  }
0x123: {  	s1 =	sadd.s32 $0x400, s4  }
0x124: {  	[hbm4b:s1+s2] =	stream.linear.scatter [tilespmem:s17], [sflag:$0x4], $0x3E8, $0x38;
	[tilespmem:$0x18000] =	vst v63  }
0x125: {  	s29 =	simm.s32 $0x5C18;
	s1 =	sadd.s32 $0x800, s4  }
0x126: {  	[hbm4b:s1+s2] =	stream.linear.scatter [tilespmem:s29], [sflag:$0x4], $0x3E8, $0x38;
	[tilespmem:$0x18000] =	vst v63  }
0x127: {  	s14 =	simm.s32 $0x7C18;
	s4 =	sadd.s32 $0xC00, s4  }
0x128: {  	[hbm4b:s4+s2] =	stream.linear.scatter [tilespmem:s14], [sflag:$0x4], $0x3E8, $0x38;
	[tilespmem:$0x18000] =	vst v63  }
0x129: {  	_ =	swait.ge [sflag:s21], $0x7060  }
0x12a: {  	[sflag:s21] =	ssyncset.done $0x0  }
0x12b: {  	[sflag:s21] =	ssyncadd.s32 $0xFFFF8FA0  }
0x12c: {  	_ =	swait.ge [sflag:s21], $0xFA0  }
0x12d: {  	[sflag:s21] =	ssyncset.done $0x0  }
0x12e: {  	s4 =	rddreg [dreg:$0xc];
	[sflag:s21] =	ssyncadd.s32 $0xFFFFF060  }
0x12f: {  	[tilespmem:s2], [sflag:$0x1] =	stream.linear.gather [hbm4b:s4+s2], $0x8000, $0x38;
	[tilespmem:$0x18000] =	vst v63  }
0x130: {  	_ =	swait.ge [sflag:s22], $0x8000  }
0x131: {  	s4 =	sld [smem:$0x7E4]  }
0x132: {  	[sflag:s22] =	ssyncset.done $0x0  }
0x133: {  	[sflag:s22] =	ssyncadd.s32 $0xFFFF8000  }
0x134: {  	[hbm4b:s4+s2] =	stream.linear.scatter [tilespmem:s11], [sflag:$0x5], $0x1C18, $0x38;
	[tilespmem:$0x18000] =	vst v63  }
0x135: {  	s1 =	sadd.s32 $0x400, s4  }
0x136: {  	[hbm4b:s1+s2] =	stream.linear.scatter [tilespmem:s6], [sflag:$0x5], $0x1C18, $0x38;
	[tilespmem:$0x18000] =	vst v63  }
0x137: {  	s1 =	sadd.s32 $0x800, s4  }
0x138: {  	[hbm4b:s1+s2] =	stream.linear.scatter [tilespmem:s20], [sflag:$0x5], $0x1C18, $0x38;
	[tilespmem:$0x18000] =	vst v63  }
0x139: {  	s28 =	simm.s32 $0xE000;
	s4 =	sadd.s32 $0xC00, s4  }
0x13a: {  	[hbm4b:s4+s2] =	stream.linear.scatter [tilespmem:s28], [sflag:$0x5], $0x1C18, $0x38;
	[tilespmem:$0x18000] =	vst v63  }
0x13b: {  	s4 =	sld [smem:$0x7C4];
	_ =	sdelay $0x1  }
0x13c: {  	s9 =	simm.s32 $0x9C18  }
0x13d: {  	[hbm4b:s4+s2] =	stream.linear.scatter [tilespmem:s9], [sflag:$0x5], $0x3E8, $0x38;
	[tilespmem:$0x18000] =	vst v63  }
0x13e: {  	s24 =	simm.s32 $0xBC18;
	s1 =	sadd.s32 $0x400, s4  }
0x13f: {  	[hbm4b:s1+s2] =	stream.linear.scatter [tilespmem:s24], [sflag:$0x5], $0x3E8, $0x38;
	[tilespmem:$0x18000] =	vst v63  }
0x140: {  	s1 =	sadd.s32 $0x800, s4  }
0x141: {  	[hbm4b:s1+s2] =	stream.linear.scatter [tilespmem:s8], [sflag:$0x5], $0x3E8, $0x38;
	[tilespmem:$0x18000] =	vst v63  }
0x142: {  	s8 =	sadd.s32 $0xC00, s4  }
0x143: {  	[hbm4b:s8+s2] =	stream.linear.scatter [tilespmem:s5], [sflag:$0x5], $0x3E8, $0x38;
	[tilespmem:$0x18000] =	vst v63  }
0x144: {  	_ =	swait.ge [sflag:s31], $0x7060  }
0x145: {  	[sflag:s31] =	ssyncset.done $0x0  }
0x146: {  	[sflag:s31] =	ssyncadd.s32 $0xFFFF8FA0  }
0x147: {  	_ =	swait.ge [sflag:s31], $0xFA0  }
0x148: {  	[sflag:s31] =	ssyncset.done $0x0  }
0x149: {  	s4 =	rddreg [dreg:$0xd];
	[sflag:s31] =	ssyncadd.s32 $0xFFFFF060  }
0x14a: {  	[tilespmem:s11], [sflag:$0x2] =	stream.linear.gather [hbm4b:s4+s2], $0x8000, $0x38;
	[tilespmem:$0x18000] =	vst v63  }
0x14b: {  	_ =	swait.ge [sflag:s0], $0x8000  }
0x14c: {  	s4 =	sld [smem:$0x7E5]  }
0x14d: {  	[sflag:s0] =	ssyncset.done $0x0  }
0x14e: {  	[sflag:s0] =	ssyncadd.s32 $0xFFFF8000  }
0x14f: {  	[hbm4b:s4+s2] =	stream.linear.scatter [tilespmem:s15], [sflag:$0x6], $0x1C18, $0x38;
	[tilespmem:$0x18000] =	vst v63  }
0x150: {  	s8 =	sadd.s32 $0x400, s4  }
0x151: {  	[hbm4b:s8+s2] =	stream.linear.scatter [tilespmem:s23], [sflag:$0x6], $0x1C18, $0x38;
	[tilespmem:$0x18000] =	vst v63  }
0x152: {  	s26 =	simm.s32 $0x14000;
	s23 =	sadd.s32 $0x800, s4  }
0x153: {  	[hbm4b:s23+s2] =	stream.linear.scatter [tilespmem:s26], [sflag:$0x6], $0x1C18, $0x38;
	[tilespmem:$0x18000] =	vst v63  }
0x154: {  	s4 =	sadd.s32 $0xC00, s4  }
0x155: {  	[hbm4b:s4+s2] =	stream.linear.scatter [tilespmem:s7], [sflag:$0x6], $0x1C18, $0x38;
	[tilespmem:$0x18000] =	vst v63  }
0x156: {  	s4 =	sld [smem:$0x7C5];
	_ =	sdelay $0x2  }
0x157: {  	[hbm4b:s4+s2] =	stream.linear.scatter [tilespmem:s12], [sflag:$0x6], $0x3E8, $0x38;
	[tilespmem:$0x18000] =	vst v63  }
0x158: {  	s10 =	simm.s32 $0x13C18;
	s12 =	sadd.s32 $0x400, s4  }
0x159: {  	[hbm4b:s12+s2] =	stream.linear.scatter [tilespmem:s10], [sflag:$0x6], $0x3E8, $0x38;
	[tilespmem:$0x18000] =	vst v63  }
0x15a: {  	s25 =	simm.s32 $0x15C18;
	s12 =	sadd.s32 $0x800, s4  }
0x15b: {  	[hbm4b:s12+s2] =	stream.linear.scatter [tilespmem:s25], [sflag:$0x6], $0x3E8, $0x38;
	[tilespmem:$0x18000] =	vst v63  }
0x15c: {  	s16 =	simm.s32 $0x17C18;
	s12 =	sadd.s32 $0xC00, s4  }
0x15d: {  	[hbm4b:s12+s2] =	stream.linear.scatter [tilespmem:s16], [sflag:$0x6], $0x3E8, $0x38;
	[tilespmem:$0x18000] =	vst v63  }
0x15e: {  	_ =	swait.ge [sflag:s3], $0x7060  }
0x15f: {  	[sflag:s3] =	ssyncset.done $0x0  }
0x160: {  	[sflag:s3] =	ssyncadd.s32 $0xFFFF8FA0  }
0x161: {  	_ =	swait.ge [sflag:s3], $0xFA0  }
0x162: {  	[sflag:s3] =	ssyncset.done $0x0  }
0x163: {  	s4 =	rddreg [dreg:$0xe];
	[sflag:s3] =	ssyncadd.s32 $0xFFFFF060  }
0x164: {  	[tilespmem:s15], [sflag:$0x3] =	stream.linear.gather [hbm4b:s4+s2], $0x8000, $0x38;
	[tilespmem:$0x18000] =	vst v63  }
0x165: {  	_ =	swait.ge [sflag:s13], $0x8000  }
0x166: {  	s4 =	sld [smem:$0x7E6]  }
0x167: {  	[sflag:s13] =	ssyncset.done $0x0  }
0x168: {  	[sflag:s13] =	ssyncadd.s32 $0xFFFF8000  }
0x169: {  	[hbm4b:s4+s2] =	stream.linear.scatter [tilespmem:s2], [sflag:$0x4], $0x1C18, $0x38;
	[tilespmem:$0x18000] =	vst v63  }
0x16a: {  	s19 =	simm.s32 $0x2000;
	s16 =	sadd.s32 $0x400, s4  }
0x16b: {  	[hbm4b:s16+s2] =	stream.linear.scatter [tilespmem:s19], [sflag:$0x4], $0x1C18, $0x38;
	[tilespmem:$0x18000] =	vst v63  }
0x16c: {  	s1 =	sadd.s32 $0x800, s4;
	s19 =	simm.s32 $0x4000  }
0x16d: {  	[hbm4b:s1+s2] =	stream.linear.scatter [tilespmem:s19], [sflag:$0x4], $0x1C18, $0x38;
	[tilespmem:$0x18000] =	vst v63  }
0x16e: {  	s30 =	simm.s32 $0x6000;
	s19 =	sadd.s32 $0xC00, s4;
	s4 =	sld [smem:$0x7C6]  }
0x16f: {  	[hbm4b:s19+s2] =	stream.linear.scatter [tilespmem:s30], [sflag:$0x4], $0x1C18, $0x38;
	[tilespmem:$0x18000] =	vst v63  }
0x170: {  	s18 =	simm.s32 $0x1C18  }
0x171: {  	[hbm4b:s4+s2] =	stream.linear.scatter [tilespmem:s18], [sflag:$0x4], $0x3E8, $0x38;
	[tilespmem:$0x18000] =	vst v63  }
0x172: {  	s17 =	simm.s32 $0x3C18;
	s30 =	sadd.s32 $0x400, s4  }
0x173: {  	[hbm4b:s30+s2] =	stream.linear.scatter [tilespmem:s17], [sflag:$0x4], $0x3E8, $0x38;
	[tilespmem:$0x18000] =	vst v63  }
0x174: {  	s29 =	simm.s32 $0x5C18;
	s19 =	sadd.s32 $0x800, s4  }
0x175: {  	[hbm4b:s19+s2] =	stream.linear.scatter [tilespmem:s29], [sflag:$0x4], $0x3E8, $0x38;
	[tilespmem:$0x18000] =	vst v63  }
0x176: {  	s14 =	simm.s32 $0x7C18;
	s30 =	sadd.s32 $0xC00, s4  }
0x177: {  	[hbm4b:s30+s2] =	stream.linear.scatter [tilespmem:s14], [sflag:$0x4], $0x3E8, $0x38;
	[tilespmem:$0x18000] =	vst v63  }
0x178: {  	_ =	swait.ge [sflag:s21], $0x7060  }
0x179: {  	[sflag:s21] =	ssyncset.done $0x0  }
0x17a: {  	[sflag:s21] =	ssyncadd.s32 $0xFFFF8FA0  }
0x17b: {  	_ =	swait.ge [sflag:s21], $0xFA0  }
0x17c: {  	[sflag:s21] =	ssyncset.done $0x0  }
0x17d: {  	s4 =	rddreg [dreg:$0xf];
	[sflag:s21] =	ssyncadd.s32 $0xFFFFF060  }
0x17e: {  	[tilespmem:s2], [sflag:$0x1] =	stream.linear.gather [hbm4b:s4+s2], $0x8000, $0x38;
	[tilespmem:$0x18000] =	vst v63  }
0x17f: {  	_ =	swait.ge [sflag:s22], $0x8000  }
0x180: {  	s4 =	sld [smem:$0x7E7]  }
0x181: {  	[sflag:s22] =	ssyncset.done $0x0  }
0x182: {  	[sflag:s22] =	ssyncadd.s32 $0xFFFF8000  }
0x183: {  	[hbm4b:s4+s2] =	stream.linear.scatter [tilespmem:s11], [sflag:$0x5], $0x1C18, $0x38;
	[tilespmem:$0x18000] =	vst v63  }
0x184: {  	s6 =	simm.s32 $0xA000;
	s19 =	sadd.s32 $0x400, s4  }
0x185: {  	[hbm4b:s19+s2] =	stream.linear.scatter [tilespmem:s6], [sflag:$0x5], $0x1C18, $0x38;
	[tilespmem:$0x18000] =	vst v63  }
0x186: {  	s20 =	simm.s32 $0xC000;
	s30 =	sadd.s32 $0x800, s4  }
0x187: {  	[hbm4b:s30+s2] =	stream.linear.scatter [tilespmem:s20], [sflag:$0x5], $0x1C18, $0x38;
	[tilespmem:$0x18000] =	vst v63  }
0x188: {  	s28 =	simm.s32 $0xE000;
	s4 =	sadd.s32 $0xC00, s4  }
0x189: {  	[hbm4b:s4+s2] =	stream.linear.scatter [tilespmem:s28], [sflag:$0x5], $0x1C18, $0x38;
	[tilespmem:$0x18000] =	vst v63  }
0x18a: {  	s4 =	sld [smem:$0x7C7];
	_ =	sdelay $0x1  }
0x18b: {  	s9 =	simm.s32 $0x9C18  }
0x18c: {  	[hbm4b:s4+s2] =	stream.linear.scatter [tilespmem:s9], [sflag:$0x5], $0x3E8, $0x38;
	[tilespmem:$0x18000] =	vst v63  }
0x18d: {  	s24 =	simm.s32 $0xBC18;
	s6 =	sadd.s32 $0x400, s4  }
0x18e: {  	[hbm4b:s6+s2] =	stream.linear.scatter [tilespmem:s24], [sflag:$0x5], $0x3E8, $0x38;
	[tilespmem:$0x18000] =	vst v63  }
0x18f: {  	s28 =	simm.s32 $0xDC18;
	s24 =	sadd.s32 $0x800, s4  }
0x190: {  	[hbm4b:s24+s2] =	stream.linear.scatter [tilespmem:s28], [sflag:$0x5], $0x3E8, $0x38;
	[tilespmem:$0x18000] =	vst v63  }
0x191: {  	s5 =	simm.s32 $0xFC18;
	s24 =	sadd.s32 $0xC00, s4  }
0x192: {  	[hbm4b:s24+s2] =	stream.linear.scatter [tilespmem:s5], [sflag:$0x5], $0x3E8, $0x38;
	[tilespmem:$0x18000] =	vst v63  }
0x193: {  	_ =	swait.ge [sflag:s31], $0x7060  }
0x194: {  	[sflag:s31] =	ssyncset.done $0x0  }
0x195: {  	[sflag:s31] =	ssyncadd.s32 $0xFFFF8FA0  }
0x196: {  	_ =	swait.ge [sflag:s31], $0xFA0  }
0x197: {  	[sflag:s31] =	ssyncset.done $0x0  }
0x198: {  	s4 =	rddreg [dreg:$0x10];
	[sflag:s31] =	ssyncadd.s32 $0xFFFFF060  }
0x199: {  	[tilespmem:s11], [sflag:$0x2] =	stream.linear.gather [hbm4b:s4+s2], $0x8000, $0x38;
	[tilespmem:$0x18000] =	vst v63  }
0x19a: {  	_ =	swait.ge [sflag:s0], $0x8000  }
0x19b: {  	s4 =	sld [smem:$0x7E8]  }
0x19c: {  	[sflag:s0] =	ssyncset.done $0x0  }
0x19d: {  	[sflag:s0] =	ssyncadd.s32 $0xFFFF8000  }
0x19e: {  	[hbm4b:s4+s2] =	stream.linear.scatter [tilespmem:s15], [sflag:$0x6], $0x1C18, $0x38;
	[tilespmem:$0x18000] =	vst v63  }
0x19f: {  	s8 =	simm.s32 $0x12000;
	s5 =	sadd.s32 $0x400, s4  }
0x1a0: {  	[hbm4b:s5+s2] =	stream.linear.scatter [tilespmem:s8], [sflag:$0x6], $0x1C18, $0x38;
	[tilespmem:$0x18000] =	vst v63  }
0x1a1: {  	s23 =	simm.s32 $0x14000;
	s8 =	sadd.s32 $0x800, s4  }
0x1a2: {  	[hbm4b:s8+s2] =	stream.linear.scatter [tilespmem:s23], [sflag:$0x6], $0x1C18, $0x38;
	[tilespmem:$0x18000] =	vst v63  }
0x1a3: {  	s26 =	simm.s32 $0x16000;
	s23 =	sadd.s32 $0xC00, s4  }
0x1a4: {  	[hbm4b:s23+s2] =	stream.linear.scatter [tilespmem:s26], [sflag:$0x6], $0x1C18, $0x38;
	[tilespmem:$0x18000] =	vst v63  }
0x1a5: {  	s26 =	sld [smem:$0x7C8];
	_ =	sdelay $0x1  }
0x1a6: {  	s7 =	simm.s32 $0x11C18  }
0x1a7: {  	[hbm4b:s26+s2] =	stream.linear.scatter [tilespmem:s7], [sflag:$0x6], $0x3E8, $0x38;
	[tilespmem:$0x18000] =	vst v63  }
0x1a8: {  	s10 =	simm.s32 $0x13C18;
	s8 =	sadd.s32 $0x400, s26  }
0x1a9: {  	[hbm4b:s8+s2] =	stream.linear.scatter [tilespmem:s10], [sflag:$0x6], $0x3E8, $0x38;
	[tilespmem:$0x18000] =	vst v63  }
0x1aa: {  	s25 =	simm.s32 $0x15C18;
	s10 =	sadd.s32 $0x800, s26  }
0x1ab: {  	[hbm4b:s10+s2] =	stream.linear.scatter [tilespmem:s25], [sflag:$0x6], $0x3E8, $0x38;
	[tilespmem:$0x18000] =	vst v63  }
0x1ac: {  	s12 =	simm.s32 $0x17C18;
	s26 =	sadd.s32 $0xC00, s26  }
0x1ad: {  	[hbm4b:s26+s2] =	stream.linear.scatter [tilespmem:s12], [sflag:$0x6], $0x3E8, $0x38;
	[tilespmem:$0x18000] =	vst v63  }
0x1ae: {  	_ =	swait.ge [sflag:s3], $0x7060  }
0x1af: {  	[sflag:s3] =	ssyncset.done $0x0  }
0x1b0: {  	[sflag:s3] =	ssyncadd.s32 $0xFFFF8FA0  }
0x1b1: {  	_ =	swait.ge [sflag:s3], $0xFA0  }
0x1b2: {  	[sflag:s3] =	ssyncset.done $0x0  }
0x1b3: {  	s4 =	rddreg [dreg:$0x11];
	[sflag:s3] =	ssyncadd.s32 $0xFFFFF060  }
0x1b4: {  	[tilespmem:s15], [sflag:$0x3] =	stream.linear.gather [hbm4b:s4+s2], $0x8000, $0x38;
	[tilespmem:$0x18000] =	vst v63  }
0x1b5: {  	_ =	swait.ge [sflag:s13], $0x8000  }
0x1b6: {  	s4 =	sld [smem:$0x7E9]  }
0x1b7: {  	[sflag:s13] =	ssyncset.done $0x0  }
0x1b8: {  	[sflag:s13] =	ssyncadd.s32 $0xFFFF8000  }
0x1b9: {  	[hbm4b:s4+s2] =	stream.linear.scatter [tilespmem:s2], [sflag:$0x4], $0x1C18, $0x38;
	[tilespmem:$0x18000] =	vst v63  }
0x1ba: {  	s16 =	simm.s32 $0x2000;
	s12 =	sadd.s32 $0x400, s4  }
0x1bb: {  	[hbm4b:s12+s2] =	stream.linear.scatter [tilespmem:s16], [sflag:$0x4], $0x1C18, $0x38;
	[tilespmem:$0x18000] =	vst v63  }
0x1bc: {  	s26 =	simm.s32 $0x4000;
	s16 =	sadd.s32 $0x800, s4  }
0x1bd: {  	[hbm4b:s16+s2] =	stream.linear.scatter [tilespmem:s26], [sflag:$0x4], $0x1C18, $0x38;
	[tilespmem:$0x18000] =	vst v63  }
0x1be: {  	s4 =	sadd.s32 $0xC00, s4;
	s16 =	simm.s32 $0x6000  }
0x1bf: {  	[hbm4b:s4+s2] =	stream.linear.scatter [tilespmem:s16], [sflag:$0x4], $0x1C18, $0x38;
	[tilespmem:$0x18000] =	vst v63  }
0x1c0: {  	s4 =	sld [smem:$0x7C9];
	_ =	sdelay $0x1  }
0x1c1: {  	s18 =	simm.s32 $0x1C18  }
0x1c2: {  	[hbm4b:s4+s2] =	stream.linear.scatter [tilespmem:s18], [sflag:$0x4], $0x3E8, $0x38;
	[tilespmem:$0x18000] =	vst v63  }
0x1c3: {  	s17 =	simm.s32 $0x3C18;
	s18 =	sadd.s32 $0x400, s4  }
0x1c4: {  	[hbm4b:s18+s2] =	stream.linear.scatter [tilespmem:s17], [sflag:$0x4], $0x3E8, $0x38;
	[tilespmem:$0x18000] =	vst v63  }
0x1c5: {  	s29 =	simm.s32 $0x5C18;
	s18 =	sadd.s32 $0x800, s4  }
0x1c6: {  	[hbm4b:s18+s2] =	stream.linear.scatter [tilespmem:s29], [sflag:$0x4], $0x3E8, $0x38;
	[tilespmem:$0x18000] =	vst v63  }
0x1c7: {  	s14 =	simm.s32 $0x7C18;
	s18 =	sadd.s32 $0xC00, s4  }
0x1c8: {  	[hbm4b:s18+s2] =	stream.linear.scatter [tilespmem:s14], [sflag:$0x4], $0x3E8, $0x38;
	[tilespmem:$0x18000] =	vst v63  }
0x1c9: {  	_ =	swait.ge [sflag:s21], $0x7060  }
0x1ca: {  	[sflag:s21] =	ssyncset.done $0x0  }
0x1cb: {  	[sflag:s21] =	ssyncadd.s32 $0xFFFF8FA0  }
0x1cc: {  	_ =	swait.ge [sflag:s21], $0xFA0  }
0x1cd: {  	[sflag:s21] =	ssyncset.done $0x0  }
0x1ce: {  	s4 =	rddreg [dreg:$0x12];
	[sflag:s21] =	ssyncadd.s32 $0xFFFFF060  }
0x1cf: {  	[tilespmem:s2], [sflag:$0x1] =	stream.linear.gather [hbm4b:s4+s2], $0x8000, $0x38;
	[tilespmem:$0x18000] =	vst v63  }
0x1d0: {  	_ =	swait.ge [sflag:s22], $0x8000  }
0x1d1: {  	s4 =	sld [smem:$0x7EA]  }
0x1d2: {  	[sflag:s22] =	ssyncset.done $0x0  }
0x1d3: {  	[sflag:s22] =	ssyncadd.s32 $0xFFFF8000  }
0x1d4: {  	[hbm4b:s4+s2] =	stream.linear.scatter [tilespmem:s11], [sflag:$0x5], $0x1C18, $0x38;
	[tilespmem:$0x18000] =	vst v63  }
0x1d5: {  	s19 =	simm.s32 $0xA000;
	s18 =	sadd.s32 $0x400, s4  }
0x1d6: {  	[hbm4b:s18+s2] =	stream.linear.scatter [tilespmem:s19], [sflag:$0x5], $0x1C18, $0x38;
	[tilespmem:$0x18000] =	vst v63  }
0x1d7: {  	s30 =	simm.s32 $0xC000;
	s19 =	sadd.s32 $0x800, s4  }
0x1d8: {  	[hbm4b:s19+s2] =	stream.linear.scatter [tilespmem:s30], [sflag:$0x5], $0x1C18, $0x38;
	[tilespmem:$0x18000] =	vst v63  }
0x1d9: {  	s20 =	simm.s32 $0xE000;
	s4 =	sadd.s32 $0xC00, s4  }
0x1da: {  	[hbm4b:s4+s2] =	stream.linear.scatter [tilespmem:s20], [sflag:$0x5], $0x1C18, $0x38;
	[tilespmem:$0x18000] =	vst v63  }
0x1db: {  	s4 =	sld [smem:$0x7CA];
	_ =	sdelay $0x1  }
0x1dc: {  	s9 =	simm.s32 $0x9C18  }
0x1dd: {  	[hbm4b:s4+s2] =	stream.linear.scatter [tilespmem:s9], [sflag:$0x5], $0x3E8, $0x38;
	[tilespmem:$0x18000] =	vst v63  }
0x1de: {  	s6 =	simm.s32 $0xBC18;
	s30 =	sadd.s32 $0x400, s4  }
0x1df: {  	[hbm4b:s30+s2] =	stream.linear.scatter [tilespmem:s6], [sflag:$0x5], $0x3E8, $0x38;
	[tilespmem:$0x18000] =	vst v63  }
0x1e0: {  	s28 =	simm.s32 $0xDC18;
	s30 =	sadd.s32 $0x800, s4  }
0x1e1: {  	[hbm4b:s30+s2] =	stream.linear.scatter [tilespmem:s28], [sflag:$0x5], $0x3E8, $0x38;
	[tilespmem:$0x18000] =	vst v63  }
0x1e2: {  	s24 =	simm.s32 $0xFC18;
	s28 =	sadd.s32 $0xC00, s4  }
0x1e3: {  	[hbm4b:s28+s2] =	stream.linear.scatter [tilespmem:s24], [sflag:$0x5], $0x3E8, $0x38;
	[tilespmem:$0x18000] =	vst v63  }
0x1e4: {  	_ =	swait.ge [sflag:s31], $0x7060  }
0x1e5: {  	[sflag:s31] =	ssyncset.done $0x0  }
0x1e6: {  	[sflag:s31] =	ssyncadd.s32 $0xFFFF8FA0  }
0x1e7: {  	_ =	swait.ge [sflag:s31], $0xFA0  }
0x1e8: {  	[sflag:s31] =	ssyncset.done $0x0  }
0x1e9: {  	s4 =	rddreg [dreg:$0x13];
	[sflag:s31] =	ssyncadd.s32 $0xFFFFF060  }
0x1ea: {  	[tilespmem:s11], [sflag:$0x2] =	stream.linear.gather [hbm4b:s4+s2], $0x8000, $0x38;
	[tilespmem:$0x18000] =	vst v63  }
0x1eb: {  	_ =	swait.ge [sflag:s0], $0x8000  }
0x1ec: {  	s4 =	sld [smem:$0x7EB]  }
0x1ed: {  	[sflag:s0] =	ssyncset.done $0x0  }
0x1ee: {  	[sflag:s0] =	ssyncadd.s32 $0xFFFF8000  }
0x1ef: {  	[hbm4b:s4+s2] =	stream.linear.scatter [tilespmem:s15], [sflag:$0x6], $0x1C18, $0x38;
	[tilespmem:$0x18000] =	vst v63  }
0x1f0: {  	s5 =	simm.s32 $0x12000;
	s28 =	sadd.s32 $0x400, s4  }
0x1f1: {  	[hbm4b:s28+s2] =	stream.linear.scatter [tilespmem:s5], [sflag:$0x6], $0x1C18, $0x38;
	[tilespmem:$0x18000] =	vst v63  }
0x1f2: {  	s1 =	sadd.s32 $0x800, s4;
	s28 =	simm.s32 $0x14000  }
0x1f3: {  	[hbm4b:s1+s2] =	stream.linear.scatter [tilespmem:s28], [sflag:$0x6], $0x1C18, $0x38;
	[tilespmem:$0x18000] =	vst v63  }
0x1f4: {  	s23 =	simm.s32 $0x16000;
	s4 =	sadd.s32 $0xC00, s4  }
0x1f5: {  	[hbm4b:s4+s2] =	stream.linear.scatter [tilespmem:s23], [sflag:$0x6], $0x1C18, $0x38;
	[tilespmem:$0x18000] =	vst v63  }
0x1f6: {  	s4 =	sld [smem:$0x7CB];
	_ =	sdelay $0x1  }
0x1f7: {  	s7 =	simm.s32 $0x11C18  }
0x1f8: {  	[hbm4b:s4+s2] =	stream.linear.scatter [tilespmem:s7], [sflag:$0x6], $0x3E8, $0x38;
	[tilespmem:$0x18000] =	vst v63  }
0x1f9: {  	s8 =	simm.s32 $0x13C18;
	s1 =	sadd.s32 $0x400, s4  }
0x1fa: {  	[hbm4b:s1+s2] =	stream.linear.scatter [tilespmem:s8], [sflag:$0x6], $0x3E8, $0x38;
	[tilespmem:$0x18000] =	vst v63  }
0x1fb: {  	s25 =	simm.s32 $0x15C18;
	s1 =	sadd.s32 $0x800, s4  }
0x1fc: {  	[hbm4b:s1+s2] =	stream.linear.scatter [tilespmem:s25], [sflag:$0x6], $0x3E8, $0x38;
	[tilespmem:$0x18000] =	vst v63  }
0x1fd: {  	s10 =	simm.s32 $0x17C18;
	s4 =	sadd.s32 $0xC00, s4  }
0x1fe: {  	[hbm4b:s4+s2] =	stream.linear.scatter [tilespmem:s10], [sflag:$0x6], $0x3E8, $0x38;
	[tilespmem:$0x18000] =	vst v63  }
0x1ff: {  	_ =	swait.ge [sflag:s3], $0x7060  }
0x200: {  	[sflag:s3] =	ssyncset.done $0x0  }
0x201: {  	[sflag:s3] =	ssyncadd.s32 $0xFFFF8FA0  }
0x202: {  	_ =	swait.ge [sflag:s3], $0xFA0  }
0x203: {  	[sflag:s3] =	ssyncset.done $0x0  }
0x204: {  	s4 =	rddreg [dreg:$0x14];
	[sflag:s3] =	ssyncadd.s32 $0xFFFFF060  }
0x205: {  	[tilespmem:s15], [sflag:$0x3] =	stream.linear.gather [hbm4b:s4+s2], $0x8000, $0x38;
	[tilespmem:$0x18000] =	vst v63  }
0x206: {  	_ =	swait.ge [sflag:s13], $0x8000  }
0x207: {  	s4 =	sld [smem:$0x7EC]  }
0x208: {  	[sflag:s13] =	ssyncset.done $0x0  }
0x209: {  	[sflag:s13] =	ssyncadd.s32 $0xFFFF8000  }
0x20a: {  	[hbm4b:s4+s2] =	stream.linear.scatter [tilespmem:s2], [sflag:$0x4], $0x1C18, $0x38;
	[tilespmem:$0x18000] =	vst v63  }
0x20b: {  	s12 =	simm.s32 $0x2000;
	s1 =	sadd.s32 $0x400, s4  }
0x20c: {  	[hbm4b:s1+s2] =	stream.linear.scatter [tilespmem:s12], [sflag:$0x4], $0x1C18, $0x38;
	[tilespmem:$0x18000] =	vst v63  }
0x20d: {  	s26 =	simm.s32 $0x4000;
	s1 =	sadd.s32 $0x800, s4  }
0x20e: {  	[hbm4b:s1+s2] =	stream.linear.scatter [tilespmem:s26], [sflag:$0x4], $0x1C18, $0x38;
	[tilespmem:$0x18000] =	vst v63  }
0x20f: {  	s4 =	sadd.s32 $0xC00, s4;
	s26 =	simm.s32 $0x6000  }
0x210: {  	[hbm4b:s4+s2] =	stream.linear.scatter [tilespmem:s26], [sflag:$0x4], $0x1C18, $0x38;
	[tilespmem:$0x18000] =	vst v63  }
0x211: {  	s4 =	sld [smem:$0x7CC];
	_ =	sdelay $0x1  }
0x212: {  	s16 =	simm.s32 $0x1C18  }
0x213: {  	[hbm4b:s4+s2] =	stream.linear.scatter [tilespmem:s16], [sflag:$0x4], $0x3E8, $0x38;
	[tilespmem:$0x18000] =	vst v63  }
0x214: {  	s17 =	simm.s32 $0x3C18;
	s1 =	sadd.s32 $0x400, s4  }
0x215: {  	[hbm4b:s1+s2] =	stream.linear.scatter [tilespmem:s17], [sflag:$0x4], $0x3E8, $0x38;
	[tilespmem:$0x18000] =	vst v63  }
0x216: {  	s29 =	simm.s32 $0x5C18;
	s1 =	sadd.s32 $0x800, s4  }
0x217: {  	[hbm4b:s1+s2] =	stream.linear.scatter [tilespmem:s29], [sflag:$0x4], $0x3E8, $0x38;
	[tilespmem:$0x18000] =	vst v63  }
0x218: {  	s14 =	simm.s32 $0x7C18;
	s4 =	sadd.s32 $0xC00, s4  }
0x219: {  	[hbm4b:s4+s2] =	stream.linear.scatter [tilespmem:s14], [sflag:$0x4], $0x3E8, $0x38;
	[tilespmem:$0x18000] =	vst v63  }
0x21a: {  	_ =	swait.ge [sflag:s21], $0x7060  }
0x21b: {  	[sflag:s21] =	ssyncset.done $0x0  }
0x21c: {  	[sflag:s21] =	ssyncadd.s32 $0xFFFF8FA0  }
0x21d: {  	_ =	swait.ge [sflag:s21], $0xFA0  }
0x21e: {  	[sflag:s21] =	ssyncset.done $0x0  }
0x21f: {  	s4 =	rddreg [dreg:$0x15];
	[sflag:s21] =	ssyncadd.s32 $0xFFFFF060  }
0x220: {  	[tilespmem:s2], [sflag:$0x1] =	stream.linear.gather [hbm4b:s4+s2], $0x8000, $0x38;
	[tilespmem:$0x18000] =	vst v63  }
0x221: {  	_ =	swait.ge [sflag:s22], $0x8000  }
0x222: {  	s4 =	sld [smem:$0x7ED]  }
0x223: {  	[sflag:s22] =	ssyncset.done $0x0  }
0x224: {  	[sflag:s22] =	ssyncadd.s32 $0xFFFF8000  }
0x225: {  	[hbm4b:s4+s2] =	stream.linear.scatter [tilespmem:s11], [sflag:$0x5], $0x1C18, $0x38;
	[tilespmem:$0x18000] =	vst v63  }
0x226: {  	s18 =	simm.s32 $0xA000;
	s1 =	sadd.s32 $0x400, s4  }
0x227: {  	[hbm4b:s1+s2] =	stream.linear.scatter [tilespmem:s18], [sflag:$0x5], $0x1C18, $0x38;
	[tilespmem:$0x18000] =	vst v63  }
0x228: {  	s19 =	simm.s32 $0xC000;
	s1 =	sadd.s32 $0x800, s4  }
0x229: {  	[hbm4b:s1+s2] =	stream.linear.scatter [tilespmem:s19], [sflag:$0x5], $0x1C18, $0x38;
	[tilespmem:$0x18000] =	vst v63  }
0x22a: {  	s20 =	simm.s32 $0xE000;
	s4 =	sadd.s32 $0xC00, s4  }
0x22b: {  	[hbm4b:s4+s2] =	stream.linear.scatter [tilespmem:s20], [sflag:$0x5], $0x1C18, $0x38;
	[tilespmem:$0x18000] =	vst v63  }
0x22c: {  	s4 =	sld [smem:$0x7CD];
	_ =	sdelay $0x1  }
0x22d: {  	s9 =	simm.s32 $0x9C18  }
0x22e: {  	[hbm4b:s4+s2] =	stream.linear.scatter [tilespmem:s9], [sflag:$0x5], $0x3E8, $0x38;
	[tilespmem:$0x18000] =	vst v63  }
0x22f: {  	s6 =	simm.s32 $0xBC18;
	s19 =	sadd.s32 $0x400, s4  }
0x230: {  	[hbm4b:s19+s2] =	stream.linear.scatter [tilespmem:s6], [sflag:$0x5], $0x3E8, $0x38;
	[tilespmem:$0x18000] =	vst v63  }
0x231: {  	s30 =	simm.s32 $0xDC18;
	s20 =	sadd.s32 $0x800, s4  }
0x232: {  	[hbm4b:s20+s2] =	stream.linear.scatter [tilespmem:s30], [sflag:$0x5], $0x3E8, $0x38;
	[tilespmem:$0x18000] =	vst v63  }
0x233: {  	s24 =	simm.s32 $0xFC18;
	s30 =	sadd.s32 $0xC00, s4  }
0x234: {  	[hbm4b:s30+s2] =	stream.linear.scatter [tilespmem:s24], [sflag:$0x5], $0x3E8, $0x38;
	[tilespmem:$0x18000] =	vst v63  }
0x235: {  	_ =	swait.ge [sflag:s31], $0x7060  }
0x236: {  	[sflag:s31] =	ssyncset.done $0x0  }
0x237: {  	[sflag:s31] =	ssyncadd.s32 $0xFFFF8FA0  }
0x238: {  	_ =	swait.ge [sflag:s31], $0xFA0  }
0x239: {  	[sflag:s31] =	ssyncset.done $0x0  }
0x23a: {  	s4 =	rddreg [dreg:$0x16];
	[sflag:s31] =	ssyncadd.s32 $0xFFFFF060  }
0x23b: {  	[tilespmem:s11], [sflag:$0x2] =	stream.linear.gather [hbm4b:s4+s2], $0x8000, $0x38;
	[tilespmem:$0x18000] =	vst v63  }
0x23c: {  	_ =	swait.ge [sflag:s0], $0x8000  }
0x23d: {  	s4 =	sld [smem:$0x7EE]  }
0x23e: {  	[sflag:s0] =	ssyncset.done $0x0  }
0x23f: {  	[sflag:s0] =	ssyncadd.s32 $0xFFFF8000  }
0x240: {  	[hbm4b:s4+s2] =	stream.linear.scatter [tilespmem:s15], [sflag:$0x6], $0x1C18, $0x38;
	[tilespmem:$0x18000] =	vst v63  }
0x241: {  	s5 =	simm.s32 $0x12000;
	s19 =	sadd.s32 $0x400, s4  }
0x242: {  	[hbm4b:s19+s2] =	stream.linear.scatter [tilespmem:s5], [sflag:$0x6], $0x1C18, $0x38;
	[tilespmem:$0x18000] =	vst v63  }
0x243: {  	s28 =	simm.s32 $0x14000;
	s30 =	sadd.s32 $0x800, s4  }
0x244: {  	[hbm4b:s30+s2] =	stream.linear.scatter [tilespmem:s28], [sflag:$0x6], $0x1C18, $0x38;
	[tilespmem:$0x18000] =	vst v63  }
0x245: {  	s23 =	simm.s32 $0x16000;
	s4 =	sadd.s32 $0xC00, s4  }
0x246: {  	[hbm4b:s4+s2] =	stream.linear.scatter [tilespmem:s23], [sflag:$0x6], $0x1C18, $0x38;
	[tilespmem:$0x18000] =	vst v63  }
0x247: {  	s4 =	sld [smem:$0x7CE];
	_ =	sdelay $0x1  }
0x248: {  	s7 =	simm.s32 $0x11C18  }
0x249: {  	[hbm4b:s4+s2] =	stream.linear.scatter [tilespmem:s7], [sflag:$0x6], $0x3E8, $0x38;
	[tilespmem:$0x18000] =	vst v63  }
0x24a: {  	s8 =	simm.s32 $0x13C18;
	s19 =	sadd.s32 $0x400, s4  }
0x24b: {  	[hbm4b:s19+s2] =	stream.linear.scatter [tilespmem:s8], [sflag:$0x6], $0x3E8, $0x38;
	[tilespmem:$0x18000] =	vst v63  }
0x24c: {  	s25 =	simm.s32 $0x15C18;
	s23 =	sadd.s32 $0x800, s4  }
0x24d: {  	[hbm4b:s23+s2] =	stream.linear.scatter [tilespmem:s25], [sflag:$0x6], $0x3E8, $0x38;
	[tilespmem:$0x18000] =	vst v63  }
0x24e: {  	s10 =	simm.s32 $0x17C18;
	s4 =	sadd.s32 $0xC00, s4  }
0x24f: {  	[hbm4b:s4+s2] =	stream.linear.scatter [tilespmem:s10], [sflag:$0x6], $0x3E8, $0x38;
	[tilespmem:$0x18000] =	vst v63  }
0x250: {  	_ =	swait.ge [sflag:s3], $0x7060  }
0x251: {  	[sflag:s3] =	ssyncset.done $0x0  }
0x252: {  	[sflag:s3] =	ssyncadd.s32 $0xFFFF8FA0  }
0x253: {  	_ =	swait.ge [sflag:s3], $0xFA0  }
0x254: {  	[sflag:s3] =	ssyncset.done $0x0  }
0x255: {  	s19 =	rddreg [dreg:$0x17];
	[sflag:s3] =	ssyncadd.s32 $0xFFFFF060  }
0x256: {  	[tilespmem:s15], [sflag:$0x3] =	stream.linear.gather [hbm4b:s19+s2], $0x8000, $0x38;
	[tilespmem:$0x18000] =	vst v63  }
0x257: {  	_ =	swait.ge [sflag:s13], $0x8000  }
0x258: {  	s4 =	sld [smem:$0x7EF]  }
0x259: {  	[sflag:s13] =	ssyncset.done $0x0  }
0x25a: {  	[sflag:s13] =	ssyncadd.s32 $0xFFFF8000  }
0x25b: {  	[hbm4b:s4+s2] =	stream.linear.scatter [tilespmem:s2], [sflag:$0x4], $0x1C18, $0x38;
	[tilespmem:$0x18000] =	vst v63  }
0x25c: {  	s12 =	simm.s32 $0x2000;
	s25 =	sadd.s32 $0x400, s4  }
0x25d: {  	[hbm4b:s25+s2] =	stream.linear.scatter [tilespmem:s12], [sflag:$0x4], $0x1C18, $0x38;
	[tilespmem:$0x18000] =	vst v63  }
0x25e: {  	s19 =	sadd.s32 $0x800, s4;
	s25 =	simm.s32 $0x4000  }
0x25f: {  	[hbm4b:s19+s2] =	stream.linear.scatter [tilespmem:s25], [sflag:$0x4], $0x1C18, $0x38;
	[tilespmem:$0x18000] =	vst v63  }
0x260: {  	s26 =	simm.s32 $0x6000;
	s4 =	sadd.s32 $0xC00, s4  }
0x261: {  	[hbm4b:s4+s2] =	stream.linear.scatter [tilespmem:s26], [sflag:$0x4], $0x1C18, $0x38;
	[tilespmem:$0x18000] =	vst v63  }
0x262: {  	s4 =	sld [smem:$0x7CF];
	_ =	sdelay $0x1  }
0x263: {  	s16 =	simm.s32 $0x1C18  }
0x264: {  	[hbm4b:s4+s2] =	stream.linear.scatter [tilespmem:s16], [sflag:$0x4], $0x3E8, $0x38;
	[tilespmem:$0x18000] =	vst v63  }
0x265: {  	s17 =	simm.s32 $0x3C18;
	s16 =	sadd.s32 $0x400, s4  }
0x266: {  	[hbm4b:s16+s2] =	stream.linear.scatter [tilespmem:s17], [sflag:$0x4], $0x3E8, $0x38;
	[tilespmem:$0x18000] =	vst v63  }
0x267: {  	s29 =	simm.s32 $0x5C18;
	s26 =	sadd.s32 $0x800, s4  }
0x268: {  	[hbm4b:s26+s2] =	stream.linear.scatter [tilespmem:s29], [sflag:$0x4], $0x3E8, $0x38;
	[tilespmem:$0x18000] =	vst v63  }
0x269: {  	s14 =	simm.s32 $0x7C18;
	s29 =	sadd.s32 $0xC00, s4  }
0x26a: {  	[hbm4b:s29+s2] =	stream.linear.scatter [tilespmem:s14], [sflag:$0x4], $0x3E8, $0x38;
	[tilespmem:$0x18000] =	vst v63  }
0x26b: {  	_ =	swait.ge [sflag:s21], $0x7060  }
0x26c: {  	[sflag:s21] =	ssyncset.done $0x0  }
0x26d: {  	[sflag:s21] =	ssyncadd.s32 $0xFFFF8FA0  }
0x26e: {  	_ =	swait.ge [sflag:s21], $0xFA0  }
0x26f: {  	[sflag:s21] =	ssyncset.done $0x0  }
0x270: {  	s4 =	rddreg [dreg:$0x18];
	[sflag:s21] =	ssyncadd.s32 $0xFFFFF060  }
0x271: {  	[tilespmem:s2], [sflag:$0x1] =	stream.linear.gather [hbm4b:s4+s2], $0x8000, $0x38;
	[tilespmem:$0x18000] =	vst v63  }
0x272: {  	_ =	swait.ge [sflag:s22], $0x8000  }
0x273: {  	s4 =	sld [smem:$0x7F0]  }
0x274: {  	[sflag:s22] =	ssyncset.done $0x0  }
0x275: {  	[sflag:s22] =	ssyncadd.s32 $0xFFFF8000  }
0x276: {  	[hbm4b:s4+s2] =	stream.linear.scatter [tilespmem:s11], [sflag:$0x5], $0x1C18, $0x38;
	[tilespmem:$0x18000] =	vst v63  }
0x277: {  	s18 =	simm.s32 $0xA000;
	s17 =	sadd.s32 $0x400, s4  }
0x278: {  	[hbm4b:s17+s2] =	stream.linear.scatter [tilespmem:s18], [sflag:$0x5], $0x1C18, $0x38;
	[tilespmem:$0x18000] =	vst v63  }
0x279: {  	s29 =	simm.s32 $0xC000;
	s26 =	sadd.s32 $0x800, s4  }
0x27a: {  	[hbm4b:s26+s2] =	stream.linear.scatter [tilespmem:s29], [sflag:$0x5], $0x1C18, $0x38;
	[tilespmem:$0x18000] =	vst v63  }
0x27b: {  	s4 =	sadd.s32 $0xC00, s4;
	s18 =	simm.s32 $0xE000  }
0x27c: {  	[hbm4b:s4+s2] =	stream.linear.scatter [tilespmem:s18], [sflag:$0x5], $0x1C18, $0x38;
	[tilespmem:$0x18000] =	vst v63  }
0x27d: {  	s4 =	sld [smem:$0x7D0];
	_ =	sdelay $0x1  }
0x27e: {  	s9 =	simm.s32 $0x9C18  }
0x27f: {  	[hbm4b:s4+s2] =	stream.linear.scatter [tilespmem:s9], [sflag:$0x5], $0x3E8, $0x38;
	[tilespmem:$0x18000] =	vst v63  }
0x280: {  	s6 =	simm.s32 $0xBC18;
	s29 =	sadd.s32 $0x400, s4  }
0x281: {  	[hbm4b:s29+s2] =	stream.linear.scatter [tilespmem:s6], [sflag:$0x5], $0x3E8, $0x38;
	[tilespmem:$0x18000] =	vst v63  }
0x282: {  	s20 =	simm.s32 $0xDC18;
	s18 =	sadd.s32 $0x800, s4  }
0x283: {  	[hbm4b:s18+s2] =	stream.linear.scatter [tilespmem:s20], [sflag:$0x5], $0x3E8, $0x38;
	[tilespmem:$0x18000] =	vst v63  }
0x284: {  	s24 =	simm.s32 $0xFC18;
	s29 =	sadd.s32 $0xC00, s4  }
0x285: {  	[hbm4b:s29+s2] =	stream.linear.scatter [tilespmem:s24], [sflag:$0x5], $0x3E8, $0x38;
	[tilespmem:$0x18000] =	vst v63  }
0x286: {  	_ =	swait.ge [sflag:s31], $0x7060  }
0x287: {  	[sflag:s31] =	ssyncset.done $0x0  }
0x288: {  	[sflag:s31] =	ssyncadd.s32 $0xFFFF8FA0  }
0x289: {  	_ =	swait.ge [sflag:s31], $0xFA0  }
0x28a: {  	[sflag:s31] =	ssyncset.done $0x0  }
0x28b: {  	s4 =	rddreg [dreg:$0x19];
	[sflag:s31] =	ssyncadd.s32 $0xFFFFF060  }
0x28c: {  	[tilespmem:s11], [sflag:$0x2] =	stream.linear.gather [hbm4b:s4+s2], $0x8000, $0x38;
	[tilespmem:$0x18000] =	vst v63  }
0x28d: {  	_ =	swait.ge [sflag:s0], $0x8000  }
0x28e: {  	s4 =	sld [smem:$0x7F1]  }
0x28f: {  	[sflag:s0] =	ssyncset.done $0x0  }
0x290: {  	[sflag:s0] =	ssyncadd.s32 $0xFFFF8000  }
0x291: {  	[hbm4b:s4+s2] =	stream.linear.scatter [tilespmem:s15], [sflag:$0x6], $0x1C18, $0x38;
	[tilespmem:$0x18000] =	vst v63  }
0x292: {  	s5 =	simm.s32 $0x12000;
	s18 =	sadd.s32 $0x400, s4  }
0x293: {  	[hbm4b:s18+s2] =	stream.linear.scatter [tilespmem:s5], [sflag:$0x6], $0x1C18, $0x38;
	[tilespmem:$0x18000] =	vst v63  }
0x294: {  	s28 =	simm.s32 $0x14000;
	s29 =	sadd.s32 $0x800, s4  }
0x295: {  	[hbm4b:s29+s2] =	stream.linear.scatter [tilespmem:s28], [sflag:$0x6], $0x1C18, $0x38;
	[tilespmem:$0x18000] =	vst v63  }
0x296: {  	s30 =	simm.s32 $0x16000;
	s4 =	sadd.s32 $0xC00, s4  }
0x297: {  	[hbm4b:s4+s2] =	stream.linear.scatter [tilespmem:s30], [sflag:$0x6], $0x1C18, $0x38;
	[tilespmem:$0x18000] =	vst v63  }
0x298: {  	s4 =	sld [smem:$0x7D1];
	_ =	sdelay $0x1  }
0x299: {  	s7 =	simm.s32 $0x11C18  }
0x29a: {  	[hbm4b:s4+s2] =	stream.linear.scatter [tilespmem:s7], [sflag:$0x6], $0x3E8, $0x38;
	[tilespmem:$0x18000] =	vst v63  }
0x29b: {  	s8 =	simm.s32 $0x13C18;
	s18 =	sadd.s32 $0x400, s4  }
0x29c: {  	[hbm4b:s18+s2] =	stream.linear.scatter [tilespmem:s8], [sflag:$0x6], $0x3E8, $0x38;
	[tilespmem:$0x18000] =	vst v63  }
0x29d: {  	s23 =	simm.s32 $0x15C18;
	s30 =	sadd.s32 $0x800, s4  }
0x29e: {  	[hbm4b:s30+s2] =	stream.linear.scatter [tilespmem:s23], [sflag:$0x6], $0x3E8, $0x38;
	[tilespmem:$0x18000] =	vst v63  }
0x29f: {  	s10 =	simm.s32 $0x17C18;
	s4 =	sadd.s32 $0xC00, s4  }
0x2a0: {  	[hbm4b:s4+s2] =	stream.linear.scatter [tilespmem:s10], [sflag:$0x6], $0x3E8, $0x38;
	[tilespmem:$0x18000] =	vst v63  }
0x2a1: {  	_ =	swait.ge [sflag:s3], $0x7060  }
0x2a2: {  	[sflag:s3] =	ssyncset.done $0x0  }
0x2a3: {  	[sflag:s3] =	ssyncadd.s32 $0xFFFF8FA0  }
0x2a4: {  	_ =	swait.ge [sflag:s3], $0xFA0  }
0x2a5: {  	[sflag:s3] =	ssyncset.done $0x0  }
0x2a6: {  	s18 =	rddreg [dreg:$0x1a];
	[sflag:s3] =	ssyncadd.s32 $0xFFFFF060  }
0x2a7: {  	[tilespmem:s15], [sflag:$0x3] =	stream.linear.gather [hbm4b:s18+s2], $0x8000, $0x38;
	[tilespmem:$0x18000] =	vst v63  }
0x2a8: {  	_ =	swait.ge [sflag:s13], $0x8000  }
0x2a9: {  	s4 =	sld [smem:$0x7F2]  }
0x2aa: {  	[sflag:s13] =	ssyncset.done $0x0  }
0x2ab: {  	[sflag:s13] =	ssyncadd.s32 $0xFFFF8000  }
0x2ac: {  	[hbm4b:s4+s2] =	stream.linear.scatter [tilespmem:s2], [sflag:$0x4], $0x1C18, $0x38;
	[tilespmem:$0x18000] =	vst v63  }
0x2ad: {  	s12 =	simm.s32 $0x2000;
	s30 =	sadd.s32 $0x400, s4  }
0x2ae: {  	[hbm4b:s30+s2] =	stream.linear.scatter [tilespmem:s12], [sflag:$0x4], $0x1C18, $0x38;
	[tilespmem:$0x18000] =	vst v63  }
0x2af: {  	s18 =	sadd.s32 $0x800, s4;
	s30 =	simm.s32 $0x4000  }
0x2b0: {  	[hbm4b:s18+s2] =	stream.linear.scatter [tilespmem:s30], [sflag:$0x4], $0x1C18, $0x38;
	[tilespmem:$0x18000] =	vst v63  }
0x2b1: {  	s25 =	simm.s32 $0x6000;
	s18 =	sadd.s32 $0xC00, s4;
	s4 =	sld [smem:$0x7D2]  }
0x2b2: {  	[hbm4b:s18+s2] =	stream.linear.scatter [tilespmem:s25], [sflag:$0x4], $0x1C18, $0x38;
	[tilespmem:$0x18000] =	vst v63  }
0x2b3: {  	s19 =	simm.s32 $0x1C18  }
0x2b4: {  	[hbm4b:s4+s2] =	stream.linear.scatter [tilespmem:s19], [sflag:$0x4], $0x3E8, $0x38;
	[tilespmem:$0x18000] =	vst v63  }
0x2b5: {  	s16 =	simm.s32 $0x3C18;
	s19 =	sadd.s32 $0x400, s4  }
0x2b6: {  	[hbm4b:s19+s2] =	stream.linear.scatter [tilespmem:s16], [sflag:$0x4], $0x3E8, $0x38;
	[tilespmem:$0x18000] =	vst v63  }
0x2b7: {  	s1 =	sadd.s32 $0x800, s4;
	s19 =	simm.s32 $0x5C18  }
0x2b8: {  	[hbm4b:s1+s2] =	stream.linear.scatter [tilespmem:s19], [sflag:$0x4], $0x3E8, $0x38;
	[tilespmem:$0x18000] =	vst v63  }
0x2b9: {  	s14 =	simm.s32 $0x7C18;
	s4 =	sadd.s32 $0xC00, s4  }
0x2ba: {  	[hbm4b:s4+s2] =	stream.linear.scatter [tilespmem:s14], [sflag:$0x4], $0x3E8, $0x38;
	[tilespmem:$0x18000] =	vst v63  }
0x2bb: {  	_ =	swait.ge [sflag:s21], $0x7060  }
0x2bc: {  	[sflag:s21] =	ssyncset.done $0x0  }
0x2bd: {  	[sflag:s21] =	ssyncadd.s32 $0xFFFF8FA0  }
0x2be: {  	_ =	swait.ge [sflag:s21], $0xFA0  }
0x2bf: {  	[sflag:s21] =	ssyncset.done $0x0  }
0x2c0: {  	s4 =	rddreg [dreg:$0x1b];
	[sflag:s21] =	ssyncadd.s32 $0xFFFFF060  }
0x2c1: {  	[tilespmem:s2], [sflag:$0x1] =	stream.linear.gather [hbm4b:s4+s2], $0x8000, $0x38;
	[tilespmem:$0x18000] =	vst v63  }
0x2c2: {  	_ =	swait.ge [sflag:s22], $0x8000  }
0x2c3: {  	s4 =	sld [smem:$0x7F3]  }
0x2c4: {  	[sflag:s22] =	ssyncset.done $0x0  }
0x2c5: {  	[sflag:s22] =	ssyncadd.s32 $0xFFFF8000  }
0x2c6: {  	[hbm4b:s4+s2] =	stream.linear.scatter [tilespmem:s11], [sflag:$0x5], $0x1C18, $0x38;
	[tilespmem:$0x18000] =	vst v63  }
0x2c7: {  	s17 =	simm.s32 $0xA000;
	s1 =	sadd.s32 $0x400, s4  }
0x2c8: {  	[hbm4b:s1+s2] =	stream.linear.scatter [tilespmem:s17], [sflag:$0x5], $0x1C18, $0x38;
	[tilespmem:$0x18000] =	vst v63  }
0x2c9: {  	s26 =	simm.s32 $0xC000;
	s1 =	sadd.s32 $0x800, s4  }
0x2ca: {  	[hbm4b:s1+s2] =	stream.linear.scatter [tilespmem:s26], [sflag:$0x5], $0x1C18, $0x38;
	[tilespmem:$0x18000] =	vst v63  }
0x2cb: {  	s1 =	sadd.s32 $0xC00, s4;
	s4 =	simm.s32 $0xE000  }
0x2cc: {  	[hbm4b:s1+s2] =	stream.linear.scatter [tilespmem:s4], [sflag:$0x5], $0x1C18, $0x38;
	[tilespmem:$0x18000] =	vst v63  }
0x2cd: {  	s4 =	sld [smem:$0x7D3];
	_ =	sdelay $0x1  }
0x2ce: {  	s9 =	simm.s32 $0x9C18  }
0x2cf: {  	[hbm4b:s4+s2] =	stream.linear.scatter [tilespmem:s9], [sflag:$0x5], $0x3E8, $0x38;
	[tilespmem:$0x18000] =	vst v63  }
0x2d0: {  	s6 =	simm.s32 $0xBC18;
	s1 =	sadd.s32 $0x400, s4  }
0x2d1: {  	[hbm4b:s1+s2] =	stream.linear.scatter [tilespmem:s6], [sflag:$0x5], $0x3E8, $0x38;
	[tilespmem:$0x18000] =	vst v63  }
0x2d2: {  	s20 =	simm.s32 $0xDC18;
	s1 =	sadd.s32 $0x800, s4  }
0x2d3: {  	[hbm4b:s1+s2] =	stream.linear.scatter [tilespmem:s20], [sflag:$0x5], $0x3E8, $0x38;
	[tilespmem:$0x18000] =	vst v63  }
0x2d4: {  	s24 =	simm.s32 $0xFC18;
	s4 =	sadd.s32 $0xC00, s4  }
0x2d5: {  	[hbm4b:s4+s2] =	stream.linear.scatter [tilespmem:s24], [sflag:$0x5], $0x3E8, $0x38;
	[tilespmem:$0x18000] =	vst v63  }
0x2d6: {  	_ =	swait.ge [sflag:s31], $0x7060  }
0x2d7: {  	[sflag:s31] =	ssyncset.done $0x0  }
0x2d8: {  	[sflag:s31] =	ssyncadd.s32 $0xFFFF8FA0  }
0x2d9: {  	_ =	swait.ge [sflag:s31], $0xFA0  }
0x2da: {  	[sflag:s31] =	ssyncset.done $0x0  }
0x2db: {  	s4 =	rddreg [dreg:$0x1c];
	[sflag:s31] =	ssyncadd.s32 $0xFFFFF060  }
0x2dc: {  	[tilespmem:s11], [sflag:$0x2] =	stream.linear.gather [hbm4b:s4+s2], $0x8000, $0x38;
	[tilespmem:$0x18000] =	vst v63  }
0x2dd: {  	_ =	swait.ge [sflag:s0], $0x8000  }
0x2de: {  	s4 =	sld [smem:$0x7F4]  }
0x2df: {  	[sflag:s0] =	ssyncset.done $0x0  }
0x2e0: {  	[sflag:s0] =	ssyncadd.s32 $0xFFFF8000  }
0x2e1: {  	[hbm4b:s4+s2] =	stream.linear.scatter [tilespmem:s15], [sflag:$0x6], $0x1C18, $0x38;
	[tilespmem:$0x18000] =	vst v63  }
0x2e2: {  	s5 =	simm.s32 $0x12000;
	s1 =	sadd.s32 $0x400, s4  }
0x2e3: {  	[hbm4b:s1+s2] =	stream.linear.scatter [tilespmem:s5], [sflag:$0x6], $0x1C18, $0x38;
	[tilespmem:$0x18000] =	vst v63  }
0x2e4: {  	s29 =	simm.s32 $0x14000;
	s1 =	sadd.s32 $0x800, s4  }
0x2e5: {  	[hbm4b:s1+s2] =	stream.linear.scatter [tilespmem:s29], [sflag:$0x6], $0x1C18, $0x38;
	[tilespmem:$0x18000] =	vst v63  }
0x2e6: {  	s28 =	simm.s32 $0x16000;
	s4 =	sadd.s32 $0xC00, s4  }
0x2e7: {  	[hbm4b:s4+s2] =	stream.linear.scatter [tilespmem:s28], [sflag:$0x6], $0x1C18, $0x38;
	[tilespmem:$0x18000] =	vst v63  }
0x2e8: {  	s4 =	sld [smem:$0x7D4];
	_ =	sdelay $0x1  }
0x2e9: {  	s7 =	simm.s32 $0x11C18  }
0x2ea: {  	[hbm4b:s4+s2] =	stream.linear.scatter [tilespmem:s7], [sflag:$0x6], $0x3E8, $0x38;
	[tilespmem:$0x18000] =	vst v63  }
0x2eb: {  	s8 =	simm.s32 $0x13C18;
	s1 =	sadd.s32 $0x400, s4  }
0x2ec: {  	[hbm4b:s1+s2] =	stream.linear.scatter [tilespmem:s8], [sflag:$0x6], $0x3E8, $0x38;
	[tilespmem:$0x18000] =	vst v63  }
0x2ed: {  	s23 =	simm.s32 $0x15C18;
	s1 =	sadd.s32 $0x800, s4  }
0x2ee: {  	[hbm4b:s1+s2] =	stream.linear.scatter [tilespmem:s23], [sflag:$0x6], $0x3E8, $0x38;
	[tilespmem:$0x18000] =	vst v63  }
0x2ef: {  	s10 =	simm.s32 $0x17C18;
	s4 =	sadd.s32 $0xC00, s4  }
0x2f0: {  	[hbm4b:s4+s2] =	stream.linear.scatter [tilespmem:s10], [sflag:$0x6], $0x3E8, $0x38;
	[tilespmem:$0x18000] =	vst v63  }
0x2f1: {  	_ =	swait.ge [sflag:s3], $0x7060  }
0x2f2: {  	[sflag:s3] =	ssyncset.done $0x0  }
0x2f3: {  	[sflag:s3] =	ssyncadd.s32 $0xFFFF8FA0  }
0x2f4: {  	_ =	swait.ge [sflag:s3], $0xFA0  }
0x2f5: {  	[sflag:s3] =	ssyncset.done $0x0  }
0x2f6: {  	s4 =	rddreg [dreg:$0x1d];
	[sflag:s3] =	ssyncadd.s32 $0xFFFFF060  }
0x2f7: {  	[tilespmem:s15], [sflag:$0x3] =	stream.linear.gather [hbm4b:s4+s2], $0x8000, $0x38;
	[tilespmem:$0x18000] =	vst v63  }
0x2f8: {  	_ =	swait.ge [sflag:s13], $0x8000  }
0x2f9: {  	s4 =	sld [smem:$0x7F5]  }
0x2fa: {  	[sflag:s13] =	ssyncset.done $0x0  }
0x2fb: {  	[sflag:s13] =	ssyncadd.s32 $0xFFFF8000  }
0x2fc: {  	[hbm4b:s4+s2] =	stream.linear.scatter [tilespmem:s2], [sflag:$0x4], $0x1C18, $0x38;
	[tilespmem:$0x18000] =	vst v63  }
0x2fd: {  	s12 =	simm.s32 $0x2000;
	s1 =	sadd.s32 $0x400, s4  }
0x2fe: {  	[hbm4b:s1+s2] =	stream.linear.scatter [tilespmem:s12], [sflag:$0x4], $0x1C18, $0x38;
	[tilespmem:$0x18000] =	vst v63  }
0x2ff: {  	s30 =	simm.s32 $0x4000;
	s1 =	sadd.s32 $0x800, s4  }
0x300: {  	[hbm4b:s1+s2] =	stream.linear.scatter [tilespmem:s30], [sflag:$0x4], $0x1C18, $0x38;
	[tilespmem:$0x18000] =	vst v63  }
0x301: {  	s25 =	simm.s32 $0x6000;
	s4 =	sadd.s32 $0xC00, s4  }
0x302: {  	[hbm4b:s4+s2] =	stream.linear.scatter [tilespmem:s25], [sflag:$0x4], $0x1C18, $0x38;
	[tilespmem:$0x18000] =	vst v63  }
0x303: {  	s4 =	sld [smem:$0x7D5];
	_ =	sdelay $0x1  }
0x304: {  	s18 =	simm.s32 $0x1C18  }
0x305: {  	[hbm4b:s4+s2] =	stream.linear.scatter [tilespmem:s18], [sflag:$0x4], $0x3E8, $0x38;
	[tilespmem:$0x18000] =	vst v63  }
0x306: {  	s16 =	simm.s32 $0x3C18;
	s1 =	sadd.s32 $0x400, s4  }
0x307: {  	[hbm4b:s1+s2] =	stream.linear.scatter [tilespmem:s16], [sflag:$0x4], $0x3E8, $0x38;
	[tilespmem:$0x18000] =	vst v63  }
0x308: {  	s19 =	simm.s32 $0x5C18;
	s1 =	sadd.s32 $0x800, s4  }
0x309: {  	[hbm4b:s1+s2] =	stream.linear.scatter [tilespmem:s19], [sflag:$0x4], $0x3E8, $0x38;
	[tilespmem:$0x18000] =	vst v63  }
0x30a: {  	s14 =	simm.s32 $0x7C18;
	s4 =	sadd.s32 $0xC00, s4  }
0x30b: {  	[hbm4b:s4+s2] =	stream.linear.scatter [tilespmem:s14], [sflag:$0x4], $0x3E8, $0x38;
	[tilespmem:$0x18000] =	vst v63  }
0x30c: {  	_ =	swait.ge [sflag:s21], $0x7060  }
0x30d: {  	[sflag:s21] =	ssyncset.done $0x0  }
0x30e: {  	[sflag:s21] =	ssyncadd.s32 $0xFFFF8FA0  }
0x30f: {  	_ =	swait.ge [sflag:s21], $0xFA0  }
0x310: {  	[sflag:s21] =	ssyncset.done $0x0  }
0x311: {  	s4 =	rddreg [dreg:$0x1e];
	[sflag:s21] =	ssyncadd.s32 $0xFFFFF060  }
0x312: {  	[tilespmem:s2], [sflag:$0x1] =	stream.linear.gather [hbm4b:s4+s2], $0x8000, $0x38;
	[tilespmem:$0x18000] =	vst v63  }
0x313: {  	_ =	swait.ge [sflag:s22], $0x8000  }
0x314: {  	s4 =	sld [smem:$0x7F6]  }
0x315: {  	[sflag:s22] =	ssyncset.done $0x0  }
0x316: {  	[sflag:s22] =	ssyncadd.s32 $0xFFFF8000  }
0x317: {  	[hbm4b:s4+s2] =	stream.linear.scatter [tilespmem:s11], [sflag:$0x5], $0x1C18, $0x38;
	[tilespmem:$0x18000] =	vst v63  }
0x318: {  	s17 =	simm.s32 $0xA000;
	s1 =	sadd.s32 $0x400, s4  }
0x319: {  	[hbm4b:s1+s2] =	stream.linear.scatter [tilespmem:s17], [sflag:$0x5], $0x1C18, $0x38;
	[tilespmem:$0x18000] =	vst v63  }
0x31a: {  	s26 =	simm.s32 $0xC000;
	s1 =	sadd.s32 $0x800, s4  }
0x31b: {  	[hbm4b:s1+s2] =	stream.linear.scatter [tilespmem:s26], [sflag:$0x5], $0x1C18, $0x38;
	[tilespmem:$0x18000] =	vst v63  }
0x31c: {  	s4 =	sadd.s32 $0xC00, s4;
	s26 =	simm.s32 $0xE000  }
0x31d: {  	[hbm4b:s4+s2] =	stream.linear.scatter [tilespmem:s26], [sflag:$0x5], $0x1C18, $0x38;
	[tilespmem:$0x18000] =	vst v63  }
0x31e: {  	s4 =	sld [smem:$0x7D6];
	_ =	sdelay $0x1  }
0x31f: {  	s9 =	simm.s32 $0x9C18  }
0x320: {  	[hbm4b:s4+s2] =	stream.linear.scatter [tilespmem:s9], [sflag:$0x5], $0x3E8, $0x38;
	[tilespmem:$0x18000] =	vst v63  }
0x321: {  	s6 =	simm.s32 $0xBC18;
	s26 =	sadd.s32 $0x400, s4  }
0x322: {  	[hbm4b:s26+s2] =	stream.linear.scatter [tilespmem:s6], [sflag:$0x5], $0x3E8, $0x38;
	[tilespmem:$0x18000] =	vst v63  }
0x323: {  	s20 =	simm.s32 $0xDC18;
	s6 =	sadd.s32 $0x800, s4  }
0x324: {  	[hbm4b:s6+s2] =	stream.linear.scatter [tilespmem:s20], [sflag:$0x5], $0x3E8, $0x38;
	[tilespmem:$0x18000] =	vst v63  }
0x325: {  	s24 =	simm.s32 $0xFC18;
	s9 =	sadd.s32 $0xC00, s4  }
0x326: {  	[hbm4b:s9+s2] =	stream.linear.scatter [tilespmem:s24], [sflag:$0x5], $0x3E8, $0x38;
	[tilespmem:$0x18000] =	vst v63  }
0x327: {  	_ =	swait.ge [sflag:s31], $0x7060  }
0x328: {  	[sflag:s31] =	ssyncset.done $0x0  }
0x329: {  	[sflag:s31] =	ssyncadd.s32 $0xFFFF8FA0  }
0x32a: {  	_ =	swait.ge [sflag:s31], $0xFA0  }
0x32b: {  	[sflag:s31] =	ssyncset.done $0x0  }
0x32c: {  	s20 =	rddreg [dreg:$0x1f];
	[sflag:s31] =	ssyncadd.s32 $0xFFFFF060  }
0x32d: {  	[tilespmem:s11], [sflag:$0x2] =	stream.linear.gather [hbm4b:s20+s2], $0x8000, $0x38;
	[tilespmem:$0x18000] =	vst v63  }
0x32e: {  	_ =	swait.ge [sflag:s0], $0x8000  }
0x32f: {  	s24 =	sld [smem:$0x7F7]  }
0x330: {  	[sflag:s0] =	ssyncset.done $0x0  }
0x331: {  	[sflag:s0] =	ssyncadd.s32 $0xFFFF8000  }
0x332: {  	[hbm4b:s24+s2] =	stream.linear.scatter [tilespmem:s15], [sflag:$0x6], $0x1C18, $0x38;
	[tilespmem:$0x18000] =	vst v63  }
0x333: {  	s5 =	simm.s32 $0x12000;
	s26 =	sadd.s32 $0x400, s24  }
0x334: {  	[hbm4b:s26+s2] =	stream.linear.scatter [tilespmem:s5], [sflag:$0x6], $0x1C18, $0x38;
	[tilespmem:$0x18000] =	vst v63  }
0x335: {  	s29 =	simm.s32 $0x14000;
	s5 =	sadd.s32 $0x800, s24  }
0x336: {  	[hbm4b:s5+s2] =	stream.linear.scatter [tilespmem:s29], [sflag:$0x6], $0x1C18, $0x38;
	[tilespmem:$0x18000] =	vst v63  }
0x337: {  	s28 =	simm.s32 $0x16000;
	s9 =	sld [smem:$0x7D7];
	s6 =	sadd.s32 $0xC00, s24  }
0x338: {  	[hbm4b:s6+s2] =	stream.linear.scatter [tilespmem:s28], [sflag:$0x6], $0x1C18, $0x38;
	[tilespmem:$0x18000] =	vst v63  }
0x339: {  	s7 =	simm.s32 $0x11C18  }
0x33a: {  	[hbm4b:s9+s2] =	stream.linear.scatter [tilespmem:s7], [sflag:$0x6], $0x3E8, $0x38;
	[tilespmem:$0x18000] =	vst v63  }
0x33b: {  	s8 =	simm.s32 $0x13C18;
	s24 =	sadd.s32 $0x400, s9  }
0x33c: {  	[hbm4b:s24+s2] =	stream.linear.scatter [tilespmem:s8], [sflag:$0x6], $0x3E8, $0x38;
	[tilespmem:$0x18000] =	vst v63  }
0x33d: {  	s23 =	simm.s32 $0x15C18;
	s29 =	sadd.s32 $0x800, s9  }
0x33e: {  	[hbm4b:s29+s2] =	stream.linear.scatter [tilespmem:s23], [sflag:$0x6], $0x3E8, $0x38;
	[tilespmem:$0x18000] =	vst v63  }
0x33f: {  	s10 =	simm.s32 $0x17C18;
	s4 =	sadd.s32 $0xC00, s9  }
0x340: {  	[hbm4b:s4+s2] =	stream.linear.scatter [tilespmem:s10], [sflag:$0x6], $0x3E8, $0x38;
	[tilespmem:$0x18000] =	vst v63  }
0x341: {  	_ =	swait.ge [sflag:s3], $0x7060  }
0x342: {  	[sflag:s3] =	ssyncset.done $0x0  }
0x343: {  	[sflag:s3] =	ssyncadd.s32 $0xFFFF8FA0  }
0x344: {  	_ =	swait.ge [sflag:s3], $0xFA0  }
0x345: {  	s5 =	sld [smem:$0x7B5]  }
0x346: {  	[sflag:s3] =	ssyncset.done $0x0  }
0x347: {  	[sflag:s3] =	ssyncadd.s32 $0xFFFFF060  }
0x348: {  	[tilespmem:s15], [sflag:$0x3] =	stream.linear.gather [hbm4b:s5+s2], $0x8000, $0x38;
	[tilespmem:$0x18000] =	vst v63  }
0x349: {  	_ =	swait.ge [sflag:s13], $0x8000  }
0x34a: {  	s9 =	sld [smem:$0x7F8]  }
0x34b: {  	[sflag:s13] =	ssyncset.done $0x0  }
0x34c: {  	[sflag:s13] =	ssyncadd.s32 $0xFFFF8000  }
0x34d: {  	[hbm4b:s9+s2] =	stream.linear.scatter [tilespmem:s2], [sflag:$0x4], $0x1C18, $0x38;
	[tilespmem:$0x18000] =	vst v63  }
0x34e: {  	s12 =	simm.s32 $0x2000;
	s10 =	sadd.s32 $0x400, s9  }
0x34f: {  	[hbm4b:s10+s2] =	stream.linear.scatter [tilespmem:s12], [sflag:$0x4], $0x1C18, $0x38;
	[tilespmem:$0x18000] =	vst v63  }
0x350: {  	s30 =	simm.s32 $0x4000;
	s12 =	sadd.s32 $0x800, s9  }
0x351: {  	[hbm4b:s12+s2] =	stream.linear.scatter [tilespmem:s30], [sflag:$0x4], $0x1C18, $0x38;
	[tilespmem:$0x18000] =	vst v63  }
0x352: {  	s25 =	simm.s32 $0x6000;
	s29 =	sld [smem:$0x7D8];
	s24 =	sadd.s32 $0xC00, s9  }
0x353: {  	[hbm4b:s24+s2] =	stream.linear.scatter [tilespmem:s25], [sflag:$0x4], $0x1C18, $0x38;
	[tilespmem:$0x18000] =	vst v63  }
0x354: {  	s18 =	simm.s32 $0x1C18  }
0x355: {  	[hbm4b:s29+s2] =	stream.linear.scatter [tilespmem:s18], [sflag:$0x4], $0x3E8, $0x38;
	[tilespmem:$0x18000] =	vst v63  }
0x356: {  	s16 =	simm.s32 $0x3C18;
	s30 =	sadd.s32 $0x400, s29  }
0x357: {  	[hbm4b:s30+s2] =	stream.linear.scatter [tilespmem:s16], [sflag:$0x4], $0x3E8, $0x38;
	[tilespmem:$0x18000] =	vst v63  }
0x358: {  	s19 =	simm.s32 $0x5C18;
	s5 =	sadd.s32 $0x800, s29  }
0x359: {  	[hbm4b:s5+s2] =	stream.linear.scatter [tilespmem:s19], [sflag:$0x4], $0x3E8, $0x38;
	[tilespmem:$0x18000] =	vst v63  }
0x35a: {  	s14 =	simm.s32 $0x7C18;
	s9 =	sadd.s32 $0xC00, s29  }
0x35b: {  	[hbm4b:s9+s2] =	stream.linear.scatter [tilespmem:s14], [sflag:$0x4], $0x3E8, $0x38;
	[tilespmem:$0x18000] =	vst v63  }
0x35c: {  	_ =	swait.ge [sflag:s21], $0x7060  }
0x35d: {  	[sflag:s21] =	ssyncset.done $0x0  }
0x35e: {  	[sflag:s21] =	ssyncadd.s32 $0xFFFF8FA0  }
0x35f: {  	_ =	swait.ge [sflag:s21], $0xFA0  }
0x360: {  	s19 =	sld [smem:$0x7B6]  }
0x361: {  	[sflag:s21] =	ssyncset.done $0x0  }
0x362: {  	[sflag:s21] =	ssyncadd.s32 $0xFFFFF060  }
0x363: {  	[tilespmem:s2], [sflag:$0x1] =	stream.linear.gather [hbm4b:s19+s2], $0x8000, $0x38;
	[tilespmem:$0x18000] =	vst v63  }
0x364: {  	_ =	swait.ge [sflag:s22], $0x8000  }
0x365: {  	s24 =	sld [smem:$0x7F9]  }
0x366: {  	[sflag:s22] =	ssyncset.done $0x0  }
0x367: {  	[sflag:s22] =	ssyncadd.s32 $0xFFFF8000  }
0x368: {  	[hbm4b:s24+s2] =	stream.linear.scatter [tilespmem:s11], [sflag:$0x5], $0x1C18, $0x38;
	[tilespmem:$0x18000] =	vst v63  }
0x369: {  	s17 =	simm.s32 $0xA000;
	s29 =	sadd.s32 $0x400, s24  }
0x36a: {  	[hbm4b:s29+s2] =	stream.linear.scatter [tilespmem:s17], [sflag:$0x5], $0x1C18, $0x38;
	[tilespmem:$0x18000] =	vst v63  }
0x36b: {  	s9 =	simm.s32 $0xC000;
	s30 =	sadd.s32 $0x800, s24  }
0x36c: {  	[hbm4b:s30+s2] =	stream.linear.scatter [tilespmem:s9], [sflag:$0x5], $0x1C18, $0x38;
	[tilespmem:$0x18000] =	vst v63  }
0x36d: {  	s4 =	sld [smem:$0x7D9];
	s17 =	sadd.s32 $0xC00, s24;
	s24 =	simm.s32 $0xE000  }
0x36e: {  	[hbm4b:s17+s2] =	stream.linear.scatter [tilespmem:s24], [sflag:$0x5], $0x1C18, $0x38;
	[tilespmem:$0x18000] =	vst v63  }
0x36f: {  	s30 =	simm.s32 $0x9C18  }
0x370: {  	[hbm4b:s4+s2] =	stream.linear.scatter [tilespmem:s30], [sflag:$0x5], $0x3E8, $0x38;
	[tilespmem:$0x18000] =	vst v63  }
0x371: {  	s29 =	sadd.s32 $0x400, s4;
	s9 =	simm.s32 $0xBC18  }
0x372: {  	[hbm4b:s29+s2] =	stream.linear.scatter [tilespmem:s9], [sflag:$0x5], $0x3E8, $0x38;
	[tilespmem:$0x18000] =	vst v63  }
0x373: {  	s24 =	sadd.s32 $0x800, s4;
	s29 =	simm.s32 $0xDC18  }
0x374: {  	[hbm4b:s24+s2] =	stream.linear.scatter [tilespmem:s29], [sflag:$0x5], $0x3E8, $0x38;
	[tilespmem:$0x18000] =	vst v63  }
0x375: {  	s4 =	sadd.s32 $0xC00, s4;
	s24 =	simm.s32 $0xFC18  }
0x376: {  	[hbm4b:s4+s2] =	stream.linear.scatter [tilespmem:s24], [sflag:$0x5], $0x3E8, $0x38;
	[tilespmem:$0x18000] =	vst v63  }
0x377: {  	_ =	swait.ge [sflag:s31], $0x7060  }
0x378: {  	[sflag:s31] =	ssyncset.done $0x0  }
0x379: {  	[sflag:s31] =	ssyncadd.s32 $0xFFFF8FA0  }
0x37a: {  	_ =	swait.ge [sflag:s31], $0xFA0  }
0x37b: {  	s4 =	sld [smem:$0x7B7]  }
0x37c: {  	[sflag:s31] =	ssyncset.done $0x0  }
0x37d: {  	[sflag:s31] =	ssyncadd.s32 $0xFFFFF060  }
0x37e: {  	[tilespmem:s11], [sflag:$0x2] =	stream.linear.gather [hbm4b:s4+s2], $0x8000, $0x38;
	[tilespmem:$0x18000] =	vst v63  }
0x37f: {  	_ =	swait.ge [sflag:s0], $0x8000  }
0x380: {  	s4 =	sld [smem:$0x7FA]  }
0x381: {  	[sflag:s0] =	ssyncset.done $0x0  }
0x382: {  	[sflag:s0] =	ssyncadd.s32 $0xFFFF8000  }
0x383: {  	[hbm4b:s4+s2] =	stream.linear.scatter [tilespmem:s15], [sflag:$0x6], $0x1C18, $0x38;
	[tilespmem:$0x18000] =	vst v63  }
0x384: {  	s26 =	simm.s32 $0x12000;
	s1 =	sadd.s32 $0x400, s4  }
0x385: {  	[hbm4b:s1+s2] =	stream.linear.scatter [tilespmem:s26], [sflag:$0x6], $0x1C18, $0x38;
	[tilespmem:$0x18000] =	vst v63  }
0x386: {  	s1 =	sadd.s32 $0x800, s4;
	s26 =	simm.s32 $0x14000  }
0x387: {  	[hbm4b:s1+s2] =	stream.linear.scatter [tilespmem:s26], [sflag:$0x6], $0x1C18, $0x38;
	[tilespmem:$0x18000] =	vst v63  }
0x388: {  	s20 =	simm.s32 $0x16000;
	s4 =	sadd.s32 $0xC00, s4  }
0x389: {  	[hbm4b:s4+s2] =	stream.linear.scatter [tilespmem:s20], [sflag:$0x6], $0x1C18, $0x38;
	[tilespmem:$0x18000] =	vst v63  }
0x38a: {  	s20 =	sld [smem:$0x7DA];
	_ =	sdelay $0x1  }
0x38b: {  	s28 =	simm.s32 $0x11C18  }
0x38c: {  	[hbm4b:s20+s2] =	stream.linear.scatter [tilespmem:s28], [sflag:$0x6], $0x3E8, $0x38;
	[tilespmem:$0x18000] =	vst v63  }
0x38d: {  	s7 =	simm.s32 $0x13C18;
	s26 =	sadd.s32 $0x400, s20  }
0x38e: {  	[hbm4b:s26+s2] =	stream.linear.scatter [tilespmem:s7], [sflag:$0x6], $0x3E8, $0x38;
	[tilespmem:$0x18000] =	vst v63  }
0x38f: {  	s6 =	simm.s32 $0x15C18;
	s28 =	sadd.s32 $0x800, s20  }
0x390: {  	[hbm4b:s28+s2] =	stream.linear.scatter [tilespmem:s6], [sflag:$0x6], $0x3E8, $0x38;
	[tilespmem:$0x18000] =	vst v63  }
0x391: {  	s8 =	simm.s32 $0x17C18;
	s7 =	sadd.s32 $0xC00, s20  }
0x392: {  	[hbm4b:s7+s2] =	stream.linear.scatter [tilespmem:s8], [sflag:$0x6], $0x3E8, $0x38;
	[tilespmem:$0x18000] =	vst v63  }
0x393: {  	_ =	swait.ge [sflag:s13], $0x8000  }
0x394: {  	s20 =	sld [smem:$0x7FB]  }
0x395: {  	[sflag:s13] =	ssyncset.done $0x0  }
0x396: {  	[sflag:s13] =	ssyncadd.s32 $0xFFFF8000  }
0x397: {  	[hbm4b:s20+s2] =	stream.linear.scatter [tilespmem:s2], [sflag:$0x4], $0x1C18, $0x38;
	[tilespmem:$0x18000] =	vst v63  }
0x398: {  	s23 =	simm.s32 $0x2000;
	s26 =	sadd.s32 $0x400, s20  }
0x399: {  	[hbm4b:s26+s2] =	stream.linear.scatter [tilespmem:s23], [sflag:$0x4], $0x1C18, $0x38;
	[tilespmem:$0x18000] =	vst v63  }
0x39a: {  	s10 =	simm.s32 $0x4000;
	s28 =	sadd.s32 $0x800, s20  }
0x39b: {  	[hbm4b:s28+s2] =	stream.linear.scatter [tilespmem:s10], [sflag:$0x4], $0x1C18, $0x38;
	[tilespmem:$0x18000] =	vst v63  }
0x39c: {  	s12 =	simm.s32 $0x6000;
	s7 =	sld [smem:$0x7DB];
	s6 =	sadd.s32 $0xC00, s20  }
0x39d: {  	[hbm4b:s6+s2] =	stream.linear.scatter [tilespmem:s12], [sflag:$0x4], $0x1C18, $0x38;
	[tilespmem:$0x18000] =	vst v63  }
0x39e: {  	s18 =	simm.s32 $0x1C18  }
0x39f: {  	[hbm4b:s7+s2] =	stream.linear.scatter [tilespmem:s18], [sflag:$0x4], $0x3E8, $0x38;
	[tilespmem:$0x18000] =	vst v63  }
0x3a0: {  	s25 =	simm.s32 $0x3C18;
	s8 =	sadd.s32 $0x400, s7  }
0x3a1: {  	[hbm4b:s8+s2] =	stream.linear.scatter [tilespmem:s25], [sflag:$0x4], $0x3E8, $0x38;
	[tilespmem:$0x18000] =	vst v63  }
0x3a2: {  	s16 =	simm.s32 $0x5C18;
	s10 =	sadd.s32 $0x800, s7  }
0x3a3: {  	[hbm4b:s10+s2] =	stream.linear.scatter [tilespmem:s16], [sflag:$0x4], $0x3E8, $0x38;
	[tilespmem:$0x18000] =	vst v63  }
0x3a4: {  	s14 =	simm.s32 $0x7C18;
	s12 =	sadd.s32 $0xC00, s7  }
0x3a5: {  	[hbm4b:s12+s2] =	stream.linear.scatter [tilespmem:s14], [sflag:$0x4], $0x3E8, $0x38;
	[tilespmem:$0x18000] =	vst v63  }
0x3a6: {  	_ =	swait.ge [sflag:s22], $0x8000  }
0x3a7: {  	s16 =	sld [smem:$0x7FD]  }
0x3a8: {  	[sflag:s22] =	ssyncset.done $0x0  }
0x3a9: {  	[sflag:s22] =	ssyncadd.s32 $0xFFFF8000  }
0x3aa: {  	[hbm4b:s16+s2] =	stream.linear.scatter [tilespmem:s11], [sflag:$0x5], $0x1C18, $0x38;
	[tilespmem:$0x18000] =	vst v63  }
0x3ab: {  	s5 =	simm.s32 $0xA000;
	s18 =	sadd.s32 $0x400, s16  }
0x3ac: {  	[hbm4b:s18+s2] =	stream.linear.scatter [tilespmem:s5], [sflag:$0x5], $0x1C18, $0x38;
	[tilespmem:$0x18000] =	vst v63  }
0x3ad: {  	s19 =	simm.s32 $0xC000;
	s20 =	sadd.s32 $0x800, s16  }
0x3ae: {  	[hbm4b:s20+s2] =	stream.linear.scatter [tilespmem:s19], [sflag:$0x5], $0x1C18, $0x38;
	[tilespmem:$0x18000] =	vst v63  }
0x3af: {  	s17 =	simm.s32 $0xE000;
	s25 =	sld [smem:$0x7DC];
	s23 =	sadd.s32 $0xC00, s16  }
0x3b0: {  	[hbm4b:s23+s2] =	stream.linear.scatter [tilespmem:s17], [sflag:$0x5], $0x1C18, $0x38;
	[tilespmem:$0x18000] =	vst v63  }
0x3b1: {  	_ = 	snop  }
0x3b2: {  	[hbm4b:s25+s2] =	stream.linear.scatter [tilespmem:s30], [sflag:$0x5], $0x3E8, $0x38;
	[tilespmem:$0x18000] =	vst v63  }
0x3b3: {  	s26 =	sadd.s32 $0x400, s25  }
0x3b4: {  	[hbm4b:s26+s2] =	stream.linear.scatter [tilespmem:s9], [sflag:$0x5], $0x3E8, $0x38;
	[tilespmem:$0x18000] =	vst v63  }
0x3b5: {  	s28 =	sadd.s32 $0x800, s25  }
0x3b6: {  	[hbm4b:s28+s2] =	stream.linear.scatter [tilespmem:s29], [sflag:$0x5], $0x3E8, $0x38;
	[tilespmem:$0x18000] =	vst v63  }
0x3b7: {  	s29 =	sadd.s32 $0xC00, s25  }
0x3b8: {  	[hbm4b:s29+s2] =	stream.linear.scatter [tilespmem:s24], [sflag:$0x5], $0x3E8, $0x38;
	[tilespmem:$0x18000] =	vst v63  }
0x3b9: {  	s30 =	sld [smem:$0x7B4];
	_ =	swait.ge [sflag:s3], $0x7060  }
0x3ba: {  	[sflag:s3] =	ssyncset.done $0x0  }
0x3bb: {  	[sflag:s3] =	ssyncadd.s32 $0xFFFF8FA0  }
0x3bc: {  	_ =	swait.ge [sflag:s3], $0xFA0  }
0x3bd: {  	[sflag:s3] =	ssyncset.done $0x0  }
0x3be: {  	[sflag:s3] =	ssyncadd.s32 $0xFFFFF060  }
0x3bf: {  	_ =	swait.ge [sflag:s21], $0x7060  }
0x3c0: {  	[sflag:s21] =	ssyncset.done $0x0  }
0x3c1: {  	[sflag:s21] =	ssyncadd.s32 $0xFFFF8FA0  }
0x3c2: {  	_ =	swait.ge [sflag:s21], $0xFA0  }
0x3c3: {  	[sflag:s21] =	ssyncset.done $0x0  }
0x3c4: {  	[sflag:s21] =	ssyncadd.s32 $0xFFFFF060  }
0x3c5: {  	p0 =	sne.s32 s30, $0x1;
	_ =	swait.ge [sflag:s31], $0x7060  }
.Ltmp0:
0x3c6: {  	[sflag:s31] =	ssyncset.done $0x0;
	(pc) =	sbr.rel @p0 .LBB2_1-.Ltmp0, $4  }
0x3c7: {  	[sflag:s31] =	ssyncadd.s32 $0xFFFF8FA0  }
0x3c8: {  	_ =	swait.ge [sflag:s31], $0xFA0  }
0x3c9: {  	[sflag:s31] =	ssyncset.done $0x0  }
0x3ca: {  	s4 =	sadd.s32 $0xFFFFFFFF, s30;
	[sflag:s31] =	ssyncadd.s32 $0xFFFFF060  }
0x3cb: {  	_ =	sfence.sel $0x180000  }
0x3cc: {  	[bflag:$0x0] =	sbarrier.arrive $0xFFFF  }
0x3cd: {  	_ =	strace $0x9000004A  }
0x3ce: {  	s0 =	stileid.u32;
	[bflag:$0x2] =	sbarrier.arrive $0xFFFF  }
0x3cf: {  	p0 =	sne.s32 s0, $0x0;
	s0 =	rddreg [dreg:$0x2]  }
0x3d0: {  	s0 =	sadd.s32 @!p0 $0x100000, s0  }
0x3d1: {  	[sflag:s0] =	ssyncadd.tile.s32 @!p0 $0x1;
	_ =	shalt  }
.Lfunc_end2:
_tile_overlayer_lowered:
.L_overlay_start_2:
0x3d2: {  	(tag) =	ssettag $0x2  }
0x3d3: {  	s0 =	rddreg [dreg:$0x0];
	s2 =	stileid.u32  }
0x3d4: {  	s1 =	rddreg [dreg:$0x1];
	p0 =	sne.s32 s2, $0x0  }
0x3d5: {  	s3 =	rddreg [dreg:$0x2];
	[bflag:$0x3] =	sbarrier.arrive $0xFFFF;
	s2 =	simm.s32 @!p0 $0x1C07  }
0x3d6: {  	[timem:s3], [sflag:s2] =	dma.local @!p0 [hbm:s0], s1  }
0x3d7: {  	s0 =	simm.s32 @!p0 $0x7  }
0x3d8: {  	_ =	swait.ge @!p0 [sflag:s0], s1  }
0x3d9: {  	s1 =	ssub.s32 @!p0 $0x0, s1;
	[sflag:s0] =	ssyncset.done @!p0 $0x0  }
0x3da: {  	[sflag:s0] =	ssyncadd.s32 @!p0 s1  }
0x3db: {  	[bflag:$0x3] =	sbarrier.arrive $0xFFFF  }
0x3dc: {  	_ =	shalt  }

// kernel: sparse-core-data-format-call.cloned.1.call-start
scs
called_computation_lowered:
.L_overlay_start_0:
0x0: {  	s2 =	sld [smem:$0x3FD9]  }
0x1: {  	s3 =	sld [smem:$0x3FFE];
	_ =	sdelay $0x1  }
0x2: {  	s1 =	srdreg.scid  }
0x3: {  	s0 =	sand.u32 $0x1, s1  }
0x4: {  	s19 =	sshll.u32 s0, $0xA;
	s2 =	sadd.s32 s3, s2  }
0x5: {  	s2 =	sadd.s32 s2, s19  }
0x6: {  	[smem:$0x3FC7] =	sst s2  }
0x7: {  	_ = 	snop  }
0x8: {  	s2 =	sld [smem:$0x3FC9]  }
0x9: {  	s20 =	sld [smem:$0x3FD0];
	(tm) =	ssettm $0x1  }
0xa: {  	s4 =	sld [smem:$0x3FFB];
	_ =	sdelay $0x3  }
0xb: {  	_ =	strace s4  }
0xc: {  	s4 =	sld [smem:$0x3FFC];
	_ =	sdelay $0x3  }
0xd: {  	_ =	strace s4  }
0xe: {  	s4 =	sld [smem:$0x3FFD];
	_ =	sdelay $0x3  }
0xf: {  	_ =	strace s4  }
0x10: {  	_ =	strace $0x8FFFFFFF  }
0x11: {  	s21 =	sld [smem:$0x3FDB];
	_ =	sdelay $0x1  }
0x12: {  	s5 =	simm.s32 $_scs_section_size  }
0x13: {  	s6 =	simm.s32 $_size__tile_overlayer_lowered;
	s7 =	simm.s32 $_tile_overlayer_lowered  }
0x14: {  	s24 =	simm.s32 $0x1BFF;
	s23 =	sshll.u32 s7, $0x1;
	s4 =	sadd.s32 s5, s21  }
0x15: {  	s8 =	simm.s32 $0x0;
	s22 =	sshll.u32 s6, $0x1;
	s6 =	sadd.s32 s23, s4  }
0x16: {  	[timem:s8], [sflag:s24] =	dma.local [hbm:s6], s22  }
0x17: {  	_ =	swait.ge [sflag:s24], s22  }
0x18: {  	s5 =	ssub.s32 $0x0, s22;
	[sflag:s24] =	ssyncset.done $0x0  }
0x19: {  	[sflag:s24] =	ssyncadd.s32 s5;
	_ =	sdelay $0x1  }
0x1a: {  	s25 =	simm.s32 $0x1B8B  }
0x1b: {  	_ =	swait.ge [sflag:s25], $0x1  }
0x1c: {  	[sflag:s25] =	ssyncset.done $0x0  }
0x1d: {  	s26 =	simm.s32 $0x1B8E;
	[sflag:s25] =	ssyncadd.s32 $0xFFFFFFFF  }
0x1e: {  	s27 =	simm.s32 $execute0_lowered;
	[smem:$0x3FD2] =	sst s26  }
0x1f: {  	s5 =	sshll.u32 s27, $0x1;
	_ =	strace $0x80000046;
	[dreg:$0x1] =	wrdreg $0xFFFFFFFF  }
0x20: {  	s28 =	simm.s32 $_size_execute0_lowered;
	s4 =	sadd.s32 s4, s5;
	[dreg:$0x0] =	wrdreg $0x0  }
0x21: {  	s5 =	sshll.u32 s28, $0x1;
	[dreg:$0x2] =	wrdreg s4  }
0x22: {  	[dreg:$0x3] =	wrdreg s5  }
0x23: {  	[dreg:$0x4] =	wrdreg $0xC0  }
0x24: {  	_ =	task [dreg:s8], $0x5FFFF  }
0x25: {  	[dreg:$0x1] =	wrdreg $0xFFFFFFFF  }
0x26: {  	[dreg:$0x0] =	wrdreg $0x60  }
0x27: {  	[dreg:$0x2] =	wrdreg s2  }
0x28: {  	[dreg:$0x3] =	wrdreg s20  }
0x29: {  	[dreg:$0x4] =	wrdreg $0x9  }
0x2a: {  	_ =	task.clear_ibuf [dreg:s8], $0x5FFFF;
	_ =	strace $0x90000046  }
0x2b: {  	s29 =	simm.s32 $0x9;
	_ =	strace $0x80000048  }
0x2c: {  	_ =	swait.ge [sflag:s29], $0x1  }
0x2d: {  	[sflag:s29] =	ssyncadd.s32 $0xFFFFFFFF  }
0x2e: {  	_ =	strace $0x90000048  }
0x2f: {  	_ =	sfence  }
0x30: {  	s30 =	sld [smem:$0x0];
	_ =	sdelay $0x2  }
0x31: {  	s31 =	sshll.u32 s1, $0xD;
	s1 =	sshrl.u32 s1, $0x2  }
0x32: {  	s3 =	sand.u32 $0x4000, s31;
	s1 =	sadd.s32 s1, s30  }
0x33: {  	s0 =	sor.u32 s3, s0;
	s1 =	sshll.u32 s1, $0x11  }
0x34: {  	s0 =	sor.u32 s1, s0  }
0x35: {  	s0 =	sadd.s32 $0x8F2B, s0  }
0x36: {  	[sflag:s0] =	ssyncadd.remote.s32 $0x1  }
0x37: {  	_ =	sfence.sel $0xFFFF  }
0x38: {  	[dreg:$0x0] =	wrdreg $0xFFFFFFFF;
	(pc) =	sbr.abs _section_cstart, $3  }
0x39: {  	[dreg:$0x1] =	wrdreg $0xFFFFFFFF  }
0x3a: {  	_ =	task.clear_ibuf [dreg:s8], $0x2FFFF;
	_ =	strace $0x9FFFFFFF  }
0x3b: {  	(tm) =	ssettm $0x7FFFFFFF  }
tec
execute0_lowered:
.L_overlay_start_1:
0x0: {  	(tag) =	ssettag $0x1  }
0x1: {  	s2 =	rddreg [dreg:$0x0]  }
0x2: {  	s3 =	rddreg [dreg:$0x1]  }
0x3: {  	s0 =	rddreg [dreg:$0x2];
	_ =	strace $0x80000047  }
0x4: {  	s4 =	srdreg.scid;
	s1 =	stileid.u32;
	s6 =	simm.s32 $0x2  }
.Ltmp0:
0x5: {  	s11 =	simm.s32 $0x0;
	p0 =	por $0x0, $0x0;
	(pc) =	sbr.rel .LBB1_1-.Ltmp0, $4  }
0x6: {  	s7 =	simm.s32 $0x2000;
	s12 =	simm.s32 $0x0;
	s5 =	sshll.u32 s4, $0x4  }
0x7: {  	s9 =	simm.s32 $0x0;
	s4 =	simm.s32 $0x1;
	s5 =	sand.u32 $0x10, s5  }
0x8: {  	s8 =	simm.s32 $0x0;
	[sflag:s4] =	ssyncpa.u1 $0x0;
	s5 =	sor.u32 s1, s5  }
0x9: {  	[sflag:s6] =	ssyncpa.u1 $0x0;
	s6 =	simm.s32 $0x800;
	s10 =	smov.u32 s5  }
.LBB1_7:
0xa: {  	s13 =	sadd.s32 $0x10, s9  }
0xb: {  	s11 =	sadd.s32 $0x20, s10;
	s15 =	smov.u32 s10;
	p2 =	sgt.s32 s13, $0x3F  }
0xc: {  	p1 =	slt.u32 s8, $0x2;
	s15 =	smov.u32 @p2 s11  }
0xd: {  	s8 =	sadd.s32 $0x1, s8;
	s13 =	simm.s32 @p2 $0x0;
	p2 =	sgt.s32 s15, $0x1FF  }
0xe: {  	s15 =	smov.u32 @p2 s5;
	p2 =	sne.s32 s8, $0x42  }
.Ltmp1:
0xf: {  	_ = 	snop;
	(pc) =	sbr.rel @!p2 .LBB1_8-.Ltmp1, $4  }
0x10: {  	s14 =	simm.s32 @!p1 $0x2  }
0x11: {  	s12 =	smov.u32 s10;
	_ =	swait.ge @!p1 [sflag:s14], $0x4000  }
0x12: {  	p0 =	por !p0, !p0;
	s11 =	smov.u32 s9;
	[sflag:s14] =	ssyncset.done @!p1 $0x0  }
0x13: {  	s9 =	smov.u32 s13;
	[sflag:s14] =	ssyncadd.s32 @!p1 $0xFFFFC000;
	s10 =	smov.u32 s15  }
.LBB1_1:
0x14: {  	p1 =	sgt.u32 s8, $0x3F  }
0x15: {  	s13 =	sxor.u32 @!p1 $0xFFFFFFFF, s8;
	s14 =	sshll.u32 @!p1 s10, $0xD  }
0x16: {  	s15 =	sshll.u32 @!p1 s9, $0x7;
	s13 =	sshll.u32 @!p1 s13, $0xE;
	s14 =	sadd.s32 @!p1 s2, s14  }
0x17: {  	s13 =	sand.u32 @!p1 $0x4000, s13;
	s14 =	sadd.s32 @!p1 s15, s14;
	s15 =	simm.s32 @!p1 $0x0  }
0x18: {  	[tilespmem:s13], [sflag:$0x1] =	stream.linear.gather @!p1 [hbm4b:s14+s15], $0x4000, $0x38;
	[tilespmem:$0x10000] =	vst v63  }
0x19: {  	p1 =	seq.s32 s8, $0x0  }
0x1a: {  	p2 =	seq.s32 @!p1 s8, $0x41  }
0x1b: {  	p1 =	por p1, p2  }
.Ltmp2:
0x1c: {  	_ = 	snop;
	(pc) =	sbr.rel @p1 .LBB1_7-.Ltmp2, $1  }
0x1d: {  	_ =	sdelay $0x3  }
0x1e: {  	s13 =	simm.s32 $0x1;
	_ =	swait.ge [sflag:s4], $0x4000;
	s16 =	sshll.u32 s8, $0xE  }
0x1f: {  	s13 =	simm.s32 @!p0 $0x0;
	[sflag:s4] =	ssyncset.done $0x0;
	s31 =	sand.u32 $0x4000, s16  }
0x20: {  	s16 =	simm.s32 $0x0;
	s14 =	sshll.u32 s13, $0xE;
	[sflag:s4] =	ssyncadd.s32 $0xFFFFC000  }
0x21: {  	s13 =	sor.u32 $0x8040, s14;
	s15 =	sor.u32 $0x40, s14;
	s14 =	sor.u32 $0x8000, s31  }
.LBB1_3:
0x22: {  	v0 =	vmov s15;
	_ =	sdelay $0x3  }
0x23: {  	s18 =	simm.s32 $0x0  }
0x24: {  	v6 =	vld.idx.msk [tilespmem:v0+s18+$0x30 ss:$0x1], $0xffff  }
0x25: {  	v7 =	vld.idx.msk [tilespmem:v0+s18+$0xFFFFFFC0 ss:$0x1], $0xffff  }
0x26: {  	v5 =	vld.idx.msk [tilespmem:v0+s18+$0xFFFFFFD0 ss:$0x1], $0xffff  }
0x27: {  	v4 =	vld.idx.msk [tilespmem:v0+s18+$0xFFFFFFE0 ss:$0x1], $0xffff  }
0x28: {  	v3 =	vld.idx.msk [tilespmem:v0+s18+$0xFFFFFFF0 ss:$0x1], $0xffff  }
0x29: {  	v1 =	vld.idx.msk [tilespmem:v0+s18+$0x0 ss:$0x1], $0xffff  }
0x2a: {  	v2 =	vld.idx.msk [tilespmem:v0+s18+$0x10 ss:$0x1], $0xffff;
	[tilespmem:s13+$0x30] =	vst v6  }
0x2b: {  	s17 =	simm.s32 $0x80;
	s19 =	simm.s32 $0x400;
	[tilespmem:s13+$0xFFFFFFC0] =	vst v7;
	v6 =	vld.idx.msk [tilespmem:v0+s18+$0x20 ss:$0x1], $0xffff;
	s18 =	smov.u32 s13  }
.LBB1_4:
0x2c: {  	p1 =	sne.s32 s19, $0xE00;
	v7 =	vld.idx.msk [tilespmem:v0+s17+$0x30 ss:$0x1], $0xffff;
	[tilespmem:s18+$0xFFFFFFD0] =	vst v5  }
0x2d: {  	v8 =	vld.idx.msk [tilespmem:v0+s17+$0xFFFFFFC0 ss:$0x1], $0xffff;
	[tilespmem:s18+$0xFFFFFFE0] =	vst v4  }
0x2e: {  	v5 =	vld.idx.msk [tilespmem:v0+s17+$0xFFFFFFD0 ss:$0x1], $0xffff;
	[tilespmem:s18+$0xFFFFFFF0] =	vst v3  }
.Ltmp3:
0x2f: {  	v4 =	vld.idx.msk [tilespmem:v0+s17+$0xFFFFFFE0 ss:$0x1], $0xffff;
	[tilespmem:s18+$0x0] =	vst v1;
	(pc) =	sbr.rel @p1 .LBB1_4-.Ltmp3, $4  }
0x30: {  	v3 =	vld.idx.msk [tilespmem:v0+s17+$0xFFFFFFF0 ss:$0x1], $0xffff;
	[tilespmem:s18+$0x10] =	vst v2  }
0x31: {  	v1 =	vld.idx.msk [tilespmem:v0+s17+$0x0 ss:$0x1], $0xffff;
	[tilespmem:s18+$0x20] =	vst v6;
	s18 =	sadd.s32 $0x800, s18  }
0x32: {  	v2 =	vld.idx.msk [tilespmem:v0+s17+$0x10 ss:$0x1], $0xffff;
	[tilespmem:s18+$0x30] =	vst v7  }
0x33: {  	[tilespmem:s18+$0xFFFFFFC0] =	vst v8;
	v6 =	vld.idx.msk [tilespmem:v0+s17+$0x20 ss:$0x1], $0xffff;
	s17 =	sshra.s32 s19, $0x2;
	s19 =	sadd.s32 $0x200, s19  }
0x34: {  	_ =	sdelay $0x2  }
0x35: {  	[tilespmem:s18+$0xFFFFFFD0] =	vst v5  }
0x36: {  	v56 =	vld.idx.msk [tilespmem:v0+s17+$0x30 ss:$0x1], $0xffff;
	[tilespmem:s18+$0xFFFFFFE0] =	vst v4  }
0x37: {  	v57 =	vld.idx.msk [tilespmem:v0+s17+$0xFFFFFFC0 ss:$0x1], $0xffff;
	[tilespmem:s18+$0xFFFFFFF0] =	vst v3  }
0x38: {  	v58 =	vld.idx.msk [tilespmem:v0+s17+$0xFFFFFFD0 ss:$0x1], $0xffff;
	[tilespmem:s18+$0x0] =	vst v1  }
0x39: {  	v59 =	vld.idx.msk [tilespmem:v0+s17+$0xFFFFFFE0 ss:$0x1], $0xffff;
	[tilespmem:s18+$0x10] =	vst v2  }
0x3a: {  	v60 =	vld.idx.msk [tilespmem:v0+s17+$0xFFFFFFF0 ss:$0x1], $0xffff;
	s31 =	sadd.s32 $0x800, s18;
	[tilespmem:s18+$0x20] =	vst v6  }
0x3b: {  	v61 =	vld.idx.msk [tilespmem:v0+s17+$0x0 ss:$0x1], $0xffff;
	[tilespmem:s31+$0x30] =	vst v56  }
0x3c: {  	v62 =	vld.idx.msk [tilespmem:v0+s17+$0x10 ss:$0x1], $0xffff;
	s16 =	sadd.s32 $0x1, s16;
	[tilespmem:s31+$0xFFFFFFC0] =	vst v57  }
0x3d: {  	v63 =	vld.idx.msk [tilespmem:v0+s17+$0x20 ss:$0x1], $0xffff;
	p1 =	sne.s32 s16, $0x10;
	[tilespmem:s31+$0xFFFFFFD0] =	vst v58  }
.Ltmp4:
0x3e: {  	[tilespmem:s31+$0xFFFFFFE0] =	vst v59;
	(pc) =	sbr.rel @p1 .LBB1_3-.Ltmp4, $4  }
0x3f: {  	[tilespmem:s31+$0xFFFFFFF0] =	vst v60  }
0x40: {  	[tilespmem:s31+$0x0] =	vst v61  }
0x41: {  	[tilespmem:s31+$0x10] =	vst v62  }
0x42: {  	s13 =	sadd.s32 $0x80, s13;
	s15 =	sadd.s32 $0x400, s15;
	[tilespmem:s31+$0x20] =	vst v63  }
.Ltmp5:
0x43: {  	(pc) =	sbr.rel .LBB1_7-.Ltmp5, $4  }
0x44: {  	s12 =	sshll.u32 s12, $0xD;
	s11 =	sshll.u32 s11, $0x4  }
0x45: {  	s11 =	sand.u32 $0x3F0, s11;
	s12 =	sadd.s32 s3, s12  }
0x46: {  	s11 =	sadd.s32 s11, s12  }
0x47: {  	[hbm4b:s11+s6] =	stream.strided.scatter [tilespmem:s14], [sflag:$0x2], $0x4000, s7, s6, $0x38;
	[tilespmem:$0x10000] =	vst v63  }
.LBB1_8:
0x48: {  	_ =	sfence.sel $0x180000  }
0x49: {  	s2 =	simm.s32 $0x1;
	[bflag:$0x0] =	sbarrier.arrive $0xFFFF  }
0x4a: {  	s31 =	simm.s32 $0x2;
	[sflag:s2] =	ssyncpa.u1 $0x1  }
0x4b: {  	[sflag:s31] =	ssyncpa.u1 $0x1  }
0x4c: {  	p0 =	sne.s32 s1, $0x0;
	_ =	strace $0x90000047  }
0x4d: {  	s0 =	sadd.s32 @!p0 $0x100000, s0;
	[bflag:$0x2] =	sbarrier.arrive $0xFFFF  }
0x4e: {  	[sflag:s0] =	ssyncadd.tile.s32 @!p0 $0x1;
	_ =	shalt  }
.Lfunc_end1:
_tile_overlayer_lowered:
.L_overlay_start_2:
0x4f: {  	(tag) =	ssettag $0x2  }
0x50: {  	s0 =	rddreg [dreg:$0x0];
	s2 =	stileid.u32  }
0x51: {  	s1 =	rddreg [dreg:$0x1];
	p0 =	sne.s32 s2, $0x0  }
0x52: {  	s3 =	rddreg [dreg:$0x2];
	[bflag:$0x3] =	sbarrier.arrive $0xFFFF;
	s2 =	simm.s32 @!p0 $0x1C01  }
0x53: {  	[timem:s3], [sflag:s2] =	dma.local @!p0 [hbm:s0], s1  }
0x54: {  	s0 =	simm.s32 @!p0 $0x1  }
0x55: {  	_ =	swait.ge @!p0 [sflag:s0], s1  }
0x56: {  	s1 =	ssub.s32 @!p0 $0x0, s1;
	[sflag:s0] =	ssyncset.done @!p0 $0x0  }
0x57: {  	[sflag:s0] =	ssyncadd.s32 @!p0 s1  }
0x58: {  	[bflag:$0x3] =	sbarrier.arrive $0xFFFF  }
0x59: {  	_ =	shalt  }

</sc_bundles>
